<compile_context>
chip_gen: v7x
topology: tpu7x:2x2x1
jax: 0.10.2.dev20260603
libtpu: 0.0.44.dev20260713+nightly
codegen_flags: <defaults>
</compile_context>

<pallas_src>
import functools

import jax
import jax.numpy as jnp
from jax import lax
from jax.experimental import pallas as pl
from jax.experimental.pallas import tpu as pltpu
from jax.experimental.pallas import tpu_sc as plsc

V = 8192
B = 4096
NC = 2
NS = 16
NW = NC * NS
RPW = B // NW
C = 4
NCHUNK = RPW // C
L = 16


UNROLL = 8


def _row_sumexp(rows_ref, r):
    zero = jnp.zeros((L,), jnp.float32)

    def body(j, accs):
        base = j * (UNROLL * L)
        vs = [rows_ref[r, pl.ds(base + u * L, L)] for u in range(UNROLL)]
        return tuple(a + jnp.exp(v) for a, v in zip(accs, vs))

    accs = lax.fori_loop(0, V // (UNROLL * L), body, (zero,) * UNROLL)
    total = accs[0]
    for a in accs[1:]:
        total = total + a
    return total


NBUF = 3


def _sc_body(x2_hbm, tp_hbm, table_hbm,
             out_logits, out_sums, out_picked,
             xid_v, tp_v, rows0, rows1, rows2, sums_v, picked_v,
             g0, g1, g2, s0, s1, s2):
    wid = lax.axis_index("s") * NC + lax.axis_index("c")
    pltpu.sync_copy(x2_hbm.at[pl.ds(wid * NCHUNK, NCHUNK)], xid_v)
    pltpu.sync_copy(tp_hbm.at[pl.ds(wid * NCHUNK * L, NCHUNK * L)], tp_v)

    rows = (rows0, rows1, rows2)
    gsem = (g0, g1, g2)
    ssem = (s0, s1, s2)
    iota = lax.broadcasted_iota(jnp.int32, (L,), 0)

    def gather(c, b):
        return pltpu.make_async_copy(
            table_hbm.at[xid_v.at[c]], rows[b], gsem[b])

    def scatter_cp(c, b):
        return pltpu.make_async_copy(
            rows[b], out_logits.at[pl.ds(wid * RPW + c * C, C)], ssem[b])

    def chunk_step(c, b, pick_acc, skip_wait=False, skip_start=False):
        if not skip_wait:
            scatter_cp(c - 2, (b + 1) % NBUF).wait()
        if not skip_start:
            gather(c + 1, (b + 1) % NBUF).start()
        gather(c, b).wait()
        scatter_cp(c, b).start()

        for r in range(C):
            sums_v[c * C + r, :] = _row_sumexp(rows[b], r)

        tq = tp_v[pl.ds(pl.multiple_of(c * L, L), L)]
        for r in range(C):
            t = tq[r]
            v = rows[b][r, pl.ds(pl.multiple_of(t & ~(L - 1), L), L)]
            pick_acc = pick_acc + jnp.where(
                iota == (t & (L - 1)), v, jnp.zeros((L,), jnp.float32))

        return pick_acc

    gather(0, 0).start()

    def outer(k, pick_acc):
        for j in range(NBUF):
            c = k * NBUF + j
            if j == NBUF - 1:
                pick_acc = chunk_step(c, j, pick_acc)
            else:
                @pl.when(k >= 1)
                def _():
                    scatter_cp(c - 2, (j + 1) % NBUF).wait()
                pick_acc = chunk_step(c, j, pick_acc, skip_wait=True)
        return pick_acc

    nfull = (NCHUNK - 2) // NBUF
    pick_acc = lax.fori_loop(0, nfull, outer, jnp.zeros((L,), jnp.float32))
    pick_acc = chunk_step(NCHUNK - 2, (NCHUNK - 2) % NBUF, pick_acc)
    pick_acc = chunk_step(NCHUNK - 1, (NCHUNK - 1) % NBUF, pick_acc,
                          skip_start=True)
    scatter_cp(NCHUNK - 2, (NCHUNK - 2) % NBUF).wait()
    scatter_cp(NCHUNK - 1, (NCHUNK - 1) % NBUF).wait()
    picked_v[...] = pick_acc
    pltpu.sync_copy(sums_v, out_sums.at[pl.ds(wid * RPW, RPW)])
    pltpu.sync_copy(picked_v, out_picked.at[wid])


_bigram_sc = functools.partial(
    pl.kernel,
    mesh=plsc.VectorSubcoreMesh(core_axis_name="c", subcore_axis_name="s"),
    out_type=(
        jax.ShapeDtypeStruct((B, V), jnp.float32),
        jax.ShapeDtypeStruct((B, L), jnp.float32),
        jax.ShapeDtypeStruct((NW, L), jnp.float32),
    ),
    scratch_types=[
        pltpu.VMEM((NCHUNK, C), jnp.int32),
        pltpu.VMEM((NCHUNK * L,), jnp.int32),
        pltpu.VMEM((C, V), jnp.float32),
        pltpu.VMEM((C, V), jnp.float32),
        pltpu.VMEM((C, V), jnp.float32),
        pltpu.VMEM((RPW, L), jnp.float32),
        pltpu.VMEM((L,), jnp.float32),
        pltpu.SemaphoreType.DMA,
        pltpu.SemaphoreType.DMA,
        pltpu.SemaphoreType.DMA,
        pltpu.SemaphoreType.DMA,
        pltpu.SemaphoreType.DMA,
        pltpu.SemaphoreType.DMA,
    ],
)(_sc_body)


def kernel(x_ids, targets, logits_table):
    x2 = x_ids.reshape(B // C, C)
    tpad = jnp.pad(targets.reshape(B // C, C), ((0, 0), (0, L - C)))
    logits, sum_parts, pick_parts = _bigram_sc(
        x2, tpad.reshape(-1), logits_table)
    loss = jnp.mean(jnp.log(sum_parts.sum(axis=1))) - pick_parts.sum() / B
    return logits, loss

# --- scband reference (transcript-rebuilt; emitter-appended) ---
"""Pipeline reference for scband-torch-bigram-lm-62397284876968 (READ-ONLY COPY).

The authoritative reference and input builder live on the scoring server;
editing this copy changes nothing except your own understanding.
"""

import jax, jax.numpy as jnp
import numpy as np

VOCAB = 8192
BATCH = 4096

def setup_inputs(seed: int = 0) -> dict:
    key = jax.random.key(seed)
    k1, k2, k3 = jax.random.split(key, 3)
    x_ids = jax.random.randint(k1, (BATCH,), 0, VOCAB, dtype=jnp.int64 if jax.config.jax_enable_x64 else jnp.int32).astype(jnp.int32)
    targets = jax.random.randint(k2, (BATCH,), 0, VOCAB, dtype=jnp.int64 if jax.config.jax_enable_x64 else jnp.int32).astype(jnp.int32)
    logits_table = 0.01 * jax.random.normal(k3, (VOCAB, VOCAB), dtype=jnp.float32)
    return {"x_ids": x_ids, "targets": targets, "logits_table": logits_table}

def reference(x_ids, targets, logits_table):
    # Embedding-style row gather from the bigram table
    logits = jnp.take(logits_table, x_ids, axis=0)  # [B, V]
    # Cross-entropy with integer targets (mean reduction, matches F.cross_entropy)
    log_z = jax.nn.logsumexp(logits, axis=-1)  # [B]
    picked = jnp.take_along_axis(logits, targets[:, None], axis=-1)[:, 0]  # [B]
    loss = jnp.mean(log_z - picked)
    return (logits, loss)

if __name__ == "__main__":
    import jax
    _d = setup_inputs()
    print(jax.jit(kernel)(*tuple(_d.values())))

</pallas_src>

<mosaic_0001>
#map = affine_map<(d0, d1) -> (0, 0)>
#map1 = affine_map<(d0, d1) -> (0)>
module attributes {stable_mosaic.version = 14 : i64} {
  func.func @_sc_body(%arg0: i32, %arg1: i32, %arg2: memref<1024x4xi32, #tpu.memory_space<hbm>>, %arg3: memref<16384xi32, #tpu.memory_space<hbm>>, %arg4: memref<8192x8192xf32, #tpu.memory_space<hbm>>, %arg5: memref<4096x8192xf32, #tpu.memory_space<hbm>>, %arg6: memref<4096x16xf32, #tpu.memory_space<hbm>>, %arg7: memref<32x16xf32, #tpu.memory_space<hbm>>, %arg8: memref<32x4xi32, #tpu.memory_space<vmem>>, %arg9: memref<512xi32, #tpu.memory_space<vmem>>, %arg10: memref<4x8192xf32, #tpu.memory_space<vmem>>, %arg11: memref<4x8192xf32, #tpu.memory_space<vmem>>, %arg12: memref<4x8192xf32, #tpu.memory_space<vmem>>, %arg13: memref<128x16xf32, #tpu.memory_space<vmem>>, %arg14: memref<16xf32, #tpu.memory_space<vmem>>, %arg15: memref<!tpu.dma_semaphore, #tpu.memory_space<semaphore_mem>>, %arg16: memref<!tpu.dma_semaphore, #tpu.memory_space<semaphore_mem>>, %arg17: memref<!tpu.dma_semaphore, #tpu.memory_space<semaphore_mem>>, %arg18: memref<!tpu.dma_semaphore, #tpu.memory_space<semaphore_mem>>, %arg19: memref<!tpu.dma_semaphore, #tpu.memory_space<semaphore_mem>>, %arg20: memref<!tpu.dma_semaphore, #tpu.memory_space<semaphore_mem>>) attributes {dimension_semantics = [#tpu.dimension_semantics<core_parallel>, #tpu.dimension_semantics<subcore_parallel>], iteration_bounds = array<i64: 2, 16>, scalar_prefetch = 0 : i64, scratch_operands = 13 : i64, tpu.core_type = #tpu.core_type<sc_vector_subcore>, window_params = [{transform_indices = #map}, {transform_indices = #map1}, {transform_indices = #map}, {transform_indices = #map}, {transform_indices = #map}, {transform_indices = #map}]} {
    %mul3A = arith.constant 2 : i32
    %mul3A_0 = arith.muli %arg1, %mul3A : i32
    %add3A = arith.addi %mul3A_0, %arg0 : i32
    %mul3A_1 = arith.constant 32 : i32
    %mul3A_2 = arith.muli %add3A, %mul3A_1 : i32
    "tpu.region"() ({
      %run_scoped3A = tpu.sem_alloc : memref<!tpu.dma_semaphore, #tpu.memory_space<semaphore_mem>>
      %dma_start3A_407 = arith.constant 0 : i32
      %dma_start3A_408 = tpu.memref_slice %arg2[%mul3A_2, %dma_start3A_407] : memref<1024x4xi32, #tpu.memory_space<hbm>> -> memref<32x4xi32, #tpu.memory_space<hbm>>
      %dma_start3A_409 = arith.constant 0 : i32
      %dma_start3A_410 = tpu.memref_slice %arg2[%mul3A_2, %dma_start3A_409] : memref<1024x4xi32, #tpu.memory_space<hbm>> -> memref<32x4xi32, #tpu.memory_space<hbm>>
      tpu.enqueue_dma source(%dma_start3A_410 : memref<32x4xi32, #tpu.memory_space<hbm>>) target(%arg8 : memref<32x4xi32, #tpu.memory_space<vmem>>) target_semaphore(%run_scoped3A : memref<!tpu.dma_semaphore, #tpu.memory_space<semaphore_mem>>)
      %dma_wait3A_411 = arith.constant 0 : i32
      %dma_wait3A_412 = tpu.memref_slice %arg2[%mul3A_2, %dma_wait3A_411] : memref<1024x4xi32, #tpu.memory_space<hbm>> -> memref<32x4xi32, #tpu.memory_space<hbm>>
      %dma_wait3A_413 = arith.constant 0 : i32
      %dma_wait3A_414 = tpu.memref_slice %arg2[%mul3A_2, %dma_wait3A_413] : memref<1024x4xi32, #tpu.memory_space<hbm>> -> memref<32x4xi32, #tpu.memory_space<hbm>>
      tpu.wait_dma2 semaphore(%run_scoped3A : memref<!tpu.dma_semaphore, #tpu.memory_space<semaphore_mem>>) src(%dma_wait3A_414 : memref<32x4xi32, #tpu.memory_space<hbm>>) dst(%arg8 : memref<32x4xi32, #tpu.memory_space<vmem>>)
      tpu.yield
    }) : () -> ()
    %mul3A_3 = arith.constant 32 : i32
    %mul3A_4 = arith.muli %add3A, %mul3A_3 : i32
    %mul3A_5 = arith.constant 16 : i32
    %mul3A_6 = arith.muli %mul3A_4, %mul3A_5 : i32
    "tpu.region"() ({
      %run_scoped3A = tpu.sem_alloc : memref<!tpu.dma_semaphore, #tpu.memory_space<semaphore_mem>>
      %dma_start3A_407 = tpu.memref_slice %arg3[%mul3A_6] : memref<16384xi32, #tpu.memory_space<hbm>> -> memref<512xi32, #tpu.memory_space<hbm>>
      %dma_start3A_408 = tpu.memref_slice %arg3[%mul3A_6] : memref<16384xi32, #tpu.memory_space<hbm>> -> memref<512xi32, #tpu.memory_space<hbm>>
      tpu.enqueue_dma source(%dma_start3A_408 : memref<512xi32, #tpu.memory_space<hbm>>) target(%arg9 : memref<512xi32, #tpu.memory_space<vmem>>) target_semaphore(%run_scoped3A : memref<!tpu.dma_semaphore, #tpu.memory_space<semaphore_mem>>)
      %dma_wait3A_409 = tpu.memref_slice %arg3[%mul3A_6] : memref<16384xi32, #tpu.memory_space<hbm>> -> memref<512xi32, #tpu.memory_space<hbm>>
      %dma_wait3A_410 = tpu.memref_slice %arg3[%mul3A_6] : memref<16384xi32, #tpu.memory_space<hbm>> -> memref<512xi32, #tpu.memory_space<hbm>>
      tpu.wait_dma2 semaphore(%run_scoped3A : memref<!tpu.dma_semaphore, #tpu.memory_space<semaphore_mem>>) src(%dma_wait3A_410 : memref<512xi32, #tpu.memory_space<hbm>>) dst(%arg9 : memref<512xi32, #tpu.memory_space<vmem>>)
      tpu.yield
    }) : () -> ()
    %iota3A = tpu.iota {dimensions = array<i32: 0>} : vector<16xi32>
    %dma_start3A = arith.constant 0 : i32
    %dma_start3A_7 = arith.constant 0 : i32
    %dma_start3A_8 = tpu.memref_slice %arg8[%dma_start3A, %dma_start3A_7] : memref<32x4xi32, #tpu.memory_space<vmem>> -> memref<1x4xi32, #tpu.memory_space<vmem>>
    %dma_start3A_9 = tpu.memref_squeeze %dma_start3A_8 : memref<1x4xi32, #tpu.memory_space<vmem>> -> memref<4xi32, #tpu.memory_space<vmem>>
    %dma_start3A_10 = arith.constant 0 : i32
    %dma_start3A_11 = arith.constant 0 : i32
    %dma_start3A_12 = tpu.memref_slice %arg4[%dma_start3A_10, %dma_start3A_11] : memref<8192x8192xf32, #tpu.memory_space<hbm>> -> memref<8192x8192xf32, #tpu.memory_space<hbm>>
    tpu.enqueue_indirect_dma source(%dma_start3A_12 : memref<8192x8192xf32, #tpu.memory_space<hbm>>) target(%arg10 : memref<4x8192xf32, #tpu.memory_space<vmem>>) offsets(%dma_start3A_9 : memref<4xi32, #tpu.memory_space<vmem>>) semaphore(%arg15 : memref<!tpu.dma_semaphore, #tpu.memory_space<semaphore_mem>>)
    %broadcast_in_dim3A = arith.constant 0.000000e+00 : f32
    %broadcast_in_dim3A_13 = vector.broadcast %broadcast_in_dim3A : f32 to vector<16xf32>
    %scan3A = arith.constant 0 : i32
    %scan3A_14 = arith.constant 10 : i32
    %scan3A_15 = arith.addi %scan3A, %scan3A_14 : i32
    %scan3A_16 = arith.constant 1 : i32
    %scan3A_17 = scf.for %scan3A_407 = %scan3A to %scan3A_15 step %scan3A_16 iter_args(%scan3A_408 = %broadcast_in_dim3A_13) -> (vector<16xf32>)  : i32 {
      %mul3A_409 = arith.constant 3 : i32
      %mul3A_410 = arith.muli %scan3A_407, %mul3A_409 : i32
      %add3A_411 = arith.constant 0 : i32
      %add3A_412 = arith.addi %mul3A_410, %add3A_411 : i32
      %ge3A = arith.constant 1 : i32
      %ge3A_413 = arith.cmpi sge, %scan3A_407, %ge3A : i32
      %convert_element_type3A = arith.extui %ge3A_413 : i1 to i32
      %cond3A = arith.constant 0 : i32
      %cond3A_414 = arith.cmpi ne, %convert_element_type3A, %cond3A : i32
      scf.if %cond3A_414 {
        %sub3A_1029 = arith.constant 2 : i32
        %sub3A_1030 = arith.subi %add3A_412, %sub3A_1029 : i32
        %mul3A_1031 = arith.constant 128 : i32
        %mul3A_1032 = arith.muli %add3A, %mul3A_1031 : i32
        %mul3A_1033 = arith.constant 4 : i32
        %mul3A_1034 = arith.muli %sub3A_1030, %mul3A_1033 : i32
        %add3A_1035 = arith.addi %mul3A_1032, %mul3A_1034 : i32
        %dma_wait3A_1036 = arith.constant 0 : i32
        %dma_wait3A_1037 = tpu.memref_slice %arg5[%add3A_1035, %dma_wait3A_1036] : memref<4096x8192xf32, #tpu.memory_space<hbm>> -> memref<4x8192xf32, #tpu.memory_space<hbm>>
        %dma_wait3A_1038 = arith.constant 0 : i32
        %dma_wait3A_1039 = tpu.memref_slice %arg5[%add3A_1035, %dma_wait3A_1038] : memref<4096x8192xf32, #tpu.memory_space<hbm>> -> memref<4x8192xf32, #tpu.memory_space<hbm>>
        tpu.wait_dma2 semaphore(%arg19 : memref<!tpu.dma_semaphore, #tpu.memory_space<semaphore_mem>>) src(%arg11 : memref<4x8192xf32, #tpu.memory_space<vmem>>) dst(%dma_wait3A_1039 : memref<4x8192xf32, #tpu.memory_space<hbm>>)
      } else {
      }
      %add3A_415 = arith.constant 1 : i32
      %add3A_416 = arith.addi %add3A_412, %add3A_415 : i32
      %dma_start3A_417 = arith.constant 0 : i32
      %dma_start3A_418 = tpu.memref_slice %arg8[%add3A_416, %dma_start3A_417] : memref<32x4xi32, #tpu.memory_space<vmem>> -> memref<1x4xi32, #tpu.memory_space<vmem>>
      %dma_start3A_419 = tpu.memref_squeeze %dma_start3A_418 : memref<1x4xi32, #tpu.memory_space<vmem>> -> memref<4xi32, #tpu.memory_space<vmem>>
      %dma_start3A_420 = arith.constant 0 : i32
      %dma_start3A_421 = arith.constant 0 : i32
      %dma_start3A_422 = tpu.memref_slice %arg4[%dma_start3A_420, %dma_start3A_421] : memref<8192x8192xf32, #tpu.memory_space<hbm>> -> memref<8192x8192xf32, #tpu.memory_space<hbm>>
      tpu.enqueue_indirect_dma source(%dma_start3A_422 : memref<8192x8192xf32, #tpu.memory_space<hbm>>) target(%arg11 : memref<4x8192xf32, #tpu.memory_space<vmem>>) offsets(%dma_start3A_419 : memref<4xi32, #tpu.memory_space<vmem>>) semaphore(%arg16 : memref<!tpu.dma_semaphore, #tpu.memory_space<semaphore_mem>>)
      %dma_wait3A_423 = arith.constant 0 : i32
      %dma_wait3A_424 = tpu.memref_slice %arg8[%add3A_412, %dma_wait3A_423] : memref<32x4xi32, #tpu.memory_space<vmem>> -> memref<1x4xi32, #tpu.memory_space<vmem>>
      %dma_wait3A_425 = tpu.memref_squeeze %dma_wait3A_424 : memref<1x4xi32, #tpu.memory_space<vmem>> -> memref<4xi32, #tpu.memory_space<vmem>>
      %dma_wait3A_426 = arith.constant 0 : i32
      %dma_wait3A_427 = arith.constant 0 : i32
      %dma_wait3A_428 = tpu.memref_slice %arg4[%dma_wait3A_426, %dma_wait3A_427] : memref<8192x8192xf32, #tpu.memory_space<hbm>> -> memref<8192x8192xf32, #tpu.memory_space<hbm>>
      tpu.wait_indirect_dma semaphore(%arg15 : memref<!tpu.dma_semaphore, #tpu.memory_space<semaphore_mem>>) src(%dma_wait3A_428 : memref<8192x8192xf32, #tpu.memory_space<hbm>>) dst(%arg10 : memref<4x8192xf32, #tpu.memory_space<vmem>>)
      %mul3A_429 = arith.constant 128 : i32
      %mul3A_430 = arith.muli %add3A, %mul3A_429 : i32
      %mul3A_431 = arith.constant 4 : i32
      %mul3A_432 = arith.muli %add3A_412, %mul3A_431 : i32
      %add3A_433 = arith.addi %mul3A_430, %mul3A_432 : i32
      %dma_start3A_434 = arith.constant 0 : i32
      %dma_start3A_435 = tpu.memref_slice %arg5[%add3A_433, %dma_start3A_434] : memref<4096x8192xf32, #tpu.memory_space<hbm>> -> memref<4x8192xf32, #tpu.memory_space<hbm>>
      %dma_start3A_436 = arith.constant 0 : i32
      %dma_start3A_437 = tpu.memref_slice %arg5[%add3A_433, %dma_start3A_436] : memref<4096x8192xf32, #tpu.memory_space<hbm>> -> memref<4x8192xf32, #tpu.memory_space<hbm>>
      tpu.enqueue_dma source(%arg10 : memref<4x8192xf32, #tpu.memory_space<vmem>>) target(%dma_start3A_437 : memref<4x8192xf32, #tpu.memory_space<hbm>>) target_semaphore(%arg18 : memref<!tpu.dma_semaphore, #tpu.memory_space<semaphore_mem>>)
      %broadcast_in_dim3A_438 = arith.constant 0.000000e+00 : f32
      %broadcast_in_dim3A_439 = vector.broadcast %broadcast_in_dim3A_438 : f32 to vector<16xf32>
      %scan3A_440 = arith.constant 0 : i32
      %scan3A_441 = arith.constant 64 : i32
      %scan3A_442 = arith.addi %scan3A_440, %scan3A_441 : i32
      %scan3A_443 = arith.constant 1 : i32
      %scan3A_444:8 = scf.for %scan3A_1029 = %scan3A_440 to %scan3A_442 step %scan3A_443 iter_args(%scan3A_1030 = %broadcast_in_dim3A_439, %scan3A_1031 = %broadcast_in_dim3A_439, %scan3A_1032 = %broadcast_in_dim3A_439, %scan3A_1033 = %broadcast_in_dim3A_439, %scan3A_1034 = %broadcast_in_dim3A_439, %scan3A_1035 = %broadcast_in_dim3A_439, %scan3A_1036 = %broadcast_in_dim3A_439, %scan3A_1037 = %broadcast_in_dim3A_439) -> (vector<16xf32>, vector<16xf32>, vector<16xf32>, vector<16xf32>, vector<16xf32>, vector<16xf32>, vector<16xf32>, vector<16xf32>)  : i32 {
        %mul3A_1038 = arith.constant 128 : i32
        %mul3A_1039 = arith.muli %scan3A_1029, %mul3A_1038 : i32
        %add3A_1040 = arith.constant 0 : i32
        %add3A_1041 = arith.addi %mul3A_1039, %add3A_1040 : i32
        %get3A_1042 = arith.constant 0 : i32
        %get3A_1043 = arith.index_cast %get3A_1042 : i32 to index
        %get3A_1044 = arith.index_cast %add3A_1041 : i32 to index
        %get3A_1045 = tpu.vector_load %arg10[%get3A_1043, %get3A_1044] {strides = array<i32>} : memref<4x8192xf32, #tpu.memory_space<vmem>>, vector<1x16xf32>,
        %get3A_1046 = vector.shape_cast %get3A_1045 : vector<1x16xf32> to vector<16xf32>
        %add3A_1047 = arith.constant 16 : i32
        %add3A_1048 = arith.addi %mul3A_1039, %add3A_1047 : i32
        %get3A_1049 = arith.constant 0 : i32
        %get3A_1050 = arith.index_cast %get3A_1049 : i32 to index
        %get3A_1051 = arith.index_cast %add3A_1048 : i32 to index
        %get3A_1052 = tpu.vector_load %arg10[%get3A_1050, %get3A_1051] {strides = array<i32>} : memref<4x8192xf32, #tpu.memory_space<vmem>>, vector<1x16xf32>,
        %get3A_1053 = vector.shape_cast %get3A_1052 : vector<1x16xf32> to vector<16xf32>
        %add3A_1054 = arith.constant 32 : i32
        %add3A_1055 = arith.addi %mul3A_1039, %add3A_1054 : i32
        %get3A_1056 = arith.constant 0 : i32
        %get3A_1057 = arith.index_cast %get3A_1056 : i32 to index
        %get3A_1058 = arith.index_cast %add3A_1055 : i32 to index
        %get3A_1059 = tpu.vector_load %arg10[%get3A_1057, %get3A_1058] {strides = array<i32>} : memref<4x8192xf32, #tpu.memory_space<vmem>>, vector<1x16xf32>,
        %get3A_1060 = vector.shape_cast %get3A_1059 : vector<1x16xf32> to vector<16xf32>
        %add3A_1061 = arith.constant 48 : i32
        %add3A_1062 = arith.addi %mul3A_1039, %add3A_1061 : i32
        %get3A_1063 = arith.constant 0 : i32
        %get3A_1064 = arith.index_cast %get3A_1063 : i32 to index
        %get3A_1065 = arith.index_cast %add3A_1062 : i32 to index
        %get3A_1066 = tpu.vector_load %arg10[%get3A_1064, %get3A_1065] {strides = array<i32>} : memref<4x8192xf32, #tpu.memory_space<vmem>>, vector<1x16xf32>,
        %get3A_1067 = vector.shape_cast %get3A_1066 : vector<1x16xf32> to vector<16xf32>
        %add3A_1068 = arith.constant 64 : i32
        %add3A_1069 = arith.addi %mul3A_1039, %add3A_1068 : i32
        %get3A_1070 = arith.constant 0 : i32
        %get3A_1071 = arith.index_cast %get3A_1070 : i32 to index
        %get3A_1072 = arith.index_cast %add3A_1069 : i32 to index
        %get3A_1073 = tpu.vector_load %arg10[%get3A_1071, %get3A_1072] {strides = array<i32>} : memref<4x8192xf32, #tpu.memory_space<vmem>>, vector<1x16xf32>,
        %get3A_1074 = vector.shape_cast %get3A_1073 : vector<1x16xf32> to vector<16xf32>
        %add3A_1075 = arith.constant 80 : i32
        %add3A_1076 = arith.addi %mul3A_1039, %add3A_1075 : i32
        %get3A_1077 = arith.constant 0 : i32
        %get3A_1078 = arith.index_cast %get3A_1077 : i32 to index
        %get3A_1079 = arith.index_cast %add3A_1076 : i32 to index
        %get3A_1080 = tpu.vector_load %arg10[%get3A_1078, %get3A_1079] {strides = array<i32>} : memref<4x8192xf32, #tpu.memory_space<vmem>>, vector<1x16xf32>,
        %get3A_1081 = vector.shape_cast %get3A_1080 : vector<1x16xf32> to vector<16xf32>
        %add3A_1082 = arith.constant 96 : i32
        %add3A_1083 = arith.addi %mul3A_1039, %add3A_1082 : i32
        %get3A_1084 = arith.constant 0 : i32
        %get3A_1085 = arith.index_cast %get3A_1084 : i32 to index
        %get3A_1086 = arith.index_cast %add3A_1083 : i32 to index
        %get3A_1087 = tpu.vector_load %arg10[%get3A_1085, %get3A_1086] {strides = array<i32>} : memref<4x8192xf32, #tpu.memory_space<vmem>>, vector<1x16xf32>,
        %get3A_1088 = vector.shape_cast %get3A_1087 : vector<1x16xf32> to vector<16xf32>
        %add3A_1089 = arith.constant 112 : i32
        %add3A_1090 = arith.addi %mul3A_1039, %add3A_1089 : i32
        %get3A_1091 = arith.constant 0 : i32
        %get3A_1092 = arith.index_cast %get3A_1091 : i32 to index
        %get3A_1093 = arith.index_cast %add3A_1090 : i32 to index
        %get3A_1094 = tpu.vector_load %arg10[%get3A_1092, %get3A_1093] {strides = array<i32>} : memref<4x8192xf32, #tpu.memory_space<vmem>>, vector<1x16xf32>,
        %get3A_1095 = vector.shape_cast %get3A_1094 : vector<1x16xf32> to vector<16xf32>
        %exp3A = math.exp %get3A_1046 : vector<16xf32>
        %add3A_1096 = arith.addf %scan3A_1030, %exp3A : vector<16xf32>
        %exp3A_1097 = math.exp %get3A_1053 : vector<16xf32>
        %add3A_1098 = arith.addf %scan3A_1031, %exp3A_1097 : vector<16xf32>
        %exp3A_1099 = math.exp %get3A_1060 : vector<16xf32>
        %add3A_1100 = arith.addf %scan3A_1032, %exp3A_1099 : vector<16xf32>
        %exp3A_1101 = math.exp %get3A_1067 : vector<16xf32>
        %add3A_1102 = arith.addf %scan3A_1033, %exp3A_1101 : vector<16xf32>
        %exp3A_1103 = math.exp %get3A_1074 : vector<16xf32>
        %add3A_1104 = arith.addf %scan3A_1034, %exp3A_1103 : vector<16xf32>
        %exp3A_1105 = math.exp %get3A_1081 : vector<16xf32>
        %add3A_1106 = arith.addf %scan3A_1035, %exp3A_1105 : vector<16xf32>
        %exp3A_1107 = math.exp %get3A_1088 : vector<16xf32>
        %add3A_1108 = arith.addf %scan3A_1036, %exp3A_1107 : vector<16xf32>
        %exp3A_1109 = math.exp %get3A_1095 : vector<16xf32>
        %add3A_1110 = arith.addf %scan3A_1037, %exp3A_1109 : vector<16xf32>
        scf.yield %add3A_1096, %add3A_1098, %add3A_1100, %add3A_1102, %add3A_1104, %add3A_1106, %add3A_1108, %add3A_1110 : vector<16xf32>, vector<16xf32>, vector<16xf32>, vector<16xf32>, vector<16xf32>, vector<16xf32>, vector<16xf32>, vector<16xf32>
      }
      %scan3A_445 = arith.constant 64 : i32
      %add3A_446 = arith.addf %scan3A_444#0, %scan3A_444#1 : vector<16xf32>
      %add3A_447 = arith.addf %add3A_446, %scan3A_444#2 : vector<16xf32>
      %add3A_448 = arith.addf %add3A_447, %scan3A_444#3 : vector<16xf32>
      %add3A_449 = arith.addf %add3A_448, %scan3A_444#4 : vector<16xf32>
      %add3A_450 = arith.addf %add3A_449, %scan3A_444#5 : vector<16xf32>
      %add3A_451 = arith.addf %add3A_450, %scan3A_444#6 : vector<16xf32>
      %add3A_452 = arith.addf %add3A_451, %scan3A_444#7 : vector<16xf32>
      %mul3A_453 = arith.constant 4 : i32
      %mul3A_454 = arith.muli %add3A_412, %mul3A_453 : i32
      %add3A_455 = arith.constant 0 : i32
      %add3A_456 = arith.addi %mul3A_454, %add3A_455 : i32
      %swap3A_457 = arith.index_cast %add3A_456 : i32 to index
      %swap3A_458 = arith.constant 0 : index
      %swap3A_459 = tpu.vector_load %arg13[%swap3A_457, %swap3A_458] {strides = array<i32>} : memref<128x16xf32, #tpu.memory_space<vmem>>, vector<1x16xf32>,
      %swap3A_460 = vector.shape_cast %swap3A_459 : vector<1x16xf32> to vector<16xf32>
      %swap3A_461 = vector.shape_cast %add3A_452 : vector<16xf32> to vector<1x16xf32>
      tpu.vector_store %arg13[%swap3A_457, %swap3A_458], %swap3A_461 {strides = array<i32>} : memref<128x16xf32, #tpu.memory_space<vmem>>, vector<1x16xf32>,
      %broadcast_in_dim3A_462 = arith.constant 0.000000e+00 : f32
      %broadcast_in_dim3A_463 = vector.broadcast %broadcast_in_dim3A_462 : f32 to vector<16xf32>
      %scan3A_464 = arith.constant 0 : i32
      %scan3A_465 = arith.constant 64 : i32
      %scan3A_466 = arith.addi %scan3A_464, %scan3A_465 : i32
      %scan3A_467 = arith.constant 1 : i32
      %scan3A_468:8 = scf.for %scan3A_1029 = %scan3A_464 to %scan3A_466 step %scan3A_467 iter_args(%scan3A_1030 = %broadcast_in_dim3A_463, %scan3A_1031 = %broadcast_in_dim3A_463, %scan3A_1032 = %broadcast_in_dim3A_463, %scan3A_1033 = %broadcast_in_dim3A_463, %scan3A_1034 = %broadcast_in_dim3A_463, %scan3A_1035 = %broadcast_in_dim3A_463, %scan3A_1036 = %broadcast_in_dim3A_463, %scan3A_1037 = %broadcast_in_dim3A_463) -> (vector<16xf32>, vector<16xf32>, vector<16xf32>, vector<16xf32>, vector<16xf32>, vector<16xf32>, vector<16xf32>, vector<16xf32>)  : i32 {
        %mul3A_1038 = arith.constant 128 : i32
        %mul3A_1039 = arith.muli %scan3A_1029, %mul3A_1038 : i32
        %add3A_1040 = arith.constant 0 : i32
        %add3A_1041 = arith.addi %mul3A_1039, %add3A_1040 : i32
        %get3A_1042 = arith.constant 1 : i32
        %get3A_1043 = arith.index_cast %get3A_1042 : i32 to index
        %get3A_1044 = arith.index_cast %add3A_1041 : i32 to index
        %get3A_1045 = tpu.vector_load %arg10[%get3A_1043, %get3A_1044] {strides = array<i32>} : memref<4x8192xf32, #tpu.memory_space<vmem>>, vector<1x16xf32>,
        %get3A_1046 = vector.shape_cast %get3A_1045 : vector<1x16xf32> to vector<16xf32>
        %add3A_1047 = arith.constant 16 : i32
        %add3A_1048 = arith.addi %mul3A_1039, %add3A_1047 : i32
        %get3A_1049 = arith.constant 1 : i32
        %get3A_1050 = arith.index_cast %get3A_1049 : i32 to index
        %get3A_1051 = arith.index_cast %add3A_1048 : i32 to index
        %get3A_1052 = tpu.vector_load %arg10[%get3A_1050, %get3A_1051] {strides = array<i32>} : memref<4x8192xf32, #tpu.memory_space<vmem>>, vector<1x16xf32>,
        %get3A_1053 = vector.shape_cast %get3A_1052 : vector<1x16xf32> to vector<16xf32>
        %add3A_1054 = arith.constant 32 : i32
        %add3A_1055 = arith.addi %mul3A_1039, %add3A_1054 : i32
        %get3A_1056 = arith.constant 1 : i32
        %get3A_1057 = arith.index_cast %get3A_1056 : i32 to index
        %get3A_1058 = arith.index_cast %add3A_1055 : i32 to index
        %get3A_1059 = tpu.vector_load %arg10[%get3A_1057, %get3A_1058] {strides = array<i32>} : memref<4x8192xf32, #tpu.memory_space<vmem>>, vector<1x16xf32>,
        %get3A_1060 = vector.shape_cast %get3A_1059 : vector<1x16xf32> to vector<16xf32>
        %add3A_1061 = arith.constant 48 : i32
        %add3A_1062 = arith.addi %mul3A_1039, %add3A_1061 : i32
        %get3A_1063 = arith.constant 1 : i32
        %get3A_1064 = arith.index_cast %get3A_1063 : i32 to index
        %get3A_1065 = arith.index_cast %add3A_1062 : i32 to index
        %get3A_1066 = tpu.vector_load %arg10[%get3A_1064, %get3A_1065] {strides = array<i32>} : memref<4x8192xf32, #tpu.memory_space<vmem>>, vector<1x16xf32>,
        %get3A_1067 = vector.shape_cast %get3A_1066 : vector<1x16xf32> to vector<16xf32>
        %add3A_1068 = arith.constant 64 : i32
        %add3A_1069 = arith.addi %mul3A_1039, %add3A_1068 : i32
        %get3A_1070 = arith.constant 1 : i32
        %get3A_1071 = arith.index_cast %get3A_1070 : i32 to index
        %get3A_1072 = arith.index_cast %add3A_1069 : i32 to index
        %get3A_1073 = tpu.vector_load %arg10[%get3A_1071, %get3A_1072] {strides = array<i32>} : memref<4x8192xf32, #tpu.memory_space<vmem>>, vector<1x16xf32>,
        %get3A_1074 = vector.shape_cast %get3A_1073 : vector<1x16xf32> to vector<16xf32>
        %add3A_1075 = arith.constant 80 : i32
        %add3A_1076 = arith.addi %mul3A_1039, %add3A_1075 : i32
        %get3A_1077 = arith.constant 1 : i32
        %get3A_1078 = arith.index_cast %get3A_1077 : i32 to index
        %get3A_1079 = arith.index_cast %add3A_1076 : i32 to index
        %get3A_1080 = tpu.vector_load %arg10[%get3A_1078, %get3A_1079] {strides = array<i32>} : memref<4x8192xf32, #tpu.memory_space<vmem>>, vector<1x16xf32>,
        %get3A_1081 = vector.shape_cast %get3A_1080 : vector<1x16xf32> to vector<16xf32>
        %add3A_1082 = arith.constant 96 : i32
        %add3A_1083 = arith.addi %mul3A_1039, %add3A_1082 : i32
        %get3A_1084 = arith.constant 1 : i32
        %get3A_1085 = arith.index_cast %get3A_1084 : i32 to index
        %get3A_1086 = arith.index_cast %add3A_1083 : i32 to index
        %get3A_1087 = tpu.vector_load %arg10[%get3A_1085, %get3A_1086] {strides = array<i32>} : memref<4x8192xf32, #tpu.memory_space<vmem>>, vector<1x16xf32>,
        %get3A_1088 = vector.shape_cast %get3A_1087 : vector<1x16xf32> to vector<16xf32>
        %add3A_1089 = arith.constant 112 : i32
        %add3A_1090 = arith.addi %mul3A_1039, %add3A_1089 : i32
        %get3A_1091 = arith.constant 1 : i32
        %get3A_1092 = arith.index_cast %get3A_1091 : i32 to index
        %get3A_1093 = arith.index_cast %add3A_1090 : i32 to index
        %get3A_1094 = tpu.vector_load %arg10[%get3A_1092, %get3A_1093] {strides = array<i32>} : memref<4x8192xf32, #tpu.memory_space<vmem>>, vector<1x16xf32>,
        %get3A_1095 = vector.shape_cast %get3A_1094 : vector<1x16xf32> to vector<16xf32>
        %exp3A = math.exp %get3A_1046 : vector<16xf32>
        %add3A_1096 = arith.addf %scan3A_1030, %exp3A : vector<16xf32>
        %exp3A_1097 = math.exp %get3A_1053 : vector<16xf32>
        %add3A_1098 = arith.addf %scan3A_1031, %exp3A_1097 : vector<16xf32>
        %exp3A_1099 = math.exp %get3A_1060 : vector<16xf32>
        %add3A_1100 = arith.addf %scan3A_1032, %exp3A_1099 : vector<16xf32>
        %exp3A_1101 = math.exp %get3A_1067 : vector<16xf32>
        %add3A_1102 = arith.addf %scan3A_1033, %exp3A_1101 : vector<16xf32>
        %exp3A_1103 = math.exp %get3A_1074 : vector<16xf32>
        %add3A_1104 = arith.addf %scan3A_1034, %exp3A_1103 : vector<16xf32>
        %exp3A_1105 = math.exp %get3A_1081 : vector<16xf32>
        %add3A_1106 = arith.addf %scan3A_1035, %exp3A_1105 : vector<16xf32>
        %exp3A_1107 = math.exp %get3A_1088 : vector<16xf32>
        %add3A_1108 = arith.addf %scan3A_1036, %exp3A_1107 : vector<16xf32>
        %exp3A_1109 = math.exp %get3A_1095 : vector<16xf32>
        %add3A_1110 = arith.addf %scan3A_1037, %exp3A_1109 : vector<16xf32>
        scf.yield %add3A_1096, %add3A_1098, %add3A_1100, %add3A_1102, %add3A_1104, %add3A_1106, %add3A_1108, %add3A_1110 : vector<16xf32>, vector<16xf32>, vector<16xf32>, vector<16xf32>, vector<16xf32>, vector<16xf32>, vector<16xf32>, vector<16xf32>
      }
      %scan3A_469 = arith.constant 64 : i32
      %add3A_470 = arith.addf %scan3A_468#0, %scan3A_468#1 : vector<16xf32>
      %add3A_471 = arith.addf %add3A_470, %scan3A_468#2 : vector<16xf32>
      %add3A_472 = arith.addf %add3A_471, %scan3A_468#3 : vector<16xf32>
      %add3A_473 = arith.addf %add3A_472, %scan3A_468#4 : vector<16xf32>
      %add3A_474 = arith.addf %add3A_473, %scan3A_468#5 : vector<16xf32>
      %add3A_475 = arith.addf %add3A_474, %scan3A_468#6 : vector<16xf32>
      %add3A_476 = arith.addf %add3A_475, %scan3A_468#7 : vector<16xf32>
      %mul3A_477 = arith.constant 4 : i32
      %mul3A_478 = arith.muli %add3A_412, %mul3A_477 : i32
      %add3A_479 = arith.constant 1 : i32
      %add3A_480 = arith.addi %mul3A_478, %add3A_479 : i32
      %swap3A_481 = arith.index_cast %add3A_480 : i32 to index
      %swap3A_482 = arith.constant 0 : index
      %swap3A_483 = tpu.vector_load %arg13[%swap3A_481, %swap3A_482] {strides = array<i32>} : memref<128x16xf32, #tpu.memory_space<vmem>>, vector<1x16xf32>,
      %swap3A_484 = vector.shape_cast %swap3A_483 : vector<1x16xf32> to vector<16xf32>
      %swap3A_485 = vector.shape_cast %add3A_476 : vector<16xf32> to vector<1x16xf32>
      tpu.vector_store %arg13[%swap3A_481, %swap3A_482], %swap3A_485 {strides = array<i32>} : memref<128x16xf32, #tpu.memory_space<vmem>>, vector<1x16xf32>,
      %broadcast_in_dim3A_486 = arith.constant 0.000000e+00 : f32
      %broadcast_in_dim3A_487 = vector.broadcast %broadcast_in_dim3A_486 : f32 to vector<16xf32>
      %scan3A_488 = arith.constant 0 : i32
      %scan3A_489 = arith.constant 64 : i32
      %scan3A_490 = arith.addi %scan3A_488, %scan3A_489 : i32
      %scan3A_491 = arith.constant 1 : i32
      %scan3A_492:8 = scf.for %scan3A_1029 = %scan3A_488 to %scan3A_490 step %scan3A_491 iter_args(%scan3A_1030 = %broadcast_in_dim3A_487, %scan3A_1031 = %broadcast_in_dim3A_487, %scan3A_1032 = %broadcast_in_dim3A_487, %scan3A_1033 = %broadcast_in_dim3A_487, %scan3A_1034 = %broadcast_in_dim3A_487, %scan3A_1035 = %broadcast_in_dim3A_487, %scan3A_1036 = %broadcast_in_dim3A_487, %scan3A_1037 = %broadcast_in_dim3A_487) -> (vector<16xf32>, vector<16xf32>, vector<16xf32>, vector<16xf32>, vector<16xf32>, vector<16xf32>, vector<16xf32>, vector<16xf32>)  : i32 {
        %mul3A_1038 = arith.constant 128 : i32
        %mul3A_1039 = arith.muli %scan3A_1029, %mul3A_1038 : i32
        %add3A_1040 = arith.constant 0 : i32
        %add3A_1041 = arith.addi %mul3A_1039, %add3A_1040 : i32
        %get3A_1042 = arith.constant 2 : i32
        %get3A_1043 = arith.index_cast %get3A_1042 : i32 to index
        %get3A_1044 = arith.index_cast %add3A_1041 : i32 to index
        %get3A_1045 = tpu.vector_load %arg10[%get3A_1043, %get3A_1044] {strides = array<i32>} : memref<4x8192xf32, #tpu.memory_space<vmem>>, vector<1x16xf32>,
        %get3A_1046 = vector.shape_cast %get3A_1045 : vector<1x16xf32> to vector<16xf32>
        %add3A_1047 = arith.constant 16 : i32
        %add3A_1048 = arith.addi %mul3A_1039, %add3A_1047 : i32
        %get3A_1049 = arith.constant 2 : i32
        %get3A_1050 = arith.index_cast %get3A_1049 : i32 to index
        %get3A_1051 = arith.index_cast %add3A_1048 : i32 to index
        %get3A_1052 = tpu.vector_load %arg10[%get3A_1050, %get3A_1051] {strides = array<i32>} : memref<4x8192xf32, #tpu.memory_space<vmem>>, vector<1x16xf32>,
        %get3A_1053 = vector.shape_cast %get3A_1052 : vector<1x16xf32> to vector<16xf32>
        %add3A_1054 = arith.constant 32 : i32
        %add3A_1055 = arith.addi %mul3A_1039, %add3A_1054 : i32
        %get3A_1056 = arith.constant 2 : i32
        %get3A_1057 = arith.index_cast %get3A_1056 : i32 to index
        %get3A_1058 = arith.index_cast %add3A_1055 : i32 to index
        %get3A_1059 = tpu.vector_load %arg10[%get3A_1057, %get3A_1058] {strides = array<i32>} : memref<4x8192xf32, #tpu.memory_space<vmem>>, vector<1x16xf32>,
        %get3A_1060 = vector.shape_cast %get3A_1059 : vector<1x16xf32> to vector<16xf32>
        %add3A_1061 = arith.constant 48 : i32
        %add3A_1062 = arith.addi %mul3A_1039, %add3A_1061 : i32
        %get3A_1063 = arith.constant 2 : i32
        %get3A_1064 = arith.index_cast %get3A_1063 : i32 to index
        %get3A_1065 = arith.index_cast %add3A_1062 : i32 to index
        %get3A_1066 = tpu.vector_load %arg10[%get3A_1064, %get3A_1065] {strides = array<i32>} : memref<4x8192xf32, #tpu.memory_space<vmem>>, vector<1x16xf32>,
        %get3A_1067 = vector.shape_cast %get3A_1066 : vector<1x16xf32> to vector<16xf32>
        %add3A_1068 = arith.constant 64 : i32
        %add3A_1069 = arith.addi %mul3A_1039, %add3A_1068 : i32
        %get3A_1070 = arith.constant 2 : i32
        %get3A_1071 = arith.index_cast %get3A_1070 : i32 to index
        %get3A_1072 = arith.index_cast %add3A_1069 : i32 to index
        %get3A_1073 = tpu.vector_load %arg10[%get3A_1071, %get3A_1072] {strides = array<i32>} : memref<4x8192xf32, #tpu.memory_space<vmem>>, vector<1x16xf32>,
        %get3A_1074 = vector.shape_cast %get3A_1073 : vector<1x16xf32> to vector<16xf32>
        %add3A_1075 = arith.constant 80 : i32
        %add3A_1076 = arith.addi %mul3A_1039, %add3A_1075 : i32
        %get3A_1077 = arith.constant 2 : i32
        %get3A_1078 = arith.index_cast %get3A_1077 : i32 to index
        %get3A_1079 = arith.index_cast %add3A_1076 : i32 to index
        %get3A_1080 = tpu.vector_load %arg10[%get3A_1078, %get3A_1079] {strides = array<i32>} : memref<4x8192xf32, #tpu.memory_space<vmem>>, vector<1x16xf32>,
        %get3A_1081 = vector.shape_cast %get3A_1080 : vector<1x16xf32> to vector<16xf32>
        %add3A_1082 = arith.constant 96 : i32
        %add3A_1083 = arith.addi %mul3A_1039, %add3A_1082 : i32
        %get3A_1084 = arith.constant 2 : i32
        %get3A_1085 = arith.index_cast %get3A_1084 : i32 to index
        %get3A_1086 = arith.index_cast %add3A_1083 : i32 to index
        %get3A_1087 = tpu.vector_load %arg10[%get3A_1085, %get3A_1086] {strides = array<i32>} : memref<4x8192xf32, #tpu.memory_space<vmem>>, vector<1x16xf32>,
        %get3A_1088 = vector.shape_cast %get3A_1087 : vector<1x16xf32> to vector<16xf32>
        %add3A_1089 = arith.constant 112 : i32
        %add3A_1090 = arith.addi %mul3A_1039, %add3A_1089 : i32
        %get3A_1091 = arith.constant 2 : i32
        %get3A_1092 = arith.index_cast %get3A_1091 : i32 to index
        %get3A_1093 = arith.index_cast %add3A_1090 : i32 to index
        %get3A_1094 = tpu.vector_load %arg10[%get3A_1092, %get3A_1093] {strides = array<i32>} : memref<4x8192xf32, #tpu.memory_space<vmem>>, vector<1x16xf32>,
        %get3A_1095 = vector.shape_cast %get3A_1094 : vector<1x16xf32> to vector<16xf32>
        %exp3A = math.exp %get3A_1046 : vector<16xf32>
        %add3A_1096 = arith.addf %scan3A_1030, %exp3A : vector<16xf32>
        %exp3A_1097 = math.exp %get3A_1053 : vector<16xf32>
        %add3A_1098 = arith.addf %scan3A_1031, %exp3A_1097 : vector<16xf32>
        %exp3A_1099 = math.exp %get3A_1060 : vector<16xf32>
        %add3A_1100 = arith.addf %scan3A_1032, %exp3A_1099 : vector<16xf32>
        %exp3A_1101 = math.exp %get3A_1067 : vector<16xf32>
        %add3A_1102 = arith.addf %scan3A_1033, %exp3A_1101 : vector<16xf32>
        %exp3A_1103 = math.exp %get3A_1074 : vector<16xf32>
        %add3A_1104 = arith.addf %scan3A_1034, %exp3A_1103 : vector<16xf32>
        %exp3A_1105 = math.exp %get3A_1081 : vector<16xf32>
        %add3A_1106 = arith.addf %scan3A_1035, %exp3A_1105 : vector<16xf32>
        %exp3A_1107 = math.exp %get3A_1088 : vector<16xf32>
        %add3A_1108 = arith.addf %scan3A_1036, %exp3A_1107 : vector<16xf32>
        %exp3A_1109 = math.exp %get3A_1095 : vector<16xf32>
        %add3A_1110 = arith.addf %scan3A_1037, %exp3A_1109 : vector<16xf32>
        scf.yield %add3A_1096, %add3A_1098, %add3A_1100, %add3A_1102, %add3A_1104, %add3A_1106, %add3A_1108, %add3A_1110 : vector<16xf32>, vector<16xf32>, vector<16xf32>, vector<16xf32>, vector<16xf32>, vector<16xf32>, vector<16xf32>, vector<16xf32>
      }
      %scan3A_493 = arith.constant 64 : i32
      %add3A_494 = arith.addf %scan3A_492#0, %scan3A_492#1 : vector<16xf32>
      %add3A_495 = arith.addf %add3A_494, %scan3A_492#2 : vector<16xf32>
      %add3A_496 = arith.addf %add3A_495, %scan3A_492#3 : vector<16xf32>
      %add3A_497 = arith.addf %add3A_496, %scan3A_492#4 : vector<16xf32>
      %add3A_498 = arith.addf %add3A_497, %scan3A_492#5 : vector<16xf32>
      %add3A_499 = arith.addf %add3A_498, %scan3A_492#6 : vector<16xf32>
      %add3A_500 = arith.addf %add3A_499, %scan3A_492#7 : vector<16xf32>
      %mul3A_501 = arith.constant 4 : i32
      %mul3A_502 = arith.muli %add3A_412, %mul3A_501 : i32
      %add3A_503 = arith.constant 2 : i32
      %add3A_504 = arith.addi %mul3A_502, %add3A_503 : i32
      %swap3A_505 = arith.index_cast %add3A_504 : i32 to index
      %swap3A_506 = arith.constant 0 : index
      %swap3A_507 = tpu.vector_load %arg13[%swap3A_505, %swap3A_506] {strides = array<i32>} : memref<128x16xf32, #tpu.memory_space<vmem>>, vector<1x16xf32>,
      %swap3A_508 = vector.shape_cast %swap3A_507 : vector<1x16xf32> to vector<16xf32>
      %swap3A_509 = vector.shape_cast %add3A_500 : vector<16xf32> to vector<1x16xf32>
      tpu.vector_store %arg13[%swap3A_505, %swap3A_506], %swap3A_509 {strides = array<i32>} : memref<128x16xf32, #tpu.memory_space<vmem>>, vector<1x16xf32>,
      %broadcast_in_dim3A_510 = arith.constant 0.000000e+00 : f32
      %broadcast_in_dim3A_511 = vector.broadcast %broadcast_in_dim3A_510 : f32 to vector<16xf32>
      %scan3A_512 = arith.constant 0 : i32
      %scan3A_513 = arith.constant 64 : i32
      %scan3A_514 = arith.addi %scan3A_512, %scan3A_513 : i32
      %scan3A_515 = arith.constant 1 : i32
      %scan3A_516:8 = scf.for %scan3A_1029 = %scan3A_512 to %scan3A_514 step %scan3A_515 iter_args(%scan3A_1030 = %broadcast_in_dim3A_511, %scan3A_1031 = %broadcast_in_dim3A_511, %scan3A_1032 = %broadcast_in_dim3A_511, %scan3A_1033 = %broadcast_in_dim3A_511, %scan3A_1034 = %broadcast_in_dim3A_511, %scan3A_1035 = %broadcast_in_dim3A_511, %scan3A_1036 = %broadcast_in_dim3A_511, %scan3A_1037 = %broadcast_in_dim3A_511) -> (vector<16xf32>, vector<16xf32>, vector<16xf32>, vector<16xf32>, vector<16xf32>, vector<16xf32>, vector<16xf32>, vector<16xf32>)  : i32 {
        %mul3A_1038 = arith.constant 128 : i32
        %mul3A_1039 = arith.muli %scan3A_1029, %mul3A_1038 : i32
        %add3A_1040 = arith.constant 0 : i32
        %add3A_1041 = arith.addi %mul3A_1039, %add3A_1040 : i32
        %get3A_1042 = arith.constant 3 : i32
        %get3A_1043 = arith.index_cast %get3A_1042 : i32 to index
        %get3A_1044 = arith.index_cast %add3A_1041 : i32 to index
        %get3A_1045 = tpu.vector_load %arg10[%get3A_1043, %get3A_1044] {strides = array<i32>} : memref<4x8192xf32, #tpu.memory_space<vmem>>, vector<1x16xf32>,
        %get3A_1046 = vector.shape_cast %get3A_1045 : vector<1x16xf32> to vector<16xf32>
        %add3A_1047 = arith.constant 16 : i32
        %add3A_1048 = arith.addi %mul3A_1039, %add3A_1047 : i32
        %get3A_1049 = arith.constant 3 : i32
        %get3A_1050 = arith.index_cast %get3A_1049 : i32 to index
        %get3A_1051 = arith.index_cast %add3A_1048 : i32 to index
        %get3A_1052 = tpu.vector_load %arg10[%get3A_1050, %get3A_1051] {strides = array<i32>} : memref<4x8192xf32, #tpu.memory_space<vmem>>, vector<1x16xf32>,
        %get3A_1053 = vector.shape_cast %get3A_1052 : vector<1x16xf32> to vector<16xf32>
        %add3A_1054 = arith.constant 32 : i32
        %add3A_1055 = arith.addi %mul3A_1039, %add3A_1054 : i32
        %get3A_1056 = arith.constant 3 : i32
        %get3A_1057 = arith.index_cast %get3A_1056 : i32 to index
        %get3A_1058 = arith.index_cast %add3A_1055 : i32 to index
        %get3A_1059 = tpu.vector_load %arg10[%get3A_1057, %get3A_1058] {strides = array<i32>} : memref<4x8192xf32, #tpu.memory_space<vmem>>, vector<1x16xf32>,
        %get3A_1060 = vector.shape_cast %get3A_1059 : vector<1x16xf32> to vector<16xf32>
        %add3A_1061 = arith.constant 48 : i32
        %add3A_1062 = arith.addi %mul3A_1039, %add3A_1061 : i32
        %get3A_1063 = arith.constant 3 : i32
        %get3A_1064 = arith.index_cast %get3A_1063 : i32 to index
        %get3A_1065 = arith.index_cast %add3A_1062 : i32 to index
        %get3A_1066 = tpu.vector_load %arg10[%get3A_1064, %get3A_1065] {strides = array<i32>} : memref<4x8192xf32, #tpu.memory_space<vmem>>, vector<1x16xf32>,
        %get3A_1067 = vector.shape_cast %get3A_1066 : vector<1x16xf32> to vector<16xf32>
        %add3A_1068 = arith.constant 64 : i32
        %add3A_1069 = arith.addi %mul3A_1039, %add3A_1068 : i32
        %get3A_1070 = arith.constant 3 : i32
        %get3A_1071 = arith.index_cast %get3A_1070 : i32 to index
        %get3A_1072 = arith.index_cast %add3A_1069 : i32 to index
        %get3A_1073 = tpu.vector_load %arg10[%get3A_1071, %get3A_1072] {strides = array<i32>} : memref<4x8192xf32, #tpu.memory_space<vmem>>, vector<1x16xf32>,
        %get3A_1074 = vector.shape_cast %get3A_1073 : vector<1x16xf32> to vector<16xf32>
        %add3A_1075 = arith.constant 80 : i32
        %add3A_1076 = arith.addi %mul3A_1039, %add3A_1075 : i32
        %get3A_1077 = arith.constant 3 : i32
        %get3A_1078 = arith.index_cast %get3A_1077 : i32 to index
        %get3A_1079 = arith.index_cast %add3A_1076 : i32 to index
        %get3A_1080 = tpu.vector_load %arg10[%get3A_1078, %get3A_1079] {strides = array<i32>} : memref<4x8192xf32, #tpu.memory_space<vmem>>, vector<1x16xf32>,
        %get3A_1081 = vector.shape_cast %get3A_1080 : vector<1x16xf32> to vector<16xf32>
        %add3A_1082 = arith.constant 96 : i32
        %add3A_1083 = arith.addi %mul3A_1039, %add3A_1082 : i32
        %get3A_1084 = arith.constant 3 : i32
        %get3A_1085 = arith.index_cast %get3A_1084 : i32 to index
        %get3A_1086 = arith.index_cast %add3A_1083 : i32 to index
        %get3A_1087 = tpu.vector_load %arg10[%get3A_1085, %get3A_1086] {strides = array<i32>} : memref<4x8192xf32, #tpu.memory_space<vmem>>, vector<1x16xf32>,
        %get3A_1088 = vector.shape_cast %get3A_1087 : vector<1x16xf32> to vector<16xf32>
        %add3A_1089 = arith.constant 112 : i32
        %add3A_1090 = arith.addi %mul3A_1039, %add3A_1089 : i32
        %get3A_1091 = arith.constant 3 : i32
        %get3A_1092 = arith.index_cast %get3A_1091 : i32 to index
        %get3A_1093 = arith.index_cast %add3A_1090 : i32 to index
        %get3A_1094 = tpu.vector_load %arg10[%get3A_1092, %get3A_1093] {strides = array<i32>} : memref<4x8192xf32, #tpu.memory_space<vmem>>, vector<1x16xf32>,
        %get3A_1095 = vector.shape_cast %get3A_1094 : vector<1x16xf32> to vector<16xf32>
        %exp3A = math.exp %get3A_1046 : vector<16xf32>
        %add3A_1096 = arith.addf %scan3A_1030, %exp3A : vector<16xf32>
        %exp3A_1097 = math.exp %get3A_1053 : vector<16xf32>
        %add3A_1098 = arith.addf %scan3A_1031, %exp3A_1097 : vector<16xf32>
        %exp3A_1099 = math.exp %get3A_1060 : vector<16xf32>
        %add3A_1100 = arith.addf %scan3A_1032, %exp3A_1099 : vector<16xf32>
        %exp3A_1101 = math.exp %get3A_1067 : vector<16xf32>
        %add3A_1102 = arith.addf %scan3A_1033, %exp3A_1101 : vector<16xf32>
        %exp3A_1103 = math.exp %get3A_1074 : vector<16xf32>
        %add3A_1104 = arith.addf %scan3A_1034, %exp3A_1103 : vector<16xf32>
        %exp3A_1105 = math.exp %get3A_1081 : vector<16xf32>
        %add3A_1106 = arith.addf %scan3A_1035, %exp3A_1105 : vector<16xf32>
        %exp3A_1107 = math.exp %get3A_1088 : vector<16xf32>
        %add3A_1108 = arith.addf %scan3A_1036, %exp3A_1107 : vector<16xf32>
        %exp3A_1109 = math.exp %get3A_1095 : vector<16xf32>
        %add3A_1110 = arith.addf %scan3A_1037, %exp3A_1109 : vector<16xf32>
        scf.yield %add3A_1096, %add3A_1098, %add3A_1100, %add3A_1102, %add3A_1104, %add3A_1106, %add3A_1108, %add3A_1110 : vector<16xf32>, vector<16xf32>, vector<16xf32>, vector<16xf32>, vector<16xf32>, vector<16xf32>, vector<16xf32>, vector<16xf32>
      }
      %scan3A_517 = arith.constant 64 : i32
      %add3A_518 = arith.addf %scan3A_516#0, %scan3A_516#1 : vector<16xf32>
      %add3A_519 = arith.addf %add3A_518, %scan3A_516#2 : vector<16xf32>
      %add3A_520 = arith.addf %add3A_519, %scan3A_516#3 : vector<16xf32>
      %add3A_521 = arith.addf %add3A_520, %scan3A_516#4 : vector<16xf32>
      %add3A_522 = arith.addf %add3A_521, %scan3A_516#5 : vector<16xf32>
      %add3A_523 = arith.addf %add3A_522, %scan3A_516#6 : vector<16xf32>
      %add3A_524 = arith.addf %add3A_523, %scan3A_516#7 : vector<16xf32>
      %mul3A_525 = arith.constant 4 : i32
      %mul3A_526 = arith.muli %add3A_412, %mul3A_525 : i32
      %add3A_527 = arith.constant 3 : i32
      %add3A_528 = arith.addi %mul3A_526, %add3A_527 : i32
      %swap3A_529 = arith.index_cast %add3A_528 : i32 to index
      %swap3A_530 = arith.constant 0 : index
      %swap3A_531 = tpu.vector_load %arg13[%swap3A_529, %swap3A_530] {strides = array<i32>} : memref<128x16xf32, #tpu.memory_space<vmem>>, vector<1x16xf32>,
      %swap3A_532 = vector.shape_cast %swap3A_531 : vector<1x16xf32> to vector<16xf32>
      %swap3A_533 = vector.shape_cast %add3A_524 : vector<16xf32> to vector<1x16xf32>
      tpu.vector_store %arg13[%swap3A_529, %swap3A_530], %swap3A_533 {strides = array<i32>} : memref<128x16xf32, #tpu.memory_space<vmem>>, vector<1x16xf32>,
      %mul3A_534 = arith.constant 16 : i32
      %mul3A_535 = arith.muli %add3A_412, %mul3A_534 : i32
      %multiple_of3A_536 = tpu.assume_multiple %mul3A_535, 16 : i32
      %get3A_537 = arith.index_cast %multiple_of3A_536 : i32 to index
      %get3A_538 = tpu.vector_load %arg9[%get3A_537] {strides = array<i32>} : memref<512xi32, #tpu.memory_space<vmem>>, vector<16xi32>,
      %get3A_539 = vector.shape_cast %get3A_538 : vector<16xi32> to vector<16xi32>
      %slice3A_540 = vector.extract_strided_slice %get3A_539 {offsets = [0], sizes = [1], strides = [1]} : vector<16xi32> to vector<1xi32>
      %squeeze3A_541 = vector.extract %slice3A_540[0] : i32 from vector<1xi32>
      %and3A_542 = arith.constant -16 : i32
      %and3A_543 = arith.andi %squeeze3A_541, %and3A_542 : i32
      %multiple_of3A_544 = tpu.assume_multiple %and3A_543, 16 : i32
      %get3A_545 = arith.constant 0 : i32
      %get3A_546 = arith.index_cast %get3A_545 : i32 to index
      %get3A_547 = arith.index_cast %multiple_of3A_544 : i32 to index
      %get3A_548 = tpu.vector_load %arg10[%get3A_546, %get3A_547] {strides = array<i32>} : memref<4x8192xf32, #tpu.memory_space<vmem>>, vector<1x16xf32>,
      %get3A_549 = vector.shape_cast %get3A_548 : vector<1x16xf32> to vector<16xf32>
      %and3A_550 = arith.constant 15 : i32
      %and3A_551 = arith.andi %squeeze3A_541, %and3A_550 : i32
      %eq3A_552 = vector.broadcast %and3A_551 : i32 to vector<16xi32>
      %eq3A_553 = arith.cmpi eq, %iota3A, %eq3A_552 : vector<16xi32>
      %broadcast_in_dim3A_554 = arith.constant 0.000000e+00 : f32
      %broadcast_in_dim3A_555 = vector.broadcast %broadcast_in_dim3A_554 : f32 to vector<16xf32>
      %select_n3A_556 = arith.select %eq3A_553, %get3A_549, %broadcast_in_dim3A_555 : vector<16xi1>, vector<16xf32>
      %add3A_557 = arith.addf %scan3A_408, %select_n3A_556 : vector<16xf32>
      %slice3A_558 = vector.extract_strided_slice %get3A_539 {offsets = [1], sizes = [1], strides = [1]} : vector<16xi32> to vector<1xi32>
      %squeeze3A_559 = vector.extract %slice3A_558[0] : i32 from vector<1xi32>
      %and3A_560 = arith.constant -16 : i32
      %and3A_561 = arith.andi %squeeze3A_559, %and3A_560 : i32
      %multiple_of3A_562 = tpu.assume_multiple %and3A_561, 16 : i32
      %get3A_563 = arith.constant 1 : i32
      %get3A_564 = arith.index_cast %get3A_563 : i32 to index
      %get3A_565 = arith.index_cast %multiple_of3A_562 : i32 to index
      %get3A_566 = tpu.vector_load %arg10[%get3A_564, %get3A_565] {strides = array<i32>} : memref<4x8192xf32, #tpu.memory_space<vmem>>, vector<1x16xf32>,
      %get3A_567 = vector.shape_cast %get3A_566 : vector<1x16xf32> to vector<16xf32>
      %and3A_568 = arith.constant 15 : i32
      %and3A_569 = arith.andi %squeeze3A_559, %and3A_568 : i32
      %eq3A_570 = vector.broadcast %and3A_569 : i32 to vector<16xi32>
      %eq3A_571 = arith.cmpi eq, %iota3A, %eq3A_570 : vector<16xi32>
      %broadcast_in_dim3A_572 = arith.constant 0.000000e+00 : f32
      %broadcast_in_dim3A_573 = vector.broadcast %broadcast_in_dim3A_572 : f32 to vector<16xf32>
      %select_n3A_574 = arith.select %eq3A_571, %get3A_567, %broadcast_in_dim3A_573 : vector<16xi1>, vector<16xf32>
      %add3A_575 = arith.addf %add3A_557, %select_n3A_574 : vector<16xf32>
      %slice3A_576 = vector.extract_strided_slice %get3A_539 {offsets = [2], sizes = [1], strides = [1]} : vector<16xi32> to vector<1xi32>
      %squeeze3A_577 = vector.extract %slice3A_576[0] : i32 from vector<1xi32>
      %and3A_578 = arith.constant -16 : i32
      %and3A_579 = arith.andi %squeeze3A_577, %and3A_578 : i32
      %multiple_of3A_580 = tpu.assume_multiple %and3A_579, 16 : i32
      %get3A_581 = arith.constant 2 : i32
      %get3A_582 = arith.index_cast %get3A_581 : i32 to index
      %get3A_583 = arith.index_cast %multiple_of3A_580 : i32 to index
      %get3A_584 = tpu.vector_load %arg10[%get3A_582, %get3A_583] {strides = array<i32>} : memref<4x8192xf32, #tpu.memory_space<vmem>>, vector<1x16xf32>,
      %get3A_585 = vector.shape_cast %get3A_584 : vector<1x16xf32> to vector<16xf32>
      %and3A_586 = arith.constant 15 : i32
      %and3A_587 = arith.andi %squeeze3A_577, %and3A_586 : i32
      %eq3A_588 = vector.broadcast %and3A_587 : i32 to vector<16xi32>
      %eq3A_589 = arith.cmpi eq, %iota3A, %eq3A_588 : vector<16xi32>
      %broadcast_in_dim3A_590 = arith.constant 0.000000e+00 : f32
      %broadcast_in_dim3A_591 = vector.broadcast %broadcast_in_dim3A_590 : f32 to vector<16xf32>
      %select_n3A_592 = arith.select %eq3A_589, %get3A_585, %broadcast_in_dim3A_591 : vector<16xi1>, vector<16xf32>
      %add3A_593 = arith.addf %add3A_575, %select_n3A_592 : vector<16xf32>
      %slice3A_594 = vector.extract_strided_slice %get3A_539 {offsets = [3], sizes = [1], strides = [1]} : vector<16xi32> to vector<1xi32>
      %squeeze3A_595 = vector.extract %slice3A_594[0] : i32 from vector<1xi32>
      %and3A_596 = arith.constant -16 : i32
      %and3A_597 = arith.andi %squeeze3A_595, %and3A_596 : i32
      %multiple_of3A_598 = tpu.assume_multiple %and3A_597, 16 : i32
      %get3A_599 = arith.constant 3 : i32
      %get3A_600 = arith.index_cast %get3A_599 : i32 to index
      %get3A_601 = arith.index_cast %multiple_of3A_598 : i32 to index
      %get3A_602 = tpu.vector_load %arg10[%get3A_600, %get3A_601] {strides = array<i32>} : memref<4x8192xf32, #tpu.memory_space<vmem>>, vector<1x16xf32>,
      %get3A_603 = vector.shape_cast %get3A_602 : vector<1x16xf32> to vector<16xf32>
      %and3A_604 = arith.constant 15 : i32
      %and3A_605 = arith.andi %squeeze3A_595, %and3A_604 : i32
      %eq3A_606 = vector.broadcast %and3A_605 : i32 to vector<16xi32>
      %eq3A_607 = arith.cmpi eq, %iota3A, %eq3A_606 : vector<16xi32>
      %broadcast_in_dim3A_608 = arith.constant 0.000000e+00 : f32
      %broadcast_in_dim3A_609 = vector.broadcast %broadcast_in_dim3A_608 : f32 to vector<16xf32>
      %select_n3A_610 = arith.select %eq3A_607, %get3A_603, %broadcast_in_dim3A_609 : vector<16xi1>, vector<16xf32>
      %add3A_611 = arith.addf %add3A_593, %select_n3A_610 : vector<16xf32>
      %mul3A_612 = arith.constant 3 : i32
      %mul3A_613 = arith.muli %scan3A_407, %mul3A_612 : i32
      %add3A_614 = arith.constant 1 : i32
      %add3A_615 = arith.addi %mul3A_613, %add3A_614 : i32
      %ge3A_616 = arith.constant 1 : i32
      %ge3A_617 = arith.cmpi sge, %scan3A_407, %ge3A_616 : i32
      %convert_element_type3A_618 = arith.extui %ge3A_617 : i1 to i32
      %cond3A_619 = arith.constant 0 : i32
      %cond3A_620 = arith.cmpi ne, %convert_element_type3A_618, %cond3A_619 : i32
      scf.if %cond3A_620 {
        %sub3A_1029 = arith.constant 2 : i32
        %sub3A_1030 = arith.subi %add3A_615, %sub3A_1029 : i32
        %mul3A_1031 = arith.constant 128 : i32
        %mul3A_1032 = arith.muli %add3A, %mul3A_1031 : i32
        %mul3A_1033 = arith.constant 4 : i32
        %mul3A_1034 = arith.muli %sub3A_1030, %mul3A_1033 : i32
        %add3A_1035 = arith.addi %mul3A_1032, %mul3A_1034 : i32
        %dma_wait3A_1036 = arith.constant 0 : i32
        %dma_wait3A_1037 = tpu.memref_slice %arg5[%add3A_1035, %dma_wait3A_1036] : memref<4096x8192xf32, #tpu.memory_space<hbm>> -> memref<4x8192xf32, #tpu.memory_space<hbm>>
        %dma_wait3A_1038 = arith.constant 0 : i32
        %dma_wait3A_1039 = tpu.memref_slice %arg5[%add3A_1035, %dma_wait3A_1038] : memref<4096x8192xf32, #tpu.memory_space<hbm>> -> memref<4x8192xf32, #tpu.memory_space<hbm>>
        tpu.wait_dma2 semaphore(%arg20 : memref<!tpu.dma_semaphore, #tpu.memory_space<semaphore_mem>>) src(%arg12 : memref<4x8192xf32, #tpu.memory_space<vmem>>) dst(%dma_wait3A_1039 : memref<4x8192xf32, #tpu.memory_space<hbm>>)
      } else {
      }
      %add3A_621 = arith.constant 1 : i32
      %add3A_622 = arith.addi %add3A_615, %add3A_621 : i32
      %dma_start3A_623 = arith.constant 0 : i32
      %dma_start3A_624 = tpu.memref_slice %arg8[%add3A_622, %dma_start3A_623] : memref<32x4xi32, #tpu.memory_space<vmem>> -> memref<1x4xi32, #tpu.memory_space<vmem>>
      %dma_start3A_625 = tpu.memref_squeeze %dma_start3A_624 : memref<1x4xi32, #tpu.memory_space<vmem>> -> memref<4xi32, #tpu.memory_space<vmem>>
      %dma_start3A_626 = arith.constant 0 : i32
      %dma_start3A_627 = arith.constant 0 : i32
      %dma_start3A_628 = tpu.memref_slice %arg4[%dma_start3A_626, %dma_start3A_627] : memref<8192x8192xf32, #tpu.memory_space<hbm>> -> memref<8192x8192xf32, #tpu.memory_space<hbm>>
      tpu.enqueue_indirect_dma source(%dma_start3A_628 : memref<8192x8192xf32, #tpu.memory_space<hbm>>) target(%arg12 : memref<4x8192xf32, #tpu.memory_space<vmem>>) offsets(%dma_start3A_625 : memref<4xi32, #tpu.memory_space<vmem>>) semaphore(%arg17 : memref<!tpu.dma_semaphore, #tpu.memory_space<semaphore_mem>>)
      %dma_wait3A_629 = arith.constant 0 : i32
      %dma_wait3A_630 = tpu.memref_slice %arg8[%add3A_615, %dma_wait3A_629] : memref<32x4xi32, #tpu.memory_space<vmem>> -> memref<1x4xi32, #tpu.memory_space<vmem>>
      %dma_wait3A_631 = tpu.memref_squeeze %dma_wait3A_630 : memref<1x4xi32, #tpu.memory_space<vmem>> -> memref<4xi32, #tpu.memory_space<vmem>>
      %dma_wait3A_632 = arith.constant 0 : i32
      %dma_wait3A_633 = arith.constant 0 : i32
      %dma_wait3A_634 = tpu.memref_slice %arg4[%dma_wait3A_632, %dma_wait3A_633] : memref<8192x8192xf32, #tpu.memory_space<hbm>> -> memref<8192x8192xf32, #tpu.memory_space<hbm>>
      tpu.wait_indirect_dma semaphore(%arg16 : memref<!tpu.dma_semaphore, #tpu.memory_space<semaphore_mem>>) src(%dma_wait3A_634 : memref<8192x8192xf32, #tpu.memory_space<hbm>>) dst(%arg11 : memref<4x8192xf32, #tpu.memory_space<vmem>>)
      %mul3A_635 = arith.constant 128 : i32
      %mul3A_636 = arith.muli %add3A, %mul3A_635 : i32
      %mul3A_637 = arith.constant 4 : i32
      %mul3A_638 = arith.muli %add3A_615, %mul3A_637 : i32
      %add3A_639 = arith.addi %mul3A_636, %mul3A_638 : i32
      %dma_start3A_640 = arith.constant 0 : i32
      %dma_start3A_641 = tpu.memref_slice %arg5[%add3A_639, %dma_start3A_640] : memref<4096x8192xf32, #tpu.memory_space<hbm>> -> memref<4x8192xf32, #tpu.memory_space<hbm>>
      %dma_start3A_642 = arith.constant 0 : i32
      %dma_start3A_643 = tpu.memref_slice %arg5[%add3A_639, %dma_start3A_642] : memref<4096x8192xf32, #tpu.memory_space<hbm>> -> memref<4x8192xf32, #tpu.memory_space<hbm>>
      tpu.enqueue_dma source(%arg11 : memref<4x8192xf32, #tpu.memory_space<vmem>>) target(%dma_start3A_643 : memref<4x8192xf32, #tpu.memory_space<hbm>>) target_semaphore(%arg19 : memref<!tpu.dma_semaphore, #tpu.memory_space<semaphore_mem>>)
      %broadcast_in_dim3A_644 = arith.constant 0.000000e+00 : f32
      %broadcast_in_dim3A_645 = vector.broadcast %broadcast_in_dim3A_644 : f32 to vector<16xf32>
      %scan3A_646 = arith.constant 0 : i32
      %scan3A_647 = arith.constant 64 : i32
      %scan3A_648 = arith.addi %scan3A_646, %scan3A_647 : i32
      %scan3A_649 = arith.constant 1 : i32
      %scan3A_650:8 = scf.for %scan3A_1029 = %scan3A_646 to %scan3A_648 step %scan3A_649 iter_args(%scan3A_1030 = %broadcast_in_dim3A_645, %scan3A_1031 = %broadcast_in_dim3A_645, %scan3A_1032 = %broadcast_in_dim3A_645, %scan3A_1033 = %broadcast_in_dim3A_645, %scan3A_1034 = %broadcast_in_dim3A_645, %scan3A_1035 = %broadcast_in_dim3A_645, %scan3A_1036 = %broadcast_in_dim3A_645, %scan3A_1037 = %broadcast_in_dim3A_645) -> (vector<16xf32>, vector<16xf32>, vector<16xf32>, vector<16xf32>, vector<16xf32>, vector<16xf32>, vector<16xf32>, vector<16xf32>)  : i32 {
        %mul3A_1038 = arith.constant 128 : i32
        %mul3A_1039 = arith.muli %scan3A_1029, %mul3A_1038 : i32
        %add3A_1040 = arith.constant 0 : i32
        %add3A_1041 = arith.addi %mul3A_1039, %add3A_1040 : i32
        %get3A_1042 = arith.constant 0 : i32
        %get3A_1043 = arith.index_cast %get3A_1042 : i32 to index
        %get3A_1044 = arith.index_cast %add3A_1041 : i32 to index
        %get3A_1045 = tpu.vector_load %arg11[%get3A_1043, %get3A_1044] {strides = array<i32>} : memref<4x8192xf32, #tpu.memory_space<vmem>>, vector<1x16xf32>,
        %get3A_1046 = vector.shape_cast %get3A_1045 : vector<1x16xf32> to vector<16xf32>
        %add3A_1047 = arith.constant 16 : i32
        %add3A_1048 = arith.addi %mul3A_1039, %add3A_1047 : i32
        %get3A_1049 = arith.constant 0 : i32
        %get3A_1050 = arith.index_cast %get3A_1049 : i32 to index
        %get3A_1051 = arith.index_cast %add3A_1048 : i32 to index
        %get3A_1052 = tpu.vector_load %arg11[%get3A_1050, %get3A_1051] {strides = array<i32>} : memref<4x8192xf32, #tpu.memory_space<vmem>>, vector<1x16xf32>,
        %get3A_1053 = vector.shape_cast %get3A_1052 : vector<1x16xf32> to vector<16xf32>
        %add3A_1054 = arith.constant 32 : i32
        %add3A_1055 = arith.addi %mul3A_1039, %add3A_1054 : i32
        %get3A_1056 = arith.constant 0 : i32
        %get3A_1057 = arith.index_cast %get3A_1056 : i32 to index
        %get3A_1058 = arith.index_cast %add3A_1055 : i32 to index
        %get3A_1059 = tpu.vector_load %arg11[%get3A_1057, %get3A_1058] {strides = array<i32>} : memref<4x8192xf32, #tpu.memory_space<vmem>>, vector<1x16xf32>,
        %get3A_1060 = vector.shape_cast %get3A_1059 : vector<1x16xf32> to vector<16xf32>
        %add3A_1061 = arith.constant 48 : i32
        %add3A_1062 = arith.addi %mul3A_1039, %add3A_1061 : i32
        %get3A_1063 = arith.constant 0 : i32
        %get3A_1064 = arith.index_cast %get3A_1063 : i32 to index
        %get3A_1065 = arith.index_cast %add3A_1062 : i32 to index
        %get3A_1066 = tpu.vector_load %arg11[%get3A_1064, %get3A_1065] {strides = array<i32>} : memref<4x8192xf32, #tpu.memory_space<vmem>>, vector<1x16xf32>,
        %get3A_1067 = vector.shape_cast %get3A_1066 : vector<1x16xf32> to vector<16xf32>
        %add3A_1068 = arith.constant 64 : i32
        %add3A_1069 = arith.addi %mul3A_1039, %add3A_1068 : i32
        %get3A_1070 = arith.constant 0 : i32
        %get3A_1071 = arith.index_cast %get3A_1070 : i32 to index
        %get3A_1072 = arith.index_cast %add3A_1069 : i32 to index
        %get3A_1073 = tpu.vector_load %arg11[%get3A_1071, %get3A_1072] {strides = array<i32>} : memref<4x8192xf32, #tpu.memory_space<vmem>>, vector<1x16xf32>,
        %get3A_1074 = vector.shape_cast %get3A_1073 : vector<1x16xf32> to vector<16xf32>
        %add3A_1075 = arith.constant 80 : i32
        %add3A_1076 = arith.addi %mul3A_1039, %add3A_1075 : i32
        %get3A_1077 = arith.constant 0 : i32
        %get3A_1078 = arith.index_cast %get3A_1077 : i32 to index
        %get3A_1079 = arith.index_cast %add3A_1076 : i32 to index
        %get3A_1080 = tpu.vector_load %arg11[%get3A_1078, %get3A_1079] {strides = array<i32>} : memref<4x8192xf32, #tpu.memory_space<vmem>>, vector<1x16xf32>,
        %get3A_1081 = vector.shape_cast %get3A_1080 : vector<1x16xf32> to vector<16xf32>
        %add3A_1082 = arith.constant 96 : i32
        %add3A_1083 = arith.addi %mul3A_1039, %add3A_1082 : i32
        %get3A_1084 = arith.constant 0 : i32
        %get3A_1085 = arith.index_cast %get3A_1084 : i32 to index
        %get3A_1086 = arith.index_cast %add3A_1083 : i32 to index
        %get3A_1087 = tpu.vector_load %arg11[%get3A_1085, %get3A_1086] {strides = array<i32>} : memref<4x8192xf32, #tpu.memory_space<vmem>>, vector<1x16xf32>,
        %get3A_1088 = vector.shape_cast %get3A_1087 : vector<1x16xf32> to vector<16xf32>
        %add3A_1089 = arith.constant 112 : i32
        %add3A_1090 = arith.addi %mul3A_1039, %add3A_1089 : i32
        %get3A_1091 = arith.constant 0 : i32
        %get3A_1092 = arith.index_cast %get3A_1091 : i32 to index
        %get3A_1093 = arith.index_cast %add3A_1090 : i32 to index
        %get3A_1094 = tpu.vector_load %arg11[%get3A_1092, %get3A_1093] {strides = array<i32>} : memref<4x8192xf32, #tpu.memory_space<vmem>>, vector<1x16xf32>,
        %get3A_1095 = vector.shape_cast %get3A_1094 : vector<1x16xf32> to vector<16xf32>
        %exp3A = math.exp %get3A_1046 : vector<16xf32>
        %add3A_1096 = arith.addf %scan3A_1030, %exp3A : vector<16xf32>
        %exp3A_1097 = math.exp %get3A_1053 : vector<16xf32>
        %add3A_1098 = arith.addf %scan3A_1031, %exp3A_1097 : vector<16xf32>
        %exp3A_1099 = math.exp %get3A_1060 : vector<16xf32>
        %add3A_1100 = arith.addf %scan3A_1032, %exp3A_1099 : vector<16xf32>
        %exp3A_1101 = math.exp %get3A_1067 : vector<16xf32>
        %add3A_1102 = arith.addf %scan3A_1033, %exp3A_1101 : vector<16xf32>
        %exp3A_1103 = math.exp %get3A_1074 : vector<16xf32>
        %add3A_1104 = arith.addf %scan3A_1034, %exp3A_1103 : vector<16xf32>
        %exp3A_1105 = math.exp %get3A_1081 : vector<16xf32>
        %add3A_1106 = arith.addf %scan3A_1035, %exp3A_1105 : vector<16xf32>
        %exp3A_1107 = math.exp %get3A_1088 : vector<16xf32>
        %add3A_1108 = arith.addf %scan3A_1036, %exp3A_1107 : vector<16xf32>
        %exp3A_1109 = math.exp %get3A_1095 : vector<16xf32>
        %add3A_1110 = arith.addf %scan3A_1037, %exp3A_1109 : vector<16xf32>
        scf.yield %add3A_1096, %add3A_1098, %add3A_1100, %add3A_1102, %add3A_1104, %add3A_1106, %add3A_1108, %add3A_1110 : vector<16xf32>, vector<16xf32>, vector<16xf32>, vector<16xf32>, vector<16xf32>, vector<16xf32>, vector<16xf32>, vector<16xf32>
      }
      %scan3A_651 = arith.constant 64 : i32
      %add3A_652 = arith.addf %scan3A_650#0, %scan3A_650#1 : vector<16xf32>
      %add3A_653 = arith.addf %add3A_652, %scan3A_650#2 : vector<16xf32>
      %add3A_654 = arith.addf %add3A_653, %scan3A_650#3 : vector<16xf32>
      %add3A_655 = arith.addf %add3A_654, %scan3A_650#4 : vector<16xf32>
      %add3A_656 = arith.addf %add3A_655, %scan3A_650#5 : vector<16xf32>
      %add3A_657 = arith.addf %add3A_656, %scan3A_650#6 : vector<16xf32>
      %add3A_658 = arith.addf %add3A_657, %scan3A_650#7 : vector<16xf32>
      %mul3A_659 = arith.constant 4 : i32
      %mul3A_660 = arith.muli %add3A_615, %mul3A_659 : i32
      %add3A_661 = arith.constant 0 : i32
      %add3A_662 = arith.addi %mul3A_660, %add3A_661 : i32
      %swap3A_663 = arith.index_cast %add3A_662 : i32 to index
      %swap3A_664 = arith.constant 0 : index
      %swap3A_665 = tpu.vector_load %arg13[%swap3A_663, %swap3A_664] {strides = array<i32>} : memref<128x16xf32, #tpu.memory_space<vmem>>, vector<1x16xf32>,
      %swap3A_666 = vector.shape_cast %swap3A_665 : vector<1x16xf32> to vector<16xf32>
      %swap3A_667 = vector.shape_cast %add3A_658 : vector<16xf32> to vector<1x16xf32>
      tpu.vector_store %arg13[%swap3A_663, %swap3A_664], %swap3A_667 {strides = array<i32>} : memref<128x16xf32, #tpu.memory_space<vmem>>, vector<1x16xf32>,
      %broadcast_in_dim3A_668 = arith.constant 0.000000e+00 : f32
      %broadcast_in_dim3A_669 = vector.broadcast %broadcast_in_dim3A_668 : f32 to vector<16xf32>
      %scan3A_670 = arith.constant 0 : i32
      %scan3A_671 = arith.constant 64 : i32
      %scan3A_672 = arith.addi %scan3A_670, %scan3A_671 : i32
      %scan3A_673 = arith.constant 1 : i32
      %scan3A_674:8 = scf.for %scan3A_1029 = %scan3A_670 to %scan3A_672 step %scan3A_673 iter_args(%scan3A_1030 = %broadcast_in_dim3A_669, %scan3A_1031 = %broadcast_in_dim3A_669, %scan3A_1032 = %broadcast_in_dim3A_669, %scan3A_1033 = %broadcast_in_dim3A_669, %scan3A_1034 = %broadcast_in_dim3A_669, %scan3A_1035 = %broadcast_in_dim3A_669, %scan3A_1036 = %broadcast_in_dim3A_669, %scan3A_1037 = %broadcast_in_dim3A_669) -> (vector<16xf32>, vector<16xf32>, vector<16xf32>, vector<16xf32>, vector<16xf32>, vector<16xf32>, vector<16xf32>, vector<16xf32>)  : i32 {
        %mul3A_1038 = arith.constant 128 : i32
        %mul3A_1039 = arith.muli %scan3A_1029, %mul3A_1038 : i32
        %add3A_1040 = arith.constant 0 : i32
        %add3A_1041 = arith.addi %mul3A_1039, %add3A_1040 : i32
        %get3A_1042 = arith.constant 1 : i32
        %get3A_1043 = arith.index_cast %get3A_1042 : i32 to index
        %get3A_1044 = arith.index_cast %add3A_1041 : i32 to index
        %get3A_1045 = tpu.vector_load %arg11[%get3A_1043, %get3A_1044] {strides = array<i32>} : memref<4x8192xf32, #tpu.memory_space<vmem>>, vector<1x16xf32>,
        %get3A_1046 = vector.shape_cast %get3A_1045 : vector<1x16xf32> to vector<16xf32>
        %add3A_1047 = arith.constant 16 : i32
        %add3A_1048 = arith.addi %mul3A_1039, %add3A_1047 : i32
        %get3A_1049 = arith.constant 1 : i32
        %get3A_1050 = arith.index_cast %get3A_1049 : i32 to index
        %get3A_1051 = arith.index_cast %add3A_1048 : i32 to index
        %get3A_1052 = tpu.vector_load %arg11[%get3A_1050, %get3A_1051] {strides = array<i32>} : memref<4x8192xf32, #tpu.memory_space<vmem>>, vector<1x16xf32>,
        %get3A_1053 = vector.shape_cast %get3A_1052 : vector<1x16xf32> to vector<16xf32>
        %add3A_1054 = arith.constant 32 : i32
        %add3A_1055 = arith.addi %mul3A_1039, %add3A_1054 : i32
        %get3A_1056 = arith.constant 1 : i32
        %get3A_1057 = arith.index_cast %get3A_1056 : i32 to index
        %get3A_1058 = arith.index_cast %add3A_1055 : i32 to index
        %get3A_1059 = tpu.vector_load %arg11[%get3A_1057, %get3A_1058] {strides = array<i32>} : memref<4x8192xf32, #tpu.memory_space<vmem>>, vector<1x16xf32>,
        %get3A_1060 = vector.shape_cast %get3A_1059 : vector<1x16xf32> to vector<16xf32>
        %add3A_1061 = arith.constant 48 : i32
        %add3A_1062 = arith.addi %mul3A_1039, %add3A_1061 : i32
        %get3A_1063 = arith.constant 1 : i32
        %get3A_1064 = arith.index_cast %get3A_1063 : i32 to index
        %get3A_1065 = arith.index_cast %add3A_1062 : i32 to index
        %get3A_1066 = tpu.vector_load %arg11[%get3A_1064, %get3A_1065] {strides = array<i32>} : memref<4x8192xf32, #tpu.memory_space<vmem>>, vector<1x16xf32>,
        %get3A_1067 = vector.shape_cast %get3A_1066 : vector<1x16xf32> to vector<16xf32>
        %add3A_1068 = arith.constant 64 : i32
        %add3A_1069 = arith.addi %mul3A_1039, %add3A_1068 : i32
        %get3A_1070 = arith.constant 1 : i32
        %get3A_1071 = arith.index_cast %get3A_1070 : i32 to index
        %get3A_1072 = arith.index_cast %add3A_1069 : i32 to index
        %get3A_1073 = tpu.vector_load %arg11[%get3A_1071, %get3A_1072] {strides = array<i32>} : memref<4x8192xf32, #tpu.memory_space<vmem>>, vector<1x16xf32>,
        %get3A_1074 = vector.shape_cast %get3A_1073 : vector<1x16xf32> to vector<16xf32>
        %add3A_1075 = arith.constant 80 : i32
        %add3A_1076 = arith.addi %mul3A_1039, %add3A_1075 : i32
        %get3A_1077 = arith.constant 1 : i32
        %get3A_1078 = arith.index_cast %get3A_1077 : i32 to index
        %get3A_1079 = arith.index_cast %add3A_1076 : i32 to index
        %get3A_1080 = tpu.vector_load %arg11[%get3A_1078, %get3A_1079] {strides = array<i32>} : memref<4x8192xf32, #tpu.memory_space<vmem>>, vector<1x16xf32>,
        %get3A_1081 = vector.shape_cast %get3A_1080 : vector<1x16xf32> to vector<16xf32>
        %add3A_1082 = arith.constant 96 : i32
        %add3A_1083 = arith.addi %mul3A_1039, %add3A_1082 : i32
        %get3A_1084 = arith.constant 1 : i32
        %get3A_1085 = arith.index_cast %get3A_1084 : i32 to index
        %get3A_1086 = arith.index_cast %add3A_1083 : i32 to index
        %get3A_1087 = tpu.vector_load %arg11[%get3A_1085, %get3A_1086] {strides = array<i32>} : memref<4x8192xf32, #tpu.memory_space<vmem>>, vector<1x16xf32>,
        %get3A_1088 = vector.shape_cast %get3A_1087 : vector<1x16xf32> to vector<16xf32>
        %add3A_1089 = arith.constant 112 : i32
        %add3A_1090 = arith.addi %mul3A_1039, %add3A_1089 : i32
        %get3A_1091 = arith.constant 1 : i32
        %get3A_1092 = arith.index_cast %get3A_1091 : i32 to index
        %get3A_1093 = arith.index_cast %add3A_1090 : i32 to index
        %get3A_1094 = tpu.vector_load %arg11[%get3A_1092, %get3A_1093] {strides = array<i32>} : memref<4x8192xf32, #tpu.memory_space<vmem>>, vector<1x16xf32>,
        %get3A_1095 = vector.shape_cast %get3A_1094 : vector<1x16xf32> to vector<16xf32>
        %exp3A = math.exp %get3A_1046 : vector<16xf32>
        %add3A_1096 = arith.addf %scan3A_1030, %exp3A : vector<16xf32>
        %exp3A_1097 = math.exp %get3A_1053 : vector<16xf32>
        %add3A_1098 = arith.addf %scan3A_1031, %exp3A_1097 : vector<16xf32>
        %exp3A_1099 = math.exp %get3A_1060 : vector<16xf32>
        %add3A_1100 = arith.addf %scan3A_1032, %exp3A_1099 : vector<16xf32>
        %exp3A_1101 = math.exp %get3A_1067 : vector<16xf32>
        %add3A_1102 = arith.addf %scan3A_1033, %exp3A_1101 : vector<16xf32>
        %exp3A_1103 = math.exp %get3A_1074 : vector<16xf32>
        %add3A_1104 = arith.addf %scan3A_1034, %exp3A_1103 : vector<16xf32>
        %exp3A_1105 = math.exp %get3A_1081 : vector<16xf32>
        %add3A_1106 = arith.addf %scan3A_1035, %exp3A_1105 : vector<16xf32>
        %exp3A_1107 = math.exp %get3A_1088 : vector<16xf32>
        %add3A_1108 = arith.addf %scan3A_1036, %exp3A_1107 : vector<16xf32>
        %exp3A_1109 = math.exp %get3A_1095 : vector<16xf32>
        %add3A_1110 = arith.addf %scan3A_1037, %exp3A_1109 : vector<16xf32>
        scf.yield %add3A_1096, %add3A_1098, %add3A_1100, %add3A_1102, %add3A_1104, %add3A_1106, %add3A_1108, %add3A_1110 : vector<16xf32>, vector<16xf32>, vector<16xf32>, vector<16xf32>, vector<16xf32>, vector<16xf32>, vector<16xf32>, vector<16xf32>
      }
      %scan3A_675 = arith.constant 64 : i32
      %add3A_676 = arith.addf %scan3A_674#0, %scan3A_674#1 : vector<16xf32>
      %add3A_677 = arith.addf %add3A_676, %scan3A_674#2 : vector<16xf32>
      %add3A_678 = arith.addf %add3A_677, %scan3A_674#3 : vector<16xf32>
      %add3A_679 = arith.addf %add3A_678, %scan3A_674#4 : vector<16xf32>
      %add3A_680 = arith.addf %add3A_679, %scan3A_674#5 : vector<16xf32>
      %add3A_681 = arith.addf %add3A_680, %scan3A_674#6 : vector<16xf32>
      %add3A_682 = arith.addf %add3A_681, %scan3A_674#7 : vector<16xf32>
      %mul3A_683 = arith.constant 4 : i32
      %mul3A_684 = arith.muli %add3A_615, %mul3A_683 : i32
      %add3A_685 = arith.constant 1 : i32
      %add3A_686 = arith.addi %mul3A_684, %add3A_685 : i32
      %swap3A_687 = arith.index_cast %add3A_686 : i32 to index
      %swap3A_688 = arith.constant 0 : index
      %swap3A_689 = tpu.vector_load %arg13[%swap3A_687, %swap3A_688] {strides = array<i32>} : memref<128x16xf32, #tpu.memory_space<vmem>>, vector<1x16xf32>,
      %swap3A_690 = vector.shape_cast %swap3A_689 : vector<1x16xf32> to vector<16xf32>
      %swap3A_691 = vector.shape_cast %add3A_682 : vector<16xf32> to vector<1x16xf32>
      tpu.vector_store %arg13[%swap3A_687, %swap3A_688], %swap3A_691 {strides = array<i32>} : memref<128x16xf32, #tpu.memory_space<vmem>>, vector<1x16xf32>,
      %broadcast_in_dim3A_692 = arith.constant 0.000000e+00 : f32
      %broadcast_in_dim3A_693 = vector.broadcast %broadcast_in_dim3A_692 : f32 to vector<16xf32>
      %scan3A_694 = arith.constant 0 : i32
      %scan3A_695 = arith.constant 64 : i32
      %scan3A_696 = arith.addi %scan3A_694, %scan3A_695 : i32
      %scan3A_697 = arith.constant 1 : i32
      %scan3A_698:8 = scf.for %scan3A_1029 = %scan3A_694 to %scan3A_696 step %scan3A_697 iter_args(%scan3A_1030 = %broadcast_in_dim3A_693, %scan3A_1031 = %broadcast_in_dim3A_693, %scan3A_1032 = %broadcast_in_dim3A_693, %scan3A_1033 = %broadcast_in_dim3A_693, %scan3A_1034 = %broadcast_in_dim3A_693, %scan3A_1035 = %broadcast_in_dim3A_693, %scan3A_1036 = %broadcast_in_dim3A_693, %scan3A_1037 = %broadcast_in_dim3A_693) -> (vector<16xf32>, vector<16xf32>, vector<16xf32>, vector<16xf32>, vector<16xf32>, vector<16xf32>, vector<16xf32>, vector<16xf32>)  : i32 {
        %mul3A_1038 = arith.constant 128 : i32
        %mul3A_1039 = arith.muli %scan3A_1029, %mul3A_1038 : i32
        %add3A_1040 = arith.constant 0 : i32
        %add3A_1041 = arith.addi %mul3A_1039, %add3A_1040 : i32
        %get3A_1042 = arith.constant 2 : i32
        %get3A_1043 = arith.index_cast %get3A_1042 : i32 to index
        %get3A_1044 = arith.index_cast %add3A_1041 : i32 to index
        %get3A_1045 = tpu.vector_load %arg11[%get3A_1043, %get3A_1044] {strides = array<i32>} : memref<4x8192xf32, #tpu.memory_space<vmem>>, vector<1x16xf32>,
        %get3A_1046 = vector.shape_cast %get3A_1045 : vector<1x16xf32> to vector<16xf32>
        %add3A_1047 = arith.constant 16 : i32
        %add3A_1048 = arith.addi %mul3A_1039, %add3A_1047 : i32
        %get3A_1049 = arith.constant 2 : i32
        %get3A_1050 = arith.index_cast %get3A_1049 : i32 to index
        %get3A_1051 = arith.index_cast %add3A_1048 : i32 to index
        %get3A_1052 = tpu.vector_load %arg11[%get3A_1050, %get3A_1051] {strides = array<i32>} : memref<4x8192xf32, #tpu.memory_space<vmem>>, vector<1x16xf32>,
        %get3A_1053 = vector.shape_cast %get3A_1052 : vector<1x16xf32> to vector<16xf32>
        %add3A_1054 = arith.constant 32 : i32
        %add3A_1055 = arith.addi %mul3A_1039, %add3A_1054 : i32
        %get3A_1056 = arith.constant 2 : i32
        %get3A_1057 = arith.index_cast %get3A_1056 : i32 to index
        %get3A_1058 = arith.index_cast %add3A_1055 : i32 to index
        %get3A_1059 = tpu.vector_load %arg11[%get3A_1057, %get3A_1058] {strides = array<i32>} : memref<4x8192xf32, #tpu.memory_space<vmem>>, vector<1x16xf32>,
        %get3A_1060 = vector.shape_cast %get3A_1059 : vector<1x16xf32> to vector<16xf32>
        %add3A_1061 = arith.constant 48 : i32
        %add3A_1062 = arith.addi %mul3A_1039, %add3A_1061 : i32
        %get3A_1063 = arith.constant 2 : i32
        %get3A_1064 = arith.index_cast %get3A_1063 : i32 to index
        %get3A_1065 = arith.index_cast %add3A_1062 : i32 to index
        %get3A_1066 = tpu.vector_load %arg11[%get3A_1064, %get3A_1065] {strides = array<i32>} : memref<4x8192xf32, #tpu.memory_space<vmem>>, vector<1x16xf32>,
        %get3A_1067 = vector.shape_cast %get3A_1066 : vector<1x16xf32> to vector<16xf32>
        %add3A_1068 = arith.constant 64 : i32
        %add3A_1069 = arith.addi %mul3A_1039, %add3A_1068 : i32
        %get3A_1070 = arith.constant 2 : i32
        %get3A_1071 = arith.index_cast %get3A_1070 : i32 to index
        %get3A_1072 = arith.index_cast %add3A_1069 : i32 to index
        %get3A_1073 = tpu.vector_load %arg11[%get3A_1071, %get3A_1072] {strides = array<i32>} : memref<4x8192xf32, #tpu.memory_space<vmem>>, vector<1x16xf32>,
        %get3A_1074 = vector.shape_cast %get3A_1073 : vector<1x16xf32> to vector<16xf32>
        %add3A_1075 = arith.constant 80 : i32
        %add3A_1076 = arith.addi %mul3A_1039, %add3A_1075 : i32
        %get3A_1077 = arith.constant 2 : i32
        %get3A_1078 = arith.index_cast %get3A_1077 : i32 to index
        %get3A_1079 = arith.index_cast %add3A_1076 : i32 to index
        %get3A_1080 = tpu.vector_load %arg11[%get3A_1078, %get3A_1079] {strides = array<i32>} : memref<4x8192xf32, #tpu.memory_space<vmem>>, vector<1x16xf32>,
        %get3A_1081 = vector.shape_cast %get3A_1080 : vector<1x16xf32> to vector<16xf32>
        %add3A_1082 = arith.constant 96 : i32
        %add3A_1083 = arith.addi %mul3A_1039, %add3A_1082 : i32
        %get3A_1084 = arith.constant 2 : i32
        %get3A_1085 = arith.index_cast %get3A_1084 : i32 to index
        %get3A_1086 = arith.index_cast %add3A_1083 : i32 to index
        %get3A_1087 = tpu.vector_load %arg11[%get3A_1085, %get3A_1086] {strides = array<i32>} : memref<4x8192xf32, #tpu.memory_space<vmem>>, vector<1x16xf32>,
        %get3A_1088 = vector.shape_cast %get3A_1087 : vector<1x16xf32> to vector<16xf32>
        %add3A_1089 = arith.constant 112 : i32
        %add3A_1090 = arith.addi %mul3A_1039, %add3A_1089 : i32
        %get3A_1091 = arith.constant 2 : i32
        %get3A_1092 = arith.index_cast %get3A_1091 : i32 to index
        %get3A_1093 = arith.index_cast %add3A_1090 : i32 to index
        %get3A_1094 = tpu.vector_load %arg11[%get3A_1092, %get3A_1093] {strides = array<i32>} : memref<4x8192xf32, #tpu.memory_space<vmem>>, vector<1x16xf32>,
        %get3A_1095 = vector.shape_cast %get3A_1094 : vector<1x16xf32> to vector<16xf32>
        %exp3A = math.exp %get3A_1046 : vector<16xf32>
        %add3A_1096 = arith.addf %scan3A_1030, %exp3A : vector<16xf32>
        %exp3A_1097 = math.exp %get3A_1053 : vector<16xf32>
        %add3A_1098 = arith.addf %scan3A_1031, %exp3A_1097 : vector<16xf32>
        %exp3A_1099 = math.exp %get3A_1060 : vector<16xf32>
        %add3A_1100 = arith.addf %scan3A_1032, %exp3A_1099 : vector<16xf32>
        %exp3A_1101 = math.exp %get3A_1067 : vector<16xf32>
        %add3A_1102 = arith.addf %scan3A_1033, %exp3A_1101 : vector<16xf32>
        %exp3A_1103 = math.exp %get3A_1074 : vector<16xf32>
        %add3A_1104 = arith.addf %scan3A_1034, %exp3A_1103 : vector<16xf32>
        %exp3A_1105 = math.exp %get3A_1081 : vector<16xf32>
        %add3A_1106 = arith.addf %scan3A_1035, %exp3A_1105 : vector<16xf32>
        %exp3A_1107 = math.exp %get3A_1088 : vector<16xf32>
        %add3A_1108 = arith.addf %scan3A_1036, %exp3A_1107 : vector<16xf32>
        %exp3A_1109 = math.exp %get3A_1095 : vector<16xf32>
        %add3A_1110 = arith.addf %scan3A_1037, %exp3A_1109 : vector<16xf32>
        scf.yield %add3A_1096, %add3A_1098, %add3A_1100, %add3A_1102, %add3A_1104, %add3A_1106, %add3A_1108, %add3A_1110 : vector<16xf32>, vector<16xf32>, vector<16xf32>, vector<16xf32>, vector<16xf32>, vector<16xf32>, vector<16xf32>, vector<16xf32>
      }
      %scan3A_699 = arith.constant 64 : i32
      %add3A_700 = arith.addf %scan3A_698#0, %scan3A_698#1 : vector<16xf32>
      %add3A_701 = arith.addf %add3A_700, %scan3A_698#2 : vector<16xf32>
      %add3A_702 = arith.addf %add3A_701, %scan3A_698#3 : vector<16xf32>
      %add3A_703 = arith.addf %add3A_702, %scan3A_698#4 : vector<16xf32>
      %add3A_704 = arith.addf %add3A_703, %scan3A_698#5 : vector<16xf32>
      %add3A_705 = arith.addf %add3A_704, %scan3A_698#6 : vector<16xf32>
      %add3A_706 = arith.addf %add3A_705, %scan3A_698#7 : vector<16xf32>
      %mul3A_707 = arith.constant 4 : i32
      %mul3A_708 = arith.muli %add3A_615, %mul3A_707 : i32
      %add3A_709 = arith.constant 2 : i32
      %add3A_710 = arith.addi %mul3A_708, %add3A_709 : i32
      %swap3A_711 = arith.index_cast %add3A_710 : i32 to index
      %swap3A_712 = arith.constant 0 : index
      %swap3A_713 = tpu.vector_load %arg13[%swap3A_711, %swap3A_712] {strides = array<i32>} : memref<128x16xf32, #tpu.memory_space<vmem>>, vector<1x16xf32>,
      %swap3A_714 = vector.shape_cast %swap3A_713 : vector<1x16xf32> to vector<16xf32>
      %swap3A_715 = vector.shape_cast %add3A_706 : vector<16xf32> to vector<1x16xf32>
      tpu.vector_store %arg13[%swap3A_711, %swap3A_712], %swap3A_715 {strides = array<i32>} : memref<128x16xf32, #tpu.memory_space<vmem>>, vector<1x16xf32>,
      %broadcast_in_dim3A_716 = arith.constant 0.000000e+00 : f32
      %broadcast_in_dim3A_717 = vector.broadcast %broadcast_in_dim3A_716 : f32 to vector<16xf32>
      %scan3A_718 = arith.constant 0 : i32
      %scan3A_719 = arith.constant 64 : i32
      %scan3A_720 = arith.addi %scan3A_718, %scan3A_719 : i32
      %scan3A_721 = arith.constant 1 : i32
      %scan3A_722:8 = scf.for %scan3A_1029 = %scan3A_718 to %scan3A_720 step %scan3A_721 iter_args(%scan3A_1030 = %broadcast_in_dim3A_717, %scan3A_1031 = %broadcast_in_dim3A_717, %scan3A_1032 = %broadcast_in_dim3A_717, %scan3A_1033 = %broadcast_in_dim3A_717, %scan3A_1034 = %broadcast_in_dim3A_717, %scan3A_1035 = %broadcast_in_dim3A_717, %scan3A_1036 = %broadcast_in_dim3A_717, %scan3A_1037 = %broadcast_in_dim3A_717) -> (vector<16xf32>, vector<16xf32>, vector<16xf32>, vector<16xf32>, vector<16xf32>, vector<16xf32>, vector<16xf32>, vector<16xf32>)  : i32 {
        %mul3A_1038 = arith.constant 128 : i32
        %mul3A_1039 = arith.muli %scan3A_1029, %mul3A_1038 : i32
        %add3A_1040 = arith.constant 0 : i32
        %add3A_1041 = arith.addi %mul3A_1039, %add3A_1040 : i32
        %get3A_1042 = arith.constant 3 : i32
        %get3A_1043 = arith.index_cast %get3A_1042 : i32 to index
        %get3A_1044 = arith.index_cast %add3A_1041 : i32 to index
        %get3A_1045 = tpu.vector_load %arg11[%get3A_1043, %get3A_1044] {strides = array<i32>} : memref<4x8192xf32, #tpu.memory_space<vmem>>, vector<1x16xf32>,
        %get3A_1046 = vector.shape_cast %get3A_1045 : vector<1x16xf32> to vector<16xf32>
        %add3A_1047 = arith.constant 16 : i32
        %add3A_1048 = arith.addi %mul3A_1039, %add3A_1047 : i32
        %get3A_1049 = arith.constant 3 : i32
        %get3A_1050 = arith.index_cast %get3A_1049 : i32 to index
        %get3A_1051 = arith.index_cast %add3A_1048 : i32 to index
        %get3A_1052 = tpu.vector_load %arg11[%get3A_1050, %get3A_1051] {strides = array<i32>} : memref<4x8192xf32, #tpu.memory_space<vmem>>, vector<1x16xf32>,
        %get3A_1053 = vector.shape_cast %get3A_1052 : vector<1x16xf32> to vector<16xf32>
        %add3A_1054 = arith.constant 32 : i32
        %add3A_1055 = arith.addi %mul3A_1039, %add3A_1054 : i32
        %get3A_1056 = arith.constant 3 : i32
        %get3A_1057 = arith.index_cast %get3A_1056 : i32 to index
        %get3A_1058 = arith.index_cast %add3A_1055 : i32 to index
        %get3A_1059 = tpu.vector_load %arg11[%get3A_1057, %get3A_1058] {strides = array<i32>} : memref<4x8192xf32, #tpu.memory_space<vmem>>, vector<1x16xf32>,
        %get3A_1060 = vector.shape_cast %get3A_1059 : vector<1x16xf32> to vector<16xf32>
        %add3A_1061 = arith.constant 48 : i32
        %add3A_1062 = arith.addi %mul3A_1039, %add3A_1061 : i32
        %get3A_1063 = arith.constant 3 : i32
        %get3A_1064 = arith.index_cast %get3A_1063 : i32 to index
        %get3A_1065 = arith.index_cast %add3A_1062 : i32 to index
        %get3A_1066 = tpu.vector_load %arg11[%get3A_1064, %get3A_1065] {strides = array<i32>} : memref<4x8192xf32, #tpu.memory_space<vmem>>, vector<1x16xf32>,
        %get3A_1067 = vector.shape_cast %get3A_1066 : vector<1x16xf32> to vector<16xf32>
        %add3A_1068 = arith.constant 64 : i32
        %add3A_1069 = arith.addi %mul3A_1039, %add3A_1068 : i32
        %get3A_1070 = arith.constant 3 : i32
        %get3A_1071 = arith.index_cast %get3A_1070 : i32 to index
        %get3A_1072 = arith.index_cast %add3A_1069 : i32 to index
        %get3A_1073 = tpu.vector_load %arg11[%get3A_1071, %get3A_1072] {strides = array<i32>} : memref<4x8192xf32, #tpu.memory_space<vmem>>, vector<1x16xf32>,
        %get3A_1074 = vector.shape_cast %get3A_1073 : vector<1x16xf32> to vector<16xf32>
        %add3A_1075 = arith.constant 80 : i32
        %add3A_1076 = arith.addi %mul3A_1039, %add3A_1075 : i32
        %get3A_1077 = arith.constant 3 : i32
        %get3A_1078 = arith.index_cast %get3A_1077 : i32 to index
        %get3A_1079 = arith.index_cast %add3A_1076 : i32 to index
        %get3A_1080 = tpu.vector_load %arg11[%get3A_1078, %get3A_1079] {strides = array<i32>} : memref<4x8192xf32, #tpu.memory_space<vmem>>, vector<1x16xf32>,
        %get3A_1081 = vector.shape_cast %get3A_1080 : vector<1x16xf32> to vector<16xf32>
        %add3A_1082 = arith.constant 96 : i32
        %add3A_1083 = arith.addi %mul3A_1039, %add3A_1082 : i32
        %get3A_1084 = arith.constant 3 : i32
        %get3A_1085 = arith.index_cast %get3A_1084 : i32 to index
        %get3A_1086 = arith.index_cast %add3A_1083 : i32 to index
        %get3A_1087 = tpu.vector_load %arg11[%get3A_1085, %get3A_1086] {strides = array<i32>} : memref<4x8192xf32, #tpu.memory_space<vmem>>, vector<1x16xf32>,
        %get3A_1088 = vector.shape_cast %get3A_1087 : vector<1x16xf32> to vector<16xf32>
        %add3A_1089 = arith.constant 112 : i32
        %add3A_1090 = arith.addi %mul3A_1039, %add3A_1089 : i32
        %get3A_1091 = arith.constant 3 : i32
        %get3A_1092 = arith.index_cast %get3A_1091 : i32 to index
        %get3A_1093 = arith.index_cast %add3A_1090 : i32 to index
        %get3A_1094 = tpu.vector_load %arg11[%get3A_1092, %get3A_1093] {strides = array<i32>} : memref<4x8192xf32, #tpu.memory_space<vmem>>, vector<1x16xf32>,
        %get3A_1095 = vector.shape_cast %get3A_1094 : vector<1x16xf32> to vector<16xf32>
        %exp3A = math.exp %get3A_1046 : vector<16xf32>
        %add3A_1096 = arith.addf %scan3A_1030, %exp3A : vector<16xf32>
        %exp3A_1097 = math.exp %get3A_1053 : vector<16xf32>
        %add3A_1098 = arith.addf %scan3A_1031, %exp3A_1097 : vector<16xf32>
        %exp3A_1099 = math.exp %get3A_1060 : vector<16xf32>
        %add3A_1100 = arith.addf %scan3A_1032, %exp3A_1099 : vector<16xf32>
        %exp3A_1101 = math.exp %get3A_1067 : vector<16xf32>
        %add3A_1102 = arith.addf %scan3A_1033, %exp3A_1101 : vector<16xf32>
        %exp3A_1103 = math.exp %get3A_1074 : vector<16xf32>
        %add3A_1104 = arith.addf %scan3A_1034, %exp3A_1103 : vector<16xf32>
        %exp3A_1105 = math.exp %get3A_1081 : vector<16xf32>
        %add3A_1106 = arith.addf %scan3A_1035, %exp3A_1105 : vector<16xf32>
        %exp3A_1107 = math.exp %get3A_1088 : vector<16xf32>
        %add3A_1108 = arith.addf %scan3A_1036, %exp3A_1107 : vector<16xf32>
        %exp3A_1109 = math.exp %get3A_1095 : vector<16xf32>
        %add3A_1110 = arith.addf %scan3A_1037, %exp3A_1109 : vector<16xf32>
        scf.yield %add3A_1096, %add3A_1098, %add3A_1100, %add3A_1102, %add3A_1104, %add3A_1106, %add3A_1108, %add3A_1110 : vector<16xf32>, vector<16xf32>, vector<16xf32>, vector<16xf32>, vector<16xf32>, vector<16xf32>, vector<16xf32>, vector<16xf32>
      }
      %scan3A_723 = arith.constant 64 : i32
      %add3A_724 = arith.addf %scan3A_722#0, %scan3A_722#1 : vector<16xf32>
      %add3A_725 = arith.addf %add3A_724, %scan3A_722#2 : vector<16xf32>
      %add3A_726 = arith.addf %add3A_725, %scan3A_722#3 : vector<16xf32>
      %add3A_727 = arith.addf %add3A_726, %scan3A_722#4 : vector<16xf32>
      %add3A_728 = arith.addf %add3A_727, %scan3A_722#5 : vector<16xf32>
      %add3A_729 = arith.addf %add3A_728, %scan3A_722#6 : vector<16xf32>
      %add3A_730 = arith.addf %add3A_729, %scan3A_722#7 : vector<16xf32>
      %mul3A_731 = arith.constant 4 : i32
      %mul3A_732 = arith.muli %add3A_615, %mul3A_731 : i32
      %add3A_733 = arith.constant 3 : i32
      %add3A_734 = arith.addi %mul3A_732, %add3A_733 : i32
      %swap3A_735 = arith.index_cast %add3A_734 : i32 to index
      %swap3A_736 = arith.constant 0 : index
      %swap3A_737 = tpu.vector_load %arg13[%swap3A_735, %swap3A_736] {strides = array<i32>} : memref<128x16xf32, #tpu.memory_space<vmem>>, vector<1x16xf32>,
      %swap3A_738 = vector.shape_cast %swap3A_737 : vector<1x16xf32> to vector<16xf32>
      %swap3A_739 = vector.shape_cast %add3A_730 : vector<16xf32> to vector<1x16xf32>
      tpu.vector_store %arg13[%swap3A_735, %swap3A_736], %swap3A_739 {strides = array<i32>} : memref<128x16xf32, #tpu.memory_space<vmem>>, vector<1x16xf32>,
      %mul3A_740 = arith.constant 16 : i32
      %mul3A_741 = arith.muli %add3A_615, %mul3A_740 : i32
      %multiple_of3A_742 = tpu.assume_multiple %mul3A_741, 16 : i32
      %get3A_743 = arith.index_cast %multiple_of3A_742 : i32 to index
      %get3A_744 = tpu.vector_load %arg9[%get3A_743] {strides = array<i32>} : memref<512xi32, #tpu.memory_space<vmem>>, vector<16xi32>,
      %get3A_745 = vector.shape_cast %get3A_744 : vector<16xi32> to vector<16xi32>
      %slice3A_746 = vector.extract_strided_slice %get3A_745 {offsets = [0], sizes = [1], strides = [1]} : vector<16xi32> to vector<1xi32>
      %squeeze3A_747 = vector.extract %slice3A_746[0] : i32 from vector<1xi32>
      %and3A_748 = arith.constant -16 : i32
      %and3A_749 = arith.andi %squeeze3A_747, %and3A_748 : i32
      %multiple_of3A_750 = tpu.assume_multiple %and3A_749, 16 : i32
      %get3A_751 = arith.constant 0 : i32
      %get3A_752 = arith.index_cast %get3A_751 : i32 to index
      %get3A_753 = arith.index_cast %multiple_of3A_750 : i32 to index
      %get3A_754 = tpu.vector_load %arg11[%get3A_752, %get3A_753] {strides = array<i32>} : memref<4x8192xf32, #tpu.memory_space<vmem>>, vector<1x16xf32>,
      %get3A_755 = vector.shape_cast %get3A_754 : vector<1x16xf32> to vector<16xf32>
      %and3A_756 = arith.constant 15 : i32
      %and3A_757 = arith.andi %squeeze3A_747, %and3A_756 : i32
      %eq3A_758 = vector.broadcast %and3A_757 : i32 to vector<16xi32>
      %eq3A_759 = arith.cmpi eq, %iota3A, %eq3A_758 : vector<16xi32>
      %broadcast_in_dim3A_760 = arith.constant 0.000000e+00 : f32
      %broadcast_in_dim3A_761 = vector.broadcast %broadcast_in_dim3A_760 : f32 to vector<16xf32>
      %select_n3A_762 = arith.select %eq3A_759, %get3A_755, %broadcast_in_dim3A_761 : vector<16xi1>, vector<16xf32>
      %add3A_763 = arith.addf %add3A_611, %select_n3A_762 : vector<16xf32>
      %slice3A_764 = vector.extract_strided_slice %get3A_745 {offsets = [1], sizes = [1], strides = [1]} : vector<16xi32> to vector<1xi32>
      %squeeze3A_765 = vector.extract %slice3A_764[0] : i32 from vector<1xi32>
      %and3A_766 = arith.constant -16 : i32
      %and3A_767 = arith.andi %squeeze3A_765, %and3A_766 : i32
      %multiple_of3A_768 = tpu.assume_multiple %and3A_767, 16 : i32
      %get3A_769 = arith.constant 1 : i32
      %get3A_770 = arith.index_cast %get3A_769 : i32 to index
      %get3A_771 = arith.index_cast %multiple_of3A_768 : i32 to index
      %get3A_772 = tpu.vector_load %arg11[%get3A_770, %get3A_771] {strides = array<i32>} : memref<4x8192xf32, #tpu.memory_space<vmem>>, vector<1x16xf32>,
      %get3A_773 = vector.shape_cast %get3A_772 : vector<1x16xf32> to vector<16xf32>
      %and3A_774 = arith.constant 15 : i32
      %and3A_775 = arith.andi %squeeze3A_765, %and3A_774 : i32
      %eq3A_776 = vector.broadcast %and3A_775 : i32 to vector<16xi32>
      %eq3A_777 = arith.cmpi eq, %iota3A, %eq3A_776 : vector<16xi32>
      %broadcast_in_dim3A_778 = arith.constant 0.000000e+00 : f32
      %broadcast_in_dim3A_779 = vector.broadcast %broadcast_in_dim3A_778 : f32 to vector<16xf32>
      %select_n3A_780 = arith.select %eq3A_777, %get3A_773, %broadcast_in_dim3A_779 : vector<16xi1>, vector<16xf32>
      %add3A_781 = arith.addf %add3A_763, %select_n3A_780 : vector<16xf32>
      %slice3A_782 = vector.extract_strided_slice %get3A_745 {offsets = [2], sizes = [1], strides = [1]} : vector<16xi32> to vector<1xi32>
      %squeeze3A_783 = vector.extract %slice3A_782[0] : i32 from vector<1xi32>
      %and3A_784 = arith.constant -16 : i32
      %and3A_785 = arith.andi %squeeze3A_783, %and3A_784 : i32
      %multiple_of3A_786 = tpu.assume_multiple %and3A_785, 16 : i32
      %get3A_787 = arith.constant 2 : i32
      %get3A_788 = arith.index_cast %get3A_787 : i32 to index
      %get3A_789 = arith.index_cast %multiple_of3A_786 : i32 to index
      %get3A_790 = tpu.vector_load %arg11[%get3A_788, %get3A_789] {strides = array<i32>} : memref<4x8192xf32, #tpu.memory_space<vmem>>, vector<1x16xf32>,
      %get3A_791 = vector.shape_cast %get3A_790 : vector<1x16xf32> to vector<16xf32>
      %and3A_792 = arith.constant 15 : i32
      %and3A_793 = arith.andi %squeeze3A_783, %and3A_792 : i32
      %eq3A_794 = vector.broadcast %and3A_793 : i32 to vector<16xi32>
      %eq3A_795 = arith.cmpi eq, %iota3A, %eq3A_794 : vector<16xi32>
      %broadcast_in_dim3A_796 = arith.constant 0.000000e+00 : f32
      %broadcast_in_dim3A_797 = vector.broadcast %broadcast_in_dim3A_796 : f32 to vector<16xf32>
      %select_n3A_798 = arith.select %eq3A_795, %get3A_791, %broadcast_in_dim3A_797 : vector<16xi1>, vector<16xf32>
      %add3A_799 = arith.addf %add3A_781, %select_n3A_798 : vector<16xf32>
      %slice3A_800 = vector.extract_strided_slice %get3A_745 {offsets = [3], sizes = [1], strides = [1]} : vector<16xi32> to vector<1xi32>
      %squeeze3A_801 = vector.extract %slice3A_800[0] : i32 from vector<1xi32>
      %and3A_802 = arith.constant -16 : i32
      %and3A_803 = arith.andi %squeeze3A_801, %and3A_802 : i32
      %multiple_of3A_804 = tpu.assume_multiple %and3A_803, 16 : i32
      %get3A_805 = arith.constant 3 : i32
      %get3A_806 = arith.index_cast %get3A_805 : i32 to index
      %get3A_807 = arith.index_cast %multiple_of3A_804 : i32 to index
      %get3A_808 = tpu.vector_load %arg11[%get3A_806, %get3A_807] {strides = array<i32>} : memref<4x8192xf32, #tpu.memory_space<vmem>>, vector<1x16xf32>,
      %get3A_809 = vector.shape_cast %get3A_808 : vector<1x16xf32> to vector<16xf32>
      %and3A_810 = arith.constant 15 : i32
      %and3A_811 = arith.andi %squeeze3A_801, %and3A_810 : i32
      %eq3A_812 = vector.broadcast %and3A_811 : i32 to vector<16xi32>
      %eq3A_813 = arith.cmpi eq, %iota3A, %eq3A_812 : vector<16xi32>
      %broadcast_in_dim3A_814 = arith.constant 0.000000e+00 : f32
      %broadcast_in_dim3A_815 = vector.broadcast %broadcast_in_dim3A_814 : f32 to vector<16xf32>
      %select_n3A_816 = arith.select %eq3A_813, %get3A_809, %broadcast_in_dim3A_815 : vector<16xi1>, vector<16xf32>
      %add3A_817 = arith.addf %add3A_799, %select_n3A_816 : vector<16xf32>
      %mul3A_818 = arith.constant 3 : i32
      %mul3A_819 = arith.muli %scan3A_407, %mul3A_818 : i32
      %add3A_820 = arith.constant 2 : i32
      %add3A_821 = arith.addi %mul3A_819, %add3A_820 : i32
      %sub3A = arith.constant 2 : i32
      %sub3A_822 = arith.subi %add3A_821, %sub3A : i32
      %mul3A_823 = arith.constant 128 : i32
      %mul3A_824 = arith.muli %add3A, %mul3A_823 : i32
      %mul3A_825 = arith.constant 4 : i32
      %mul3A_826 = arith.muli %sub3A_822, %mul3A_825 : i32
      %add3A_827 = arith.addi %mul3A_824, %mul3A_826 : i32
      %dma_wait3A_828 = arith.constant 0 : i32
      %dma_wait3A_829 = tpu.memref_slice %arg5[%add3A_827, %dma_wait3A_828] : memref<4096x8192xf32, #tpu.memory_space<hbm>> -> memref<4x8192xf32, #tpu.memory_space<hbm>>
      %dma_wait3A_830 = arith.constant 0 : i32
      %dma_wait3A_831 = tpu.memref_slice %arg5[%add3A_827, %dma_wait3A_830] : memref<4096x8192xf32, #tpu.memory_space<hbm>> -> memref<4x8192xf32, #tpu.memory_space<hbm>>
      tpu.wait_dma2 semaphore(%arg18 : memref<!tpu.dma_semaphore, #tpu.memory_space<semaphore_mem>>) src(%arg10 : memref<4x8192xf32, #tpu.memory_space<vmem>>) dst(%dma_wait3A_831 : memref<4x8192xf32, #tpu.memory_space<hbm>>)
      %add3A_832 = arith.constant 1 : i32
      %add3A_833 = arith.addi %add3A_821, %add3A_832 : i32
      %dma_start3A_834 = arith.constant 0 : i32
      %dma_start3A_835 = tpu.memref_slice %arg8[%add3A_833, %dma_start3A_834] : memref<32x4xi32, #tpu.memory_space<vmem>> -> memref<1x4xi32, #tpu.memory_space<vmem>>
      %dma_start3A_836 = tpu.memref_squeeze %dma_start3A_835 : memref<1x4xi32, #tpu.memory_space<vmem>> -> memref<4xi32, #tpu.memory_space<vmem>>
      %dma_start3A_837 = arith.constant 0 : i32
      %dma_start3A_838 = arith.constant 0 : i32
      %dma_start3A_839 = tpu.memref_slice %arg4[%dma_start3A_837, %dma_start3A_838] : memref<8192x8192xf32, #tpu.memory_space<hbm>> -> memref<8192x8192xf32, #tpu.memory_space<hbm>>
      tpu.enqueue_indirect_dma source(%dma_start3A_839 : memref<8192x8192xf32, #tpu.memory_space<hbm>>) target(%arg10 : memref<4x8192xf32, #tpu.memory_space<vmem>>) offsets(%dma_start3A_836 : memref<4xi32, #tpu.memory_space<vmem>>) semaphore(%arg15 : memref<!tpu.dma_semaphore, #tpu.memory_space<semaphore_mem>>)
      %dma_wait3A_840 = arith.constant 0 : i32
      %dma_wait3A_841 = tpu.memref_slice %arg8[%add3A_821, %dma_wait3A_840] : memref<32x4xi32, #tpu.memory_space<vmem>> -> memref<1x4xi32, #tpu.memory_space<vmem>>
      %dma_wait3A_842 = tpu.memref_squeeze %dma_wait3A_841 : memref<1x4xi32, #tpu.memory_space<vmem>> -> memref<4xi32, #tpu.memory_space<vmem>>
      %dma_wait3A_843 = arith.constant 0 : i32
      %dma_wait3A_844 = arith.constant 0 : i32
      %dma_wait3A_845 = tpu.memref_slice %arg4[%dma_wait3A_843, %dma_wait3A_844] : memref<8192x8192xf32, #tpu.memory_space<hbm>> -> memref<8192x8192xf32, #tpu.memory_space<hbm>>
      tpu.wait_indirect_dma semaphore(%arg17 : memref<!tpu.dma_semaphore, #tpu.memory_space<semaphore_mem>>) src(%dma_wait3A_845 : memref<8192x8192xf32, #tpu.memory_space<hbm>>) dst(%arg12 : memref<4x8192xf32, #tpu.memory_space<vmem>>)
      %mul3A_846 = arith.constant 128 : i32
      %mul3A_847 = arith.muli %add3A, %mul3A_846 : i32
      %mul3A_848 = arith.constant 4 : i32
      %mul3A_849 = arith.muli %add3A_821, %mul3A_848 : i32
      %add3A_850 = arith.addi %mul3A_847, %mul3A_849 : i32
      %dma_start3A_851 = arith.constant 0 : i32
      %dma_start3A_852 = tpu.memref_slice %arg5[%add3A_850, %dma_start3A_851] : memref<4096x8192xf32, #tpu.memory_space<hbm>> -> memref<4x8192xf32, #tpu.memory_space<hbm>>
      %dma_start3A_853 = arith.constant 0 : i32
      %dma_start3A_854 = tpu.memref_slice %arg5[%add3A_850, %dma_start3A_853] : memref<4096x8192xf32, #tpu.memory_space<hbm>> -> memref<4x8192xf32, #tpu.memory_space<hbm>>
      tpu.enqueue_dma source(%arg12 : memref<4x8192xf32, #tpu.memory_space<vmem>>) target(%dma_start3A_854 : memref<4x8192xf32, #tpu.memory_space<hbm>>) target_semaphore(%arg20 : memref<!tpu.dma_semaphore, #tpu.memory_space<semaphore_mem>>)
      %broadcast_in_dim3A_855 = arith.constant 0.000000e+00 : f32
      %broadcast_in_dim3A_856 = vector.broadcast %broadcast_in_dim3A_855 : f32 to vector<16xf32>
      %scan3A_857 = arith.constant 0 : i32
      %scan3A_858 = arith.constant 64 : i32
      %scan3A_859 = arith.addi %scan3A_857, %scan3A_858 : i32
      %scan3A_860 = arith.constant 1 : i32
      %scan3A_861:8 = scf.for %scan3A_1029 = %scan3A_857 to %scan3A_859 step %scan3A_860 iter_args(%scan3A_1030 = %broadcast_in_dim3A_856, %scan3A_1031 = %broadcast_in_dim3A_856, %scan3A_1032 = %broadcast_in_dim3A_856, %scan3A_1033 = %broadcast_in_dim3A_856, %scan3A_1034 = %broadcast_in_dim3A_856, %scan3A_1035 = %broadcast_in_dim3A_856, %scan3A_1036 = %broadcast_in_dim3A_856, %scan3A_1037 = %broadcast_in_dim3A_856) -> (vector<16xf32>, vector<16xf32>, vector<16xf32>, vector<16xf32>, vector<16xf32>, vector<16xf32>, vector<16xf32>, vector<16xf32>)  : i32 {
        %mul3A_1038 = arith.constant 128 : i32
        %mul3A_1039 = arith.muli %scan3A_1029, %mul3A_1038 : i32
        %add3A_1040 = arith.constant 0 : i32
        %add3A_1041 = arith.addi %mul3A_1039, %add3A_1040 : i32
        %get3A_1042 = arith.constant 0 : i32
        %get3A_1043 = arith.index_cast %get3A_1042 : i32 to index
        %get3A_1044 = arith.index_cast %add3A_1041 : i32 to index
        %get3A_1045 = tpu.vector_load %arg12[%get3A_1043, %get3A_1044] {strides = array<i32>} : memref<4x8192xf32, #tpu.memory_space<vmem>>, vector<1x16xf32>,
        %get3A_1046 = vector.shape_cast %get3A_1045 : vector<1x16xf32> to vector<16xf32>
        %add3A_1047 = arith.constant 16 : i32
        %add3A_1048 = arith.addi %mul3A_1039, %add3A_1047 : i32
        %get3A_1049 = arith.constant 0 : i32
        %get3A_1050 = arith.index_cast %get3A_1049 : i32 to index
        %get3A_1051 = arith.index_cast %add3A_1048 : i32 to index
        %get3A_1052 = tpu.vector_load %arg12[%get3A_1050, %get3A_1051] {strides = array<i32>} : memref<4x8192xf32, #tpu.memory_space<vmem>>, vector<1x16xf32>,
        %get3A_1053 = vector.shape_cast %get3A_1052 : vector<1x16xf32> to vector<16xf32>
        %add3A_1054 = arith.constant 32 : i32
        %add3A_1055 = arith.addi %mul3A_1039, %add3A_1054 : i32
        %get3A_1056 = arith.constant 0 : i32
        %get3A_1057 = arith.index_cast %get3A_1056 : i32 to index
        %get3A_1058 = arith.index_cast %add3A_1055 : i32 to index
        %get3A_1059 = tpu.vector_load %arg12[%get3A_1057, %get3A_1058] {strides = array<i32>} : memref<4x8192xf32, #tpu.memory_space<vmem>>, vector<1x16xf32>,
        %get3A_1060 = vector.shape_cast %get3A_1059 : vector<1x16xf32> to vector<16xf32>
        %add3A_1061 = arith.constant 48 : i32
        %add3A_1062 = arith.addi %mul3A_1039, %add3A_1061 : i32
        %get3A_1063 = arith.constant 0 : i32
        %get3A_1064 = arith.index_cast %get3A_1063 : i32 to index
        %get3A_1065 = arith.index_cast %add3A_1062 : i32 to index
        %get3A_1066 = tpu.vector_load %arg12[%get3A_1064, %get3A_1065] {strides = array<i32>} : memref<4x8192xf32, #tpu.memory_space<vmem>>, vector<1x16xf32>,
        %get3A_1067 = vector.shape_cast %get3A_1066 : vector<1x16xf32> to vector<16xf32>
        %add3A_1068 = arith.constant 64 : i32
        %add3A_1069 = arith.addi %mul3A_1039, %add3A_1068 : i32
        %get3A_1070 = arith.constant 0 : i32
        %get3A_1071 = arith.index_cast %get3A_1070 : i32 to index
        %get3A_1072 = arith.index_cast %add3A_1069 : i32 to index
        %get3A_1073 = tpu.vector_load %arg12[%get3A_1071, %get3A_1072] {strides = array<i32>} : memref<4x8192xf32, #tpu.memory_space<vmem>>, vector<1x16xf32>,
        %get3A_1074 = vector.shape_cast %get3A_1073 : vector<1x16xf32> to vector<16xf32>
        %add3A_1075 = arith.constant 80 : i32
        %add3A_1076 = arith.addi %mul3A_1039, %add3A_1075 : i32
        %get3A_1077 = arith.constant 0 : i32
        %get3A_1078 = arith.index_cast %get3A_1077 : i32 to index
        %get3A_1079 = arith.index_cast %add3A_1076 : i32 to index
        %get3A_1080 = tpu.vector_load %arg12[%get3A_1078, %get3A_1079] {strides = array<i32>} : memref<4x8192xf32, #tpu.memory_space<vmem>>, vector<1x16xf32>,
        %get3A_1081 = vector.shape_cast %get3A_1080 : vector<1x16xf32> to vector<16xf32>
        %add3A_1082 = arith.constant 96 : i32
        %add3A_1083 = arith.addi %mul3A_1039, %add3A_1082 : i32
        %get3A_1084 = arith.constant 0 : i32
        %get3A_1085 = arith.index_cast %get3A_1084 : i32 to index
        %get3A_1086 = arith.index_cast %add3A_1083 : i32 to index
        %get3A_1087 = tpu.vector_load %arg12[%get3A_1085, %get3A_1086] {strides = array<i32>} : memref<4x8192xf32, #tpu.memory_space<vmem>>, vector<1x16xf32>,
        %get3A_1088 = vector.shape_cast %get3A_1087 : vector<1x16xf32> to vector<16xf32>
        %add3A_1089 = arith.constant 112 : i32
        %add3A_1090 = arith.addi %mul3A_1039, %add3A_1089 : i32
        %get3A_1091 = arith.constant 0 : i32
        %get3A_1092 = arith.index_cast %get3A_1091 : i32 to index
        %get3A_1093 = arith.index_cast %add3A_1090 : i32 to index
        %get3A_1094 = tpu.vector_load %arg12[%get3A_1092, %get3A_1093] {strides = array<i32>} : memref<4x8192xf32, #tpu.memory_space<vmem>>, vector<1x16xf32>,
        %get3A_1095 = vector.shape_cast %get3A_1094 : vector<1x16xf32> to vector<16xf32>
        %exp3A = math.exp %get3A_1046 : vector<16xf32>
        %add3A_1096 = arith.addf %scan3A_1030, %exp3A : vector<16xf32>
        %exp3A_1097 = math.exp %get3A_1053 : vector<16xf32>
        %add3A_1098 = arith.addf %scan3A_1031, %exp3A_1097 : vector<16xf32>
        %exp3A_1099 = math.exp %get3A_1060 : vector<16xf32>
        %add3A_1100 = arith.addf %scan3A_1032, %exp3A_1099 : vector<16xf32>
        %exp3A_1101 = math.exp %get3A_1067 : vector<16xf32>
        %add3A_1102 = arith.addf %scan3A_1033, %exp3A_1101 : vector<16xf32>
        %exp3A_1103 = math.exp %get3A_1074 : vector<16xf32>
        %add3A_1104 = arith.addf %scan3A_1034, %exp3A_1103 : vector<16xf32>
        %exp3A_1105 = math.exp %get3A_1081 : vector<16xf32>
        %add3A_1106 = arith.addf %scan3A_1035, %exp3A_1105 : vector<16xf32>
        %exp3A_1107 = math.exp %get3A_1088 : vector<16xf32>
        %add3A_1108 = arith.addf %scan3A_1036, %exp3A_1107 : vector<16xf32>
        %exp3A_1109 = math.exp %get3A_1095 : vector<16xf32>
        %add3A_1110 = arith.addf %scan3A_1037, %exp3A_1109 : vector<16xf32>
        scf.yield %add3A_1096, %add3A_1098, %add3A_1100, %add3A_1102, %add3A_1104, %add3A_1106, %add3A_1108, %add3A_1110 : vector<16xf32>, vector<16xf32>, vector<16xf32>, vector<16xf32>, vector<16xf32>, vector<16xf32>, vector<16xf32>, vector<16xf32>
      }
      %scan3A_862 = arith.constant 64 : i32
      %add3A_863 = arith.addf %scan3A_861#0, %scan3A_861#1 : vector<16xf32>
      %add3A_864 = arith.addf %add3A_863, %scan3A_861#2 : vector<16xf32>
      %add3A_865 = arith.addf %add3A_864, %scan3A_861#3 : vector<16xf32>
      %add3A_866 = arith.addf %add3A_865, %scan3A_861#4 : vector<16xf32>
      %add3A_867 = arith.addf %add3A_866, %scan3A_861#5 : vector<16xf32>
      %add3A_868 = arith.addf %add3A_867, %scan3A_861#6 : vector<16xf32>
      %add3A_869 = arith.addf %add3A_868, %scan3A_861#7 : vector<16xf32>
      %mul3A_870 = arith.constant 4 : i32
      %mul3A_871 = arith.muli %add3A_821, %mul3A_870 : i32
      %add3A_872 = arith.constant 0 : i32
      %add3A_873 = arith.addi %mul3A_871, %add3A_872 : i32
      %swap3A_874 = arith.index_cast %add3A_873 : i32 to index
      %swap3A_875 = arith.constant 0 : index
      %swap3A_876 = tpu.vector_load %arg13[%swap3A_874, %swap3A_875] {strides = array<i32>} : memref<128x16xf32, #tpu.memory_space<vmem>>, vector<1x16xf32>,
      %swap3A_877 = vector.shape_cast %swap3A_876 : vector<1x16xf32> to vector<16xf32>
      %swap3A_878 = vector.shape_cast %add3A_869 : vector<16xf32> to vector<1x16xf32>
      tpu.vector_store %arg13[%swap3A_874, %swap3A_875], %swap3A_878 {strides = array<i32>} : memref<128x16xf32, #tpu.memory_space<vmem>>, vector<1x16xf32>,
      %broadcast_in_dim3A_879 = arith.constant 0.000000e+00 : f32
      %broadcast_in_dim3A_880 = vector.broadcast %broadcast_in_dim3A_879 : f32 to vector<16xf32>
      %scan3A_881 = arith.constant 0 : i32
      %scan3A_882 = arith.constant 64 : i32
      %scan3A_883 = arith.addi %scan3A_881, %scan3A_882 : i32
      %scan3A_884 = arith.constant 1 : i32
      %scan3A_885:8 = scf.for %scan3A_1029 = %scan3A_881 to %scan3A_883 step %scan3A_884 iter_args(%scan3A_1030 = %broadcast_in_dim3A_880, %scan3A_1031 = %broadcast_in_dim3A_880, %scan3A_1032 = %broadcast_in_dim3A_880, %scan3A_1033 = %broadcast_in_dim3A_880, %scan3A_1034 = %broadcast_in_dim3A_880, %scan3A_1035 = %broadcast_in_dim3A_880, %scan3A_1036 = %broadcast_in_dim3A_880, %scan3A_1037 = %broadcast_in_dim3A_880) -> (vector<16xf32>, vector<16xf32>, vector<16xf32>, vector<16xf32>, vector<16xf32>, vector<16xf32>, vector<16xf32>, vector<16xf32>)  : i32 {
        %mul3A_1038 = arith.constant 128 : i32
        %mul3A_1039 = arith.muli %scan3A_1029, %mul3A_1038 : i32
        %add3A_1040 = arith.constant 0 : i32
        %add3A_1041 = arith.addi %mul3A_1039, %add3A_1040 : i32
        %get3A_1042 = arith.constant 1 : i32
        %get3A_1043 = arith.index_cast %get3A_1042 : i32 to index
        %get3A_1044 = arith.index_cast %add3A_1041 : i32 to index
        %get3A_1045 = tpu.vector_load %arg12[%get3A_1043, %get3A_1044] {strides = array<i32>} : memref<4x8192xf32, #tpu.memory_space<vmem>>, vector<1x16xf32>,
        %get3A_1046 = vector.shape_cast %get3A_1045 : vector<1x16xf32> to vector<16xf32>
        %add3A_1047 = arith.constant 16 : i32
        %add3A_1048 = arith.addi %mul3A_1039, %add3A_1047 : i32
        %get3A_1049 = arith.constant 1 : i32
        %get3A_1050 = arith.index_cast %get3A_1049 : i32 to index
        %get3A_1051 = arith.index_cast %add3A_1048 : i32 to index
        %get3A_1052 = tpu.vector_load %arg12[%get3A_1050, %get3A_1051] {strides = array<i32>} : memref<4x8192xf32, #tpu.memory_space<vmem>>, vector<1x16xf32>,
        %get3A_1053 = vector.shape_cast %get3A_1052 : vector<1x16xf32> to vector<16xf32>
        %add3A_1054 = arith.constant 32 : i32
        %add3A_1055 = arith.addi %mul3A_1039, %add3A_1054 : i32
        %get3A_1056 = arith.constant 1 : i32
        %get3A_1057 = arith.index_cast %get3A_1056 : i32 to index
        %get3A_1058 = arith.index_cast %add3A_1055 : i32 to index
        %get3A_1059 = tpu.vector_load %arg12[%get3A_1057, %get3A_1058] {strides = array<i32>} : memref<4x8192xf32, #tpu.memory_space<vmem>>, vector<1x16xf32>,
        %get3A_1060 = vector.shape_cast %get3A_1059 : vector<1x16xf32> to vector<16xf32>
        %add3A_1061 = arith.constant 48 : i32
        %add3A_1062 = arith.addi %mul3A_1039, %add3A_1061 : i32
        %get3A_1063 = arith.constant 1 : i32
        %get3A_1064 = arith.index_cast %get3A_1063 : i32 to index
        %get3A_1065 = arith.index_cast %add3A_1062 : i32 to index
        %get3A_1066 = tpu.vector_load %arg12[%get3A_1064, %get3A_1065] {strides = array<i32>} : memref<4x8192xf32, #tpu.memory_space<vmem>>, vector<1x16xf32>,
        %get3A_1067 = vector.shape_cast %get3A_1066 : vector<1x16xf32> to vector<16xf32>
        %add3A_1068 = arith.constant 64 : i32
        %add3A_1069 = arith.addi %mul3A_1039, %add3A_1068 : i32
        %get3A_1070 = arith.constant 1 : i32
        %get3A_1071 = arith.index_cast %get3A_1070 : i32 to index
        %get3A_1072 = arith.index_cast %add3A_1069 : i32 to index
        %get3A_1073 = tpu.vector_load %arg12[%get3A_1071, %get3A_1072] {strides = array<i32>} : memref<4x8192xf32, #tpu.memory_space<vmem>>, vector<1x16xf32>,
        %get3A_1074 = vector.shape_cast %get3A_1073 : vector<1x16xf32> to vector<16xf32>
        %add3A_1075 = arith.constant 80 : i32
        %add3A_1076 = arith.addi %mul3A_1039, %add3A_1075 : i32
        %get3A_1077 = arith.constant 1 : i32
        %get3A_1078 = arith.index_cast %get3A_1077 : i32 to index
        %get3A_1079 = arith.index_cast %add3A_1076 : i32 to index
        %get3A_1080 = tpu.vector_load %arg12[%get3A_1078, %get3A_1079] {strides = array<i32>} : memref<4x8192xf32, #tpu.memory_space<vmem>>, vector<1x16xf32>,
        %get3A_1081 = vector.shape_cast %get3A_1080 : vector<1x16xf32> to vector<16xf32>
        %add3A_1082 = arith.constant 96 : i32
        %add3A_1083 = arith.addi %mul3A_1039, %add3A_1082 : i32
        %get3A_1084 = arith.constant 1 : i32
        %get3A_1085 = arith.index_cast %get3A_1084 : i32 to index
        %get3A_1086 = arith.index_cast %add3A_1083 : i32 to index
        %get3A_1087 = tpu.vector_load %arg12[%get3A_1085, %get3A_1086] {strides = array<i32>} : memref<4x8192xf32, #tpu.memory_space<vmem>>, vector<1x16xf32>,
        %get3A_1088 = vector.shape_cast %get3A_1087 : vector<1x16xf32> to vector<16xf32>
        %add3A_1089 = arith.constant 112 : i32
        %add3A_1090 = arith.addi %mul3A_1039, %add3A_1089 : i32
        %get3A_1091 = arith.constant 1 : i32
        %get3A_1092 = arith.index_cast %get3A_1091 : i32 to index
        %get3A_1093 = arith.index_cast %add3A_1090 : i32 to index
        %get3A_1094 = tpu.vector_load %arg12[%get3A_1092, %get3A_1093] {strides = array<i32>} : memref<4x8192xf32, #tpu.memory_space<vmem>>, vector<1x16xf32>,
        %get3A_1095 = vector.shape_cast %get3A_1094 : vector<1x16xf32> to vector<16xf32>
        %exp3A = math.exp %get3A_1046 : vector<16xf32>
        %add3A_1096 = arith.addf %scan3A_1030, %exp3A : vector<16xf32>
        %exp3A_1097 = math.exp %get3A_1053 : vector<16xf32>
        %add3A_1098 = arith.addf %scan3A_1031, %exp3A_1097 : vector<16xf32>
        %exp3A_1099 = math.exp %get3A_1060 : vector<16xf32>
        %add3A_1100 = arith.addf %scan3A_1032, %exp3A_1099 : vector<16xf32>
        %exp3A_1101 = math.exp %get3A_1067 : vector<16xf32>
        %add3A_1102 = arith.addf %scan3A_1033, %exp3A_1101 : vector<16xf32>
        %exp3A_1103 = math.exp %get3A_1074 : vector<16xf32>
        %add3A_1104 = arith.addf %scan3A_1034, %exp3A_1103 : vector<16xf32>
        %exp3A_1105 = math.exp %get3A_1081 : vector<16xf32>
        %add3A_1106 = arith.addf %scan3A_1035, %exp3A_1105 : vector<16xf32>
        %exp3A_1107 = math.exp %get3A_1088 : vector<16xf32>
        %add3A_1108 = arith.addf %scan3A_1036, %exp3A_1107 : vector<16xf32>
        %exp3A_1109 = math.exp %get3A_1095 : vector<16xf32>
        %add3A_1110 = arith.addf %scan3A_1037, %exp3A_1109 : vector<16xf32>
        scf.yield %add3A_1096, %add3A_1098, %add3A_1100, %add3A_1102, %add3A_1104, %add3A_1106, %add3A_1108, %add3A_1110 : vector<16xf32>, vector<16xf32>, vector<16xf32>, vector<16xf32>, vector<16xf32>, vector<16xf32>, vector<16xf32>, vector<16xf32>
      }
      %scan3A_886 = arith.constant 64 : i32
      %add3A_887 = arith.addf %scan3A_885#0, %scan3A_885#1 : vector<16xf32>
      %add3A_888 = arith.addf %add3A_887, %scan3A_885#2 : vector<16xf32>
      %add3A_889 = arith.addf %add3A_888, %scan3A_885#3 : vector<16xf32>
      %add3A_890 = arith.addf %add3A_889, %scan3A_885#4 : vector<16xf32>
      %add3A_891 = arith.addf %add3A_890, %scan3A_885#5 : vector<16xf32>
      %add3A_892 = arith.addf %add3A_891, %scan3A_885#6 : vector<16xf32>
      %add3A_893 = arith.addf %add3A_892, %scan3A_885#7 : vector<16xf32>
      %mul3A_894 = arith.constant 4 : i32
      %mul3A_895 = arith.muli %add3A_821, %mul3A_894 : i32
      %add3A_896 = arith.constant 1 : i32
      %add3A_897 = arith.addi %mul3A_895, %add3A_896 : i32
      %swap3A_898 = arith.index_cast %add3A_897 : i32 to index
      %swap3A_899 = arith.constant 0 : index
      %swap3A_900 = tpu.vector_load %arg13[%swap3A_898, %swap3A_899] {strides = array<i32>} : memref<128x16xf32, #tpu.memory_space<vmem>>, vector<1x16xf32>,
      %swap3A_901 = vector.shape_cast %swap3A_900 : vector<1x16xf32> to vector<16xf32>
      %swap3A_902 = vector.shape_cast %add3A_893 : vector<16xf32> to vector<1x16xf32>
      tpu.vector_store %arg13[%swap3A_898, %swap3A_899], %swap3A_902 {strides = array<i32>} : memref<128x16xf32, #tpu.memory_space<vmem>>, vector<1x16xf32>,
      %broadcast_in_dim3A_903 = arith.constant 0.000000e+00 : f32
      %broadcast_in_dim3A_904 = vector.broadcast %broadcast_in_dim3A_903 : f32 to vector<16xf32>
      %scan3A_905 = arith.constant 0 : i32
      %scan3A_906 = arith.constant 64 : i32
      %scan3A_907 = arith.addi %scan3A_905, %scan3A_906 : i32
      %scan3A_908 = arith.constant 1 : i32
      %scan3A_909:8 = scf.for %scan3A_1029 = %scan3A_905 to %scan3A_907 step %scan3A_908 iter_args(%scan3A_1030 = %broadcast_in_dim3A_904, %scan3A_1031 = %broadcast_in_dim3A_904, %scan3A_1032 = %broadcast_in_dim3A_904, %scan3A_1033 = %broadcast_in_dim3A_904, %scan3A_1034 = %broadcast_in_dim3A_904, %scan3A_1035 = %broadcast_in_dim3A_904, %scan3A_1036 = %broadcast_in_dim3A_904, %scan3A_1037 = %broadcast_in_dim3A_904) -> (vector<16xf32>, vector<16xf32>, vector<16xf32>, vector<16xf32>, vector<16xf32>, vector<16xf32>, vector<16xf32>, vector<16xf32>)  : i32 {
        %mul3A_1038 = arith.constant 128 : i32
        %mul3A_1039 = arith.muli %scan3A_1029, %mul3A_1038 : i32
        %add3A_1040 = arith.constant 0 : i32
        %add3A_1041 = arith.addi %mul3A_1039, %add3A_1040 : i32
        %get3A_1042 = arith.constant 2 : i32
        %get3A_1043 = arith.index_cast %get3A_1042 : i32 to index
        %get3A_1044 = arith.index_cast %add3A_1041 : i32 to index
        %get3A_1045 = tpu.vector_load %arg12[%get3A_1043, %get3A_1044] {strides = array<i32>} : memref<4x8192xf32, #tpu.memory_space<vmem>>, vector<1x16xf32>,
        %get3A_1046 = vector.shape_cast %get3A_1045 : vector<1x16xf32> to vector<16xf32>
        %add3A_1047 = arith.constant 16 : i32
        %add3A_1048 = arith.addi %mul3A_1039, %add3A_1047 : i32
        %get3A_1049 = arith.constant 2 : i32
        %get3A_1050 = arith.index_cast %get3A_1049 : i32 to index
        %get3A_1051 = arith.index_cast %add3A_1048 : i32 to index
        %get3A_1052 = tpu.vector_load %arg12[%get3A_1050, %get3A_1051] {strides = array<i32>} : memref<4x8192xf32, #tpu.memory_space<vmem>>, vector<1x16xf32>,
        %get3A_1053 = vector.shape_cast %get3A_1052 : vector<1x16xf32> to vector<16xf32>
        %add3A_1054 = arith.constant 32 : i32
        %add3A_1055 = arith.addi %mul3A_1039, %add3A_1054 : i32
        %get3A_1056 = arith.constant 2 : i32
        %get3A_1057 = arith.index_cast %get3A_1056 : i32 to index
        %get3A_1058 = arith.index_cast %add3A_1055 : i32 to index
        %get3A_1059 = tpu.vector_load %arg12[%get3A_1057, %get3A_1058] {strides = array<i32>} : memref<4x8192xf32, #tpu.memory_space<vmem>>, vector<1x16xf32>,
        %get3A_1060 = vector.shape_cast %get3A_1059 : vector<1x16xf32> to vector<16xf32>
        %add3A_1061 = arith.constant 48 : i32
        %add3A_1062 = arith.addi %mul3A_1039, %add3A_1061 : i32
        %get3A_1063 = arith.constant 2 : i32
        %get3A_1064 = arith.index_cast %get3A_1063 : i32 to index
        %get3A_1065 = arith.index_cast %add3A_1062 : i32 to index
        %get3A_1066 = tpu.vector_load %arg12[%get3A_1064, %get3A_1065] {strides = array<i32>} : memref<4x8192xf32, #tpu.memory_space<vmem>>, vector<1x16xf32>,
        %get3A_1067 = vector.shape_cast %get3A_1066 : vector<1x16xf32> to vector<16xf32>
        %add3A_1068 = arith.constant 64 : i32
        %add3A_1069 = arith.addi %mul3A_1039, %add3A_1068 : i32
        %get3A_1070 = arith.constant 2 : i32
        %get3A_1071 = arith.index_cast %get3A_1070 : i32 to index
        %get3A_1072 = arith.index_cast %add3A_1069 : i32 to index
        %get3A_1073 = tpu.vector_load %arg12[%get3A_1071, %get3A_1072] {strides = array<i32>} : memref<4x8192xf32, #tpu.memory_space<vmem>>, vector<1x16xf32>,
        %get3A_1074 = vector.shape_cast %get3A_1073 : vector<1x16xf32> to vector<16xf32>
        %add3A_1075 = arith.constant 80 : i32
        %add3A_1076 = arith.addi %mul3A_1039, %add3A_1075 : i32
        %get3A_1077 = arith.constant 2 : i32
        %get3A_1078 = arith.index_cast %get3A_1077 : i32 to index
        %get3A_1079 = arith.index_cast %add3A_1076 : i32 to index
        %get3A_1080 = tpu.vector_load %arg12[%get3A_1078, %get3A_1079] {strides = array<i32>} : memref<4x8192xf32, #tpu.memory_space<vmem>>, vector<1x16xf32>,
        %get3A_1081 = vector.shape_cast %get3A_1080 : vector<1x16xf32> to vector<16xf32>
        %add3A_1082 = arith.constant 96 : i32
        %add3A_1083 = arith.addi %mul3A_1039, %add3A_1082 : i32
        %get3A_1084 = arith.constant 2 : i32
        %get3A_1085 = arith.index_cast %get3A_1084 : i32 to index
        %get3A_1086 = arith.index_cast %add3A_1083 : i32 to index
        %get3A_1087 = tpu.vector_load %arg12[%get3A_1085, %get3A_1086] {strides = array<i32>} : memref<4x8192xf32, #tpu.memory_space<vmem>>, vector<1x16xf32>,
        %get3A_1088 = vector.shape_cast %get3A_1087 : vector<1x16xf32> to vector<16xf32>
        %add3A_1089 = arith.constant 112 : i32
        %add3A_1090 = arith.addi %mul3A_1039, %add3A_1089 : i32
        %get3A_1091 = arith.constant 2 : i32
        %get3A_1092 = arith.index_cast %get3A_1091 : i32 to index
        %get3A_1093 = arith.index_cast %add3A_1090 : i32 to index
        %get3A_1094 = tpu.vector_load %arg12[%get3A_1092, %get3A_1093] {strides = array<i32>} : memref<4x8192xf32, #tpu.memory_space<vmem>>, vector<1x16xf32>,
        %get3A_1095 = vector.shape_cast %get3A_1094 : vector<1x16xf32> to vector<16xf32>
        %exp3A = math.exp %get3A_1046 : vector<16xf32>
        %add3A_1096 = arith.addf %scan3A_1030, %exp3A : vector<16xf32>
        %exp3A_1097 = math.exp %get3A_1053 : vector<16xf32>
        %add3A_1098 = arith.addf %scan3A_1031, %exp3A_1097 : vector<16xf32>
        %exp3A_1099 = math.exp %get3A_1060 : vector<16xf32>
        %add3A_1100 = arith.addf %scan3A_1032, %exp3A_1099 : vector<16xf32>
        %exp3A_1101 = math.exp %get3A_1067 : vector<16xf32>
        %add3A_1102 = arith.addf %scan3A_1033, %exp3A_1101 : vector<16xf32>
        %exp3A_1103 = math.exp %get3A_1074 : vector<16xf32>
        %add3A_1104 = arith.addf %scan3A_1034, %exp3A_1103 : vector<16xf32>
        %exp3A_1105 = math.exp %get3A_1081 : vector<16xf32>
        %add3A_1106 = arith.addf %scan3A_1035, %exp3A_1105 : vector<16xf32>
        %exp3A_1107 = math.exp %get3A_1088 : vector<16xf32>
        %add3A_1108 = arith.addf %scan3A_1036, %exp3A_1107 : vector<16xf32>
        %exp3A_1109 = math.exp %get3A_1095 : vector<16xf32>
        %add3A_1110 = arith.addf %scan3A_1037, %exp3A_1109 : vector<16xf32>
        scf.yield %add3A_1096, %add3A_1098, %add3A_1100, %add3A_1102, %add3A_1104, %add3A_1106, %add3A_1108, %add3A_1110 : vector<16xf32>, vector<16xf32>, vector<16xf32>, vector<16xf32>, vector<16xf32>, vector<16xf32>, vector<16xf32>, vector<16xf32>
      }
      %scan3A_910 = arith.constant 64 : i32
      %add3A_911 = arith.addf %scan3A_909#0, %scan3A_909#1 : vector<16xf32>
      %add3A_912 = arith.addf %add3A_911, %scan3A_909#2 : vector<16xf32>
      %add3A_913 = arith.addf %add3A_912, %scan3A_909#3 : vector<16xf32>
      %add3A_914 = arith.addf %add3A_913, %scan3A_909#4 : vector<16xf32>
      %add3A_915 = arith.addf %add3A_914, %scan3A_909#5 : vector<16xf32>
      %add3A_916 = arith.addf %add3A_915, %scan3A_909#6 : vector<16xf32>
      %add3A_917 = arith.addf %add3A_916, %scan3A_909#7 : vector<16xf32>
      %mul3A_918 = arith.constant 4 : i32
      %mul3A_919 = arith.muli %add3A_821, %mul3A_918 : i32
      %add3A_920 = arith.constant 2 : i32
      %add3A_921 = arith.addi %mul3A_919, %add3A_920 : i32
      %swap3A_922 = arith.index_cast %add3A_921 : i32 to index
      %swap3A_923 = arith.constant 0 : index
      %swap3A_924 = tpu.vector_load %arg13[%swap3A_922, %swap3A_923] {strides = array<i32>} : memref<128x16xf32, #tpu.memory_space<vmem>>, vector<1x16xf32>,
      %swap3A_925 = vector.shape_cast %swap3A_924 : vector<1x16xf32> to vector<16xf32>
      %swap3A_926 = vector.shape_cast %add3A_917 : vector<16xf32> to vector<1x16xf32>
      tpu.vector_store %arg13[%swap3A_922, %swap3A_923], %swap3A_926 {strides = array<i32>} : memref<128x16xf32, #tpu.memory_space<vmem>>, vector<1x16xf32>,
      %broadcast_in_dim3A_927 = arith.constant 0.000000e+00 : f32
      %broadcast_in_dim3A_928 = vector.broadcast %broadcast_in_dim3A_927 : f32 to vector<16xf32>
      %scan3A_929 = arith.constant 0 : i32
      %scan3A_930 = arith.constant 64 : i32
      %scan3A_931 = arith.addi %scan3A_929, %scan3A_930 : i32
      %scan3A_932 = arith.constant 1 : i32
      %scan3A_933:8 = scf.for %scan3A_1029 = %scan3A_929 to %scan3A_931 step %scan3A_932 iter_args(%scan3A_1030 = %broadcast_in_dim3A_928, %scan3A_1031 = %broadcast_in_dim3A_928, %scan3A_1032 = %broadcast_in_dim3A_928, %scan3A_1033 = %broadcast_in_dim3A_928, %scan3A_1034 = %broadcast_in_dim3A_928, %scan3A_1035 = %broadcast_in_dim3A_928, %scan3A_1036 = %broadcast_in_dim3A_928, %scan3A_1037 = %broadcast_in_dim3A_928) -> (vector<16xf32>, vector<16xf32>, vector<16xf32>, vector<16xf32>, vector<16xf32>, vector<16xf32>, vector<16xf32>, vector<16xf32>)  : i32 {
        %mul3A_1038 = arith.constant 128 : i32
        %mul3A_1039 = arith.muli %scan3A_1029, %mul3A_1038 : i32
        %add3A_1040 = arith.constant 0 : i32
        %add3A_1041 = arith.addi %mul3A_1039, %add3A_1040 : i32
        %get3A_1042 = arith.constant 3 : i32
        %get3A_1043 = arith.index_cast %get3A_1042 : i32 to index
        %get3A_1044 = arith.index_cast %add3A_1041 : i32 to index
        %get3A_1045 = tpu.vector_load %arg12[%get3A_1043, %get3A_1044] {strides = array<i32>} : memref<4x8192xf32, #tpu.memory_space<vmem>>, vector<1x16xf32>,
        %get3A_1046 = vector.shape_cast %get3A_1045 : vector<1x16xf32> to vector<16xf32>
        %add3A_1047 = arith.constant 16 : i32
        %add3A_1048 = arith.addi %mul3A_1039, %add3A_1047 : i32
        %get3A_1049 = arith.constant 3 : i32
        %get3A_1050 = arith.index_cast %get3A_1049 : i32 to index
        %get3A_1051 = arith.index_cast %add3A_1048 : i32 to index
        %get3A_1052 = tpu.vector_load %arg12[%get3A_1050, %get3A_1051] {strides = array<i32>} : memref<4x8192xf32, #tpu.memory_space<vmem>>, vector<1x16xf32>,
        %get3A_1053 = vector.shape_cast %get3A_1052 : vector<1x16xf32> to vector<16xf32>
        %add3A_1054 = arith.constant 32 : i32
        %add3A_1055 = arith.addi %mul3A_1039, %add3A_1054 : i32
        %get3A_1056 = arith.constant 3 : i32
        %get3A_1057 = arith.index_cast %get3A_1056 : i32 to index
        %get3A_1058 = arith.index_cast %add3A_1055 : i32 to index
        %get3A_1059 = tpu.vector_load %arg12[%get3A_1057, %get3A_1058] {strides = array<i32>} : memref<4x8192xf32, #tpu.memory_space<vmem>>, vector<1x16xf32>,
        %get3A_1060 = vector.shape_cast %get3A_1059 : vector<1x16xf32> to vector<16xf32>
        %add3A_1061 = arith.constant 48 : i32
        %add3A_1062 = arith.addi %mul3A_1039, %add3A_1061 : i32
        %get3A_1063 = arith.constant 3 : i32
        %get3A_1064 = arith.index_cast %get3A_1063 : i32 to index
        %get3A_1065 = arith.index_cast %add3A_1062 : i32 to index
        %get3A_1066 = tpu.vector_load %arg12[%get3A_1064, %get3A_1065] {strides = array<i32>} : memref<4x8192xf32, #tpu.memory_space<vmem>>, vector<1x16xf32>,
        %get3A_1067 = vector.shape_cast %get3A_1066 : vector<1x16xf32> to vector<16xf32>
        %add3A_1068 = arith.constant 64 : i32
        %add3A_1069 = arith.addi %mul3A_1039, %add3A_1068 : i32
        %get3A_1070 = arith.constant 3 : i32
        %get3A_1071 = arith.index_cast %get3A_1070 : i32 to index
        %get3A_1072 = arith.index_cast %add3A_1069 : i32 to index
        %get3A_1073 = tpu.vector_load %arg12[%get3A_1071, %get3A_1072] {strides = array<i32>} : memref<4x8192xf32, #tpu.memory_space<vmem>>, vector<1x16xf32>,
        %get3A_1074 = vector.shape_cast %get3A_1073 : vector<1x16xf32> to vector<16xf32>
        %add3A_1075 = arith.constant 80 : i32
        %add3A_1076 = arith.addi %mul3A_1039, %add3A_1075 : i32
        %get3A_1077 = arith.constant 3 : i32
        %get3A_1078 = arith.index_cast %get3A_1077 : i32 to index
        %get3A_1079 = arith.index_cast %add3A_1076 : i32 to index
        %get3A_1080 = tpu.vector_load %arg12[%get3A_1078, %get3A_1079] {strides = array<i32>} : memref<4x8192xf32, #tpu.memory_space<vmem>>, vector<1x16xf32>,
        %get3A_1081 = vector.shape_cast %get3A_1080 : vector<1x16xf32> to vector<16xf32>
        %add3A_1082 = arith.constant 96 : i32
        %add3A_1083 = arith.addi %mul3A_1039, %add3A_1082 : i32
        %get3A_1084 = arith.constant 3 : i32
        %get3A_1085 = arith.index_cast %get3A_1084 : i32 to index
        %get3A_1086 = arith.index_cast %add3A_1083 : i32 to index
        %get3A_1087 = tpu.vector_load %arg12[%get3A_1085, %get3A_1086] {strides = array<i32>} : memref<4x8192xf32, #tpu.memory_space<vmem>>, vector<1x16xf32>,
        %get3A_1088 = vector.shape_cast %get3A_1087 : vector<1x16xf32> to vector<16xf32>
        %add3A_1089 = arith.constant 112 : i32
        %add3A_1090 = arith.addi %mul3A_1039, %add3A_1089 : i32
        %get3A_1091 = arith.constant 3 : i32
        %get3A_1092 = arith.index_cast %get3A_1091 : i32 to index
        %get3A_1093 = arith.index_cast %add3A_1090 : i32 to index
        %get3A_1094 = tpu.vector_load %arg12[%get3A_1092, %get3A_1093] {strides = array<i32>} : memref<4x8192xf32, #tpu.memory_space<vmem>>, vector<1x16xf32>,
        %get3A_1095 = vector.shape_cast %get3A_1094 : vector<1x16xf32> to vector<16xf32>
        %exp3A = math.exp %get3A_1046 : vector<16xf32>
        %add3A_1096 = arith.addf %scan3A_1030, %exp3A : vector<16xf32>
        %exp3A_1097 = math.exp %get3A_1053 : vector<16xf32>
        %add3A_1098 = arith.addf %scan3A_1031, %exp3A_1097 : vector<16xf32>
        %exp3A_1099 = math.exp %get3A_1060 : vector<16xf32>
        %add3A_1100 = arith.addf %scan3A_1032, %exp3A_1099 : vector<16xf32>
        %exp3A_1101 = math.exp %get3A_1067 : vector<16xf32>
        %add3A_1102 = arith.addf %scan3A_1033, %exp3A_1101 : vector<16xf32>
        %exp3A_1103 = math.exp %get3A_1074 : vector<16xf32>
        %add3A_1104 = arith.addf %scan3A_1034, %exp3A_1103 : vector<16xf32>
        %exp3A_1105 = math.exp %get3A_1081 : vector<16xf32>
        %add3A_1106 = arith.addf %scan3A_1035, %exp3A_1105 : vector<16xf32>
        %exp3A_1107 = math.exp %get3A_1088 : vector<16xf32>
        %add3A_1108 = arith.addf %scan3A_1036, %exp3A_1107 : vector<16xf32>
        %exp3A_1109 = math.exp %get3A_1095 : vector<16xf32>
        %add3A_1110 = arith.addf %scan3A_1037, %exp3A_1109 : vector<16xf32>
        scf.yield %add3A_1096, %add3A_1098, %add3A_1100, %add3A_1102, %add3A_1104, %add3A_1106, %add3A_1108, %add3A_1110 : vector<16xf32>, vector<16xf32>, vector<16xf32>, vector<16xf32>, vector<16xf32>, vector<16xf32>, vector<16xf32>, vector<16xf32>
      }
      %scan3A_934 = arith.constant 64 : i32
      %add3A_935 = arith.addf %scan3A_933#0, %scan3A_933#1 : vector<16xf32>
      %add3A_936 = arith.addf %add3A_935, %scan3A_933#2 : vector<16xf32>
      %add3A_937 = arith.addf %add3A_936, %scan3A_933#3 : vector<16xf32>
      %add3A_938 = arith.addf %add3A_937, %scan3A_933#4 : vector<16xf32>
      %add3A_939 = arith.addf %add3A_938, %scan3A_933#5 : vector<16xf32>
      %add3A_940 = arith.addf %add3A_939, %scan3A_933#6 : vector<16xf32>
      %add3A_941 = arith.addf %add3A_940, %scan3A_933#7 : vector<16xf32>
      %mul3A_942 = arith.constant 4 : i32
      %mul3A_943 = arith.muli %add3A_821, %mul3A_942 : i32
      %add3A_944 = arith.constant 3 : i32
      %add3A_945 = arith.addi %mul3A_943, %add3A_944 : i32
      %swap3A_946 = arith.index_cast %add3A_945 : i32 to index
      %swap3A_947 = arith.constant 0 : index
      %swap3A_948 = tpu.vector_load %arg13[%swap3A_946, %swap3A_947] {strides = array<i32>} : memref<128x16xf32, #tpu.memory_space<vmem>>, vector<1x16xf32>,
      %swap3A_949 = vector.shape_cast %swap3A_948 : vector<1x16xf32> to vector<16xf32>
      %swap3A_950 = vector.shape_cast %add3A_941 : vector<16xf32> to vector<1x16xf32>
      tpu.vector_store %arg13[%swap3A_946, %swap3A_947], %swap3A_950 {strides = array<i32>} : memref<128x16xf32, #tpu.memory_space<vmem>>, vector<1x16xf32>,
      %mul3A_951 = arith.constant 16 : i32
      %mul3A_952 = arith.muli %add3A_821, %mul3A_951 : i32
      %multiple_of3A_953 = tpu.assume_multiple %mul3A_952, 16 : i32
      %get3A_954 = arith.index_cast %multiple_of3A_953 : i32 to index
      %get3A_955 = tpu.vector_load %arg9[%get3A_954] {strides = array<i32>} : memref<512xi32, #tpu.memory_space<vmem>>, vector<16xi32>,
      %get3A_956 = vector.shape_cast %get3A_955 : vector<16xi32> to vector<16xi32>
      %slice3A_957 = vector.extract_strided_slice %get3A_956 {offsets = [0], sizes = [1], strides = [1]} : vector<16xi32> to vector<1xi32>
      %squeeze3A_958 = vector.extract %slice3A_957[0] : i32 from vector<1xi32>
      %and3A_959 = arith.constant -16 : i32
      %and3A_960 = arith.andi %squeeze3A_958, %and3A_959 : i32
      %multiple_of3A_961 = tpu.assume_multiple %and3A_960, 16 : i32
      %get3A_962 = arith.constant 0 : i32
      %get3A_963 = arith.index_cast %get3A_962 : i32 to index
      %get3A_964 = arith.index_cast %multiple_of3A_961 : i32 to index
      %get3A_965 = tpu.vector_load %arg12[%get3A_963, %get3A_964] {strides = array<i32>} : memref<4x8192xf32, #tpu.memory_space<vmem>>, vector<1x16xf32>,
      %get3A_966 = vector.shape_cast %get3A_965 : vector<1x16xf32> to vector<16xf32>
      %and3A_967 = arith.constant 15 : i32
      %and3A_968 = arith.andi %squeeze3A_958, %and3A_967 : i32
      %eq3A_969 = vector.broadcast %and3A_968 : i32 to vector<16xi32>
      %eq3A_970 = arith.cmpi eq, %iota3A, %eq3A_969 : vector<16xi32>
      %broadcast_in_dim3A_971 = arith.constant 0.000000e+00 : f32
      %broadcast_in_dim3A_972 = vector.broadcast %broadcast_in_dim3A_971 : f32 to vector<16xf32>
      %select_n3A_973 = arith.select %eq3A_970, %get3A_966, %broadcast_in_dim3A_972 : vector<16xi1>, vector<16xf32>
      %add3A_974 = arith.addf %add3A_817, %select_n3A_973 : vector<16xf32>
      %slice3A_975 = vector.extract_strided_slice %get3A_956 {offsets = [1], sizes = [1], strides = [1]} : vector<16xi32> to vector<1xi32>
      %squeeze3A_976 = vector.extract %slice3A_975[0] : i32 from vector<1xi32>
      %and3A_977 = arith.constant -16 : i32
      %and3A_978 = arith.andi %squeeze3A_976, %and3A_977 : i32
      %multiple_of3A_979 = tpu.assume_multiple %and3A_978, 16 : i32
      %get3A_980 = arith.constant 1 : i32
      %get3A_981 = arith.index_cast %get3A_980 : i32 to index
      %get3A_982 = arith.index_cast %multiple_of3A_979 : i32 to index
      %get3A_983 = tpu.vector_load %arg12[%get3A_981, %get3A_982] {strides = array<i32>} : memref<4x8192xf32, #tpu.memory_space<vmem>>, vector<1x16xf32>,
      %get3A_984 = vector.shape_cast %get3A_983 : vector<1x16xf32> to vector<16xf32>
      %and3A_985 = arith.constant 15 : i32
      %and3A_986 = arith.andi %squeeze3A_976, %and3A_985 : i32
      %eq3A_987 = vector.broadcast %and3A_986 : i32 to vector<16xi32>
      %eq3A_988 = arith.cmpi eq, %iota3A, %eq3A_987 : vector<16xi32>
      %broadcast_in_dim3A_989 = arith.constant 0.000000e+00 : f32
      %broadcast_in_dim3A_990 = vector.broadcast %broadcast_in_dim3A_989 : f32 to vector<16xf32>
      %select_n3A_991 = arith.select %eq3A_988, %get3A_984, %broadcast_in_dim3A_990 : vector<16xi1>, vector<16xf32>
      %add3A_992 = arith.addf %add3A_974, %select_n3A_991 : vector<16xf32>
      %slice3A_993 = vector.extract_strided_slice %get3A_956 {offsets = [2], sizes = [1], strides = [1]} : vector<16xi32> to vector<1xi32>
      %squeeze3A_994 = vector.extract %slice3A_993[0] : i32 from vector<1xi32>
      %and3A_995 = arith.constant -16 : i32
      %and3A_996 = arith.andi %squeeze3A_994, %and3A_995 : i32
      %multiple_of3A_997 = tpu.assume_multiple %and3A_996, 16 : i32
      %get3A_998 = arith.constant 2 : i32
      %get3A_999 = arith.index_cast %get3A_998 : i32 to index
      %get3A_1000 = arith.index_cast %multiple_of3A_997 : i32 to index
      %get3A_1001 = tpu.vector_load %arg12[%get3A_999, %get3A_1000] {strides = array<i32>} : memref<4x8192xf32, #tpu.memory_space<vmem>>, vector<1x16xf32>,
      %get3A_1002 = vector.shape_cast %get3A_1001 : vector<1x16xf32> to vector<16xf32>
      %and3A_1003 = arith.constant 15 : i32
      %and3A_1004 = arith.andi %squeeze3A_994, %and3A_1003 : i32
      %eq3A_1005 = vector.broadcast %and3A_1004 : i32 to vector<16xi32>
      %eq3A_1006 = arith.cmpi eq, %iota3A, %eq3A_1005 : vector<16xi32>
      %broadcast_in_dim3A_1007 = arith.constant 0.000000e+00 : f32
      %broadcast_in_dim3A_1008 = vector.broadcast %broadcast_in_dim3A_1007 : f32 to vector<16xf32>
      %select_n3A_1009 = arith.select %eq3A_1006, %get3A_1002, %broadcast_in_dim3A_1008 : vector<16xi1>, vector<16xf32>
      %add3A_1010 = arith.addf %add3A_992, %select_n3A_1009 : vector<16xf32>
      %slice3A_1011 = vector.extract_strided_slice %get3A_956 {offsets = [3], sizes = [1], strides = [1]} : vector<16xi32> to vector<1xi32>
      %squeeze3A_1012 = vector.extract %slice3A_1011[0] : i32 from vector<1xi32>
      %and3A_1013 = arith.constant -16 : i32
      %and3A_1014 = arith.andi %squeeze3A_1012, %and3A_1013 : i32
      %multiple_of3A_1015 = tpu.assume_multiple %and3A_1014, 16 : i32
      %get3A_1016 = arith.constant 3 : i32
      %get3A_1017 = arith.index_cast %get3A_1016 : i32 to index
      %get3A_1018 = arith.index_cast %multiple_of3A_1015 : i32 to index
      %get3A_1019 = tpu.vector_load %arg12[%get3A_1017, %get3A_1018] {strides = array<i32>} : memref<4x8192xf32, #tpu.memory_space<vmem>>, vector<1x16xf32>,
      %get3A_1020 = vector.shape_cast %get3A_1019 : vector<1x16xf32> to vector<16xf32>
      %and3A_1021 = arith.constant 15 : i32
      %and3A_1022 = arith.andi %squeeze3A_1012, %and3A_1021 : i32
      %eq3A_1023 = vector.broadcast %and3A_1022 : i32 to vector<16xi32>
      %eq3A_1024 = arith.cmpi eq, %iota3A, %eq3A_1023 : vector<16xi32>
      %broadcast_in_dim3A_1025 = arith.constant 0.000000e+00 : f32
      %broadcast_in_dim3A_1026 = vector.broadcast %broadcast_in_dim3A_1025 : f32 to vector<16xf32>
      %select_n3A_1027 = arith.select %eq3A_1024, %get3A_1020, %broadcast_in_dim3A_1026 : vector<16xi1>, vector<16xf32>
      %add3A_1028 = arith.addf %add3A_1010, %select_n3A_1027 : vector<16xf32>
      scf.yield %add3A_1028 : vector<16xf32>
    }
    %scan3A_18 = arith.constant 10 : i32
    %mul3A_19 = arith.constant 128 : i32
    %mul3A_20 = arith.muli %add3A, %mul3A_19 : i32
    %add3A_21 = arith.constant 112 : i32
    %add3A_22 = arith.addi %mul3A_20, %add3A_21 : i32
    %dma_wait3A = arith.constant 0 : i32
    %dma_wait3A_23 = tpu.memref_slice %arg5[%add3A_22, %dma_wait3A] : memref<4096x8192xf32, #tpu.memory_space<hbm>> -> memref<4x8192xf32, #tpu.memory_space<hbm>>
    %dma_wait3A_24 = arith.constant 0 : i32
    %dma_wait3A_25 = tpu.memref_slice %arg5[%add3A_22, %dma_wait3A_24] : memref<4096x8192xf32, #tpu.memory_space<hbm>> -> memref<4x8192xf32, #tpu.memory_space<hbm>>
    tpu.wait_dma2 semaphore(%arg19 : memref<!tpu.dma_semaphore, #tpu.memory_space<semaphore_mem>>) src(%arg11 : memref<4x8192xf32, #tpu.memory_space<vmem>>) dst(%dma_wait3A_25 : memref<4x8192xf32, #tpu.memory_space<hbm>>)
    %dma_start3A_26 = arith.constant 31 : i32
    %dma_start3A_27 = arith.constant 0 : i32
    %dma_start3A_28 = tpu.memref_slice %arg8[%dma_start3A_26, %dma_start3A_27] : memref<32x4xi32, #tpu.memory_space<vmem>> -> memref<1x4xi32, #tpu.memory_space<vmem>>
    %dma_start3A_29 = tpu.memref_squeeze %dma_start3A_28 : memref<1x4xi32, #tpu.memory_space<vmem>> -> memref<4xi32, #tpu.memory_space<vmem>>
    %dma_start3A_30 = arith.constant 0 : i32
    %dma_start3A_31 = arith.constant 0 : i32
    %dma_start3A_32 = tpu.memref_slice %arg4[%dma_start3A_30, %dma_start3A_31] : memref<8192x8192xf32, #tpu.memory_space<hbm>> -> memref<8192x8192xf32, #tpu.memory_space<hbm>>
    tpu.enqueue_indirect_dma source(%dma_start3A_32 : memref<8192x8192xf32, #tpu.memory_space<hbm>>) target(%arg11 : memref<4x8192xf32, #tpu.memory_space<vmem>>) offsets(%dma_start3A_29 : memref<4xi32, #tpu.memory_space<vmem>>) semaphore(%arg16 : memref<!tpu.dma_semaphore, #tpu.memory_space<semaphore_mem>>)
    %dma_wait3A_33 = arith.constant 30 : i32
    %dma_wait3A_34 = arith.constant 0 : i32
    %dma_wait3A_35 = tpu.memref_slice %arg8[%dma_wait3A_33, %dma_wait3A_34] : memref<32x4xi32, #tpu.memory_space<vmem>> -> memref<1x4xi32, #tpu.memory_space<vmem>>
    %dma_wait3A_36 = tpu.memref_squeeze %dma_wait3A_35 : memref<1x4xi32, #tpu.memory_space<vmem>> -> memref<4xi32, #tpu.memory_space<vmem>>
    %dma_wait3A_37 = arith.constant 0 : i32
    %dma_wait3A_38 = arith.constant 0 : i32
    %dma_wait3A_39 = tpu.memref_slice %arg4[%dma_wait3A_37, %dma_wait3A_38] : memref<8192x8192xf32, #tpu.memory_space<hbm>> -> memref<8192x8192xf32, #tpu.memory_space<hbm>>
    tpu.wait_indirect_dma semaphore(%arg15 : memref<!tpu.dma_semaphore, #tpu.memory_space<semaphore_mem>>) src(%dma_wait3A_39 : memref<8192x8192xf32, #tpu.memory_space<hbm>>) dst(%arg10 : memref<4x8192xf32, #tpu.memory_space<vmem>>)
    %mul3A_40 = arith.constant 128 : i32
    %mul3A_41 = arith.muli %add3A, %mul3A_40 : i32
    %add3A_42 = arith.constant 120 : i32
    %add3A_43 = arith.addi %mul3A_41, %add3A_42 : i32
    %dma_start3A_44 = arith.constant 0 : i32
    %dma_start3A_45 = tpu.memref_slice %arg5[%add3A_43, %dma_start3A_44] : memref<4096x8192xf32, #tpu.memory_space<hbm>> -> memref<4x8192xf32, #tpu.memory_space<hbm>>
    %dma_start3A_46 = arith.constant 0 : i32
    %dma_start3A_47 = tpu.memref_slice %arg5[%add3A_43, %dma_start3A_46] : memref<4096x8192xf32, #tpu.memory_space<hbm>> -> memref<4x8192xf32, #tpu.memory_space<hbm>>
    tpu.enqueue_dma source(%arg10 : memref<4x8192xf32, #tpu.memory_space<vmem>>) target(%dma_start3A_47 : memref<4x8192xf32, #tpu.memory_space<hbm>>) target_semaphore(%arg18 : memref<!tpu.dma_semaphore, #tpu.memory_space<semaphore_mem>>)
    %broadcast_in_dim3A_48 = arith.constant 0.000000e+00 : f32
    %broadcast_in_dim3A_49 = vector.broadcast %broadcast_in_dim3A_48 : f32 to vector<16xf32>
    %scan3A_50 = arith.constant 0 : i32
    %scan3A_51 = arith.constant 64 : i32
    %scan3A_52 = arith.addi %scan3A_50, %scan3A_51 : i32
    %scan3A_53 = arith.constant 1 : i32
    %scan3A_54:8 = scf.for %scan3A_407 = %scan3A_50 to %scan3A_52 step %scan3A_53 iter_args(%scan3A_408 = %broadcast_in_dim3A_49, %scan3A_409 = %broadcast_in_dim3A_49, %scan3A_410 = %broadcast_in_dim3A_49, %scan3A_411 = %broadcast_in_dim3A_49, %scan3A_412 = %broadcast_in_dim3A_49, %scan3A_413 = %broadcast_in_dim3A_49, %scan3A_414 = %broadcast_in_dim3A_49, %scan3A_415 = %broadcast_in_dim3A_49) -> (vector<16xf32>, vector<16xf32>, vector<16xf32>, vector<16xf32>, vector<16xf32>, vector<16xf32>, vector<16xf32>, vector<16xf32>)  : i32 {
      %mul3A_416 = arith.constant 128 : i32
      %mul3A_417 = arith.muli %scan3A_407, %mul3A_416 : i32
      %add3A_418 = arith.constant 0 : i32
      %add3A_419 = arith.addi %mul3A_417, %add3A_418 : i32
      %get3A_420 = arith.constant 0 : i32
      %get3A_421 = arith.index_cast %get3A_420 : i32 to index
      %get3A_422 = arith.index_cast %add3A_419 : i32 to index
      %get3A_423 = tpu.vector_load %arg10[%get3A_421, %get3A_422] {strides = array<i32>} : memref<4x8192xf32, #tpu.memory_space<vmem>>, vector<1x16xf32>,
      %get3A_424 = vector.shape_cast %get3A_423 : vector<1x16xf32> to vector<16xf32>
      %add3A_425 = arith.constant 16 : i32
      %add3A_426 = arith.addi %mul3A_417, %add3A_425 : i32
      %get3A_427 = arith.constant 0 : i32
      %get3A_428 = arith.index_cast %get3A_427 : i32 to index
      %get3A_429 = arith.index_cast %add3A_426 : i32 to index
      %get3A_430 = tpu.vector_load %arg10[%get3A_428, %get3A_429] {strides = array<i32>} : memref<4x8192xf32, #tpu.memory_space<vmem>>, vector<1x16xf32>,
      %get3A_431 = vector.shape_cast %get3A_430 : vector<1x16xf32> to vector<16xf32>
      %add3A_432 = arith.constant 32 : i32
      %add3A_433 = arith.addi %mul3A_417, %add3A_432 : i32
      %get3A_434 = arith.constant 0 : i32
      %get3A_435 = arith.index_cast %get3A_434 : i32 to index
      %get3A_436 = arith.index_cast %add3A_433 : i32 to index
      %get3A_437 = tpu.vector_load %arg10[%get3A_435, %get3A_436] {strides = array<i32>} : memref<4x8192xf32, #tpu.memory_space<vmem>>, vector<1x16xf32>,
      %get3A_438 = vector.shape_cast %get3A_437 : vector<1x16xf32> to vector<16xf32>
      %add3A_439 = arith.constant 48 : i32
      %add3A_440 = arith.addi %mul3A_417, %add3A_439 : i32
      %get3A_441 = arith.constant 0 : i32
      %get3A_442 = arith.index_cast %get3A_441 : i32 to index
      %get3A_443 = arith.index_cast %add3A_440 : i32 to index
      %get3A_444 = tpu.vector_load %arg10[%get3A_442, %get3A_443] {strides = array<i32>} : memref<4x8192xf32, #tpu.memory_space<vmem>>, vector<1x16xf32>,
      %get3A_445 = vector.shape_cast %get3A_444 : vector<1x16xf32> to vector<16xf32>
      %add3A_446 = arith.constant 64 : i32
      %add3A_447 = arith.addi %mul3A_417, %add3A_446 : i32
      %get3A_448 = arith.constant 0 : i32
      %get3A_449 = arith.index_cast %get3A_448 : i32 to index
      %get3A_450 = arith.index_cast %add3A_447 : i32 to index
      %get3A_451 = tpu.vector_load %arg10[%get3A_449, %get3A_450] {strides = array<i32>} : memref<4x8192xf32, #tpu.memory_space<vmem>>, vector<1x16xf32>,
      %get3A_452 = vector.shape_cast %get3A_451 : vector<1x16xf32> to vector<16xf32>
      %add3A_453 = arith.constant 80 : i32
      %add3A_454 = arith.addi %mul3A_417, %add3A_453 : i32
      %get3A_455 = arith.constant 0 : i32
      %get3A_456 = arith.index_cast %get3A_455 : i32 to index
      %get3A_457 = arith.index_cast %add3A_454 : i32 to index
      %get3A_458 = tpu.vector_load %arg10[%get3A_456, %get3A_457] {strides = array<i32>} : memref<4x8192xf32, #tpu.memory_space<vmem>>, vector<1x16xf32>,
      %get3A_459 = vector.shape_cast %get3A_458 : vector<1x16xf32> to vector<16xf32>
      %add3A_460 = arith.constant 96 : i32
      %add3A_461 = arith.addi %mul3A_417, %add3A_460 : i32
      %get3A_462 = arith.constant 0 : i32
      %get3A_463 = arith.index_cast %get3A_462 : i32 to index
      %get3A_464 = arith.index_cast %add3A_461 : i32 to index
      %get3A_465 = tpu.vector_load %arg10[%get3A_463, %get3A_464] {strides = array<i32>} : memref<4x8192xf32, #tpu.memory_space<vmem>>, vector<1x16xf32>,
      %get3A_466 = vector.shape_cast %get3A_465 : vector<1x16xf32> to vector<16xf32>
      %add3A_467 = arith.constant 112 : i32
      %add3A_468 = arith.addi %mul3A_417, %add3A_467 : i32
      %get3A_469 = arith.constant 0 : i32
      %get3A_470 = arith.index_cast %get3A_469 : i32 to index
      %get3A_471 = arith.index_cast %add3A_468 : i32 to index
      %get3A_472 = tpu.vector_load %arg10[%get3A_470, %get3A_471] {strides = array<i32>} : memref<4x8192xf32, #tpu.memory_space<vmem>>, vector<1x16xf32>,
      %get3A_473 = vector.shape_cast %get3A_472 : vector<1x16xf32> to vector<16xf32>
      %exp3A = math.exp %get3A_424 : vector<16xf32>
      %add3A_474 = arith.addf %scan3A_408, %exp3A : vector<16xf32>
      %exp3A_475 = math.exp %get3A_431 : vector<16xf32>
      %add3A_476 = arith.addf %scan3A_409, %exp3A_475 : vector<16xf32>
      %exp3A_477 = math.exp %get3A_438 : vector<16xf32>
      %add3A_478 = arith.addf %scan3A_410, %exp3A_477 : vector<16xf32>
      %exp3A_479 = math.exp %get3A_445 : vector<16xf32>
      %add3A_480 = arith.addf %scan3A_411, %exp3A_479 : vector<16xf32>
      %exp3A_481 = math.exp %get3A_452 : vector<16xf32>
      %add3A_482 = arith.addf %scan3A_412, %exp3A_481 : vector<16xf32>
      %exp3A_483 = math.exp %get3A_459 : vector<16xf32>
      %add3A_484 = arith.addf %scan3A_413, %exp3A_483 : vector<16xf32>
      %exp3A_485 = math.exp %get3A_466 : vector<16xf32>
      %add3A_486 = arith.addf %scan3A_414, %exp3A_485 : vector<16xf32>
      %exp3A_487 = math.exp %get3A_473 : vector<16xf32>
      %add3A_488 = arith.addf %scan3A_415, %exp3A_487 : vector<16xf32>
      scf.yield %add3A_474, %add3A_476, %add3A_478, %add3A_480, %add3A_482, %add3A_484, %add3A_486, %add3A_488 : vector<16xf32>, vector<16xf32>, vector<16xf32>, vector<16xf32>, vector<16xf32>, vector<16xf32>, vector<16xf32>, vector<16xf32>
    }
    %scan3A_55 = arith.constant 64 : i32
    %add3A_56 = arith.addf %scan3A_54#0, %scan3A_54#1 : vector<16xf32>
    %add3A_57 = arith.addf %add3A_56, %scan3A_54#2 : vector<16xf32>
    %add3A_58 = arith.addf %add3A_57, %scan3A_54#3 : vector<16xf32>
    %add3A_59 = arith.addf %add3A_58, %scan3A_54#4 : vector<16xf32>
    %add3A_60 = arith.addf %add3A_59, %scan3A_54#5 : vector<16xf32>
    %add3A_61 = arith.addf %add3A_60, %scan3A_54#6 : vector<16xf32>
    %add3A_62 = arith.addf %add3A_61, %scan3A_54#7 : vector<16xf32>
    %swap3A = arith.constant 120 : i32
    %swap3A_63 = arith.index_cast %swap3A : i32 to index
    %swap3A_64 = arith.constant 0 : index
    %swap3A_65 = tpu.vector_load %arg13[%swap3A_63, %swap3A_64] {strides = array<i32>} : memref<128x16xf32, #tpu.memory_space<vmem>>, vector<1x16xf32>,
    %swap3A_66 = vector.shape_cast %swap3A_65 : vector<1x16xf32> to vector<16xf32>
    %swap3A_67 = vector.shape_cast %add3A_62 : vector<16xf32> to vector<1x16xf32>
    tpu.vector_store %arg13[%swap3A_63, %swap3A_64], %swap3A_67 {strides = array<i32>} : memref<128x16xf32, #tpu.memory_space<vmem>>, vector<1x16xf32>,
    %broadcast_in_dim3A_68 = arith.constant 0.000000e+00 : f32
    %broadcast_in_dim3A_69 = vector.broadcast %broadcast_in_dim3A_68 : f32 to vector<16xf32>
    %scan3A_70 = arith.constant 0 : i32
    %scan3A_71 = arith.constant 64 : i32
    %scan3A_72 = arith.addi %scan3A_70, %scan3A_71 : i32
    %scan3A_73 = arith.constant 1 : i32
    %scan3A_74:8 = scf.for %scan3A_407 = %scan3A_70 to %scan3A_72 step %scan3A_73 iter_args(%scan3A_408 = %broadcast_in_dim3A_69, %scan3A_409 = %broadcast_in_dim3A_69, %scan3A_410 = %broadcast_in_dim3A_69, %scan3A_411 = %broadcast_in_dim3A_69, %scan3A_412 = %broadcast_in_dim3A_69, %scan3A_413 = %broadcast_in_dim3A_69, %scan3A_414 = %broadcast_in_dim3A_69, %scan3A_415 = %broadcast_in_dim3A_69) -> (vector<16xf32>, vector<16xf32>, vector<16xf32>, vector<16xf32>, vector<16xf32>, vector<16xf32>, vector<16xf32>, vector<16xf32>)  : i32 {
      %mul3A_416 = arith.constant 128 : i32
      %mul3A_417 = arith.muli %scan3A_407, %mul3A_416 : i32
      %add3A_418 = arith.constant 0 : i32
      %add3A_419 = arith.addi %mul3A_417, %add3A_418 : i32
      %get3A_420 = arith.constant 1 : i32
      %get3A_421 = arith.index_cast %get3A_420 : i32 to index
      %get3A_422 = arith.index_cast %add3A_419 : i32 to index
      %get3A_423 = tpu.vector_load %arg10[%get3A_421, %get3A_422] {strides = array<i32>} : memref<4x8192xf32, #tpu.memory_space<vmem>>, vector<1x16xf32>,
      %get3A_424 = vector.shape_cast %get3A_423 : vector<1x16xf32> to vector<16xf32>
      %add3A_425 = arith.constant 16 : i32
      %add3A_426 = arith.addi %mul3A_417, %add3A_425 : i32
      %get3A_427 = arith.constant 1 : i32
      %get3A_428 = arith.index_cast %get3A_427 : i32 to index
      %get3A_429 = arith.index_cast %add3A_426 : i32 to index
      %get3A_430 = tpu.vector_load %arg10[%get3A_428, %get3A_429] {strides = array<i32>} : memref<4x8192xf32, #tpu.memory_space<vmem>>, vector<1x16xf32>,
      %get3A_431 = vector.shape_cast %get3A_430 : vector<1x16xf32> to vector<16xf32>
      %add3A_432 = arith.constant 32 : i32
      %add3A_433 = arith.addi %mul3A_417, %add3A_432 : i32
      %get3A_434 = arith.constant 1 : i32
      %get3A_435 = arith.index_cast %get3A_434 : i32 to index
      %get3A_436 = arith.index_cast %add3A_433 : i32 to index
      %get3A_437 = tpu.vector_load %arg10[%get3A_435, %get3A_436] {strides = array<i32>} : memref<4x8192xf32, #tpu.memory_space<vmem>>, vector<1x16xf32>,
      %get3A_438 = vector.shape_cast %get3A_437 : vector<1x16xf32> to vector<16xf32>
      %add3A_439 = arith.constant 48 : i32
      %add3A_440 = arith.addi %mul3A_417, %add3A_439 : i32
      %get3A_441 = arith.constant 1 : i32
      %get3A_442 = arith.index_cast %get3A_441 : i32 to index
      %get3A_443 = arith.index_cast %add3A_440 : i32 to index
      %get3A_444 = tpu.vector_load %arg10[%get3A_442, %get3A_443] {strides = array<i32>} : memref<4x8192xf32, #tpu.memory_space<vmem>>, vector<1x16xf32>,
      %get3A_445 = vector.shape_cast %get3A_444 : vector<1x16xf32> to vector<16xf32>
      %add3A_446 = arith.constant 64 : i32
      %add3A_447 = arith.addi %mul3A_417, %add3A_446 : i32
      %get3A_448 = arith.constant 1 : i32
      %get3A_449 = arith.index_cast %get3A_448 : i32 to index
      %get3A_450 = arith.index_cast %add3A_447 : i32 to index
      %get3A_451 = tpu.vector_load %arg10[%get3A_449, %get3A_450] {strides = array<i32>} : memref<4x8192xf32, #tpu.memory_space<vmem>>, vector<1x16xf32>,
      %get3A_452 = vector.shape_cast %get3A_451 : vector<1x16xf32> to vector<16xf32>
      %add3A_453 = arith.constant 80 : i32
      %add3A_454 = arith.addi %mul3A_417, %add3A_453 : i32
      %get3A_455 = arith.constant 1 : i32
      %get3A_456 = arith.index_cast %get3A_455 : i32 to index
      %get3A_457 = arith.index_cast %add3A_454 : i32 to index
      %get3A_458 = tpu.vector_load %arg10[%get3A_456, %get3A_457] {strides = array<i32>} : memref<4x8192xf32, #tpu.memory_space<vmem>>, vector<1x16xf32>,
      %get3A_459 = vector.shape_cast %get3A_458 : vector<1x16xf32> to vector<16xf32>
      %add3A_460 = arith.constant 96 : i32
      %add3A_461 = arith.addi %mul3A_417, %add3A_460 : i32
      %get3A_462 = arith.constant 1 : i32
      %get3A_463 = arith.index_cast %get3A_462 : i32 to index
      %get3A_464 = arith.index_cast %add3A_461 : i32 to index
      %get3A_465 = tpu.vector_load %arg10[%get3A_463, %get3A_464] {strides = array<i32>} : memref<4x8192xf32, #tpu.memory_space<vmem>>, vector<1x16xf32>,
      %get3A_466 = vector.shape_cast %get3A_465 : vector<1x16xf32> to vector<16xf32>
      %add3A_467 = arith.constant 112 : i32
      %add3A_468 = arith.addi %mul3A_417, %add3A_467 : i32
      %get3A_469 = arith.constant 1 : i32
      %get3A_470 = arith.index_cast %get3A_469 : i32 to index
      %get3A_471 = arith.index_cast %add3A_468 : i32 to index
      %get3A_472 = tpu.vector_load %arg10[%get3A_470, %get3A_471] {strides = array<i32>} : memref<4x8192xf32, #tpu.memory_space<vmem>>, vector<1x16xf32>,
      %get3A_473 = vector.shape_cast %get3A_472 : vector<1x16xf32> to vector<16xf32>
      %exp3A = math.exp %get3A_424 : vector<16xf32>
      %add3A_474 = arith.addf %scan3A_408, %exp3A : vector<16xf32>
      %exp3A_475 = math.exp %get3A_431 : vector<16xf32>
      %add3A_476 = arith.addf %scan3A_409, %exp3A_475 : vector<16xf32>
      %exp3A_477 = math.exp %get3A_438 : vector<16xf32>
      %add3A_478 = arith.addf %scan3A_410, %exp3A_477 : vector<16xf32>
      %exp3A_479 = math.exp %get3A_445 : vector<16xf32>
      %add3A_480 = arith.addf %scan3A_411, %exp3A_479 : vector<16xf32>
      %exp3A_481 = math.exp %get3A_452 : vector<16xf32>
      %add3A_482 = arith.addf %scan3A_412, %exp3A_481 : vector<16xf32>
      %exp3A_483 = math.exp %get3A_459 : vector<16xf32>
      %add3A_484 = arith.addf %scan3A_413, %exp3A_483 : vector<16xf32>
      %exp3A_485 = math.exp %get3A_466 : vector<16xf32>
      %add3A_486 = arith.addf %scan3A_414, %exp3A_485 : vector<16xf32>
      %exp3A_487 = math.exp %get3A_473 : vector<16xf32>
      %add3A_488 = arith.addf %scan3A_415, %exp3A_487 : vector<16xf32>
      scf.yield %add3A_474, %add3A_476, %add3A_478, %add3A_480, %add3A_482, %add3A_484, %add3A_486, %add3A_488 : vector<16xf32>, vector<16xf32>, vector<16xf32>, vector<16xf32>, vector<16xf32>, vector<16xf32>, vector<16xf32>, vector<16xf32>
    }
    %scan3A_75 = arith.constant 64 : i32
    %add3A_76 = arith.addf %scan3A_74#0, %scan3A_74#1 : vector<16xf32>
    %add3A_77 = arith.addf %add3A_76, %scan3A_74#2 : vector<16xf32>
    %add3A_78 = arith.addf %add3A_77, %scan3A_74#3 : vector<16xf32>
    %add3A_79 = arith.addf %add3A_78, %scan3A_74#4 : vector<16xf32>
    %add3A_80 = arith.addf %add3A_79, %scan3A_74#5 : vector<16xf32>
    %add3A_81 = arith.addf %add3A_80, %scan3A_74#6 : vector<16xf32>
    %add3A_82 = arith.addf %add3A_81, %scan3A_74#7 : vector<16xf32>
    %swap3A_83 = arith.constant 121 : i32
    %swap3A_84 = arith.index_cast %swap3A_83 : i32 to index
    %swap3A_85 = arith.constant 0 : index
    %swap3A_86 = tpu.vector_load %arg13[%swap3A_84, %swap3A_85] {strides = array<i32>} : memref<128x16xf32, #tpu.memory_space<vmem>>, vector<1x16xf32>,
    %swap3A_87 = vector.shape_cast %swap3A_86 : vector<1x16xf32> to vector<16xf32>
    %swap3A_88 = vector.shape_cast %add3A_82 : vector<16xf32> to vector<1x16xf32>
    tpu.vector_store %arg13[%swap3A_84, %swap3A_85], %swap3A_88 {strides = array<i32>} : memref<128x16xf32, #tpu.memory_space<vmem>>, vector<1x16xf32>,
    %broadcast_in_dim3A_89 = arith.constant 0.000000e+00 : f32
    %broadcast_in_dim3A_90 = vector.broadcast %broadcast_in_dim3A_89 : f32 to vector<16xf32>
    %scan3A_91 = arith.constant 0 : i32
    %scan3A_92 = arith.constant 64 : i32
    %scan3A_93 = arith.addi %scan3A_91, %scan3A_92 : i32
    %scan3A_94 = arith.constant 1 : i32
    %scan3A_95:8 = scf.for %scan3A_407 = %scan3A_91 to %scan3A_93 step %scan3A_94 iter_args(%scan3A_408 = %broadcast_in_dim3A_90, %scan3A_409 = %broadcast_in_dim3A_90, %scan3A_410 = %broadcast_in_dim3A_90, %scan3A_411 = %broadcast_in_dim3A_90, %scan3A_412 = %broadcast_in_dim3A_90, %scan3A_413 = %broadcast_in_dim3A_90, %scan3A_414 = %broadcast_in_dim3A_90, %scan3A_415 = %broadcast_in_dim3A_90) -> (vector<16xf32>, vector<16xf32>, vector<16xf32>, vector<16xf32>, vector<16xf32>, vector<16xf32>, vector<16xf32>, vector<16xf32>)  : i32 {
      %mul3A_416 = arith.constant 128 : i32
      %mul3A_417 = arith.muli %scan3A_407, %mul3A_416 : i32
      %add3A_418 = arith.constant 0 : i32
      %add3A_419 = arith.addi %mul3A_417, %add3A_418 : i32
      %get3A_420 = arith.constant 2 : i32
      %get3A_421 = arith.index_cast %get3A_420 : i32 to index
      %get3A_422 = arith.index_cast %add3A_419 : i32 to index
      %get3A_423 = tpu.vector_load %arg10[%get3A_421, %get3A_422] {strides = array<i32>} : memref<4x8192xf32, #tpu.memory_space<vmem>>, vector<1x16xf32>,
      %get3A_424 = vector.shape_cast %get3A_423 : vector<1x16xf32> to vector<16xf32>
      %add3A_425 = arith.constant 16 : i32
      %add3A_426 = arith.addi %mul3A_417, %add3A_425 : i32
      %get3A_427 = arith.constant 2 : i32
      %get3A_428 = arith.index_cast %get3A_427 : i32 to index
      %get3A_429 = arith.index_cast %add3A_426 : i32 to index
      %get3A_430 = tpu.vector_load %arg10[%get3A_428, %get3A_429] {strides = array<i32>} : memref<4x8192xf32, #tpu.memory_space<vmem>>, vector<1x16xf32>,
      %get3A_431 = vector.shape_cast %get3A_430 : vector<1x16xf32> to vector<16xf32>
      %add3A_432 = arith.constant 32 : i32
      %add3A_433 = arith.addi %mul3A_417, %add3A_432 : i32
      %get3A_434 = arith.constant 2 : i32
      %get3A_435 = arith.index_cast %get3A_434 : i32 to index
      %get3A_436 = arith.index_cast %add3A_433 : i32 to index
      %get3A_437 = tpu.vector_load %arg10[%get3A_435, %get3A_436] {strides = array<i32>} : memref<4x8192xf32, #tpu.memory_space<vmem>>, vector<1x16xf32>,
      %get3A_438 = vector.shape_cast %get3A_437 : vector<1x16xf32> to vector<16xf32>
      %add3A_439 = arith.constant 48 : i32
      %add3A_440 = arith.addi %mul3A_417, %add3A_439 : i32
      %get3A_441 = arith.constant 2 : i32
      %get3A_442 = arith.index_cast %get3A_441 : i32 to index
      %get3A_443 = arith.index_cast %add3A_440 : i32 to index
      %get3A_444 = tpu.vector_load %arg10[%get3A_442, %get3A_443] {strides = array<i32>} : memref<4x8192xf32, #tpu.memory_space<vmem>>, vector<1x16xf32>,
      %get3A_445 = vector.shape_cast %get3A_444 : vector<1x16xf32> to vector<16xf32>
      %add3A_446 = arith.constant 64 : i32
      %add3A_447 = arith.addi %mul3A_417, %add3A_446 : i32
      %get3A_448 = arith.constant 2 : i32
      %get3A_449 = arith.index_cast %get3A_448 : i32 to index
      %get3A_450 = arith.index_cast %add3A_447 : i32 to index
      %get3A_451 = tpu.vector_load %arg10[%get3A_449, %get3A_450] {strides = array<i32>} : memref<4x8192xf32, #tpu.memory_space<vmem>>, vector<1x16xf32>,
      %get3A_452 = vector.shape_cast %get3A_451 : vector<1x16xf32> to vector<16xf32>
      %add3A_453 = arith.constant 80 : i32
      %add3A_454 = arith.addi %mul3A_417, %add3A_453 : i32
      %get3A_455 = arith.constant 2 : i32
      %get3A_456 = arith.index_cast %get3A_455 : i32 to index
      %get3A_457 = arith.index_cast %add3A_454 : i32 to index
      %get3A_458 = tpu.vector_load %arg10[%get3A_456, %get3A_457] {strides = array<i32>} : memref<4x8192xf32, #tpu.memory_space<vmem>>, vector<1x16xf32>,
      %get3A_459 = vector.shape_cast %get3A_458 : vector<1x16xf32> to vector<16xf32>
      %add3A_460 = arith.constant 96 : i32
      %add3A_461 = arith.addi %mul3A_417, %add3A_460 : i32
      %get3A_462 = arith.constant 2 : i32
      %get3A_463 = arith.index_cast %get3A_462 : i32 to index
      %get3A_464 = arith.index_cast %add3A_461 : i32 to index
      %get3A_465 = tpu.vector_load %arg10[%get3A_463, %get3A_464] {strides = array<i32>} : memref<4x8192xf32, #tpu.memory_space<vmem>>, vector<1x16xf32>,
      %get3A_466 = vector.shape_cast %get3A_465 : vector<1x16xf32> to vector<16xf32>
      %add3A_467 = arith.constant 112 : i32
      %add3A_468 = arith.addi %mul3A_417, %add3A_467 : i32
      %get3A_469 = arith.constant 2 : i32
      %get3A_470 = arith.index_cast %get3A_469 : i32 to index
      %get3A_471 = arith.index_cast %add3A_468 : i32 to index
      %get3A_472 = tpu.vector_load %arg10[%get3A_470, %get3A_471] {strides = array<i32>} : memref<4x8192xf32, #tpu.memory_space<vmem>>, vector<1x16xf32>,
      %get3A_473 = vector.shape_cast %get3A_472 : vector<1x16xf32> to vector<16xf32>
      %exp3A = math.exp %get3A_424 : vector<16xf32>
      %add3A_474 = arith.addf %scan3A_408, %exp3A : vector<16xf32>
      %exp3A_475 = math.exp %get3A_431 : vector<16xf32>
      %add3A_476 = arith.addf %scan3A_409, %exp3A_475 : vector<16xf32>
      %exp3A_477 = math.exp %get3A_438 : vector<16xf32>
      %add3A_478 = arith.addf %scan3A_410, %exp3A_477 : vector<16xf32>
      %exp3A_479 = math.exp %get3A_445 : vector<16xf32>
      %add3A_480 = arith.addf %scan3A_411, %exp3A_479 : vector<16xf32>
      %exp3A_481 = math.exp %get3A_452 : vector<16xf32>
      %add3A_482 = arith.addf %scan3A_412, %exp3A_481 : vector<16xf32>
      %exp3A_483 = math.exp %get3A_459 : vector<16xf32>
      %add3A_484 = arith.addf %scan3A_413, %exp3A_483 : vector<16xf32>
      %exp3A_485 = math.exp %get3A_466 : vector<16xf32>
      %add3A_486 = arith.addf %scan3A_414, %exp3A_485 : vector<16xf32>
      %exp3A_487 = math.exp %get3A_473 : vector<16xf32>
      %add3A_488 = arith.addf %scan3A_415, %exp3A_487 : vector<16xf32>
      scf.yield %add3A_474, %add3A_476, %add3A_478, %add3A_480, %add3A_482, %add3A_484, %add3A_486, %add3A_488 : vector<16xf32>, vector<16xf32>, vector<16xf32>, vector<16xf32>, vector<16xf32>, vector<16xf32>, vector<16xf32>, vector<16xf32>
    }
    %scan3A_96 = arith.constant 64 : i32
    %add3A_97 = arith.addf %scan3A_95#0, %scan3A_95#1 : vector<16xf32>
    %add3A_98 = arith.addf %add3A_97, %scan3A_95#2 : vector<16xf32>
    %add3A_99 = arith.addf %add3A_98, %scan3A_95#3 : vector<16xf32>
    %add3A_100 = arith.addf %add3A_99, %scan3A_95#4 : vector<16xf32>
    %add3A_101 = arith.addf %add3A_100, %scan3A_95#5 : vector<16xf32>
    %add3A_102 = arith.addf %add3A_101, %scan3A_95#6 : vector<16xf32>
    %add3A_103 = arith.addf %add3A_102, %scan3A_95#7 : vector<16xf32>
    %swap3A_104 = arith.constant 122 : i32
    %swap3A_105 = arith.index_cast %swap3A_104 : i32 to index
    %swap3A_106 = arith.constant 0 : index
    %swap3A_107 = tpu.vector_load %arg13[%swap3A_105, %swap3A_106] {strides = array<i32>} : memref<128x16xf32, #tpu.memory_space<vmem>>, vector<1x16xf32>,
    %swap3A_108 = vector.shape_cast %swap3A_107 : vector<1x16xf32> to vector<16xf32>
    %swap3A_109 = vector.shape_cast %add3A_103 : vector<16xf32> to vector<1x16xf32>
    tpu.vector_store %arg13[%swap3A_105, %swap3A_106], %swap3A_109 {strides = array<i32>} : memref<128x16xf32, #tpu.memory_space<vmem>>, vector<1x16xf32>,
    %broadcast_in_dim3A_110 = arith.constant 0.000000e+00 : f32
    %broadcast_in_dim3A_111 = vector.broadcast %broadcast_in_dim3A_110 : f32 to vector<16xf32>
    %scan3A_112 = arith.constant 0 : i32
    %scan3A_113 = arith.constant 64 : i32
    %scan3A_114 = arith.addi %scan3A_112, %scan3A_113 : i32
    %scan3A_115 = arith.constant 1 : i32
    %scan3A_116:8 = scf.for %scan3A_407 = %scan3A_112 to %scan3A_114 step %scan3A_115 iter_args(%scan3A_408 = %broadcast_in_dim3A_111, %scan3A_409 = %broadcast_in_dim3A_111, %scan3A_410 = %broadcast_in_dim3A_111, %scan3A_411 = %broadcast_in_dim3A_111, %scan3A_412 = %broadcast_in_dim3A_111, %scan3A_413 = %broadcast_in_dim3A_111, %scan3A_414 = %broadcast_in_dim3A_111, %scan3A_415 = %broadcast_in_dim3A_111) -> (vector<16xf32>, vector<16xf32>, vector<16xf32>, vector<16xf32>, vector<16xf32>, vector<16xf32>, vector<16xf32>, vector<16xf32>)  : i32 {
      %mul3A_416 = arith.constant 128 : i32
      %mul3A_417 = arith.muli %scan3A_407, %mul3A_416 : i32
      %add3A_418 = arith.constant 0 : i32
      %add3A_419 = arith.addi %mul3A_417, %add3A_418 : i32
      %get3A_420 = arith.constant 3 : i32
      %get3A_421 = arith.index_cast %get3A_420 : i32 to index
      %get3A_422 = arith.index_cast %add3A_419 : i32 to index
      %get3A_423 = tpu.vector_load %arg10[%get3A_421, %get3A_422] {strides = array<i32>} : memref<4x8192xf32, #tpu.memory_space<vmem>>, vector<1x16xf32>,
      %get3A_424 = vector.shape_cast %get3A_423 : vector<1x16xf32> to vector<16xf32>
      %add3A_425 = arith.constant 16 : i32
      %add3A_426 = arith.addi %mul3A_417, %add3A_425 : i32
      %get3A_427 = arith.constant 3 : i32
      %get3A_428 = arith.index_cast %get3A_427 : i32 to index
      %get3A_429 = arith.index_cast %add3A_426 : i32 to index
      %get3A_430 = tpu.vector_load %arg10[%get3A_428, %get3A_429] {strides = array<i32>} : memref<4x8192xf32, #tpu.memory_space<vmem>>, vector<1x16xf32>,
      %get3A_431 = vector.shape_cast %get3A_430 : vector<1x16xf32> to vector<16xf32>
      %add3A_432 = arith.constant 32 : i32
      %add3A_433 = arith.addi %mul3A_417, %add3A_432 : i32
      %get3A_434 = arith.constant 3 : i32
      %get3A_435 = arith.index_cast %get3A_434 : i32 to index
      %get3A_436 = arith.index_cast %add3A_433 : i32 to index
      %get3A_437 = tpu.vector_load %arg10[%get3A_435, %get3A_436] {strides = array<i32>} : memref<4x8192xf32, #tpu.memory_space<vmem>>, vector<1x16xf32>,
      %get3A_438 = vector.shape_cast %get3A_437 : vector<1x16xf32> to vector<16xf32>
      %add3A_439 = arith.constant 48 : i32
      %add3A_440 = arith.addi %mul3A_417, %add3A_439 : i32
      %get3A_441 = arith.constant 3 : i32
      %get3A_442 = arith.index_cast %get3A_441 : i32 to index
      %get3A_443 = arith.index_cast %add3A_440 : i32 to index
      %get3A_444 = tpu.vector_load %arg10[%get3A_442, %get3A_443] {strides = array<i32>} : memref<4x8192xf32, #tpu.memory_space<vmem>>, vector<1x16xf32>,
      %get3A_445 = vector.shape_cast %get3A_444 : vector<1x16xf32> to vector<16xf32>
      %add3A_446 = arith.constant 64 : i32
      %add3A_447 = arith.addi %mul3A_417, %add3A_446 : i32
      %get3A_448 = arith.constant 3 : i32
      %get3A_449 = arith.index_cast %get3A_448 : i32 to index
      %get3A_450 = arith.index_cast %add3A_447 : i32 to index
      %get3A_451 = tpu.vector_load %arg10[%get3A_449, %get3A_450] {strides = array<i32>} : memref<4x8192xf32, #tpu.memory_space<vmem>>, vector<1x16xf32>,
      %get3A_452 = vector.shape_cast %get3A_451 : vector<1x16xf32> to vector<16xf32>
      %add3A_453 = arith.constant 80 : i32
      %add3A_454 = arith.addi %mul3A_417, %add3A_453 : i32
      %get3A_455 = arith.constant 3 : i32
      %get3A_456 = arith.index_cast %get3A_455 : i32 to index
      %get3A_457 = arith.index_cast %add3A_454 : i32 to index
      %get3A_458 = tpu.vector_load %arg10[%get3A_456, %get3A_457] {strides = array<i32>} : memref<4x8192xf32, #tpu.memory_space<vmem>>, vector<1x16xf32>,
      %get3A_459 = vector.shape_cast %get3A_458 : vector<1x16xf32> to vector<16xf32>
      %add3A_460 = arith.constant 96 : i32
      %add3A_461 = arith.addi %mul3A_417, %add3A_460 : i32
      %get3A_462 = arith.constant 3 : i32
      %get3A_463 = arith.index_cast %get3A_462 : i32 to index
      %get3A_464 = arith.index_cast %add3A_461 : i32 to index
      %get3A_465 = tpu.vector_load %arg10[%get3A_463, %get3A_464] {strides = array<i32>} : memref<4x8192xf32, #tpu.memory_space<vmem>>, vector<1x16xf32>,
      %get3A_466 = vector.shape_cast %get3A_465 : vector<1x16xf32> to vector<16xf32>
      %add3A_467 = arith.constant 112 : i32
      %add3A_468 = arith.addi %mul3A_417, %add3A_467 : i32
      %get3A_469 = arith.constant 3 : i32
      %get3A_470 = arith.index_cast %get3A_469 : i32 to index
      %get3A_471 = arith.index_cast %add3A_468 : i32 to index
      %get3A_472 = tpu.vector_load %arg10[%get3A_470, %get3A_471] {strides = array<i32>} : memref<4x8192xf32, #tpu.memory_space<vmem>>, vector<1x16xf32>,
      %get3A_473 = vector.shape_cast %get3A_472 : vector<1x16xf32> to vector<16xf32>
      %exp3A = math.exp %get3A_424 : vector<16xf32>
      %add3A_474 = arith.addf %scan3A_408, %exp3A : vector<16xf32>
      %exp3A_475 = math.exp %get3A_431 : vector<16xf32>
      %add3A_476 = arith.addf %scan3A_409, %exp3A_475 : vector<16xf32>
      %exp3A_477 = math.exp %get3A_438 : vector<16xf32>
      %add3A_478 = arith.addf %scan3A_410, %exp3A_477 : vector<16xf32>
      %exp3A_479 = math.exp %get3A_445 : vector<16xf32>
      %add3A_480 = arith.addf %scan3A_411, %exp3A_479 : vector<16xf32>
      %exp3A_481 = math.exp %get3A_452 : vector<16xf32>
      %add3A_482 = arith.addf %scan3A_412, %exp3A_481 : vector<16xf32>
      %exp3A_483 = math.exp %get3A_459 : vector<16xf32>
      %add3A_484 = arith.addf %scan3A_413, %exp3A_483 : vector<16xf32>
      %exp3A_485 = math.exp %get3A_466 : vector<16xf32>
      %add3A_486 = arith.addf %scan3A_414, %exp3A_485 : vector<16xf32>
      %exp3A_487 = math.exp %get3A_473 : vector<16xf32>
      %add3A_488 = arith.addf %scan3A_415, %exp3A_487 : vector<16xf32>
      scf.yield %add3A_474, %add3A_476, %add3A_478, %add3A_480, %add3A_482, %add3A_484, %add3A_486, %add3A_488 : vector<16xf32>, vector<16xf32>, vector<16xf32>, vector<16xf32>, vector<16xf32>, vector<16xf32>, vector<16xf32>, vector<16xf32>
    }
    %scan3A_117 = arith.constant 64 : i32
    %add3A_118 = arith.addf %scan3A_116#0, %scan3A_116#1 : vector<16xf32>
    %add3A_119 = arith.addf %add3A_118, %scan3A_116#2 : vector<16xf32>
    %add3A_120 = arith.addf %add3A_119, %scan3A_116#3 : vector<16xf32>
    %add3A_121 = arith.addf %add3A_120, %scan3A_116#4 : vector<16xf32>
    %add3A_122 = arith.addf %add3A_121, %scan3A_116#5 : vector<16xf32>
    %add3A_123 = arith.addf %add3A_122, %scan3A_116#6 : vector<16xf32>
    %add3A_124 = arith.addf %add3A_123, %scan3A_116#7 : vector<16xf32>
    %swap3A_125 = arith.constant 123 : i32
    %swap3A_126 = arith.index_cast %swap3A_125 : i32 to index
    %swap3A_127 = arith.constant 0 : index
    %swap3A_128 = tpu.vector_load %arg13[%swap3A_126, %swap3A_127] {strides = array<i32>} : memref<128x16xf32, #tpu.memory_space<vmem>>, vector<1x16xf32>,
    %swap3A_129 = vector.shape_cast %swap3A_128 : vector<1x16xf32> to vector<16xf32>
    %swap3A_130 = vector.shape_cast %add3A_124 : vector<16xf32> to vector<1x16xf32>
    tpu.vector_store %arg13[%swap3A_126, %swap3A_127], %swap3A_130 {strides = array<i32>} : memref<128x16xf32, #tpu.memory_space<vmem>>, vector<1x16xf32>,
    %multiple_of3A = arith.constant 480 : i32
    %multiple_of3A_131 = tpu.assume_multiple %multiple_of3A, 16 : i32
    %get3A = arith.index_cast %multiple_of3A_131 : i32 to index
    %get3A_132 = tpu.vector_load %arg9[%get3A] {strides = array<i32>} : memref<512xi32, #tpu.memory_space<vmem>>, vector<16xi32>,
    %get3A_133 = vector.shape_cast %get3A_132 : vector<16xi32> to vector<16xi32>
    %slice3A = vector.extract_strided_slice %get3A_133 {offsets = [0], sizes = [1], strides = [1]} : vector<16xi32> to vector<1xi32>
    %squeeze3A = vector.extract %slice3A[0] : i32 from vector<1xi32>
    %and3A = arith.constant -16 : i32
    %and3A_134 = arith.andi %squeeze3A, %and3A : i32
    %multiple_of3A_135 = tpu.assume_multiple %and3A_134, 16 : i32
    %get3A_136 = arith.constant 0 : i32
    %get3A_137 = arith.index_cast %get3A_136 : i32 to index
    %get3A_138 = arith.index_cast %multiple_of3A_135 : i32 to index
    %get3A_139 = tpu.vector_load %arg10[%get3A_137, %get3A_138] {strides = array<i32>} : memref<4x8192xf32, #tpu.memory_space<vmem>>, vector<1x16xf32>,
    %get3A_140 = vector.shape_cast %get3A_139 : vector<1x16xf32> to vector<16xf32>
    %and3A_141 = arith.constant 15 : i32
    %and3A_142 = arith.andi %squeeze3A, %and3A_141 : i32
    %eq3A = vector.broadcast %and3A_142 : i32 to vector<16xi32>
    %eq3A_143 = arith.cmpi eq, %iota3A, %eq3A : vector<16xi32>
    %broadcast_in_dim3A_144 = arith.constant 0.000000e+00 : f32
    %broadcast_in_dim3A_145 = vector.broadcast %broadcast_in_dim3A_144 : f32 to vector<16xf32>
    %select_n3A = arith.select %eq3A_143, %get3A_140, %broadcast_in_dim3A_145 : vector<16xi1>, vector<16xf32>
    %add3A_146 = arith.addf %scan3A_17, %select_n3A : vector<16xf32>
    %slice3A_147 = vector.extract_strided_slice %get3A_133 {offsets = [1], sizes = [1], strides = [1]} : vector<16xi32> to vector<1xi32>
    %squeeze3A_148 = vector.extract %slice3A_147[0] : i32 from vector<1xi32>
    %and3A_149 = arith.constant -16 : i32
    %and3A_150 = arith.andi %squeeze3A_148, %and3A_149 : i32
    %multiple_of3A_151 = tpu.assume_multiple %and3A_150, 16 : i32
    %get3A_152 = arith.constant 1 : i32
    %get3A_153 = arith.index_cast %get3A_152 : i32 to index
    %get3A_154 = arith.index_cast %multiple_of3A_151 : i32 to index
    %get3A_155 = tpu.vector_load %arg10[%get3A_153, %get3A_154] {strides = array<i32>} : memref<4x8192xf32, #tpu.memory_space<vmem>>, vector<1x16xf32>,
    %get3A_156 = vector.shape_cast %get3A_155 : vector<1x16xf32> to vector<16xf32>
    %and3A_157 = arith.constant 15 : i32
    %and3A_158 = arith.andi %squeeze3A_148, %and3A_157 : i32
    %eq3A_159 = vector.broadcast %and3A_158 : i32 to vector<16xi32>
    %eq3A_160 = arith.cmpi eq, %iota3A, %eq3A_159 : vector<16xi32>
    %broadcast_in_dim3A_161 = arith.constant 0.000000e+00 : f32
    %broadcast_in_dim3A_162 = vector.broadcast %broadcast_in_dim3A_161 : f32 to vector<16xf32>
    %select_n3A_163 = arith.select %eq3A_160, %get3A_156, %broadcast_in_dim3A_162 : vector<16xi1>, vector<16xf32>
    %add3A_164 = arith.addf %add3A_146, %select_n3A_163 : vector<16xf32>
    %slice3A_165 = vector.extract_strided_slice %get3A_133 {offsets = [2], sizes = [1], strides = [1]} : vector<16xi32> to vector<1xi32>
    %squeeze3A_166 = vector.extract %slice3A_165[0] : i32 from vector<1xi32>
    %and3A_167 = arith.constant -16 : i32
    %and3A_168 = arith.andi %squeeze3A_166, %and3A_167 : i32
    %multiple_of3A_169 = tpu.assume_multiple %and3A_168, 16 : i32
    %get3A_170 = arith.constant 2 : i32
    %get3A_171 = arith.index_cast %get3A_170 : i32 to index
    %get3A_172 = arith.index_cast %multiple_of3A_169 : i32 to index
    %get3A_173 = tpu.vector_load %arg10[%get3A_171, %get3A_172] {strides = array<i32>} : memref<4x8192xf32, #tpu.memory_space<vmem>>, vector<1x16xf32>,
    %get3A_174 = vector.shape_cast %get3A_173 : vector<1x16xf32> to vector<16xf32>
    %and3A_175 = arith.constant 15 : i32
    %and3A_176 = arith.andi %squeeze3A_166, %and3A_175 : i32
    %eq3A_177 = vector.broadcast %and3A_176 : i32 to vector<16xi32>
    %eq3A_178 = arith.cmpi eq, %iota3A, %eq3A_177 : vector<16xi32>
    %broadcast_in_dim3A_179 = arith.constant 0.000000e+00 : f32
    %broadcast_in_dim3A_180 = vector.broadcast %broadcast_in_dim3A_179 : f32 to vector<16xf32>
    %select_n3A_181 = arith.select %eq3A_178, %get3A_174, %broadcast_in_dim3A_180 : vector<16xi1>, vector<16xf32>
    %add3A_182 = arith.addf %add3A_164, %select_n3A_181 : vector<16xf32>
    %slice3A_183 = vector.extract_strided_slice %get3A_133 {offsets = [3], sizes = [1], strides = [1]} : vector<16xi32> to vector<1xi32>
    %squeeze3A_184 = vector.extract %slice3A_183[0] : i32 from vector<1xi32>
    %and3A_185 = arith.constant -16 : i32
    %and3A_186 = arith.andi %squeeze3A_184, %and3A_185 : i32
    %multiple_of3A_187 = tpu.assume_multiple %and3A_186, 16 : i32
    %get3A_188 = arith.constant 3 : i32
    %get3A_189 = arith.index_cast %get3A_188 : i32 to index
    %get3A_190 = arith.index_cast %multiple_of3A_187 : i32 to index
    %get3A_191 = tpu.vector_load %arg10[%get3A_189, %get3A_190] {strides = array<i32>} : memref<4x8192xf32, #tpu.memory_space<vmem>>, vector<1x16xf32>,
    %get3A_192 = vector.shape_cast %get3A_191 : vector<1x16xf32> to vector<16xf32>
    %and3A_193 = arith.constant 15 : i32
    %and3A_194 = arith.andi %squeeze3A_184, %and3A_193 : i32
    %eq3A_195 = vector.broadcast %and3A_194 : i32 to vector<16xi32>
    %eq3A_196 = arith.cmpi eq, %iota3A, %eq3A_195 : vector<16xi32>
    %broadcast_in_dim3A_197 = arith.constant 0.000000e+00 : f32
    %broadcast_in_dim3A_198 = vector.broadcast %broadcast_in_dim3A_197 : f32 to vector<16xf32>
    %select_n3A_199 = arith.select %eq3A_196, %get3A_192, %broadcast_in_dim3A_198 : vector<16xi1>, vector<16xf32>
    %add3A_200 = arith.addf %add3A_182, %select_n3A_199 : vector<16xf32>
    %mul3A_201 = arith.constant 128 : i32
    %mul3A_202 = arith.muli %add3A, %mul3A_201 : i32
    %add3A_203 = arith.constant 116 : i32
    %add3A_204 = arith.addi %mul3A_202, %add3A_203 : i32
    %dma_wait3A_205 = arith.constant 0 : i32
    %dma_wait3A_206 = tpu.memref_slice %arg5[%add3A_204, %dma_wait3A_205] : memref<4096x8192xf32, #tpu.memory_space<hbm>> -> memref<4x8192xf32, #tpu.memory_space<hbm>>
    %dma_wait3A_207 = arith.constant 0 : i32
    %dma_wait3A_208 = tpu.memref_slice %arg5[%add3A_204, %dma_wait3A_207] : memref<4096x8192xf32, #tpu.memory_space<hbm>> -> memref<4x8192xf32, #tpu.memory_space<hbm>>
    tpu.wait_dma2 semaphore(%arg20 : memref<!tpu.dma_semaphore, #tpu.memory_space<semaphore_mem>>) src(%arg12 : memref<4x8192xf32, #tpu.memory_space<vmem>>) dst(%dma_wait3A_208 : memref<4x8192xf32, #tpu.memory_space<hbm>>)
    %dma_wait3A_209 = arith.constant 31 : i32
    %dma_wait3A_210 = arith.constant 0 : i32
    %dma_wait3A_211 = tpu.memref_slice %arg8[%dma_wait3A_209, %dma_wait3A_210] : memref<32x4xi32, #tpu.memory_space<vmem>> -> memref<1x4xi32, #tpu.memory_space<vmem>>
    %dma_wait3A_212 = tpu.memref_squeeze %dma_wait3A_211 : memref<1x4xi32, #tpu.memory_space<vmem>> -> memref<4xi32, #tpu.memory_space<vmem>>
    %dma_wait3A_213 = arith.constant 0 : i32
    %dma_wait3A_214 = arith.constant 0 : i32
    %dma_wait3A_215 = tpu.memref_slice %arg4[%dma_wait3A_213, %dma_wait3A_214] : memref<8192x8192xf32, #tpu.memory_space<hbm>> -> memref<8192x8192xf32, #tpu.memory_space<hbm>>
    tpu.wait_indirect_dma semaphore(%arg16 : memref<!tpu.dma_semaphore, #tpu.memory_space<semaphore_mem>>) src(%dma_wait3A_215 : memref<8192x8192xf32, #tpu.memory_space<hbm>>) dst(%arg11 : memref<4x8192xf32, #tpu.memory_space<vmem>>)
    %mul3A_216 = arith.constant 128 : i32
    %mul3A_217 = arith.muli %add3A, %mul3A_216 : i32
    %add3A_218 = arith.constant 124 : i32
    %add3A_219 = arith.addi %mul3A_217, %add3A_218 : i32
    %dma_start3A_220 = arith.constant 0 : i32
    %dma_start3A_221 = tpu.memref_slice %arg5[%add3A_219, %dma_start3A_220] : memref<4096x8192xf32, #tpu.memory_space<hbm>> -> memref<4x8192xf32, #tpu.memory_space<hbm>>
    %dma_start3A_222 = arith.constant 0 : i32
    %dma_start3A_223 = tpu.memref_slice %arg5[%add3A_219, %dma_start3A_222] : memref<4096x8192xf32, #tpu.memory_space<hbm>> -> memref<4x8192xf32, #tpu.memory_space<hbm>>
    tpu.enqueue_dma source(%arg11 : memref<4x8192xf32, #tpu.memory_space<vmem>>) target(%dma_start3A_223 : memref<4x8192xf32, #tpu.memory_space<hbm>>) target_semaphore(%arg19 : memref<!tpu.dma_semaphore, #tpu.memory_space<semaphore_mem>>)
    %broadcast_in_dim3A_224 = arith.constant 0.000000e+00 : f32
    %broadcast_in_dim3A_225 = vector.broadcast %broadcast_in_dim3A_224 : f32 to vector<16xf32>
    %scan3A_226 = arith.constant 0 : i32
    %scan3A_227 = arith.constant 64 : i32
    %scan3A_228 = arith.addi %scan3A_226, %scan3A_227 : i32
    %scan3A_229 = arith.constant 1 : i32
    %scan3A_230:8 = scf.for %scan3A_407 = %scan3A_226 to %scan3A_228 step %scan3A_229 iter_args(%scan3A_408 = %broadcast_in_dim3A_225, %scan3A_409 = %broadcast_in_dim3A_225, %scan3A_410 = %broadcast_in_dim3A_225, %scan3A_411 = %broadcast_in_dim3A_225, %scan3A_412 = %broadcast_in_dim3A_225, %scan3A_413 = %broadcast_in_dim3A_225, %scan3A_414 = %broadcast_in_dim3A_225, %scan3A_415 = %broadcast_in_dim3A_225) -> (vector<16xf32>, vector<16xf32>, vector<16xf32>, vector<16xf32>, vector<16xf32>, vector<16xf32>, vector<16xf32>, vector<16xf32>)  : i32 {
      %mul3A_416 = arith.constant 128 : i32
      %mul3A_417 = arith.muli %scan3A_407, %mul3A_416 : i32
      %add3A_418 = arith.constant 0 : i32
      %add3A_419 = arith.addi %mul3A_417, %add3A_418 : i32
      %get3A_420 = arith.constant 0 : i32
      %get3A_421 = arith.index_cast %get3A_420 : i32 to index
      %get3A_422 = arith.index_cast %add3A_419 : i32 to index
      %get3A_423 = tpu.vector_load %arg11[%get3A_421, %get3A_422] {strides = array<i32>} : memref<4x8192xf32, #tpu.memory_space<vmem>>, vector<1x16xf32>,
      %get3A_424 = vector.shape_cast %get3A_423 : vector<1x16xf32> to vector<16xf32>
      %add3A_425 = arith.constant 16 : i32
      %add3A_426 = arith.addi %mul3A_417, %add3A_425 : i32
      %get3A_427 = arith.constant 0 : i32
      %get3A_428 = arith.index_cast %get3A_427 : i32 to index
      %get3A_429 = arith.index_cast %add3A_426 : i32 to index
      %get3A_430 = tpu.vector_load %arg11[%get3A_428, %get3A_429] {strides = array<i32>} : memref<4x8192xf32, #tpu.memory_space<vmem>>, vector<1x16xf32>,
      %get3A_431 = vector.shape_cast %get3A_430 : vector<1x16xf32> to vector<16xf32>
      %add3A_432 = arith.constant 32 : i32
      %add3A_433 = arith.addi %mul3A_417, %add3A_432 : i32
      %get3A_434 = arith.constant 0 : i32
      %get3A_435 = arith.index_cast %get3A_434 : i32 to index
      %get3A_436 = arith.index_cast %add3A_433 : i32 to index
      %get3A_437 = tpu.vector_load %arg11[%get3A_435, %get3A_436] {strides = array<i32>} : memref<4x8192xf32, #tpu.memory_space<vmem>>, vector<1x16xf32>,
      %get3A_438 = vector.shape_cast %get3A_437 : vector<1x16xf32> to vector<16xf32>
      %add3A_439 = arith.constant 48 : i32
      %add3A_440 = arith.addi %mul3A_417, %add3A_439 : i32
      %get3A_441 = arith.constant 0 : i32
      %get3A_442 = arith.index_cast %get3A_441 : i32 to index
      %get3A_443 = arith.index_cast %add3A_440 : i32 to index
      %get3A_444 = tpu.vector_load %arg11[%get3A_442, %get3A_443] {strides = array<i32>} : memref<4x8192xf32, #tpu.memory_space<vmem>>, vector<1x16xf32>,
      %get3A_445 = vector.shape_cast %get3A_444 : vector<1x16xf32> to vector<16xf32>
      %add3A_446 = arith.constant 64 : i32
      %add3A_447 = arith.addi %mul3A_417, %add3A_446 : i32
      %get3A_448 = arith.constant 0 : i32
      %get3A_449 = arith.index_cast %get3A_448 : i32 to index
      %get3A_450 = arith.index_cast %add3A_447 : i32 to index
      %get3A_451 = tpu.vector_load %arg11[%get3A_449, %get3A_450] {strides = array<i32>} : memref<4x8192xf32, #tpu.memory_space<vmem>>, vector<1x16xf32>,
      %get3A_452 = vector.shape_cast %get3A_451 : vector<1x16xf32> to vector<16xf32>
      %add3A_453 = arith.constant 80 : i32
      %add3A_454 = arith.addi %mul3A_417, %add3A_453 : i32
      %get3A_455 = arith.constant 0 : i32
      %get3A_456 = arith.index_cast %get3A_455 : i32 to index
      %get3A_457 = arith.index_cast %add3A_454 : i32 to index
      %get3A_458 = tpu.vector_load %arg11[%get3A_456, %get3A_457] {strides = array<i32>} : memref<4x8192xf32, #tpu.memory_space<vmem>>, vector<1x16xf32>,
      %get3A_459 = vector.shape_cast %get3A_458 : vector<1x16xf32> to vector<16xf32>
      %add3A_460 = arith.constant 96 : i32
      %add3A_461 = arith.addi %mul3A_417, %add3A_460 : i32
      %get3A_462 = arith.constant 0 : i32
      %get3A_463 = arith.index_cast %get3A_462 : i32 to index
      %get3A_464 = arith.index_cast %add3A_461 : i32 to index
      %get3A_465 = tpu.vector_load %arg11[%get3A_463, %get3A_464] {strides = array<i32>} : memref<4x8192xf32, #tpu.memory_space<vmem>>, vector<1x16xf32>,
      %get3A_466 = vector.shape_cast %get3A_465 : vector<1x16xf32> to vector<16xf32>
      %add3A_467 = arith.constant 112 : i32
      %add3A_468 = arith.addi %mul3A_417, %add3A_467 : i32
      %get3A_469 = arith.constant 0 : i32
      %get3A_470 = arith.index_cast %get3A_469 : i32 to index
      %get3A_471 = arith.index_cast %add3A_468 : i32 to index
      %get3A_472 = tpu.vector_load %arg11[%get3A_470, %get3A_471] {strides = array<i32>} : memref<4x8192xf32, #tpu.memory_space<vmem>>, vector<1x16xf32>,
      %get3A_473 = vector.shape_cast %get3A_472 : vector<1x16xf32> to vector<16xf32>
      %exp3A = math.exp %get3A_424 : vector<16xf32>
      %add3A_474 = arith.addf %scan3A_408, %exp3A : vector<16xf32>
      %exp3A_475 = math.exp %get3A_431 : vector<16xf32>
      %add3A_476 = arith.addf %scan3A_409, %exp3A_475 : vector<16xf32>
      %exp3A_477 = math.exp %get3A_438 : vector<16xf32>
      %add3A_478 = arith.addf %scan3A_410, %exp3A_477 : vector<16xf32>
      %exp3A_479 = math.exp %get3A_445 : vector<16xf32>
      %add3A_480 = arith.addf %scan3A_411, %exp3A_479 : vector<16xf32>
      %exp3A_481 = math.exp %get3A_452 : vector<16xf32>
      %add3A_482 = arith.addf %scan3A_412, %exp3A_481 : vector<16xf32>
      %exp3A_483 = math.exp %get3A_459 : vector<16xf32>
      %add3A_484 = arith.addf %scan3A_413, %exp3A_483 : vector<16xf32>
      %exp3A_485 = math.exp %get3A_466 : vector<16xf32>
      %add3A_486 = arith.addf %scan3A_414, %exp3A_485 : vector<16xf32>
      %exp3A_487 = math.exp %get3A_473 : vector<16xf32>
      %add3A_488 = arith.addf %scan3A_415, %exp3A_487 : vector<16xf32>
      scf.yield %add3A_474, %add3A_476, %add3A_478, %add3A_480, %add3A_482, %add3A_484, %add3A_486, %add3A_488 : vector<16xf32>, vector<16xf32>, vector<16xf32>, vector<16xf32>, vector<16xf32>, vector<16xf32>, vector<16xf32>, vector<16xf32>
    }
    %scan3A_231 = arith.constant 64 : i32
    %add3A_232 = arith.addf %scan3A_230#0, %scan3A_230#1 : vector<16xf32>
    %add3A_233 = arith.addf %add3A_232, %scan3A_230#2 : vector<16xf32>
    %add3A_234 = arith.addf %add3A_233, %scan3A_230#3 : vector<16xf32>
    %add3A_235 = arith.addf %add3A_234, %scan3A_230#4 : vector<16xf32>
    %add3A_236 = arith.addf %add3A_235, %scan3A_230#5 : vector<16xf32>
    %add3A_237 = arith.addf %add3A_236, %scan3A_230#6 : vector<16xf32>
    %add3A_238 = arith.addf %add3A_237, %scan3A_230#7 : vector<16xf32>
    %swap3A_239 = arith.constant 124 : i32
    %swap3A_240 = arith.index_cast %swap3A_239 : i32 to index
    %swap3A_241 = arith.constant 0 : index
    %swap3A_242 = tpu.vector_load %arg13[%swap3A_240, %swap3A_241] {strides = array<i32>} : memref<128x16xf32, #tpu.memory_space<vmem>>, vector<1x16xf32>,
    %swap3A_243 = vector.shape_cast %swap3A_242 : vector<1x16xf32> to vector<16xf32>
    %swap3A_244 = vector.shape_cast %add3A_238 : vector<16xf32> to vector<1x16xf32>
    tpu.vector_store %arg13[%swap3A_240, %swap3A_241], %swap3A_244 {strides = array<i32>} : memref<128x16xf32, #tpu.memory_space<vmem>>, vector<1x16xf32>,
    %broadcast_in_dim3A_245 = arith.constant 0.000000e+00 : f32
    %broadcast_in_dim3A_246 = vector.broadcast %broadcast_in_dim3A_245 : f32 to vector<16xf32>
    %scan3A_247 = arith.constant 0 : i32
    %scan3A_248 = arith.constant 64 : i32
    %scan3A_249 = arith.addi %scan3A_247, %scan3A_248 : i32
    %scan3A_250 = arith.constant 1 : i32
    %scan3A_251:8 = scf.for %scan3A_407 = %scan3A_247 to %scan3A_249 step %scan3A_250 iter_args(%scan3A_408 = %broadcast_in_dim3A_246, %scan3A_409 = %broadcast_in_dim3A_246, %scan3A_410 = %broadcast_in_dim3A_246, %scan3A_411 = %broadcast_in_dim3A_246, %scan3A_412 = %broadcast_in_dim3A_246, %scan3A_413 = %broadcast_in_dim3A_246, %scan3A_414 = %broadcast_in_dim3A_246, %scan3A_415 = %broadcast_in_dim3A_246) -> (vector<16xf32>, vector<16xf32>, vector<16xf32>, vector<16xf32>, vector<16xf32>, vector<16xf32>, vector<16xf32>, vector<16xf32>)  : i32 {
      %mul3A_416 = arith.constant 128 : i32
      %mul3A_417 = arith.muli %scan3A_407, %mul3A_416 : i32
      %add3A_418 = arith.constant 0 : i32
      %add3A_419 = arith.addi %mul3A_417, %add3A_418 : i32
      %get3A_420 = arith.constant 1 : i32
      %get3A_421 = arith.index_cast %get3A_420 : i32 to index
      %get3A_422 = arith.index_cast %add3A_419 : i32 to index
      %get3A_423 = tpu.vector_load %arg11[%get3A_421, %get3A_422] {strides = array<i32>} : memref<4x8192xf32, #tpu.memory_space<vmem>>, vector<1x16xf32>,
      %get3A_424 = vector.shape_cast %get3A_423 : vector<1x16xf32> to vector<16xf32>
      %add3A_425 = arith.constant 16 : i32
      %add3A_426 = arith.addi %mul3A_417, %add3A_425 : i32
      %get3A_427 = arith.constant 1 : i32
      %get3A_428 = arith.index_cast %get3A_427 : i32 to index
      %get3A_429 = arith.index_cast %add3A_426 : i32 to index
      %get3A_430 = tpu.vector_load %arg11[%get3A_428, %get3A_429] {strides = array<i32>} : memref<4x8192xf32, #tpu.memory_space<vmem>>, vector<1x16xf32>,
      %get3A_431 = vector.shape_cast %get3A_430 : vector<1x16xf32> to vector<16xf32>
      %add3A_432 = arith.constant 32 : i32
      %add3A_433 = arith.addi %mul3A_417, %add3A_432 : i32
      %get3A_434 = arith.constant 1 : i32
      %get3A_435 = arith.index_cast %get3A_434 : i32 to index
      %get3A_436 = arith.index_cast %add3A_433 : i32 to index
      %get3A_437 = tpu.vector_load %arg11[%get3A_435, %get3A_436] {strides = array<i32>} : memref<4x8192xf32, #tpu.memory_space<vmem>>, vector<1x16xf32>,
      %get3A_438 = vector.shape_cast %get3A_437 : vector<1x16xf32> to vector<16xf32>
      %add3A_439 = arith.constant 48 : i32
      %add3A_440 = arith.addi %mul3A_417, %add3A_439 : i32
      %get3A_441 = arith.constant 1 : i32
      %get3A_442 = arith.index_cast %get3A_441 : i32 to index
      %get3A_443 = arith.index_cast %add3A_440 : i32 to index
      %get3A_444 = tpu.vector_load %arg11[%get3A_442, %get3A_443] {strides = array<i32>} : memref<4x8192xf32, #tpu.memory_space<vmem>>, vector<1x16xf32>,
      %get3A_445 = vector.shape_cast %get3A_444 : vector<1x16xf32> to vector<16xf32>
      %add3A_446 = arith.constant 64 : i32
      %add3A_447 = arith.addi %mul3A_417, %add3A_446 : i32
      %get3A_448 = arith.constant 1 : i32
      %get3A_449 = arith.index_cast %get3A_448 : i32 to index
      %get3A_450 = arith.index_cast %add3A_447 : i32 to index
      %get3A_451 = tpu.vector_load %arg11[%get3A_449, %get3A_450] {strides = array<i32>} : memref<4x8192xf32, #tpu.memory_space<vmem>>, vector<1x16xf32>,
      %get3A_452 = vector.shape_cast %get3A_451 : vector<1x16xf32> to vector<16xf32>
      %add3A_453 = arith.constant 80 : i32
      %add3A_454 = arith.addi %mul3A_417, %add3A_453 : i32
      %get3A_455 = arith.constant 1 : i32
      %get3A_456 = arith.index_cast %get3A_455 : i32 to index
      %get3A_457 = arith.index_cast %add3A_454 : i32 to index
      %get3A_458 = tpu.vector_load %arg11[%get3A_456, %get3A_457] {strides = array<i32>} : memref<4x8192xf32, #tpu.memory_space<vmem>>, vector<1x16xf32>,
      %get3A_459 = vector.shape_cast %get3A_458 : vector<1x16xf32> to vector<16xf32>
      %add3A_460 = arith.constant 96 : i32
      %add3A_461 = arith.addi %mul3A_417, %add3A_460 : i32
      %get3A_462 = arith.constant 1 : i32
      %get3A_463 = arith.index_cast %get3A_462 : i32 to index
      %get3A_464 = arith.index_cast %add3A_461 : i32 to index
      %get3A_465 = tpu.vector_load %arg11[%get3A_463, %get3A_464] {strides = array<i32>} : memref<4x8192xf32, #tpu.memory_space<vmem>>, vector<1x16xf32>,
      %get3A_466 = vector.shape_cast %get3A_465 : vector<1x16xf32> to vector<16xf32>
      %add3A_467 = arith.constant 112 : i32
      %add3A_468 = arith.addi %mul3A_417, %add3A_467 : i32
      %get3A_469 = arith.constant 1 : i32
      %get3A_470 = arith.index_cast %get3A_469 : i32 to index
      %get3A_471 = arith.index_cast %add3A_468 : i32 to index
      %get3A_472 = tpu.vector_load %arg11[%get3A_470, %get3A_471] {strides = array<i32>} : memref<4x8192xf32, #tpu.memory_space<vmem>>, vector<1x16xf32>,
      %get3A_473 = vector.shape_cast %get3A_472 : vector<1x16xf32> to vector<16xf32>
      %exp3A = math.exp %get3A_424 : vector<16xf32>
      %add3A_474 = arith.addf %scan3A_408, %exp3A : vector<16xf32>
      %exp3A_475 = math.exp %get3A_431 : vector<16xf32>
      %add3A_476 = arith.addf %scan3A_409, %exp3A_475 : vector<16xf32>
      %exp3A_477 = math.exp %get3A_438 : vector<16xf32>
      %add3A_478 = arith.addf %scan3A_410, %exp3A_477 : vector<16xf32>
      %exp3A_479 = math.exp %get3A_445 : vector<16xf32>
      %add3A_480 = arith.addf %scan3A_411, %exp3A_479 : vector<16xf32>
      %exp3A_481 = math.exp %get3A_452 : vector<16xf32>
      %add3A_482 = arith.addf %scan3A_412, %exp3A_481 : vector<16xf32>
      %exp3A_483 = math.exp %get3A_459 : vector<16xf32>
      %add3A_484 = arith.addf %scan3A_413, %exp3A_483 : vector<16xf32>
      %exp3A_485 = math.exp %get3A_466 : vector<16xf32>
      %add3A_486 = arith.addf %scan3A_414, %exp3A_485 : vector<16xf32>
      %exp3A_487 = math.exp %get3A_473 : vector<16xf32>
      %add3A_488 = arith.addf %scan3A_415, %exp3A_487 : vector<16xf32>
      scf.yield %add3A_474, %add3A_476, %add3A_478, %add3A_480, %add3A_482, %add3A_484, %add3A_486, %add3A_488 : vector<16xf32>, vector<16xf32>, vector<16xf32>, vector<16xf32>, vector<16xf32>, vector<16xf32>, vector<16xf32>, vector<16xf32>
    }
    %scan3A_252 = arith.constant 64 : i32
    %add3A_253 = arith.addf %scan3A_251#0, %scan3A_251#1 : vector<16xf32>
    %add3A_254 = arith.addf %add3A_253, %scan3A_251#2 : vector<16xf32>
    %add3A_255 = arith.addf %add3A_254, %scan3A_251#3 : vector<16xf32>
    %add3A_256 = arith.addf %add3A_255, %scan3A_251#4 : vector<16xf32>
    %add3A_257 = arith.addf %add3A_256, %scan3A_251#5 : vector<16xf32>
    %add3A_258 = arith.addf %add3A_257, %scan3A_251#6 : vector<16xf32>
    %add3A_259 = arith.addf %add3A_258, %scan3A_251#7 : vector<16xf32>
    %swap3A_260 = arith.constant 125 : i32
    %swap3A_261 = arith.index_cast %swap3A_260 : i32 to index
    %swap3A_262 = arith.constant 0 : index
    %swap3A_263 = tpu.vector_load %arg13[%swap3A_261, %swap3A_262] {strides = array<i32>} : memref<128x16xf32, #tpu.memory_space<vmem>>, vector<1x16xf32>,
    %swap3A_264 = vector.shape_cast %swap3A_263 : vector<1x16xf32> to vector<16xf32>
    %swap3A_265 = vector.shape_cast %add3A_259 : vector<16xf32> to vector<1x16xf32>
    tpu.vector_store %arg13[%swap3A_261, %swap3A_262], %swap3A_265 {strides = array<i32>} : memref<128x16xf32, #tpu.memory_space<vmem>>, vector<1x16xf32>,
    %broadcast_in_dim3A_266 = arith.constant 0.000000e+00 : f32
    %broadcast_in_dim3A_267 = vector.broadcast %broadcast_in_dim3A_266 : f32 to vector<16xf32>
    %scan3A_268 = arith.constant 0 : i32
    %scan3A_269 = arith.constant 64 : i32
    %scan3A_270 = arith.addi %scan3A_268, %scan3A_269 : i32
    %scan3A_271 = arith.constant 1 : i32
    %scan3A_272:8 = scf.for %scan3A_407 = %scan3A_268 to %scan3A_270 step %scan3A_271 iter_args(%scan3A_408 = %broadcast_in_dim3A_267, %scan3A_409 = %broadcast_in_dim3A_267, %scan3A_410 = %broadcast_in_dim3A_267, %scan3A_411 = %broadcast_in_dim3A_267, %scan3A_412 = %broadcast_in_dim3A_267, %scan3A_413 = %broadcast_in_dim3A_267, %scan3A_414 = %broadcast_in_dim3A_267, %scan3A_415 = %broadcast_in_dim3A_267) -> (vector<16xf32>, vector<16xf32>, vector<16xf32>, vector<16xf32>, vector<16xf32>, vector<16xf32>, vector<16xf32>, vector<16xf32>)  : i32 {
      %mul3A_416 = arith.constant 128 : i32
      %mul3A_417 = arith.muli %scan3A_407, %mul3A_416 : i32
      %add3A_418 = arith.constant 0 : i32
      %add3A_419 = arith.addi %mul3A_417, %add3A_418 : i32
      %get3A_420 = arith.constant 2 : i32
      %get3A_421 = arith.index_cast %get3A_420 : i32 to index
      %get3A_422 = arith.index_cast %add3A_419 : i32 to index
      %get3A_423 = tpu.vector_load %arg11[%get3A_421, %get3A_422] {strides = array<i32>} : memref<4x8192xf32, #tpu.memory_space<vmem>>, vector<1x16xf32>,
      %get3A_424 = vector.shape_cast %get3A_423 : vector<1x16xf32> to vector<16xf32>
      %add3A_425 = arith.constant 16 : i32
      %add3A_426 = arith.addi %mul3A_417, %add3A_425 : i32
      %get3A_427 = arith.constant 2 : i32
      %get3A_428 = arith.index_cast %get3A_427 : i32 to index
      %get3A_429 = arith.index_cast %add3A_426 : i32 to index
      %get3A_430 = tpu.vector_load %arg11[%get3A_428, %get3A_429] {strides = array<i32>} : memref<4x8192xf32, #tpu.memory_space<vmem>>, vector<1x16xf32>,
      %get3A_431 = vector.shape_cast %get3A_430 : vector<1x16xf32> to vector<16xf32>
      %add3A_432 = arith.constant 32 : i32
      %add3A_433 = arith.addi %mul3A_417, %add3A_432 : i32
      %get3A_434 = arith.constant 2 : i32
      %get3A_435 = arith.index_cast %get3A_434 : i32 to index
      %get3A_436 = arith.index_cast %add3A_433 : i32 to index
      %get3A_437 = tpu.vector_load %arg11[%get3A_435, %get3A_436] {strides = array<i32>} : memref<4x8192xf32, #tpu.memory_space<vmem>>, vector<1x16xf32>,
      %get3A_438 = vector.shape_cast %get3A_437 : vector<1x16xf32> to vector<16xf32>
      %add3A_439 = arith.constant 48 : i32
      %add3A_440 = arith.addi %mul3A_417, %add3A_439 : i32
      %get3A_441 = arith.constant 2 : i32
      %get3A_442 = arith.index_cast %get3A_441 : i32 to index
      %get3A_443 = arith.index_cast %add3A_440 : i32 to index
      %get3A_444 = tpu.vector_load %arg11[%get3A_442, %get3A_443] {strides = array<i32>} : memref<4x8192xf32, #tpu.memory_space<vmem>>, vector<1x16xf32>,
      %get3A_445 = vector.shape_cast %get3A_444 : vector<1x16xf32> to vector<16xf32>
      %add3A_446 = arith.constant 64 : i32
      %add3A_447 = arith.addi %mul3A_417, %add3A_446 : i32
      %get3A_448 = arith.constant 2 : i32
      %get3A_449 = arith.index_cast %get3A_448 : i32 to index
      %get3A_450 = arith.index_cast %add3A_447 : i32 to index
      %get3A_451 = tpu.vector_load %arg11[%get3A_449, %get3A_450] {strides = array<i32>} : memref<4x8192xf32, #tpu.memory_space<vmem>>, vector<1x16xf32>,
      %get3A_452 = vector.shape_cast %get3A_451 : vector<1x16xf32> to vector<16xf32>
      %add3A_453 = arith.constant 80 : i32
      %add3A_454 = arith.addi %mul3A_417, %add3A_453 : i32
      %get3A_455 = arith.constant 2 : i32
      %get3A_456 = arith.index_cast %get3A_455 : i32 to index
      %get3A_457 = arith.index_cast %add3A_454 : i32 to index
      %get3A_458 = tpu.vector_load %arg11[%get3A_456, %get3A_457] {strides = array<i32>} : memref<4x8192xf32, #tpu.memory_space<vmem>>, vector<1x16xf32>,
      %get3A_459 = vector.shape_cast %get3A_458 : vector<1x16xf32> to vector<16xf32>
      %add3A_460 = arith.constant 96 : i32
      %add3A_461 = arith.addi %mul3A_417, %add3A_460 : i32
      %get3A_462 = arith.constant 2 : i32
      %get3A_463 = arith.index_cast %get3A_462 : i32 to index
      %get3A_464 = arith.index_cast %add3A_461 : i32 to index
      %get3A_465 = tpu.vector_load %arg11[%get3A_463, %get3A_464] {strides = array<i32>} : memref<4x8192xf32, #tpu.memory_space<vmem>>, vector<1x16xf32>,
      %get3A_466 = vector.shape_cast %get3A_465 : vector<1x16xf32> to vector<16xf32>
      %add3A_467 = arith.constant 112 : i32
      %add3A_468 = arith.addi %mul3A_417, %add3A_467 : i32
      %get3A_469 = arith.constant 2 : i32
      %get3A_470 = arith.index_cast %get3A_469 : i32 to index
      %get3A_471 = arith.index_cast %add3A_468 : i32 to index
      %get3A_472 = tpu.vector_load %arg11[%get3A_470, %get3A_471] {strides = array<i32>} : memref<4x8192xf32, #tpu.memory_space<vmem>>, vector<1x16xf32>,
      %get3A_473 = vector.shape_cast %get3A_472 : vector<1x16xf32> to vector<16xf32>
      %exp3A = math.exp %get3A_424 : vector<16xf32>
      %add3A_474 = arith.addf %scan3A_408, %exp3A : vector<16xf32>
      %exp3A_475 = math.exp %get3A_431 : vector<16xf32>
      %add3A_476 = arith.addf %scan3A_409, %exp3A_475 : vector<16xf32>
      %exp3A_477 = math.exp %get3A_438 : vector<16xf32>
      %add3A_478 = arith.addf %scan3A_410, %exp3A_477 : vector<16xf32>
      %exp3A_479 = math.exp %get3A_445 : vector<16xf32>
      %add3A_480 = arith.addf %scan3A_411, %exp3A_479 : vector<16xf32>
      %exp3A_481 = math.exp %get3A_452 : vector<16xf32>
      %add3A_482 = arith.addf %scan3A_412, %exp3A_481 : vector<16xf32>
      %exp3A_483 = math.exp %get3A_459 : vector<16xf32>
      %add3A_484 = arith.addf %scan3A_413, %exp3A_483 : vector<16xf32>
      %exp3A_485 = math.exp %get3A_466 : vector<16xf32>
      %add3A_486 = arith.addf %scan3A_414, %exp3A_485 : vector<16xf32>
      %exp3A_487 = math.exp %get3A_473 : vector<16xf32>
      %add3A_488 = arith.addf %scan3A_415, %exp3A_487 : vector<16xf32>
      scf.yield %add3A_474, %add3A_476, %add3A_478, %add3A_480, %add3A_482, %add3A_484, %add3A_486, %add3A_488 : vector<16xf32>, vector<16xf32>, vector<16xf32>, vector<16xf32>, vector<16xf32>, vector<16xf32>, vector<16xf32>, vector<16xf32>
    }
    %scan3A_273 = arith.constant 64 : i32
    %add3A_274 = arith.addf %scan3A_272#0, %scan3A_272#1 : vector<16xf32>
    %add3A_275 = arith.addf %add3A_274, %scan3A_272#2 : vector<16xf32>
    %add3A_276 = arith.addf %add3A_275, %scan3A_272#3 : vector<16xf32>
    %add3A_277 = arith.addf %add3A_276, %scan3A_272#4 : vector<16xf32>
    %add3A_278 = arith.addf %add3A_277, %scan3A_272#5 : vector<16xf32>
    %add3A_279 = arith.addf %add3A_278, %scan3A_272#6 : vector<16xf32>
    %add3A_280 = arith.addf %add3A_279, %scan3A_272#7 : vector<16xf32>
    %swap3A_281 = arith.constant 126 : i32
    %swap3A_282 = arith.index_cast %swap3A_281 : i32 to index
    %swap3A_283 = arith.constant 0 : index
    %swap3A_284 = tpu.vector_load %arg13[%swap3A_282, %swap3A_283] {strides = array<i32>} : memref<128x16xf32, #tpu.memory_space<vmem>>, vector<1x16xf32>,
    %swap3A_285 = vector.shape_cast %swap3A_284 : vector<1x16xf32> to vector<16xf32>
    %swap3A_286 = vector.shape_cast %add3A_280 : vector<16xf32> to vector<1x16xf32>
    tpu.vector_store %arg13[%swap3A_282, %swap3A_283], %swap3A_286 {strides = array<i32>} : memref<128x16xf32, #tpu.memory_space<vmem>>, vector<1x16xf32>,
    %broadcast_in_dim3A_287 = arith.constant 0.000000e+00 : f32
    %broadcast_in_dim3A_288 = vector.broadcast %broadcast_in_dim3A_287 : f32 to vector<16xf32>
    %scan3A_289 = arith.constant 0 : i32
    %scan3A_290 = arith.constant 64 : i32
    %scan3A_291 = arith.addi %scan3A_289, %scan3A_290 : i32
    %scan3A_292 = arith.constant 1 : i32
    %scan3A_293:8 = scf.for %scan3A_407 = %scan3A_289 to %scan3A_291 step %scan3A_292 iter_args(%scan3A_408 = %broadcast_in_dim3A_288, %scan3A_409 = %broadcast_in_dim3A_288, %scan3A_410 = %broadcast_in_dim3A_288, %scan3A_411 = %broadcast_in_dim3A_288, %scan3A_412 = %broadcast_in_dim3A_288, %scan3A_413 = %broadcast_in_dim3A_288, %scan3A_414 = %broadcast_in_dim3A_288, %scan3A_415 = %broadcast_in_dim3A_288) -> (vector<16xf32>, vector<16xf32>, vector<16xf32>, vector<16xf32>, vector<16xf32>, vector<16xf32>, vector<16xf32>, vector<16xf32>)  : i32 {
      %mul3A_416 = arith.constant 128 : i32
      %mul3A_417 = arith.muli %scan3A_407, %mul3A_416 : i32
      %add3A_418 = arith.constant 0 : i32
      %add3A_419 = arith.addi %mul3A_417, %add3A_418 : i32
      %get3A_420 = arith.constant 3 : i32
      %get3A_421 = arith.index_cast %get3A_420 : i32 to index
      %get3A_422 = arith.index_cast %add3A_419 : i32 to index
      %get3A_423 = tpu.vector_load %arg11[%get3A_421, %get3A_422] {strides = array<i32>} : memref<4x8192xf32, #tpu.memory_space<vmem>>, vector<1x16xf32>,
      %get3A_424 = vector.shape_cast %get3A_423 : vector<1x16xf32> to vector<16xf32>
      %add3A_425 = arith.constant 16 : i32
      %add3A_426 = arith.addi %mul3A_417, %add3A_425 : i32
      %get3A_427 = arith.constant 3 : i32
      %get3A_428 = arith.index_cast %get3A_427 : i32 to index
      %get3A_429 = arith.index_cast %add3A_426 : i32 to index
      %get3A_430 = tpu.vector_load %arg11[%get3A_428, %get3A_429] {strides = array<i32>} : memref<4x8192xf32, #tpu.memory_space<vmem>>, vector<1x16xf32>,
      %get3A_431 = vector.shape_cast %get3A_430 : vector<1x16xf32> to vector<16xf32>
      %add3A_432 = arith.constant 32 : i32
      %add3A_433 = arith.addi %mul3A_417, %add3A_432 : i32
      %get3A_434 = arith.constant 3 : i32
      %get3A_435 = arith.index_cast %get3A_434 : i32 to index
      %get3A_436 = arith.index_cast %add3A_433 : i32 to index
      %get3A_437 = tpu.vector_load %arg11[%get3A_435, %get3A_436] {strides = array<i32>} : memref<4x8192xf32, #tpu.memory_space<vmem>>, vector<1x16xf32>,
      %get3A_438 = vector.shape_cast %get3A_437 : vector<1x16xf32> to vector<16xf32>
      %add3A_439 = arith.constant 48 : i32
      %add3A_440 = arith.addi %mul3A_417, %add3A_439 : i32
      %get3A_441 = arith.constant 3 : i32
      %get3A_442 = arith.index_cast %get3A_441 : i32 to index
      %get3A_443 = arith.index_cast %add3A_440 : i32 to index
      %get3A_444 = tpu.vector_load %arg11[%get3A_442, %get3A_443] {strides = array<i32>} : memref<4x8192xf32, #tpu.memory_space<vmem>>, vector<1x16xf32>,
      %get3A_445 = vector.shape_cast %get3A_444 : vector<1x16xf32> to vector<16xf32>
      %add3A_446 = arith.constant 64 : i32
      %add3A_447 = arith.addi %mul3A_417, %add3A_446 : i32
      %get3A_448 = arith.constant 3 : i32
      %get3A_449 = arith.index_cast %get3A_448 : i32 to index
      %get3A_450 = arith.index_cast %add3A_447 : i32 to index
      %get3A_451 = tpu.vector_load %arg11[%get3A_449, %get3A_450] {strides = array<i32>} : memref<4x8192xf32, #tpu.memory_space<vmem>>, vector<1x16xf32>,
      %get3A_452 = vector.shape_cast %get3A_451 : vector<1x16xf32> to vector<16xf32>
      %add3A_453 = arith.constant 80 : i32
      %add3A_454 = arith.addi %mul3A_417, %add3A_453 : i32
      %get3A_455 = arith.constant 3 : i32
      %get3A_456 = arith.index_cast %get3A_455 : i32 to index
      %get3A_457 = arith.index_cast %add3A_454 : i32 to index
      %get3A_458 = tpu.vector_load %arg11[%get3A_456, %get3A_457] {strides = array<i32>} : memref<4x8192xf32, #tpu.memory_space<vmem>>, vector<1x16xf32>,
      %get3A_459 = vector.shape_cast %get3A_458 : vector<1x16xf32> to vector<16xf32>
      %add3A_460 = arith.constant 96 : i32
      %add3A_461 = arith.addi %mul3A_417, %add3A_460 : i32
      %get3A_462 = arith.constant 3 : i32
      %get3A_463 = arith.index_cast %get3A_462 : i32 to index
      %get3A_464 = arith.index_cast %add3A_461 : i32 to index
      %get3A_465 = tpu.vector_load %arg11[%get3A_463, %get3A_464] {strides = array<i32>} : memref<4x8192xf32, #tpu.memory_space<vmem>>, vector<1x16xf32>,
      %get3A_466 = vector.shape_cast %get3A_465 : vector<1x16xf32> to vector<16xf32>
      %add3A_467 = arith.constant 112 : i32
      %add3A_468 = arith.addi %mul3A_417, %add3A_467 : i32
      %get3A_469 = arith.constant 3 : i32
      %get3A_470 = arith.index_cast %get3A_469 : i32 to index
      %get3A_471 = arith.index_cast %add3A_468 : i32 to index
      %get3A_472 = tpu.vector_load %arg11[%get3A_470, %get3A_471] {strides = array<i32>} : memref<4x8192xf32, #tpu.memory_space<vmem>>, vector<1x16xf32>,
      %get3A_473 = vector.shape_cast %get3A_472 : vector<1x16xf32> to vector<16xf32>
      %exp3A = math.exp %get3A_424 : vector<16xf32>
      %add3A_474 = arith.addf %scan3A_408, %exp3A : vector<16xf32>
      %exp3A_475 = math.exp %get3A_431 : vector<16xf32>
      %add3A_476 = arith.addf %scan3A_409, %exp3A_475 : vector<16xf32>
      %exp3A_477 = math.exp %get3A_438 : vector<16xf32>
      %add3A_478 = arith.addf %scan3A_410, %exp3A_477 : vector<16xf32>
      %exp3A_479 = math.exp %get3A_445 : vector<16xf32>
      %add3A_480 = arith.addf %scan3A_411, %exp3A_479 : vector<16xf32>
      %exp3A_481 = math.exp %get3A_452 : vector<16xf32>
      %add3A_482 = arith.addf %scan3A_412, %exp3A_481 : vector<16xf32>
      %exp3A_483 = math.exp %get3A_459 : vector<16xf32>
      %add3A_484 = arith.addf %scan3A_413, %exp3A_483 : vector<16xf32>
      %exp3A_485 = math.exp %get3A_466 : vector<16xf32>
      %add3A_486 = arith.addf %scan3A_414, %exp3A_485 : vector<16xf32>
      %exp3A_487 = math.exp %get3A_473 : vector<16xf32>
      %add3A_488 = arith.addf %scan3A_415, %exp3A_487 : vector<16xf32>
      scf.yield %add3A_474, %add3A_476, %add3A_478, %add3A_480, %add3A_482, %add3A_484, %add3A_486, %add3A_488 : vector<16xf32>, vector<16xf32>, vector<16xf32>, vector<16xf32>, vector<16xf32>, vector<16xf32>, vector<16xf32>, vector<16xf32>
    }
    %scan3A_294 = arith.constant 64 : i32
    %add3A_295 = arith.addf %scan3A_293#0, %scan3A_293#1 : vector<16xf32>
    %add3A_296 = arith.addf %add3A_295, %scan3A_293#2 : vector<16xf32>
    %add3A_297 = arith.addf %add3A_296, %scan3A_293#3 : vector<16xf32>
    %add3A_298 = arith.addf %add3A_297, %scan3A_293#4 : vector<16xf32>
    %add3A_299 = arith.addf %add3A_298, %scan3A_293#5 : vector<16xf32>
    %add3A_300 = arith.addf %add3A_299, %scan3A_293#6 : vector<16xf32>
    %add3A_301 = arith.addf %add3A_300, %scan3A_293#7 : vector<16xf32>
    %swap3A_302 = arith.constant 127 : i32
    %swap3A_303 = arith.index_cast %swap3A_302 : i32 to index
    %swap3A_304 = arith.constant 0 : index
    %swap3A_305 = tpu.vector_load %arg13[%swap3A_303, %swap3A_304] {strides = array<i32>} : memref<128x16xf32, #tpu.memory_space<vmem>>, vector<1x16xf32>,
    %swap3A_306 = vector.shape_cast %swap3A_305 : vector<1x16xf32> to vector<16xf32>
    %swap3A_307 = vector.shape_cast %add3A_301 : vector<16xf32> to vector<1x16xf32>
    tpu.vector_store %arg13[%swap3A_303, %swap3A_304], %swap3A_307 {strides = array<i32>} : memref<128x16xf32, #tpu.memory_space<vmem>>, vector<1x16xf32>,
    %multiple_of3A_308 = arith.constant 496 : i32
    %multiple_of3A_309 = tpu.assume_multiple %multiple_of3A_308, 16 : i32
    %get3A_310 = arith.index_cast %multiple_of3A_309 : i32 to index
    %get3A_311 = tpu.vector_load %arg9[%get3A_310] {strides = array<i32>} : memref<512xi32, #tpu.memory_space<vmem>>, vector<16xi32>,
    %get3A_312 = vector.shape_cast %get3A_311 : vector<16xi32> to vector<16xi32>
    %slice3A_313 = vector.extract_strided_slice %get3A_312 {offsets = [0], sizes = [1], strides = [1]} : vector<16xi32> to vector<1xi32>
    %squeeze3A_314 = vector.extract %slice3A_313[0] : i32 from vector<1xi32>
    %and3A_315 = arith.constant -16 : i32
    %and3A_316 = arith.andi %squeeze3A_314, %and3A_315 : i32
    %multiple_of3A_317 = tpu.assume_multiple %and3A_316, 16 : i32
    %get3A_318 = arith.constant 0 : i32
    %get3A_319 = arith.index_cast %get3A_318 : i32 to index
    %get3A_320 = arith.index_cast %multiple_of3A_317 : i32 to index
    %get3A_321 = tpu.vector_load %arg11[%get3A_319, %get3A_320] {strides = array<i32>} : memref<4x8192xf32, #tpu.memory_space<vmem>>, vector<1x16xf32>,
    %get3A_322 = vector.shape_cast %get3A_321 : vector<1x16xf32> to vector<16xf32>
    %and3A_323 = arith.constant 15 : i32
    %and3A_324 = arith.andi %squeeze3A_314, %and3A_323 : i32
    %eq3A_325 = vector.broadcast %and3A_324 : i32 to vector<16xi32>
    %eq3A_326 = arith.cmpi eq, %iota3A, %eq3A_325 : vector<16xi32>
    %broadcast_in_dim3A_327 = arith.constant 0.000000e+00 : f32
    %broadcast_in_dim3A_328 = vector.broadcast %broadcast_in_dim3A_327 : f32 to vector<16xf32>
    %select_n3A_329 = arith.select %eq3A_326, %get3A_322, %broadcast_in_dim3A_328 : vector<16xi1>, vector<16xf32>
    %add3A_330 = arith.addf %add3A_200, %select_n3A_329 : vector<16xf32>
    %slice3A_331 = vector.extract_strided_slice %get3A_312 {offsets = [1], sizes = [1], strides = [1]} : vector<16xi32> to vector<1xi32>
    %squeeze3A_332 = vector.extract %slice3A_331[0] : i32 from vector<1xi32>
    %and3A_333 = arith.constant -16 : i32
    %and3A_334 = arith.andi %squeeze3A_332, %and3A_333 : i32
    %multiple_of3A_335 = tpu.assume_multiple %and3A_334, 16 : i32
    %get3A_336 = arith.constant 1 : i32
    %get3A_337 = arith.index_cast %get3A_336 : i32 to index
    %get3A_338 = arith.index_cast %multiple_of3A_335 : i32 to index
    %get3A_339 = tpu.vector_load %arg11[%get3A_337, %get3A_338] {strides = array<i32>} : memref<4x8192xf32, #tpu.memory_space<vmem>>, vector<1x16xf32>,
    %get3A_340 = vector.shape_cast %get3A_339 : vector<1x16xf32> to vector<16xf32>
    %and3A_341 = arith.constant 15 : i32
    %and3A_342 = arith.andi %squeeze3A_332, %and3A_341 : i32
    %eq3A_343 = vector.broadcast %and3A_342 : i32 to vector<16xi32>
    %eq3A_344 = arith.cmpi eq, %iota3A, %eq3A_343 : vector<16xi32>
    %broadcast_in_dim3A_345 = arith.constant 0.000000e+00 : f32
    %broadcast_in_dim3A_346 = vector.broadcast %broadcast_in_dim3A_345 : f32 to vector<16xf32>
    %select_n3A_347 = arith.select %eq3A_344, %get3A_340, %broadcast_in_dim3A_346 : vector<16xi1>, vector<16xf32>
    %add3A_348 = arith.addf %add3A_330, %select_n3A_347 : vector<16xf32>
    %slice3A_349 = vector.extract_strided_slice %get3A_312 {offsets = [2], sizes = [1], strides = [1]} : vector<16xi32> to vector<1xi32>
    %squeeze3A_350 = vector.extract %slice3A_349[0] : i32 from vector<1xi32>
    %and3A_351 = arith.constant -16 : i32
    %and3A_352 = arith.andi %squeeze3A_350, %and3A_351 : i32
    %multiple_of3A_353 = tpu.assume_multiple %and3A_352, 16 : i32
    %get3A_354 = arith.constant 2 : i32
    %get3A_355 = arith.index_cast %get3A_354 : i32 to index
    %get3A_356 = arith.index_cast %multiple_of3A_353 : i32 to index
    %get3A_357 = tpu.vector_load %arg11[%get3A_355, %get3A_356] {strides = array<i32>} : memref<4x8192xf32, #tpu.memory_space<vmem>>, vector<1x16xf32>,
    %get3A_358 = vector.shape_cast %get3A_357 : vector<1x16xf32> to vector<16xf32>
    %and3A_359 = arith.constant 15 : i32
    %and3A_360 = arith.andi %squeeze3A_350, %and3A_359 : i32
    %eq3A_361 = vector.broadcast %and3A_360 : i32 to vector<16xi32>
    %eq3A_362 = arith.cmpi eq, %iota3A, %eq3A_361 : vector<16xi32>
    %broadcast_in_dim3A_363 = arith.constant 0.000000e+00 : f32
    %broadcast_in_dim3A_364 = vector.broadcast %broadcast_in_dim3A_363 : f32 to vector<16xf32>
    %select_n3A_365 = arith.select %eq3A_362, %get3A_358, %broadcast_in_dim3A_364 : vector<16xi1>, vector<16xf32>
    %add3A_366 = arith.addf %add3A_348, %select_n3A_365 : vector<16xf32>
    %slice3A_367 = vector.extract_strided_slice %get3A_312 {offsets = [3], sizes = [1], strides = [1]} : vector<16xi32> to vector<1xi32>
    %squeeze3A_368 = vector.extract %slice3A_367[0] : i32 from vector<1xi32>
    %and3A_369 = arith.constant -16 : i32
    %and3A_370 = arith.andi %squeeze3A_368, %and3A_369 : i32
    %multiple_of3A_371 = tpu.assume_multiple %and3A_370, 16 : i32
    %get3A_372 = arith.constant 3 : i32
    %get3A_373 = arith.index_cast %get3A_372 : i32 to index
    %get3A_374 = arith.index_cast %multiple_of3A_371 : i32 to index
    %get3A_375 = tpu.vector_load %arg11[%get3A_373, %get3A_374] {strides = array<i32>} : memref<4x8192xf32, #tpu.memory_space<vmem>>, vector<1x16xf32>,
    %get3A_376 = vector.shape_cast %get3A_375 : vector<1x16xf32> to vector<16xf32>
    %and3A_377 = arith.constant 15 : i32
    %and3A_378 = arith.andi %squeeze3A_368, %and3A_377 : i32
    %eq3A_379 = vector.broadcast %and3A_378 : i32 to vector<16xi32>
    %eq3A_380 = arith.cmpi eq, %iota3A, %eq3A_379 : vector<16xi32>
    %broadcast_in_dim3A_381 = arith.constant 0.000000e+00 : f32
    %broadcast_in_dim3A_382 = vector.broadcast %broadcast_in_dim3A_381 : f32 to vector<16xf32>
    %select_n3A_383 = arith.select %eq3A_380, %get3A_376, %broadcast_in_dim3A_382 : vector<16xi1>, vector<16xf32>
    %add3A_384 = arith.addf %add3A_366, %select_n3A_383 : vector<16xf32>
    %mul3A_385 = arith.constant 128 : i32
    %mul3A_386 = arith.muli %add3A, %mul3A_385 : i32
    %add3A_387 = arith.constant 120 : i32
    %add3A_388 = arith.addi %mul3A_386, %add3A_387 : i32
    %dma_wait3A_389 = arith.constant 0 : i32
    %dma_wait3A_390 = tpu.memref_slice %arg5[%add3A_388, %dma_wait3A_389] : memref<4096x8192xf32, #tpu.memory_space<hbm>> -> memref<4x8192xf32, #tpu.memory_space<hbm>>
    %dma_wait3A_391 = arith.constant 0 : i32
    %dma_wait3A_392 = tpu.memref_slice %arg5[%add3A_388, %dma_wait3A_391] : memref<4096x8192xf32, #tpu.memory_space<hbm>> -> memref<4x8192xf32, #tpu.memory_space<hbm>>
    tpu.wait_dma2 semaphore(%arg18 : memref<!tpu.dma_semaphore, #tpu.memory_space<semaphore_mem>>) src(%arg10 : memref<4x8192xf32, #tpu.memory_space<vmem>>) dst(%dma_wait3A_392 : memref<4x8192xf32, #tpu.memory_space<hbm>>)
    %mul3A_393 = arith.constant 128 : i32
    %mul3A_394 = arith.muli %add3A, %mul3A_393 : i32
    %add3A_395 = arith.constant 124 : i32
    %add3A_396 = arith.addi %mul3A_394, %add3A_395 : i32
    %dma_wait3A_397 = arith.constant 0 : i32
    %dma_wait3A_398 = tpu.memref_slice %arg5[%add3A_396, %dma_wait3A_397] : memref<4096x8192xf32, #tpu.memory_space<hbm>> -> memref<4x8192xf32, #tpu.memory_space<hbm>>
    %dma_wait3A_399 = arith.constant 0 : i32
    %dma_wait3A_400 = tpu.memref_slice %arg5[%add3A_396, %dma_wait3A_399] : memref<4096x8192xf32, #tpu.memory_space<hbm>> -> memref<4x8192xf32, #tpu.memory_space<hbm>>
    tpu.wait_dma2 semaphore(%arg19 : memref<!tpu.dma_semaphore, #tpu.memory_space<semaphore_mem>>) src(%arg11 : memref<4x8192xf32, #tpu.memory_space<vmem>>) dst(%dma_wait3A_400 : memref<4x8192xf32, #tpu.memory_space<hbm>>)
    %swap3A_401 = arith.constant 0 : index
    %swap3A_402 = tpu.vector_load %arg14[%swap3A_401] {strides = array<i32>} : memref<16xf32, #tpu.memory_space<vmem>>, vector<16xf32>,
    %swap3A_403 = vector.shape_cast %swap3A_402 : vector<16xf32> to vector<16xf32>
    %swap3A_404 = vector.shape_cast %add3A_384 : vector<16xf32> to vector<16xf32>
    tpu.vector_store %arg14[%swap3A_401], %swap3A_404 {strides = array<i32>} : memref<16xf32, #tpu.memory_space<vmem>>, vector<16xf32>,
    %mul3A_405 = arith.constant 128 : i32
    %mul3A_406 = arith.muli %add3A, %mul3A_405 : i32
    "tpu.region"() ({
      %run_scoped3A = tpu.sem_alloc : memref<!tpu.dma_semaphore, #tpu.memory_space<semaphore_mem>>
      %dma_start3A_407 = arith.constant 0 : i32
      %dma_start3A_408 = tpu.memref_slice %arg6[%mul3A_406, %dma_start3A_407] : memref<4096x16xf32, #tpu.memory_space<hbm>> -> memref<128x16xf32, #tpu.memory_space<hbm>>
      %dma_start3A_409 = arith.constant 0 : i32
      %dma_start3A_410 = tpu.memref_slice %arg6[%mul3A_406, %dma_start3A_409] : memref<4096x16xf32, #tpu.memory_space<hbm>> -> memref<128x16xf32, #tpu.memory_space<hbm>>
      tpu.enqueue_dma source(%arg13 : memref<128x16xf32, #tpu.memory_space<vmem>>) target(%dma_start3A_410 : memref<128x16xf32, #tpu.memory_space<hbm>>) target_semaphore(%run_scoped3A : memref<!tpu.dma_semaphore, #tpu.memory_space<semaphore_mem>>)
      %dma_wait3A_411 = arith.constant 0 : i32
      %dma_wait3A_412 = tpu.memref_slice %arg6[%mul3A_406, %dma_wait3A_411] : memref<4096x16xf32, #tpu.memory_space<hbm>> -> memref<128x16xf32, #tpu.memory_space<hbm>>
      %dma_wait3A_413 = arith.constant 0 : i32
      %dma_wait3A_414 = tpu.memref_slice %arg6[%mul3A_406, %dma_wait3A_413] : memref<4096x16xf32, #tpu.memory_space<hbm>> -> memref<128x16xf32, #tpu.memory_space<hbm>>
      tpu.wait_dma2 semaphore(%run_scoped3A : memref<!tpu.dma_semaphore, #tpu.memory_space<semaphore_mem>>) src(%arg13 : memref<128x16xf32, #tpu.memory_space<vmem>>) dst(%dma_wait3A_414 : memref<128x16xf32, #tpu.memory_space<hbm>>)
      tpu.yield
    }) : () -> ()
    "tpu.region"() ({
      %run_scoped3A = tpu.sem_alloc : memref<!tpu.dma_semaphore, #tpu.memory_space<semaphore_mem>>
      %dma_start3A_407 = arith.constant 0 : i32
      %dma_start3A_408 = tpu.memref_slice %arg7[%add3A, %dma_start3A_407] : memref<32x16xf32, #tpu.memory_space<hbm>> -> memref<1x16xf32, #tpu.memory_space<hbm>>
      %dma_start3A_409 = tpu.memref_squeeze %dma_start3A_408 : memref<1x16xf32, #tpu.memory_space<hbm>> -> memref<16xf32, #tpu.memory_space<hbm>>
      %dma_start3A_410 = arith.constant 0 : i32
      %dma_start3A_411 = tpu.memref_slice %arg7[%add3A, %dma_start3A_410] : memref<32x16xf32, #tpu.memory_space<hbm>> -> memref<1x16xf32, #tpu.memory_space<hbm>>
      %dma_start3A_412 = tpu.memref_squeeze %dma_start3A_411 : memref<1x16xf32, #tpu.memory_space<hbm>> -> memref<16xf32, #tpu.memory_space<hbm>>
      tpu.enqueue_dma source(%arg14 : memref<16xf32, #tpu.memory_space<vmem>>) target(%dma_start3A_412 : memref<16xf32, #tpu.memory_space<hbm>>) target_semaphore(%run_scoped3A : memref<!tpu.dma_semaphore, #tpu.memory_space<semaphore_mem>>)
      %dma_wait3A_413 = arith.constant 0 : i32
      %dma_wait3A_414 = tpu.memref_slice %arg7[%add3A, %dma_wait3A_413] : memref<32x16xf32, #tpu.memory_space<hbm>> -> memref<1x16xf32, #tpu.memory_space<hbm>>
      %dma_wait3A_415 = tpu.memref_squeeze %dma_wait3A_414 : memref<1x16xf32, #tpu.memory_space<hbm>> -> memref<16xf32, #tpu.memory_space<hbm>>
      %dma_wait3A_416 = arith.constant 0 : i32
      %dma_wait3A_417 = tpu.memref_slice %arg7[%add3A, %dma_wait3A_416] : memref<32x16xf32, #tpu.memory_space<hbm>> -> memref<1x16xf32, #tpu.memory_space<hbm>>
      %dma_wait3A_418 = tpu.memref_squeeze %dma_wait3A_417 : memref<1x16xf32, #tpu.memory_space<hbm>> -> memref<16xf32, #tpu.memory_space<hbm>>
      tpu.wait_dma2 semaphore(%run_scoped3A : memref<!tpu.dma_semaphore, #tpu.memory_space<semaphore_mem>>) src(%arg14 : memref<16xf32, #tpu.memory_space<vmem>>) dst(%dma_wait3A_418 : memref<16xf32, #tpu.memory_space<hbm>>)
      tpu.yield
    }) : () -> ()
    return
  }
}

</mosaic_0001>

<sc_bundles>
// kernel: kernel.3.cloned.1.call-start
scs
__scs_entry_jumppad:
0x0: {  	(pc) =	sbr.rel $0x88, $3  }
0x1: {  	(tag) =	ssettag $0x0;
	lr =	simm.s32 $0x1  }
0x2: {  	[smem:$0x3F9E] =	sst lr;
	_ =	strace $0xD0000000  }
0x3: {  	_ = 	snop  }
0x4: {  	_ = 	snop  }
0x5: {  	_ = 	snop  }
0x6: {  	_ = 	snop  }
0x7: {  	_ = 	snop  }
__scs_overlays_trampoline_lowered:
0x8: {  	[smem:$0x3FAD] =	sst s0  }
0x9: {  	[smem:$0x3FAE] =	sst s1  }
0xa: {  	[smem:$0x3FAF] =	sst s2  }
0xb: {  	[smem:$0x3FB0] =	sst s3  }
0xc: {  	[smem:$0x3FB1] =	sst s4  }
0xd: {  	[smem:$0x3FB2] =	sst s5  }
0xe: {  	[smem:$0x3FB3] =	sst s6  }
0xf: {  	[smem:$0x3FB4] =	sst s7  }
0x10: {  	[smem:$0x3FB5] =	sst s8  }
0x11: {  	[smem:$0x3FB6] =	sst s9;
	s0 =	simm.s32 @!p0 $0x0  }
0x12: {  	s1 =	sld [smem:$0x3F9C];
	s0 =	simm.s32 @p0 $0x1  }
0x13: {  	[smem:$0x3FB7] =	sst s0;
	s0 =	simm.s32 @!p1 $0x0  }
0x14: {  	s2 =	sld [smem:$0x3F9B];
	s0 =	simm.s32 @p1 $0x1  }
0x15: {  	[smem:$0x3FB8] =	sst s0;
	s0 =	simm.s32 @!p2 $0x0  }
0x16: {  	s3 =	sld [smem:$0x3FDB];
	s0 =	simm.s32 @p2 $0x1  }
0x17: {  	s4 =	simm.s32 $0x1BF5;
	[smem:$0x3FBA] =	sst s0  }
0x18: {  	s0 =	sld [smem:$0x3F9D];
	_ =	swait.ge [sflag:s4], $0x0  }
0x19: {  	s7 =	sld [smem:$0x3F9E]  }
0x1a: {  	s8 =	sadd.s32 $0xFFFFE003, lr  }
0x1b: {  	s9 =	sadd.s32 $0xFFFFFEF7, lr;
	s5 =	simm.s32 $0xFFFFFFFF;
	p2 =	slt.u32 s8, $0xFFFFF086  }
0x1c: {  	p1 =	slt.u32 s9, $0xF7A;
	s5 =	simm.s32 @!p2 $0x0  }
0x1d: {  	s5 =	simm.s32 @p1 $0x1;
	p0 =	seq.s32 s7, s2  }
0x1e: {  	s7 =	smul.u32 @!p0 $0xF7A, s2;
	p2 =	seq.s32 @!p0 s5, $0x0  }
0x1f: {  	s9 =	smul.u32 $0xF7A, s1;
	s8 =	simm.s32 @!p0 $0x1BF5;
	p2 =	por !p2, p0  }
0x20: {  	[sflag:s8] =	ssyncset.s32 @!p0 $0xFFFFF086;
	s6 =	sadd.s32 @!p0 s3, s7;
	s7 =	simm.s32 @!p0 $0x108  }
0x21: {  	s3 =	sadd.s32 s3, s9;
	s6 =	sadd.s32 @!p0 $0x88, s6;
	s7 =	simm.s32 @p2 $0x1082  }
0x22: {  	[simem:s7], [sflag:s8] =	dma.local @!p0 [hbm:s6], $0xF7A  }
0x23: {  	s9 =	sor.u32 $0xD0000000, s2;
	s6 =	simm.s32 $0x108;
	_ =	swait.ge @!p0 [sflag:s8], $0x0  }
0x24: {  	s3 =	sadd.s32 $0x88, s3;
	s6 =	simm.s32 @!p1 $0x1082;
	[sflag:s4] =	ssyncset.s32 $0xFFFFF086  }
0x25: {  	[simem:s6], [sflag:s4] =	dma.local [hbm:s3], $0xF7A  }
0x26: {  	[smem:$0x3F9E] =	sst s1;
	(tag) =	ssettag s2;
	_ =	strace s9  }
0x27: {  	s1 =	sld [smem:$0x3FAE]  }
0x28: {  	s2 =	sld [smem:$0x3FAF]  }
0x29: {  	s4 =	sld [smem:$0x3FB1]  }
0x2a: {  	p0 =	seq.s32 s5, $0x0;
	s5 =	sld [smem:$0x3FB2]  }
0x2b: {  	s6 =	sld [smem:$0x3FB3]  }
0x2c: {  	s7 =	sld [smem:$0x3FB4]  }
0x2d: {  	s3 =	simm.s32 $0x108;
	s8 =	sld [smem:$0x3FB5]  }
0x2e: {  	s3 =	simm.s32 @!p0 $0x1082;
	s9 =	sld [smem:$0x3FB6]  }
0x2f: {  	lr =	sadd.s32 s0, s3;
	s0 =	sld [smem:$0x3FAD]  }
0x30: {  	s3 =	sld [smem:$0x3FB0]  }
0x31: {  	[smem:$0x3FB9] =	sst s10  }
0x32: {  	s10 =	sld [smem:$0x3FB7];
	_ =	sdelay $0x3  }
0x33: {  	p0 =	seq.s32 s10, $0x1;
	s10 =	sld [smem:$0x3FB9];
	_ =	sdelay $0x3  }
0x34: {  	[smem:$0x3FB9] =	sst s10  }
0x35: {  	s10 =	sld [smem:$0x3FB8];
	_ =	sdelay $0x3  }
0x36: {  	p1 =	seq.s32 s10, $0x1;
	s10 =	sld [smem:$0x3FB9];
	_ =	sdelay $0x3  }
0x37: {  	[smem:$0x3FB9] =	sst s10  }
0x38: {  	s10 =	sld [smem:$0x3FBA]  }
0x39: {  	_ = 	snop;
	(pc) =	sbr.ind lr, $3  }
0x3a: {  	_ = 	snop  }
0x3b: {  	_ = 	snop  }
0x3c: {  	p2 =	seq.s32 s10, $0x1;
	s10 =	sld [smem:$0x3FB9]  }
0x3d: {  	_ =	shalt  }
0x3e: {  	_ =	shalt  }
0x3f: {  	_ =	shalt  }
0x40: {  	_ =	shalt  }
0x41: {  	_ =	shalt  }
0x42: {  	_ =	shalt  }
0x43: {  	_ =	shalt  }
0x44: {  	_ =	shalt  }
0x45: {  	_ =	shalt  }
0x46: {  	_ =	shalt  }
0x47: {  	_ =	shalt  }
0x48: {  	_ =	shalt  }
0x49: {  	_ =	shalt  }
0x4a: {  	_ =	shalt  }
0x4b: {  	_ =	shalt  }
0x4c: {  	_ =	shalt  }
0x4d: {  	_ =	shalt  }
0x4e: {  	_ =	shalt  }
0x4f: {  	_ =	shalt  }
0x50: {  	_ =	shalt  }
0x51: {  	_ =	shalt  }
0x52: {  	_ =	shalt  }
0x53: {  	_ =	shalt  }
0x54: {  	_ =	shalt  }
0x55: {  	_ =	shalt  }
0x56: {  	_ =	shalt  }
0x57: {  	_ =	shalt  }
0x58: {  	_ =	shalt  }
0x59: {  	_ =	shalt  }
0x5a: {  	_ =	shalt  }
0x5b: {  	_ =	shalt  }
0x5c: {  	_ =	shalt  }
0x5d: {  	_ =	shalt  }
0x5e: {  	_ =	shalt  }
0x5f: {  	_ =	shalt  }
0x60: {  	_ =	shalt  }
0x61: {  	_ =	shalt  }
0x62: {  	_ =	shalt  }
0x63: {  	_ =	shalt  }
0x64: {  	_ =	shalt  }
0x65: {  	_ =	shalt  }
0x66: {  	_ =	shalt  }
0x67: {  	_ =	shalt  }
0x68: {  	_ =	shalt  }
0x69: {  	_ =	shalt  }
0x6a: {  	_ =	shalt  }
0x6b: {  	_ =	shalt  }
0x6c: {  	_ =	shalt  }
0x6d: {  	_ =	shalt  }
0x6e: {  	_ =	shalt  }
0x6f: {  	_ =	shalt  }
0x70: {  	_ =	shalt  }
0x71: {  	_ =	shalt  }
0x72: {  	_ =	shalt  }
0x73: {  	_ =	shalt  }
0x74: {  	_ =	shalt  }
0x75: {  	_ =	shalt  }
0x76: {  	_ =	shalt  }
0x77: {  	_ =	shalt  }
0x78: {  	_ =	shalt  }
0x79: {  	_ =	shalt  }
0x7a: {  	_ =	shalt  }
0x7b: {  	_ =	shalt  }
0x7c: {  	_ =	shalt  }
0x7d: {  	_ =	shalt  }
0x7e: {  	_ =	shalt  }
0x7f: {  	_ =	shalt  }
0x80: {  	_ =	shalt  }
0x81: {  	_ =	shalt  }
0x82: {  	_ =	shalt  }
0x83: {  	_ =	shalt  }
0x84: {  	_ =	shalt  }
0x85: {  	_ =	shalt  }
0x86: {  	_ =	shalt  }
0x87: {  	_ =	shalt  }
.Lfunc_end0:
.L_simem_size_0:
called_computation_lowered:
.L_overlay_start_0:
0x88: {  	s2 =	sld [smem:$0x3FD9]  }
0x89: {  	s3 =	sld [smem:$0x3FFE];
	_ =	sdelay $0x1  }
0x8a: {  	s1 =	srdreg.scid  }
0x8b: {  	s0 =	sand.u32 $0x1, s1  }
0x8c: {  	s14 =	sshll.u32 s0, $0xA;
	s2 =	sadd.s32 s3, s2  }
0x8d: {  	s2 =	sadd.s32 s2, s14  }
0x8e: {  	[smem:$0x3FC5] =	sst s2  }
0x8f: {  	_ = 	snop  }
0x90: {  	s2 =	sld [smem:$0x3FD0];
	_ =	sdelay $0x2  }
0x91: {  	s4 =	simm.s32 $0xA;
	s5 =	simm.s32 $0x10;
	s15 =	sld [smem:$0x3FC7]  }
0x92: {  	[smem:s5], [sflag:s4] =	dma.local [hbm:s2], $0x1  }
0x93: {  	_ =	swait.eq [sflag:s4], $0x1  }
0x94: {  	[sflag:s4] =	ssyncset.done $0x0  }
0x95: {  	[sflag:s4] =	ssyncadd.s32 $0xFFFFFFFF  }
0x96: {  	s16 =	sld [smem:$0x10];
	(tm) =	ssettm $0x1  }
0x97: {  	s17 =	sld [smem:$0x3FFB];
	_ =	sdelay $0x3  }
0x98: {  	_ =	strace s17  }
0x99: {  	s4 =	sld [smem:$0x3FFC];
	_ =	sdelay $0x3  }
0x9a: {  	_ =	strace s4  }
0x9b: {  	s4 =	sld [smem:$0x3FFD];
	_ =	sdelay $0x3  }
0x9c: {  	_ =	strace s4  }
0x9d: {  	_ =	strace $0x8FFFFFFF  }
0x9e: {  	s18 =	sld [smem:$0x3FDB];
	_ =	sdelay $0x1  }
0x9f: {  	s19 =	simm.s32 $_scs_section_size  }
0xa0: {  	s6 =	simm.s32 $_size__tile_overlayer_lowered;
	s7 =	simm.s32 $_tile_overlayer_lowered  }
0xa1: {  	s22 =	simm.s32 $0x1BFF;
	s21 =	sshll.u32 s7, $0x1;
	s4 =	sadd.s32 s19, s18  }
0xa2: {  	s8 =	simm.s32 $0x0;
	s20 =	sshll.u32 s6, $0x1;
	s6 =	sadd.s32 s21, s4  }
0xa3: {  	[timem:s8], [sflag:s22] =	dma.local [hbm:s6], s20  }
0xa4: {  	_ =	swait.ge [sflag:s22], s20  }
0xa5: {  	s5 =	ssub.s32 $0x0, s20;
	[sflag:s22] =	ssyncset.done $0x0  }
0xa6: {  	[sflag:s22] =	ssyncadd.s32 s5;
	_ =	sdelay $0x1  }
0xa7: {  	s23 =	simm.s32 $0x1B8B  }
0xa8: {  	_ =	swait.ge [sflag:s23], $0x1  }
0xa9: {  	[sflag:s23] =	ssyncset.done $0x0  }
0xaa: {  	s25 =	simm.s32 $0x1B8E;
	s24 =	sld [smem:$0x3FFE];
	[sflag:s23] =	ssyncadd.s32 $0xFFFFFFFF  }
0xab: {  	s26 =	simm.s32 $execute0_lowered;
	[smem:$0x3FD2] =	sst s25  }
0xac: {  	s6 =	sshll.u32 s26, $0x1;
	_ =	strace $0x80000046;
	[dreg:$0x1] =	wrdreg $0xFFFFFFFF  }
0xad: {  	s28 =	simm.s32 $_size_execute0_lowered;
	s4 =	sadd.s32 s4, s6;
	[dreg:$0x0] =	wrdreg $0x0  }
0xae: {  	s6 =	sshll.u32 s28, $0x1;
	[dreg:$0x2] =	wrdreg s4  }
0xaf: {  	[dreg:$0x3] =	wrdreg s6  }
0xb0: {  	[dreg:$0x4] =	wrdreg $0xC0  }
0xb1: {  	_ =	task [dreg:s8], $0x5FFFF  }
0xb2: {  	[dreg:$0x1] =	wrdreg $0xFFFFFFFF  }
0xb3: {  	[dreg:$0x0] =	wrdreg $0x60  }
0xb4: {  	[dreg:$0x2] =	wrdreg s24  }
0xb5: {  	[dreg:$0x3] =	wrdreg s15  }
0xb6: {  	[dreg:$0x4] =	wrdreg s16  }
0xb7: {  	[dreg:$0x5] =	wrdreg $0x9  }
0xb8: {  	_ =	task.clear_ibuf [dreg:s8], $0x6FFFF;
	_ =	strace $0x90000046  }
0xb9: {  	s29 =	simm.s32 $0x9;
	_ =	strace $0x80000048  }
0xba: {  	_ =	swait.ge [sflag:s29], $0x1  }
0xbb: {  	[sflag:s29] =	ssyncadd.s32 $0xFFFFFFFF  }
0xbc: {  	_ =	strace $0x90000048  }
0xbd: {  	_ =	sfence  }
0xbe: {  	s30 =	sld [smem:$0x0];
	_ =	sdelay $0x2  }
0xbf: {  	s31 =	sshll.u32 s1, $0xD;
	s1 =	sshrl.u32 s1, $0x2  }
0xc0: {  	s3 =	sand.u32 $0x4000, s31;
	s1 =	sadd.s32 s1, s30  }
0xc1: {  	s0 =	sor.u32 s3, s0;
	s1 =	sshll.u32 s1, $0x11  }
0xc2: {  	s0 =	sor.u32 s1, s0  }
0xc3: {  	s0 =	sadd.s32 $0x8F2B, s0  }
0xc4: {  	[sflag:s0] =	ssyncadd.remote.s32 $0x1  }
0xc5: {  	_ =	sfence.sel $0xFFFF  }
0xc6: {  	[dreg:$0x0] =	wrdreg $0xFFFFFFFF;
	(pc) =	sbr.abs _section_cstart, $3  }
0xc7: {  	[dreg:$0x1] =	wrdreg $0xFFFFFFFF  }
0xc8: {  	_ =	task.clear_ibuf [dreg:s8], $0x2FFFF;
	_ =	strace $0x9FFFFFFF  }
0xc9: {  	(tm) =	ssettm $0x7FFFFFFF  }
tec
execute0_lowered:
.L_overlay_start_1:
0x0: {  	(tag) =	ssettag $0x1  }
0x1: {  	s0 =	rddreg [dreg:$0x0]  }
0x2: {  	s21 =	rddreg [dreg:$0x1]  }
0x3: {  	s20 =	rddreg [dreg:$0x2];
	s1 =	srdreg.scid  }
0x4: {  	s2 =	stileid.u32;
	s22 =	simm.s32 $0x0;
	s1 =	sand.u32 $0x1, s1  }
0x5: {  	s3 =	sshll.u32 s2, $0x1;
	[smem:$0x7FF] =	sst s22;
	s9 =	sadd.s32 $0x600, s21  }
0x6: {  	s10 =	sadd.s32 $0x800, s21;
	s11 =	sadd.s32 $0xA00, s21;
	s12 =	sadd.s32 $0xC00, s21  }
0x7: {  	s13 =	sadd.s32 $0xE00, s21;
	s14 =	sadd.s32 $0x1000, s21;
	s15 =	sadd.s32 $0x1200, s21  }
0x8: {  	s16 =	sadd.s32 $0x1400, s21;
	s18 =	sadd.s32 $0x1600, s21;
	s19 =	sadd.s32 $0x1800, s21  }
0x9: {  	s28 =	sadd.s32 $0x1E00, s21;
	s3 =	sor.u32 s1, s3;
	_ =	strace $0x80000047  }
0xa: {  	s1 =	ssub.s32 $0x2, s1;
	s4 =	sshll.u32 s3, $0x6;
	s5 =	sshll.u32 s3, $0xB  }
0xb: {  	s6 =	sshll.u32 s3, $0x4;
	s7 =	sshrl.u32 s1, $0x1;
	s8 =	sshll.u32 s3, $0x9  }
0xc: {  	s17 =	sshll.u32 s3, $0x11;
	s3 =	simm.s32 $0x7;
	s4 =	sadd.s32 s4, s0  }
0xd: {  	s5 =	sadd.s32 s5, s0;
	s6 =	sadd.s32 s6, s0;
	s0 =	sadd.s32 s0, s8  }
0xe: {  	s25 =	sadd.s32 s17, s20;
	[dreg:$0x4] =	wrdreg s0;
	s24 =	sadd.s32 $0x4000, s4  }
0xf: {  	s1 =	ssub.s32 s1, s7;
	s26 =	sadd.s32 $0x1E000, s25;
	[dreg:$0x5] =	wrdreg s24  }
0x10: {  	s7 =	sadd.s32 $0x200, s21;
	s0 =	sadd.s32 $0x1E040, s25;
	[dreg:$0x6] =	wrdreg s26  }
0x11: {  	s8 =	sadd.s32 $0x400, s21;
	s29 =	sadd.s32 $0x4A00, s5;
	[dreg:$0x7] =	wrdreg s0  }
0x12: {  	s20 =	sadd.s32 $0x1A00, s21;
	s30 =	sadd.s32 $0x4800, s6;
	[dreg:$0x8] =	wrdreg s29  }
0x13: {  	v0 =	vlaneseq.u32;
	s31 =	smax.u32 s1, $0x1;
	s25 =	simm.s32 $0x1200;
	[dreg:$0x9] =	wrdreg s30  }
0x14: {  	v2 =	vshrl.u32 v0, $0x2;
	s1 =	simm.s32 $0x4;
	s4 =	simm.s32 $0x0;
	[dreg:$0xa] =	wrdreg s31  }
0x15: {  	vm0 =	vmmov $0xffff;
	v1 =	vand.u32 $0x3, v0;
	v2 =	vmul.u32 $0x8, v2;
	s26 =	sadd.s32 $0x1C00, s21;
	s24 =	simm.s32 $0x11200;
	s0 =	simm.s32 $0x2  }
.LBB2_1:
0x16: {  	[dreg:$0xb] =	wrdreg s4  }
0x17: {  	s2 =	rddreg [dreg:$0x4]  }
0x18: {  	[tilespmem:s22], [sflag:$0x7] =	stream.linear.gather [hbm4b:s2+s22], $0x1000, $0x38;
	[tilespmem:$0x1D280] =	vst v63  }
0x19: {  	_ =	swait.ge [sflag:s3], $0x1000  }
0x1a: {  	[sflag:s3] =	ssyncset.done $0x0  }
0x1b: {  	s31 =	simm.s32 $0x1000;
	s30 =	rddreg [dreg:$0x5];
	[sflag:s3] =	ssyncadd.s32 $0xFFFFF000  }
0x1c: {  	[tilespmem:s31], [sflag:$0x7] =	stream.linear.gather [hbm4b:s30+s22], $0x200, $0x38;
	[tilespmem:$0x1D280] =	vst v63  }
0x1d: {  	_ =	swait.ge [sflag:s3], $0x200  }
0x1e: {  	[sflag:s3] =	ssyncset.done $0x0  }
0x1f: {  	[sflag:s3] =	ssyncadd.s32 $0xFFFFFE00  }
0x20: {  	v3 =	vld.msk [tilespmem:$0x0], $0xf;
	_ =	sdelay $0x4  }
0x21: {  	v4 =	vshll.u32 v3, $0x6  }
0x22: {  	v3 =	vand.u32 $0x7, v3;
	v4 =	vand.u32 $0xFFFFFE00, v4  }
0x23: {  	v3 =	vor.u32 v3, v4  }
0x24: {  	v3 =	vperm.xlane v3, v1;
	_ =	sdelay $0x1  }
0x25: {  	v3 =	vadd.s32 v2, v3;
	_ =	sdelay $0x3  }
0x26: {  	s5 =	rddreg [dreg:$0x1]  }
0x27: {  	[tilespmem:s25], [sflag:$0x1] =	stream.indirect_vreg.gather [hbm4b:s5+s22], $0x80, v3, vm0, $0xb8;
	[tilespmem:$0x1D280] =	vst v63  }
0x28: {  	s6 =	simm.s32 $0x1A00  }
0x29: {  	[tilespmem:s6], [sflag:$0x1] =	stream.indirect_vreg.gather [hbm4b:s7+s22], $0x80, v3, vm0, $0xb8;
	[tilespmem:$0x1D280] =	vst v63  }
0x2a: {  	s21 =	simm.s32 $0x2200  }
0x2b: {  	[tilespmem:s21], [sflag:$0x1] =	stream.indirect_vreg.gather [hbm4b:s8+s22], $0x80, v3, vm0, $0xb8;
	[tilespmem:$0x1D280] =	vst v63  }
0x2c: {  	s23 =	simm.s32 $0x2A00  }
0x2d: {  	[tilespmem:s23], [sflag:$0x1] =	stream.indirect_vreg.gather [hbm4b:s9+s22], $0x80, v3, vm0, $0xb8;
	[tilespmem:$0x1D280] =	vst v63  }
0x2e: {  	s29 =	simm.s32 $0x3200  }
0x2f: {  	[tilespmem:s29], [sflag:$0x1] =	stream.indirect_vreg.gather [hbm4b:s10+s22], $0x80, v3, vm0, $0xb8;
	[tilespmem:$0x1D280] =	vst v63  }
0x30: {  	s30 =	simm.s32 $0x3A00  }
0x31: {  	[tilespmem:s30], [sflag:$0x1] =	stream.indirect_vreg.gather [hbm4b:s11+s22], $0x80, v3, vm0, $0xb8;
	[tilespmem:$0x1D280] =	vst v63  }
0x32: {  	s31 =	simm.s32 $0x4200  }
0x33: {  	[tilespmem:s31], [sflag:$0x1] =	stream.indirect_vreg.gather [hbm4b:s12+s22], $0x80, v3, vm0, $0xb8;
	[tilespmem:$0x1D280] =	vst v63  }
0x34: {  	s3 =	simm.s32 $0x4A00  }
0x35: {  	[tilespmem:s3], [sflag:$0x1] =	stream.indirect_vreg.gather [hbm4b:s13+s22], $0x80, v3, vm0, $0xb8;
	[tilespmem:$0x1D280] =	vst v63  }
0x36: {  	s4 =	simm.s32 $0x5200  }
0x37: {  	[tilespmem:s4], [sflag:$0x1] =	stream.indirect_vreg.gather [hbm4b:s14+s22], $0x80, v3, vm0, $0xb8;
	[tilespmem:$0x1D280] =	vst v63  }
0x38: {  	s5 =	simm.s32 $0x5A00  }
0x39: {  	[tilespmem:s5], [sflag:$0x1] =	stream.indirect_vreg.gather [hbm4b:s15+s22], $0x80, v3, vm0, $0xb8;
	[tilespmem:$0x1D280] =	vst v63  }
0x3a: {  	s6 =	simm.s32 $0x6200  }
0x3b: {  	[tilespmem:s6], [sflag:$0x1] =	stream.indirect_vreg.gather [hbm4b:s16+s22], $0x80, v3, vm0, $0xb8;
	[tilespmem:$0x1D280] =	vst v63  }
0x3c: {  	s21 =	simm.s32 $0x6A00  }
0x3d: {  	[tilespmem:s21], [sflag:$0x1] =	stream.indirect_vreg.gather [hbm4b:s18+s22], $0x80, v3, vm0, $0xb8;
	[tilespmem:$0x1D280] =	vst v63  }
0x3e: {  	s23 =	simm.s32 $0x7200  }
0x3f: {  	[tilespmem:s23], [sflag:$0x1] =	stream.indirect_vreg.gather [hbm4b:s19+s22], $0x80, v3, vm0, $0xb8;
	[tilespmem:$0x1D280] =	vst v63  }
0x40: {  	s29 =	simm.s32 $0x7A00  }
0x41: {  	[tilespmem:s29], [sflag:$0x1] =	stream.indirect_vreg.gather [hbm4b:s20+s22], $0x80, v3, vm0, $0xb8;
	[tilespmem:$0x1D280] =	vst v63  }
0x42: {  	s30 =	simm.s32 $0x8200  }
0x43: {  	[tilespmem:s30], [sflag:$0x1] =	stream.indirect_vreg.gather [hbm4b:s26+s22], $0x80, v3, vm0, $0xb8;
	[tilespmem:$0x1D280] =	vst v63  }
0x44: {  	s31 =	simm.s32 $0x8A00;
	s6 =	simm.s32 $0x0  }
0x45: {  	v4 =	vimm.f32 $0.0e+00;
	[tilespmem:s31], [sflag:$0x1] =	stream.indirect_vreg.gather [hbm4b:s28+s22], $0x80, v3, vm0, $0xb8;
	v3 =	vimm.f32 $0.0e+00;
	[tilespmem:$0x1D280] =	vst v63  }
.LBB2_2:
0x46: {  	s22 =	smul.u32 $0x3, s6;
	p0 =	seq.s32 s6, $0x0  }
0x47: {  	s3 =	simm.s32 @!p0 $0x5  }
0x48: {  	_ =	swait.ge @!p0 [sflag:s3], $0x8000;
	s23 =	sadd.s32 $0x1, s22  }
0x49: {  	[sflag:s3] =	ssyncset.done @!p0 $0x0;
	s4 =	sshll.u32 s23, $0x7  }
0x4a: {  	[sflag:s3] =	ssyncadd.s32 @!p0 $0xFFFF8000;
	s30 =	sand.u32 $0x3FFFFF80, s4  }
0x4b: {  	v5 =	vld.msk [tilespmem:s30+$0x0], $0xf;
	_ =	sdelay $0x4  }
0x4c: {  	v6 =	vshll.u32 v5, $0x6  }
0x4d: {  	v5 =	vand.u32 $0x7, v5;
	v6 =	vand.u32 $0xFFFFFE00, v6  }
0x4e: {  	v5 =	vor.u32 v5, v6  }
0x4f: {  	v5 =	vperm.xlane v5, v1;
	_ =	sdelay $0x1  }
0x50: {  	v5 =	vadd.s32 v2, v5;
	_ =	sdelay $0x3  }
0x51: {  	s31 =	simm.s32 $0x9200;
	s3 =	simm.s32 $0x0;
	s2 =	rddreg [dreg:$0x1]  }
0x52: {  	[tilespmem:s31], [sflag:$0x2] =	stream.indirect_vreg.gather [hbm4b:s2+s3], $0x80, v5, vm0, $0xb8;
	[tilespmem:$0x1D280] =	vst v63  }
0x53: {  	s4 =	simm.s32 $0x9A00  }
0x54: {  	[tilespmem:s4], [sflag:$0x2] =	stream.indirect_vreg.gather [hbm4b:s7+s3], $0x80, v5, vm0, $0xb8;
	[tilespmem:$0x1D280] =	vst v63  }
0x55: {  	s5 =	simm.s32 $0xA200  }
0x56: {  	[tilespmem:s5], [sflag:$0x2] =	stream.indirect_vreg.gather [hbm4b:s8+s3], $0x80, v5, vm0, $0xb8;
	[tilespmem:$0x1D280] =	vst v63  }
0x57: {  	s21 =	simm.s32 $0xAA00  }
0x58: {  	[tilespmem:s21], [sflag:$0x2] =	stream.indirect_vreg.gather [hbm4b:s9+s3], $0x80, v5, vm0, $0xb8;
	[tilespmem:$0x1D280] =	vst v63  }
0x59: {  	s29 =	simm.s32 $0xB200  }
0x5a: {  	[tilespmem:s29], [sflag:$0x2] =	stream.indirect_vreg.gather [hbm4b:s10+s3], $0x80, v5, vm0, $0xb8;
	[tilespmem:$0x1D280] =	vst v63  }
0x5b: {  	s30 =	simm.s32 $0xBA00  }
0x5c: {  	[tilespmem:s30], [sflag:$0x2] =	stream.indirect_vreg.gather [hbm4b:s11+s3], $0x80, v5, vm0, $0xb8;
	[tilespmem:$0x1D280] =	vst v63  }
0x5d: {  	s31 =	simm.s32 $0xC200  }
0x5e: {  	[tilespmem:s31], [sflag:$0x2] =	stream.indirect_vreg.gather [hbm4b:s12+s3], $0x80, v5, vm0, $0xb8;
	[tilespmem:$0x1D280] =	vst v63  }
0x5f: {  	s4 =	simm.s32 $0xCA00  }
0x60: {  	[tilespmem:s4], [sflag:$0x2] =	stream.indirect_vreg.gather [hbm4b:s13+s3], $0x80, v5, vm0, $0xb8;
	[tilespmem:$0x1D280] =	vst v63  }
0x61: {  	s5 =	simm.s32 $0xD200  }
0x62: {  	[tilespmem:s5], [sflag:$0x2] =	stream.indirect_vreg.gather [hbm4b:s14+s3], $0x80, v5, vm0, $0xb8;
	[tilespmem:$0x1D280] =	vst v63  }
0x63: {  	s21 =	simm.s32 $0xDA00  }
0x64: {  	[tilespmem:s21], [sflag:$0x2] =	stream.indirect_vreg.gather [hbm4b:s15+s3], $0x80, v5, vm0, $0xb8;
	[tilespmem:$0x1D280] =	vst v63  }
0x65: {  	s29 =	simm.s32 $0xE200  }
0x66: {  	[tilespmem:s29], [sflag:$0x2] =	stream.indirect_vreg.gather [hbm4b:s16+s3], $0x80, v5, vm0, $0xb8;
	[tilespmem:$0x1D280] =	vst v63  }
0x67: {  	s30 =	simm.s32 $0xEA00  }
0x68: {  	[tilespmem:s30], [sflag:$0x2] =	stream.indirect_vreg.gather [hbm4b:s18+s3], $0x80, v5, vm0, $0xb8;
	[tilespmem:$0x1D280] =	vst v63  }
0x69: {  	s31 =	simm.s32 $0xF200  }
0x6a: {  	[tilespmem:s31], [sflag:$0x2] =	stream.indirect_vreg.gather [hbm4b:s19+s3], $0x80, v5, vm0, $0xb8;
	[tilespmem:$0x1D280] =	vst v63  }
0x6b: {  	s4 =	simm.s32 $0xFA00  }
0x6c: {  	[tilespmem:s4], [sflag:$0x2] =	stream.indirect_vreg.gather [hbm4b:s20+s3], $0x80, v5, vm0, $0xb8;
	[tilespmem:$0x1D280] =	vst v63  }
0x6d: {  	s5 =	simm.s32 $0x10200  }
0x6e: {  	[tilespmem:s5], [sflag:$0x2] =	stream.indirect_vreg.gather [hbm4b:s26+s3], $0x80, v5, vm0, $0xb8;
	[tilespmem:$0x1D280] =	vst v63  }
0x6f: {  	s21 =	simm.s32 $0x10A00;
	s5 =	simm.s32 $0x1  }
0x70: {  	[tilespmem:s21], [sflag:$0x2] =	stream.indirect_vreg.gather [hbm4b:s28+s3], $0x80, v5, vm0, $0xb8;
	[tilespmem:$0x1D280] =	vst v63  }
0x71: {  	s29 =	smul.u32 $0x3000, s6;
	s30 =	sshll.u32 s6, $0x6;
	_ =	swait.ge [sflag:s5], $0x8000  }
0x72: {  	s4 =	sand.u32 $0x40, s30;
	[sflag:s5] =	ssyncset.done $0x0  }
0x73: {  	s3 =	sadd.s32 s17, s29;
	s29 =	simm.s32 $0x0;
	s31 =	rddreg [dreg:$0x2]  }
0x74: {  	s3 =	sand.u32 $0x7FE000, s3;
	[sflag:s5] =	ssyncadd.s32 $0xFFFF8000;
	s21 =	sadd.s32 s31, s4  }
0x75: {  	s5 =	simm.s32 $0x400;
	s4 =	simm.s32 $0x200;
	s3 =	sadd.s32 s3, s21  }
0x76: {  	[hbm4b:s3+s4] =	stream.strided.scatter [tilespmem:s25], [sflag:$0x4], $0x8000, s5, s4, $0x38;
	[tilespmem:$0x1D280] =	vst v63  }
0x77: {  	v5 =	vld [tilespmem:s29+$0x1270]  }
0x78: {  	v6 =	vld [tilespmem:s29+$0x1200]  }
0x79: {  	v7 =	vld [tilespmem:s29+$0x1210]  }
0x7a: {  	v8 =	vld [tilespmem:s29+$0x1220]  }
0x7b: {  	v9 =	vld [tilespmem:s29+$0x1230]  }
0x7c: {  	v10 =	vld [tilespmem:s29+$0x1240]  }
0x7d: {  	v11 =	vld [tilespmem:s29+$0x1250]  }
0x7e: {  	s31 =	simm.s32 $0x400;
	v12 =	vld [tilespmem:s29+$0x1260];
	v5 =	vmul.f32 $1.442695020e+00, v5;
	v6 =	vmul.f32 $1.442695020e+00, v6  }
0x7f: {  	s30 =	simm.s32 $0x200;
	v15 =	vld [tilespmem:s31+$0x1270];
	v7 =	vmul.f32 $1.442695020e+00, v7;
	v8 =	vmul.f32 $1.442695020e+00, v8  }
0x80: {  	v9 =	vmul.f32 $1.442695020e+00, v9;
	(erf) = vpow2.f32 v5;
	v5 =	vld [tilespmem:s30+$0x1270]  }
0x81: {  	v10 =	vmul.f32 $1.442695020e+00, v10;
	(erf) = vpow2.f32 v6;
	v6 =	vld [tilespmem:s30+$0x1200]  }
0x82: {  	v11 =	vmul.f32 $1.442695020e+00, v11;
	(erf) = vpow2.f32 v7;
	v7 =	vld [tilespmem:s30+$0x1210]  }
0x83: {  	v12 =	vmul.f32 $1.442695020e+00, v12;
	(erf) = vpow2.f32 v8;
	v8 =	vld [tilespmem:s30+$0x1220]  }
0x84: {  	v18 =	vmul.f32 $1.442695020e+00, v15;
	(erf) = vpow2.f32 v9;
	v9 =	vld [tilespmem:s30+$0x1230]  }
0x85: {  	(erf) = vpow2.f32 v10;
	v10 =	vld [tilespmem:s30+$0x1240];
	v5 =	vmul.f32 $1.442695020e+00, v5  }
0x86: {  	v16 =	vld [tilespmem:s31+$0x1200];
	(erf) = vpow2.f32 v11;
	v6 =	vmul.f32 $1.442695020e+00, v6  }
0x87: {  	v11 =	vld [tilespmem:s30+$0x1250];
	(erf) = vpow2.f32 v12;
	v7 =	vmul.f32 $1.442695020e+00, v7  }
0x88: {  	v12 =	vld [tilespmem:s30+$0x1260];
	(erf) = vpow2.f32 v5;
	v8 =	vmul.f32 $1.442695020e+00, v8  }
0x89: {  	v17 =	vld [tilespmem:s31+$0x1210];
	(erf) = vpow2.f32 v6;
	v9 =	vmul.f32 $1.442695020e+00, v9  }
0x8a: {  	v5 =	vpop (erf);
	(erf) = vpow2.f32 v7;
	v7 =	vmul.f32 $1.442695020e+00, v10  }
0x8b: {  	v19 =	vmul.f32 $1.442695020e+00, v16;
	v6 =	vpop (erf);
	(erf) = vpow2.f32 v8  }
0x8c: {  	v10 =	vmul.f32 $1.442695020e+00, v11;
	v8 =	vpop (erf);
	(erf) = vpow2.f32 v9  }
0x8d: {  	v13 =	vld [tilespmem:s31+$0x1220];
	v12 =	vmul.f32 $1.442695020e+00, v12;
	v9 =	vadd.f32 v8, v3;
	v8 =	vpop (erf);
	(erf) = vpow2.f32 v7  }
0x8e: {  	v14 =	vld [tilespmem:s31+$0x1230];
	v20 =	vmul.f32 $1.442695020e+00, v17;
	v7 =	vpop (erf);
	(erf) = vpow2.f32 v10  }
0x8f: {  	v15 =	vld [tilespmem:s31+$0x1240];
	v11 =	vadd.f32 v8, v3;
	v8 =	vadd.f32 v7, v3;
	v7 =	vpop (erf);
	(erf) = vpow2.f32 v12  }
0x90: {  	v16 =	vld [tilespmem:s31+$0x1250];
	v5 =	vadd.f32 v5, v3;
	v6 =	vadd.f32 v6, v3;
	v10 =	vpop (erf);
	(erf) = vpow2.f32 v18  }
0x91: {  	s3 =	simm.s32 $0x600;
	s4 =	simm.s32 $0x2000;
	v17 =	vld [tilespmem:s31+$0x1260];
	v12 =	vimm.f32 $0.0e+00;
	v7 =	vadd.f32 v7, v3;
	v10 =	vadd.f32 v10, v3;
	v18 =	vpop (erf)  }
.LBB2_3:
0x92: {  	p1 =	sne.s32 s4, $0x1F800;
	v21 =	vld [tilespmem:s3+$0x1270];
	v13 =	vmul.f32 $1.442695020e+00, v13;
	(erf) = vpow2.f32 v19;
	v19 =	vpop (erf);
	v12 =	vadd.f32 v18, v12  }
0x93: {  	v18 =	vld [tilespmem:s3+$0x1200];
	v14 =	vmul.f32 $1.442695020e+00, v14;
	(erf) = vpow2.f32 v20;
	v5 =	vadd.f32 v19, v5;
	v19 =	vpop (erf)  }
0x94: {  	v20 =	vld [tilespmem:s3+$0x1210];
	v15 =	vmul.f32 $1.442695020e+00, v15;
	(erf) = vpow2.f32 v13;
	v6 =	vadd.f32 v19, v6;
	v19 =	vpop (erf)  }
.Ltmp0:
0x95: {  	v13 =	vld [tilespmem:s3+$0x1220];
	v16 =	vmul.f32 $1.442695020e+00, v16;
	(erf) = vpow2.f32 v14;
	v9 =	vadd.f32 v19, v9;
	v19 =	vpop (erf);
	(pc) =	sbr.rel @p1 .LBB2_3-.Ltmp0, $4  }
0x96: {  	v14 =	vld [tilespmem:s3+$0x1230];
	v17 =	vmul.f32 $1.442695020e+00, v17;
	(erf) = vpow2.f32 v15;
	v11 =	vadd.f32 v19, v11;
	v19 =	vpop (erf)  }
0x97: {  	v15 =	vld [tilespmem:s3+$0x1240];
	v21 =	vmul.f32 $1.442695020e+00, v21;
	(erf) = vpow2.f32 v16;
	v8 =	vadd.f32 v19, v8;
	v22 =	vpop (erf)  }
0x98: {  	v16 =	vld [tilespmem:s3+$0x1250];
	v19 =	vmul.f32 $1.442695020e+00, v18;
	(erf) = vpow2.f32 v17;
	v7 =	vadd.f32 v22, v7;
	v18 =	vpop (erf)  }
0x99: {  	v17 =	vld [tilespmem:s3+$0x1260];
	s3 =	sshra.s32 s4, $0x2;
	s4 =	sadd.s32 $0x800, s4;
	v20 =	vmul.f32 $1.442695020e+00, v20;
	(erf) = vpow2.f32 v21;
	v10 =	vadd.f32 v18, v10;
	v18 =	vpop (erf)  }
0x9a: {  	v21 =	vld [tilespmem:s3+$0x1270];
	v13 =	vmul.f32 $1.442695020e+00, v13  }
0x9b: {  	v22 =	vld [tilespmem:s3+$0x1200];
	v14 =	vmul.f32 $1.442695020e+00, v14  }
0x9c: {  	(erf) = vpow2.f32 v19;
	v19 =	vpop (erf);
	v23 =	vld [tilespmem:s3+$0x1210];
	v15 =	vmul.f32 $1.442695020e+00, v15  }
0x9d: {  	(erf) = vpow2.f32 v20;
	v20 =	vpop (erf);
	v16 =	vmul.f32 $1.442695020e+00, v16  }
0x9e: {  	(erf) = vpow2.f32 v13;
	v13 =	vpop (erf);
	v17 =	vmul.f32 $1.442695020e+00, v17  }
0x9f: {  	v24 =	vld [tilespmem:s3+$0x1220];
	(erf) = vpow2.f32 v14;
	v14 =	vpop (erf);
	v21 =	vmul.f32 $1.442695020e+00, v21  }
0xa0: {  	(erf) = vpow2.f32 v15;
	v22 =	vmul.f32 $1.442695020e+00, v22;
	v15 =	vpop (erf)  }
0xa1: {  	v23 =	vmul.f32 $1.442695020e+00, v23;
	(erf) = vpow2.f32 v16;
	v16 =	vpop (erf)  }
0xa2: {  	v25 =	vld [tilespmem:s3+$0x1230];
	(erf) = vpow2.f32 v17;
	v17 =	vpop (erf)  }
0xa3: {  	v26 =	vld [tilespmem:s3+$0x1240];
	(erf) = vpow2.f32 v21;
	v21 =	vpop (erf)  }
0xa4: {  	v27 =	vld [tilespmem:s3+$0x1250];
	v24 =	vmul.f32 $1.442695020e+00, v24;
	(erf) = vpow2.f32 v22;
	v22 =	vpop (erf)  }
0xa5: {  	(erf) = vpow2.f32 v23;
	v23 =	vpop (erf)  }
0xa6: {  	v28 =	vpop (erf);
	(erf) = vpow2.f32 v24  }
0xa7: {  	v25 =	vmul.f32 $1.442695020e+00, v25;
	v62 =	vpop (erf)  }
0xa8: {  	v26 =	vmul.f32 $1.442695020e+00, v26;
	v30 =	vpop (erf)  }
0xa9: {  	v29 =	vld [tilespmem:s3+$0x1260];
	v9 =	vadd.f32 v13, v9;
	v13 =	vmul.f32 $1.442695020e+00, v27;
	(erf) = vpow2.f32 v25;
	v63 =	vpop (erf)  }
0xaa: {  	v12 =	vadd.f32 v18, v12;
	v18 =	vpop (erf)  }
0xab: {  	v6 =	vadd.f32 v20, v6;
	(erf) = vpow2.f32 v26;
	v20 =	vpop (erf)  }
0xac: {  	v11 =	vadd.f32 v14, v11;
	v14 =	vpop (erf)  }
0xad: {  	v8 =	vadd.f32 v15, v8;
	v6 =	vadd.f32 v23, v6;
	(erf) = vpow2.f32 v13;
	v13 =	vpop (erf)  }
0xae: {  	v23 =	vmul.f32 $1.442695020e+00, v29;
	v9 =	vadd.f32 v28, v9;
	v11 =	vadd.f32 v62, v11;
	v15 =	vpop (erf)  }
0xaf: {  	v7 =	vadd.f32 v16, v7;
	v6 =	vadd.f32 v13, v6;
	v13 =	vpop (erf)  }
0xb0: {  	(erf) = vpow2.f32 v23;
	v9 =	vadd.f32 v15, v9;
	v11 =	vadd.f32 v13, v11  }
0xb1: {  	v8 =	vadd.f32 v30, v8;
	v7 =	vadd.f32 v63, v7  }
0xb2: {  	v6 =	vadd.f32 v9, v6;
	v9 =	vadd.f32 v17, v10;
	v10 =	vpop (erf)  }
0xb3: {  	v8 =	vadd.f32 v10, v8;
	v10 =	vadd.f32 v21, v12  }
0xb4: {  	v6 =	vadd.f32 v11, v6;
	v11 =	vpop (erf)  }
0xb5: {  	v7 =	vadd.f32 v11, v7  }
0xb6: {  	v9 =	vadd.f32 v18, v9;
	v6 =	vadd.f32 v8, v6  }
0xb7: {  	v5 =	vadd.f32 v19, v5;
	v8 =	vadd.f32 v20, v10;
	v10 =	vpop (erf)  }
0xb8: {  	v9 =	vadd.f32 v10, v9;
	v6 =	vadd.f32 v7, v6  }
0xb9: {  	v5 =	vadd.f32 v22, v5;
	v7 =	vpop (erf)  }
0xba: {  	v6 =	vadd.f32 v9, v6;
	v7 =	vadd.f32 v7, v8;
	_ =	sdelay $0x1  }
0xbb: {  	v5 =	vadd.f32 v14, v5;
	v6 =	vadd.f32 v7, v6  }
0xbc: {  	s31 =	smul.u32 $0x1800, s6  }
0xbd: {  	v5 =	vadd.f32 v5, v6  }
0xbe: {  	s3 =	sshra.s32 s31, $0x2  }
0xbf: {  	s4 =	simm.s32 $0x0;
	[tilespmem:s3+$0x19200] =	vst v5  }
0xc0: {  	v5 =	vld [tilespmem:s4+$0x12F0]  }
0xc1: {  	v6 =	vld [tilespmem:s4+$0x1280]  }
0xc2: {  	v7 =	vld [tilespmem:s4+$0x1290]  }
0xc3: {  	v8 =	vld [tilespmem:s4+$0x12A0]  }
0xc4: {  	v9 =	vld [tilespmem:s4+$0x12B0]  }
0xc5: {  	v10 =	vld [tilespmem:s4+$0x12C0]  }
0xc6: {  	v11 =	vld [tilespmem:s4+$0x12D0];
	v5 =	vmul.f32 $1.442695020e+00, v5  }
0xc7: {  	s5 =	simm.s32 $0x200;
	v12 =	vld [tilespmem:s4+$0x12E0];
	v6 =	vmul.f32 $1.442695020e+00, v6;
	v7 =	vmul.f32 $1.442695020e+00, v7  }
0xc8: {  	v8 =	vmul.f32 $1.442695020e+00, v8;
	(erf) = vpow2.f32 v5;
	v5 =	vld [tilespmem:s5+$0x12F0]  }
0xc9: {  	v9 =	vmul.f32 $1.442695020e+00, v9;
	(erf) = vpow2.f32 v6;
	v6 =	vld [tilespmem:s5+$0x1280]  }
0xca: {  	v10 =	vmul.f32 $1.442695020e+00, v10;
	(erf) = vpow2.f32 v7;
	v7 =	vld [tilespmem:s5+$0x1290]  }
0xcb: {  	v11 =	vmul.f32 $1.442695020e+00, v11;
	(erf) = vpow2.f32 v8;
	v8 =	vld [tilespmem:s5+$0x12A0]  }
0xcc: {  	v12 =	vmul.f32 $1.442695020e+00, v12;
	(erf) = vpow2.f32 v9  }
0xcd: {  	v9 =	vld [tilespmem:s5+$0x12B0];
	(erf) = vpow2.f32 v10;
	v5 =	vmul.f32 $1.442695020e+00, v5  }
0xce: {  	v10 =	vld [tilespmem:s5+$0x12C0];
	(erf) = vpow2.f32 v11;
	v13 =	vmul.f32 $1.442695020e+00, v6  }
0xcf: {  	v11 =	vld [tilespmem:s5+$0x12D0];
	(erf) = vpow2.f32 v12;
	v7 =	vmul.f32 $1.442695020e+00, v7  }
0xd0: {  	s30 =	simm.s32 $0x400;
	v12 =	vld [tilespmem:s5+$0x12E0];
	(erf) = vpow2.f32 v5;
	v8 =	vmul.f32 $1.442695020e+00, v8  }
0xd1: {  	v16 =	vld [tilespmem:s30+$0x12F0];
	(erf) = vpow2.f32 v13  }
0xd2: {  	v17 =	vld [tilespmem:s30+$0x1280];
	v5 =	vpop (erf);
	v9 =	vmul.f32 $1.442695020e+00, v9;
	(erf) = vpow2.f32 v7  }
0xd3: {  	v15 =	vmul.f32 $1.442695020e+00, v10;
	v7 =	vpop (erf);
	(erf) = vpow2.f32 v8  }
0xd4: {  	v18 =	vld [tilespmem:s30+$0x1290];
	v6 =	vimm.f32 $0.0e+00;
	v11 =	vmul.f32 $1.442695020e+00, v11;
	v8 =	vpop (erf);
	(erf) = vpow2.f32 v9  }
0xd5: {  	v13 =	vld [tilespmem:s30+$0x12A0];
	v20 =	vmul.f32 $1.442695020e+00, v12;
	v10 =	vadd.f32 v8, v6;
	v8 =	vpop (erf);
	(erf) = vpow2.f32 v15  }
0xd6: {  	v14 =	vld [tilespmem:s30+$0x12B0];
	v21 =	vmul.f32 $1.442695020e+00, v16;
	v12 =	vadd.f32 v8, v6;
	v8 =	vpop (erf);
	(erf) = vpow2.f32 v11  }
0xd7: {  	v19 =	vmul.f32 $1.442695020e+00, v17;
	v15 =	vld [tilespmem:s30+$0x12C0];
	v9 =	vadd.f32 v8, v6;
	v8 =	vpop (erf);
	(erf) = vpow2.f32 v20  }
0xd8: {  	v16 =	vld [tilespmem:s30+$0x12D0];
	v5 =	vadd.f32 v5, v6;
	v7 =	vadd.f32 v7, v6;
	v11 =	vpop (erf);
	(erf) = vpow2.f32 v21  }
0xd9: {  	s4 =	simm.s32 $0x600;
	v17 =	vld [tilespmem:s30+$0x12E0];
	s5 =	simm.s32 $0x2000;
	v20 =	vmul.f32 $1.442695020e+00, v18;
	v8 =	vadd.f32 v8, v6;
	v11 =	vadd.f32 v11, v6;
	v18 =	vpop (erf)  }
.LBB2_5:
0xda: {  	p1 =	sne.s32 s5, $0x1F800;
	v21 =	vld [tilespmem:s4+$0x12F0];
	v13 =	vmul.f32 $1.442695020e+00, v13;
	(erf) = vpow2.f32 v19;
	v19 =	vpop (erf);
	v6 =	vadd.f32 v18, v6  }
0xdb: {  	v18 =	vld [tilespmem:s4+$0x1280];
	v14 =	vmul.f32 $1.442695020e+00, v14;
	(erf) = vpow2.f32 v20;
	v5 =	vadd.f32 v19, v5;
	v19 =	vpop (erf)  }
0xdc: {  	v20 =	vld [tilespmem:s4+$0x1290];
	v15 =	vmul.f32 $1.442695020e+00, v15;
	(erf) = vpow2.f32 v13;
	v7 =	vadd.f32 v19, v7;
	v19 =	vpop (erf)  }
.Ltmp1:
0xdd: {  	v13 =	vld [tilespmem:s4+$0x12A0];
	v16 =	vmul.f32 $1.442695020e+00, v16;
	(erf) = vpow2.f32 v14;
	v10 =	vadd.f32 v19, v10;
	v19 =	vpop (erf);
	(pc) =	sbr.rel @p1 .LBB2_5-.Ltmp1, $4  }
0xde: {  	v14 =	vld [tilespmem:s4+$0x12B0];
	v17 =	vmul.f32 $1.442695020e+00, v17;
	(erf) = vpow2.f32 v15;
	v12 =	vadd.f32 v19, v12;
	v19 =	vpop (erf)  }
0xdf: {  	v15 =	vld [tilespmem:s4+$0x12C0];
	v21 =	vmul.f32 $1.442695020e+00, v21;
	(erf) = vpow2.f32 v16;
	v9 =	vadd.f32 v19, v9;
	v22 =	vpop (erf)  }
0xe0: {  	v16 =	vld [tilespmem:s4+$0x12D0];
	v19 =	vmul.f32 $1.442695020e+00, v18;
	(erf) = vpow2.f32 v17;
	v8 =	vadd.f32 v22, v8;
	v18 =	vpop (erf)  }
0xe1: {  	v17 =	vld [tilespmem:s4+$0x12E0];
	s4 =	sshra.s32 s5, $0x2;
	s5 =	sadd.s32 $0x800, s5;
	v20 =	vmul.f32 $1.442695020e+00, v20;
	(erf) = vpow2.f32 v21;
	v11 =	vadd.f32 v18, v11;
	v18 =	vpop (erf)  }
0xe2: {  	v21 =	vld [tilespmem:s4+$0x12F0];
	v13 =	vmul.f32 $1.442695020e+00, v13  }
0xe3: {  	v22 =	vld [tilespmem:s4+$0x1280];
	v14 =	vmul.f32 $1.442695020e+00, v14  }
0xe4: {  	(erf) = vpow2.f32 v19;
	v19 =	vpop (erf);
	v23 =	vld [tilespmem:s4+$0x1290];
	v15 =	vmul.f32 $1.442695020e+00, v15  }
0xe5: {  	(erf) = vpow2.f32 v20;
	v20 =	vpop (erf);
	v16 =	vmul.f32 $1.442695020e+00, v16  }
0xe6: {  	(erf) = vpow2.f32 v13;
	v13 =	vpop (erf);
	v17 =	vmul.f32 $1.442695020e+00, v17  }
0xe7: {  	v24 =	vld [tilespmem:s4+$0x12A0];
	(erf) = vpow2.f32 v14;
	v14 =	vpop (erf);
	v21 =	vmul.f32 $1.442695020e+00, v21  }
0xe8: {  	(erf) = vpow2.f32 v15;
	v22 =	vmul.f32 $1.442695020e+00, v22;
	v15 =	vpop (erf)  }
0xe9: {  	v25 =	vld [tilespmem:s4+$0x12B0];
	v23 =	vmul.f32 $1.442695020e+00, v23;
	(erf) = vpow2.f32 v16;
	v16 =	vpop (erf)  }
0xea: {  	(erf) = vpow2.f32 v17;
	v17 =	vpop (erf)  }
0xeb: {  	v26 =	vld [tilespmem:s4+$0x12C0];
	(erf) = vpow2.f32 v21;
	v21 =	vpop (erf)  }
0xec: {  	v27 =	vld [tilespmem:s4+$0x12D0];
	v24 =	vmul.f32 $1.442695020e+00, v24;
	(erf) = vpow2.f32 v22;
	v22 =	vpop (erf)  }
0xed: {  	(erf) = vpow2.f32 v23;
	v23 =	vpop (erf)  }
0xee: {  	v25 =	vmul.f32 $1.442695020e+00, v25;
	v28 =	vpop (erf);
	(erf) = vpow2.f32 v24  }
0xef: {  	v62 =	vpop (erf)  }
0xf0: {  	v29 =	vld [tilespmem:s4+$0x12E0];
	v26 =	vmul.f32 $1.442695020e+00, v26;
	v30 =	vpop (erf);
	(erf) = vpow2.f32 v25  }
0xf1: {  	v10 =	vadd.f32 v13, v10;
	v13 =	vmul.f32 $1.442695020e+00, v27;
	v63 =	vpop (erf)  }
0xf2: {  	v6 =	vadd.f32 v18, v6;
	v7 =	vadd.f32 v20, v7;
	v18 =	vpop (erf);
	(erf) = vpow2.f32 v26  }
0xf3: {  	v12 =	vadd.f32 v14, v12;
	v20 =	vpop (erf)  }
0xf4: {  	v9 =	vadd.f32 v15, v9;
	v7 =	vadd.f32 v23, v7;
	v14 =	vpop (erf)  }
0xf5: {  	v23 =	vmul.f32 $1.442695020e+00, v29;
	v10 =	vadd.f32 v28, v10;
	(erf) = vpow2.f32 v13;
	v13 =	vpop (erf)  }
0xf6: {  	v8 =	vadd.f32 v16, v8;
	v12 =	vadd.f32 v62, v12;
	v15 =	vpop (erf)  }
0xf7: {  	(erf) = vpow2.f32 v23;
	v7 =	vadd.f32 v13, v7;
	v10 =	vadd.f32 v15, v10;
	v13 =	vpop (erf)  }
0xf8: {  	v9 =	vadd.f32 v30, v9;
	v12 =	vadd.f32 v13, v12  }
0xf9: {  	v7 =	vadd.f32 v10, v7;
	v10 =	vadd.f32 v17, v11;
	v11 =	vpop (erf)  }
0xfa: {  	v8 =	vadd.f32 v63, v8;
	v9 =	vadd.f32 v11, v9  }
0xfb: {  	v7 =	vadd.f32 v12, v7;
	v11 =	vpop (erf)  }
0xfc: {  	v6 =	vadd.f32 v21, v6;
	v8 =	vadd.f32 v11, v8  }
0xfd: {  	v10 =	vadd.f32 v18, v10;
	v7 =	vadd.f32 v9, v7  }
0xfe: {  	v5 =	vadd.f32 v19, v5;
	v6 =	vadd.f32 v20, v6;
	v9 =	vpop (erf)  }
0xff: {  	v9 =	vadd.f32 v9, v10;
	v7 =	vadd.f32 v8, v7  }
0x100: {  	v5 =	vadd.f32 v22, v5;
	v8 =	vpop (erf)  }
0x101: {  	v6 =	vadd.f32 v8, v6;
	v7 =	vadd.f32 v9, v7;
	_ =	sdelay $0x1  }
0x102: {  	v5 =	vadd.f32 v14, v5;
	v6 =	vadd.f32 v6, v7;
	_ =	sdelay $0x1  }
0x103: {  	v5 =	vadd.f32 v5, v6;
	_ =	sdelay $0x1  }
0x104: {  	s31 =	simm.s32 $0x0;
	[tilespmem:s3+$0x19280] =	vst v5  }
0x105: {  	v5 =	vld [tilespmem:s31+$0x1370]  }
0x106: {  	v6 =	vld [tilespmem:s31+$0x1300]  }
0x107: {  	v7 =	vld [tilespmem:s31+$0x1310]  }
0x108: {  	v8 =	vld [tilespmem:s31+$0x1320]  }
0x109: {  	v9 =	vld [tilespmem:s31+$0x1330]  }
0x10a: {  	v10 =	vld [tilespmem:s31+$0x1340]  }
0x10b: {  	v11 =	vld [tilespmem:s31+$0x1350];
	v5 =	vmul.f32 $1.442695020e+00, v5  }
0x10c: {  	s5 =	simm.s32 $0x200;
	v12 =	vld [tilespmem:s31+$0x1360];
	v6 =	vmul.f32 $1.442695020e+00, v6;
	v7 =	vmul.f32 $1.442695020e+00, v7  }
0x10d: {  	v8 =	vmul.f32 $1.442695020e+00, v8;
	(erf) = vpow2.f32 v5;
	v5 =	vld [tilespmem:s5+$0x1370]  }
0x10e: {  	v9 =	vmul.f32 $1.442695020e+00, v9;
	(erf) = vpow2.f32 v6;
	v6 =	vld [tilespmem:s5+$0x1300]  }
0x10f: {  	v10 =	vmul.f32 $1.442695020e+00, v10;
	(erf) = vpow2.f32 v7;
	v7 =	vld [tilespmem:s5+$0x1310]  }
0x110: {  	v11 =	vmul.f32 $1.442695020e+00, v11;
	(erf) = vpow2.f32 v8;
	v8 =	vld [tilespmem:s5+$0x1320]  }
0x111: {  	v12 =	vmul.f32 $1.442695020e+00, v12;
	(erf) = vpow2.f32 v9  }
0x112: {  	v9 =	vld [tilespmem:s5+$0x1330];
	(erf) = vpow2.f32 v10;
	v5 =	vmul.f32 $1.442695020e+00, v5  }
0x113: {  	v10 =	vld [tilespmem:s5+$0x1340];
	(erf) = vpow2.f32 v11;
	v13 =	vmul.f32 $1.442695020e+00, v6  }
0x114: {  	v11 =	vld [tilespmem:s5+$0x1350];
	(erf) = vpow2.f32 v12;
	v7 =	vmul.f32 $1.442695020e+00, v7  }
0x115: {  	s30 =	simm.s32 $0x400;
	v12 =	vld [tilespmem:s5+$0x1360];
	(erf) = vpow2.f32 v5;
	v8 =	vmul.f32 $1.442695020e+00, v8  }
0x116: {  	v16 =	vld [tilespmem:s30+$0x1370];
	(erf) = vpow2.f32 v13  }
0x117: {  	v17 =	vld [tilespmem:s30+$0x1300];
	v5 =	vpop (erf);
	v9 =	vmul.f32 $1.442695020e+00, v9;
	(erf) = vpow2.f32 v7  }
0x118: {  	v15 =	vmul.f32 $1.442695020e+00, v10;
	v7 =	vpop (erf);
	(erf) = vpow2.f32 v8  }
0x119: {  	v18 =	vld [tilespmem:s30+$0x1310];
	v6 =	vimm.f32 $0.0e+00;
	v11 =	vmul.f32 $1.442695020e+00, v11;
	v8 =	vpop (erf);
	(erf) = vpow2.f32 v9  }
0x11a: {  	v13 =	vld [tilespmem:s30+$0x1320];
	v20 =	vmul.f32 $1.442695020e+00, v12;
	v10 =	vadd.f32 v8, v6;
	v8 =	vpop (erf);
	(erf) = vpow2.f32 v15  }
0x11b: {  	v14 =	vld [tilespmem:s30+$0x1330];
	v21 =	vmul.f32 $1.442695020e+00, v16;
	v12 =	vadd.f32 v8, v6;
	v8 =	vpop (erf);
	(erf) = vpow2.f32 v11  }
0x11c: {  	v19 =	vmul.f32 $1.442695020e+00, v17;
	v15 =	vld [tilespmem:s30+$0x1340];
	v9 =	vadd.f32 v8, v6;
	v8 =	vpop (erf);
	(erf) = vpow2.f32 v20  }
0x11d: {  	v16 =	vld [tilespmem:s30+$0x1350];
	v5 =	vadd.f32 v5, v6;
	v7 =	vadd.f32 v7, v6;
	v11 =	vpop (erf);
	(erf) = vpow2.f32 v21  }
0x11e: {  	s4 =	simm.s32 $0x600;
	v17 =	vld [tilespmem:s30+$0x1360];
	s5 =	simm.s32 $0x2000;
	v20 =	vmul.f32 $1.442695020e+00, v18;
	v8 =	vadd.f32 v8, v6;
	v11 =	vadd.f32 v11, v6;
	v18 =	vpop (erf)  }
.LBB2_7:
0x11f: {  	p1 =	sne.s32 s5, $0x1F800;
	v21 =	vld [tilespmem:s4+$0x1370];
	v13 =	vmul.f32 $1.442695020e+00, v13;
	(erf) = vpow2.f32 v19;
	v19 =	vpop (erf);
	v6 =	vadd.f32 v18, v6  }
0x120: {  	v18 =	vld [tilespmem:s4+$0x1300];
	v14 =	vmul.f32 $1.442695020e+00, v14;
	(erf) = vpow2.f32 v20;
	v5 =	vadd.f32 v19, v5;
	v19 =	vpop (erf)  }
0x121: {  	v20 =	vld [tilespmem:s4+$0x1310];
	v15 =	vmul.f32 $1.442695020e+00, v15;
	(erf) = vpow2.f32 v13;
	v7 =	vadd.f32 v19, v7;
	v19 =	vpop (erf)  }
.Ltmp2:
0x122: {  	v13 =	vld [tilespmem:s4+$0x1320];
	v16 =	vmul.f32 $1.442695020e+00, v16;
	(erf) = vpow2.f32 v14;
	v10 =	vadd.f32 v19, v10;
	v19 =	vpop (erf);
	(pc) =	sbr.rel @p1 .LBB2_7-.Ltmp2, $4  }
0x123: {  	v14 =	vld [tilespmem:s4+$0x1330];
	v17 =	vmul.f32 $1.442695020e+00, v17;
	(erf) = vpow2.f32 v15;
	v12 =	vadd.f32 v19, v12;
	v19 =	vpop (erf)  }
0x124: {  	v15 =	vld [tilespmem:s4+$0x1340];
	v21 =	vmul.f32 $1.442695020e+00, v21;
	(erf) = vpow2.f32 v16;
	v9 =	vadd.f32 v19, v9;
	v22 =	vpop (erf)  }
0x125: {  	v16 =	vld [tilespmem:s4+$0x1350];
	v19 =	vmul.f32 $1.442695020e+00, v18;
	(erf) = vpow2.f32 v17;
	v8 =	vadd.f32 v22, v8;
	v18 =	vpop (erf)  }
0x126: {  	v17 =	vld [tilespmem:s4+$0x1360];
	s4 =	sshra.s32 s5, $0x2;
	s5 =	sadd.s32 $0x800, s5;
	v20 =	vmul.f32 $1.442695020e+00, v20;
	(erf) = vpow2.f32 v21;
	v11 =	vadd.f32 v18, v11;
	v18 =	vpop (erf)  }
0x127: {  	v21 =	vld [tilespmem:s4+$0x1370];
	v13 =	vmul.f32 $1.442695020e+00, v13  }
0x128: {  	v22 =	vld [tilespmem:s4+$0x1300];
	v14 =	vmul.f32 $1.442695020e+00, v14  }
0x129: {  	(erf) = vpow2.f32 v19;
	v19 =	vpop (erf);
	v23 =	vld [tilespmem:s4+$0x1310];
	v15 =	vmul.f32 $1.442695020e+00, v15  }
0x12a: {  	(erf) = vpow2.f32 v20;
	v20 =	vpop (erf);
	v16 =	vmul.f32 $1.442695020e+00, v16  }
0x12b: {  	(erf) = vpow2.f32 v13;
	v13 =	vpop (erf);
	v17 =	vmul.f32 $1.442695020e+00, v17  }
0x12c: {  	v24 =	vld [tilespmem:s4+$0x1320];
	(erf) = vpow2.f32 v14;
	v14 =	vpop (erf);
	v21 =	vmul.f32 $1.442695020e+00, v21  }
0x12d: {  	(erf) = vpow2.f32 v15;
	v22 =	vmul.f32 $1.442695020e+00, v22;
	v15 =	vpop (erf)  }
0x12e: {  	v25 =	vld [tilespmem:s4+$0x1330];
	v23 =	vmul.f32 $1.442695020e+00, v23;
	(erf) = vpow2.f32 v16;
	v16 =	vpop (erf)  }
0x12f: {  	(erf) = vpow2.f32 v17;
	v17 =	vpop (erf)  }
0x130: {  	v26 =	vld [tilespmem:s4+$0x1340];
	(erf) = vpow2.f32 v21;
	v21 =	vpop (erf)  }
0x131: {  	v27 =	vld [tilespmem:s4+$0x1350];
	v24 =	vmul.f32 $1.442695020e+00, v24;
	(erf) = vpow2.f32 v22;
	v22 =	vpop (erf)  }
0x132: {  	(erf) = vpow2.f32 v23;
	v23 =	vpop (erf)  }
0x133: {  	v25 =	vmul.f32 $1.442695020e+00, v25;
	v28 =	vpop (erf);
	(erf) = vpow2.f32 v24  }
0x134: {  	v62 =	vpop (erf)  }
0x135: {  	v29 =	vld [tilespmem:s4+$0x1360];
	v26 =	vmul.f32 $1.442695020e+00, v26;
	v30 =	vpop (erf);
	(erf) = vpow2.f32 v25  }
0x136: {  	v10 =	vadd.f32 v13, v10;
	v13 =	vmul.f32 $1.442695020e+00, v27;
	v63 =	vpop (erf)  }
0x137: {  	v6 =	vadd.f32 v18, v6;
	v7 =	vadd.f32 v20, v7;
	v18 =	vpop (erf);
	(erf) = vpow2.f32 v26  }
0x138: {  	v12 =	vadd.f32 v14, v12;
	v20 =	vpop (erf)  }
0x139: {  	v9 =	vadd.f32 v15, v9;
	v7 =	vadd.f32 v23, v7;
	v14 =	vpop (erf)  }
0x13a: {  	v23 =	vmul.f32 $1.442695020e+00, v29;
	v10 =	vadd.f32 v28, v10;
	(erf) = vpow2.f32 v13;
	v13 =	vpop (erf)  }
0x13b: {  	v8 =	vadd.f32 v16, v8;
	v12 =	vadd.f32 v62, v12;
	v15 =	vpop (erf)  }
0x13c: {  	(erf) = vpow2.f32 v23;
	v7 =	vadd.f32 v13, v7;
	v10 =	vadd.f32 v15, v10;
	v13 =	vpop (erf)  }
0x13d: {  	v9 =	vadd.f32 v30, v9;
	v12 =	vadd.f32 v13, v12  }
0x13e: {  	v7 =	vadd.f32 v10, v7;
	v10 =	vadd.f32 v17, v11;
	v11 =	vpop (erf)  }
0x13f: {  	v8 =	vadd.f32 v63, v8;
	v9 =	vadd.f32 v11, v9  }
0x140: {  	v7 =	vadd.f32 v12, v7;
	v11 =	vpop (erf)  }
0x141: {  	v6 =	vadd.f32 v21, v6;
	v8 =	vadd.f32 v11, v8  }
0x142: {  	v10 =	vadd.f32 v18, v10;
	v7 =	vadd.f32 v9, v7  }
0x143: {  	v5 =	vadd.f32 v19, v5;
	v6 =	vadd.f32 v20, v6;
	v9 =	vpop (erf)  }
0x144: {  	v9 =	vadd.f32 v9, v10;
	v7 =	vadd.f32 v8, v7  }
0x145: {  	v5 =	vadd.f32 v22, v5;
	v8 =	vpop (erf)  }
0x146: {  	v6 =	vadd.f32 v8, v6;
	v7 =	vadd.f32 v9, v7;
	_ =	sdelay $0x1  }
0x147: {  	v5 =	vadd.f32 v14, v5;
	v6 =	vadd.f32 v6, v7;
	_ =	sdelay $0x1  }
0x148: {  	v5 =	vadd.f32 v5, v6;
	_ =	sdelay $0x1  }
0x149: {  	s31 =	simm.s32 $0x0;
	[tilespmem:s3+$0x19300] =	vst v5  }
0x14a: {  	v5 =	vld [tilespmem:s31+$0x13F0]  }
0x14b: {  	v6 =	vld [tilespmem:s31+$0x1380]  }
0x14c: {  	v7 =	vld [tilespmem:s31+$0x1390]  }
0x14d: {  	v8 =	vld [tilespmem:s31+$0x13A0]  }
0x14e: {  	v9 =	vld [tilespmem:s31+$0x13B0]  }
0x14f: {  	v10 =	vld [tilespmem:s31+$0x13C0]  }
0x150: {  	v11 =	vld [tilespmem:s31+$0x13D0];
	v5 =	vmul.f32 $1.442695020e+00, v5  }
0x151: {  	s5 =	simm.s32 $0x200;
	v12 =	vld [tilespmem:s31+$0x13E0];
	v6 =	vmul.f32 $1.442695020e+00, v6;
	v7 =	vmul.f32 $1.442695020e+00, v7  }
0x152: {  	v8 =	vmul.f32 $1.442695020e+00, v8;
	(erf) = vpow2.f32 v5;
	v5 =	vld [tilespmem:s5+$0x13F0]  }
0x153: {  	v9 =	vmul.f32 $1.442695020e+00, v9;
	(erf) = vpow2.f32 v6;
	v6 =	vld [tilespmem:s5+$0x1380]  }
0x154: {  	v10 =	vmul.f32 $1.442695020e+00, v10;
	(erf) = vpow2.f32 v7;
	v7 =	vld [tilespmem:s5+$0x1390]  }
0x155: {  	v11 =	vmul.f32 $1.442695020e+00, v11;
	(erf) = vpow2.f32 v8;
	v8 =	vld [tilespmem:s5+$0x13A0]  }
0x156: {  	v12 =	vmul.f32 $1.442695020e+00, v12;
	(erf) = vpow2.f32 v9  }
0x157: {  	v9 =	vld [tilespmem:s5+$0x13B0];
	(erf) = vpow2.f32 v10;
	v5 =	vmul.f32 $1.442695020e+00, v5  }
0x158: {  	v10 =	vld [tilespmem:s5+$0x13C0];
	(erf) = vpow2.f32 v11;
	v13 =	vmul.f32 $1.442695020e+00, v6  }
0x159: {  	v11 =	vld [tilespmem:s5+$0x13D0];
	(erf) = vpow2.f32 v12;
	v7 =	vmul.f32 $1.442695020e+00, v7  }
0x15a: {  	s30 =	simm.s32 $0x400;
	v12 =	vld [tilespmem:s5+$0x13E0];
	(erf) = vpow2.f32 v5;
	v8 =	vmul.f32 $1.442695020e+00, v8  }
0x15b: {  	v16 =	vld [tilespmem:s30+$0x13F0];
	(erf) = vpow2.f32 v13  }
0x15c: {  	v17 =	vld [tilespmem:s30+$0x1380];
	v5 =	vpop (erf);
	v9 =	vmul.f32 $1.442695020e+00, v9;
	(erf) = vpow2.f32 v7  }
0x15d: {  	v15 =	vmul.f32 $1.442695020e+00, v10;
	v7 =	vpop (erf);
	(erf) = vpow2.f32 v8  }
0x15e: {  	v18 =	vld [tilespmem:s30+$0x1390];
	v6 =	vimm.f32 $0.0e+00;
	v11 =	vmul.f32 $1.442695020e+00, v11;
	v8 =	vpop (erf);
	(erf) = vpow2.f32 v9  }
0x15f: {  	v13 =	vld [tilespmem:s30+$0x13A0];
	v20 =	vmul.f32 $1.442695020e+00, v12;
	v10 =	vadd.f32 v8, v6;
	v8 =	vpop (erf);
	(erf) = vpow2.f32 v15  }
0x160: {  	v14 =	vld [tilespmem:s30+$0x13B0];
	v21 =	vmul.f32 $1.442695020e+00, v16;
	v12 =	vadd.f32 v8, v6;
	v8 =	vpop (erf);
	(erf) = vpow2.f32 v11  }
0x161: {  	v19 =	vmul.f32 $1.442695020e+00, v17;
	v15 =	vld [tilespmem:s30+$0x13C0];
	v9 =	vadd.f32 v8, v6;
	v8 =	vpop (erf);
	(erf) = vpow2.f32 v20  }
0x162: {  	v16 =	vld [tilespmem:s30+$0x13D0];
	v5 =	vadd.f32 v5, v6;
	v7 =	vadd.f32 v7, v6;
	v11 =	vpop (erf);
	(erf) = vpow2.f32 v21  }
0x163: {  	s4 =	simm.s32 $0x600;
	v17 =	vld [tilespmem:s30+$0x13E0];
	s5 =	simm.s32 $0x2000;
	v20 =	vmul.f32 $1.442695020e+00, v18;
	v8 =	vadd.f32 v8, v6;
	v11 =	vadd.f32 v11, v6;
	v18 =	vpop (erf)  }
.LBB2_9:
0x164: {  	p1 =	sne.s32 s5, $0x1F800;
	v21 =	vld [tilespmem:s4+$0x13F0];
	v13 =	vmul.f32 $1.442695020e+00, v13;
	(erf) = vpow2.f32 v19;
	v19 =	vpop (erf);
	v6 =	vadd.f32 v18, v6  }
0x165: {  	v18 =	vld [tilespmem:s4+$0x1380];
	v14 =	vmul.f32 $1.442695020e+00, v14;
	(erf) = vpow2.f32 v20;
	v5 =	vadd.f32 v19, v5;
	v19 =	vpop (erf)  }
0x166: {  	v20 =	vld [tilespmem:s4+$0x1390];
	v15 =	vmul.f32 $1.442695020e+00, v15;
	(erf) = vpow2.f32 v13;
	v7 =	vadd.f32 v19, v7;
	v19 =	vpop (erf)  }
.Ltmp3:
0x167: {  	v13 =	vld [tilespmem:s4+$0x13A0];
	v16 =	vmul.f32 $1.442695020e+00, v16;
	(erf) = vpow2.f32 v14;
	v10 =	vadd.f32 v19, v10;
	v19 =	vpop (erf);
	(pc) =	sbr.rel @p1 .LBB2_9-.Ltmp3, $4  }
0x168: {  	v14 =	vld [tilespmem:s4+$0x13B0];
	v17 =	vmul.f32 $1.442695020e+00, v17;
	(erf) = vpow2.f32 v15;
	v12 =	vadd.f32 v19, v12;
	v19 =	vpop (erf)  }
0x169: {  	v15 =	vld [tilespmem:s4+$0x13C0];
	v21 =	vmul.f32 $1.442695020e+00, v21;
	(erf) = vpow2.f32 v16;
	v9 =	vadd.f32 v19, v9;
	v22 =	vpop (erf)  }
0x16a: {  	v16 =	vld [tilespmem:s4+$0x13D0];
	v19 =	vmul.f32 $1.442695020e+00, v18;
	(erf) = vpow2.f32 v17;
	v8 =	vadd.f32 v22, v8;
	v18 =	vpop (erf)  }
0x16b: {  	v17 =	vld [tilespmem:s4+$0x13E0];
	s4 =	sshra.s32 s5, $0x2;
	s5 =	sadd.s32 $0x800, s5;
	v20 =	vmul.f32 $1.442695020e+00, v20;
	(erf) = vpow2.f32 v21;
	v11 =	vadd.f32 v18, v11;
	v18 =	vpop (erf)  }
0x16c: {  	v21 =	vld [tilespmem:s4+$0x13F0];
	v13 =	vmul.f32 $1.442695020e+00, v13  }
0x16d: {  	v22 =	vld [tilespmem:s4+$0x1380];
	v14 =	vmul.f32 $1.442695020e+00, v14  }
0x16e: {  	(erf) = vpow2.f32 v19;
	v19 =	vpop (erf);
	v23 =	vld [tilespmem:s4+$0x1390];
	v15 =	vmul.f32 $1.442695020e+00, v15  }
0x16f: {  	(erf) = vpow2.f32 v20;
	v20 =	vpop (erf);
	v16 =	vmul.f32 $1.442695020e+00, v16  }
0x170: {  	(erf) = vpow2.f32 v13;
	v13 =	vpop (erf);
	v17 =	vmul.f32 $1.442695020e+00, v17  }
0x171: {  	v24 =	vld [tilespmem:s4+$0x13A0];
	(erf) = vpow2.f32 v14;
	v14 =	vpop (erf);
	v21 =	vmul.f32 $1.442695020e+00, v21  }
0x172: {  	(erf) = vpow2.f32 v15;
	v22 =	vmul.f32 $1.442695020e+00, v22;
	v15 =	vpop (erf)  }
0x173: {  	v25 =	vld [tilespmem:s4+$0x13B0];
	v23 =	vmul.f32 $1.442695020e+00, v23;
	(erf) = vpow2.f32 v16;
	v16 =	vpop (erf)  }
0x174: {  	(erf) = vpow2.f32 v17;
	v17 =	vpop (erf)  }
0x175: {  	v26 =	vld [tilespmem:s4+$0x13C0];
	(erf) = vpow2.f32 v21;
	v21 =	vpop (erf)  }
0x176: {  	v27 =	vld [tilespmem:s4+$0x13D0];
	v24 =	vmul.f32 $1.442695020e+00, v24;
	(erf) = vpow2.f32 v22;
	v22 =	vpop (erf)  }
0x177: {  	(erf) = vpow2.f32 v23;
	v23 =	vpop (erf)  }
0x178: {  	v25 =	vmul.f32 $1.442695020e+00, v25;
	v28 =	vpop (erf);
	(erf) = vpow2.f32 v24  }
0x179: {  	v62 =	vpop (erf)  }
0x17a: {  	v29 =	vld [tilespmem:s4+$0x13E0];
	v26 =	vmul.f32 $1.442695020e+00, v26;
	v30 =	vpop (erf);
	(erf) = vpow2.f32 v25  }
0x17b: {  	v10 =	vadd.f32 v13, v10;
	v13 =	vmul.f32 $1.442695020e+00, v27;
	v63 =	vpop (erf)  }
0x17c: {  	v6 =	vadd.f32 v18, v6;
	v7 =	vadd.f32 v20, v7;
	v18 =	vpop (erf);
	(erf) = vpow2.f32 v26  }
0x17d: {  	v12 =	vadd.f32 v14, v12;
	v20 =	vpop (erf)  }
0x17e: {  	v9 =	vadd.f32 v15, v9;
	v7 =	vadd.f32 v23, v7;
	v14 =	vpop (erf)  }
0x17f: {  	v23 =	vmul.f32 $1.442695020e+00, v29;
	v10 =	vadd.f32 v28, v10;
	(erf) = vpow2.f32 v13;
	v13 =	vpop (erf)  }
0x180: {  	v8 =	vadd.f32 v16, v8;
	v12 =	vadd.f32 v62, v12;
	v15 =	vpop (erf)  }
0x181: {  	(erf) = vpow2.f32 v23;
	v7 =	vadd.f32 v13, v7;
	v10 =	vadd.f32 v15, v10;
	v13 =	vpop (erf)  }
0x182: {  	v9 =	vadd.f32 v30, v9;
	v12 =	vadd.f32 v13, v12  }
0x183: {  	v7 =	vadd.f32 v10, v7;
	v10 =	vadd.f32 v17, v11;
	v11 =	vpop (erf)  }
0x184: {  	v8 =	vadd.f32 v63, v8;
	v9 =	vadd.f32 v11, v9  }
0x185: {  	v7 =	vadd.f32 v12, v7;
	v11 =	vpop (erf)  }
0x186: {  	v6 =	vadd.f32 v21, v6;
	v8 =	vadd.f32 v11, v8  }
0x187: {  	v10 =	vadd.f32 v18, v10;
	v7 =	vadd.f32 v9, v7  }
0x188: {  	v5 =	vadd.f32 v19, v5;
	v6 =	vadd.f32 v20, v6;
	v9 =	vpop (erf)  }
0x189: {  	v9 =	vadd.f32 v9, v10;
	v7 =	vadd.f32 v8, v7  }
0x18a: {  	v5 =	vadd.f32 v22, v5;
	v8 =	vpop (erf)  }
0x18b: {  	v6 =	vadd.f32 v8, v6;
	v7 =	vadd.f32 v9, v7;
	_ =	sdelay $0x1  }
0x18c: {  	v5 =	vadd.f32 v14, v5;
	v6 =	vadd.f32 v6, v7;
	_ =	sdelay $0x1  }
0x18d: {  	s31 =	smul.u32 $0xC0, s6;
	v5 =	vadd.f32 v5, v6;
	_ =	sdelay $0x1  }
0x18e: {  	s2 =	sshra.s32 s31, $0x2;
	[tilespmem:s3+$0x19380] =	vst v5  }
0x18f: {  	v5 =	vld [tilespmem:s2+$0x1000];
	_ =	sdelay $0x4  }
0x190: {  	(v2sf) =	vpush v5, $0x0  }
0x191: {  	(v2sf) =	vpush v5, $0x1  }
0x192: {  	(v2sf) =	vpush v5, $0x2;
	_ =	sdelay $0x1  }
0x193: {  	(v2sf) =	vpush v5, $0x3;
	_ =	sdelay $0xa  }
0x194: {  	s30 =	spop (v2sf)  }
0x195: {  	s31 =	spop (v2sf);
	s4 =	sshll.u32 s30, $0x2;
	s25 =	sand.u32 $0x70, s30  }
0x196: {  	s5 =	spop (v2sf);
	s3 =	sand.u32 $0xFFFFFE00, s4;
	s2 =	sshll.u32 s31, $0x2  }
0x197: {  	s29 =	sand.u32 $0x70, s31;
	s3 =	sor.u32 s25, s3;
	s2 =	sand.u32 $0xFFFFFE00, s2  }
0x198: {  	s25 =	sshll.u32 s5, $0x2;
	s4 =	spop (v2sf);
	s2 =	sor.u32 s29, s2  }
0x199: {  	v5 =	vld [tilespmem:s3+$0x1200];
	s3 =	sand.u32 $0x70, s5;
	s25 =	sand.u32 $0xFFFFFE00, s25;
	s29 =	sshll.u32 s4, $0x2  }
0x19a: {  	v6 =	vld [tilespmem:s2+$0x1280];
	s3 =	sor.u32 s3, s25;
	s25 =	sand.u32 $0x70, s4;
	s29 =	sand.u32 $0xFFFFFE00, s29  }
0x19b: {  	s2 =	simm.s32 @!p0 $0x6;
	v7 =	vld [tilespmem:s3+$0x1300];
	s25 =	sor.u32 s25, s29  }
0x19c: {  	s22 =	sadd.s32 $0x2, s22;
	v8 =	vld [tilespmem:s25+$0x1380];
	_ =	swait.ge @!p0 [sflag:s2], $0x8000  }
0x19d: {  	s29 =	sshll.u32 s22, $0x7;
	[sflag:s2] =	ssyncset.done @!p0 $0x0  }
0x19e: {  	s3 =	sand.u32 $0x3FFFFF80, s29;
	[sflag:s2] =	ssyncadd.s32 @!p0 $0xFFFF8000  }
0x19f: {  	v9 =	vld.msk [tilespmem:s3+$0x0], $0xf;
	_ =	sdelay $0x4  }
0x1a0: {  	v10 =	vshll.u32 v9, $0x6  }
0x1a1: {  	v9 =	vand.u32 $0x7, v9;
	v10 =	vand.u32 $0xFFFFFE00, v10  }
0x1a2: {  	v9 =	vor.u32 v9, v10  }
0x1a3: {  	v9 =	vperm.xlane v9, v1;
	_ =	sdelay $0x1  }
0x1a4: {  	v9 =	vadd.s32 v2, v9;
	_ =	sdelay $0x3  }
0x1a5: {  	s2 =	simm.s32 $0x0;
	s25 =	rddreg [dreg:$0x1]  }
0x1a6: {  	[tilespmem:s24], [sflag:$0x3] =	stream.indirect_vreg.gather [hbm4b:s25+s2], $0x80, v9, vm0, $0xb8;
	[tilespmem:$0x1D280] =	vst v63  }
0x1a7: {  	s29 =	simm.s32 $0x11A00  }
0x1a8: {  	[tilespmem:s29], [sflag:$0x3] =	stream.indirect_vreg.gather [hbm4b:s7+s2], $0x80, v9, vm0, $0xb8;
	[tilespmem:$0x1D280] =	vst v63  }
0x1a9: {  	s24 =	simm.s32 $0x12200  }
0x1aa: {  	[tilespmem:s24], [sflag:$0x3] =	stream.indirect_vreg.gather [hbm4b:s8+s2], $0x80, v9, vm0, $0xb8;
	[tilespmem:$0x1D280] =	vst v63  }
0x1ab: {  	s25 =	simm.s32 $0x12A00  }
0x1ac: {  	[tilespmem:s25], [sflag:$0x3] =	stream.indirect_vreg.gather [hbm4b:s9+s2], $0x80, v9, vm0, $0xb8;
	[tilespmem:$0x1D280] =	vst v63  }
0x1ad: {  	s29 =	simm.s32 $0x13200  }
0x1ae: {  	[tilespmem:s29], [sflag:$0x3] =	stream.indirect_vreg.gather [hbm4b:s10+s2], $0x80, v9, vm0, $0xb8;
	[tilespmem:$0x1D280] =	vst v63  }
0x1af: {  	s24 =	simm.s32 $0x13A00  }
0x1b0: {  	[tilespmem:s24], [sflag:$0x3] =	stream.indirect_vreg.gather [hbm4b:s11+s2], $0x80, v9, vm0, $0xb8;
	[tilespmem:$0x1D280] =	vst v63  }
0x1b1: {  	s25 =	simm.s32 $0x14200  }
0x1b2: {  	[tilespmem:s25], [sflag:$0x3] =	stream.indirect_vreg.gather [hbm4b:s12+s2], $0x80, v9, vm0, $0xb8;
	[tilespmem:$0x1D280] =	vst v63  }
0x1b3: {  	s29 =	simm.s32 $0x14A00  }
0x1b4: {  	[tilespmem:s29], [sflag:$0x3] =	stream.indirect_vreg.gather [hbm4b:s13+s2], $0x80, v9, vm0, $0xb8;
	[tilespmem:$0x1D280] =	vst v63  }
0x1b5: {  	s24 =	simm.s32 $0x15200  }
0x1b6: {  	[tilespmem:s24], [sflag:$0x3] =	stream.indirect_vreg.gather [hbm4b:s14+s2], $0x80, v9, vm0, $0xb8;
	[tilespmem:$0x1D280] =	vst v63  }
0x1b7: {  	s25 =	simm.s32 $0x15A00  }
0x1b8: {  	[tilespmem:s25], [sflag:$0x3] =	stream.indirect_vreg.gather [hbm4b:s15+s2], $0x80, v9, vm0, $0xb8;
	[tilespmem:$0x1D280] =	vst v63  }
0x1b9: {  	s29 =	simm.s32 $0x16200  }
0x1ba: {  	[tilespmem:s29], [sflag:$0x3] =	stream.indirect_vreg.gather [hbm4b:s16+s2], $0x80, v9, vm0, $0xb8;
	[tilespmem:$0x1D280] =	vst v63  }
0x1bb: {  	s24 =	simm.s32 $0x16A00  }
0x1bc: {  	[tilespmem:s24], [sflag:$0x3] =	stream.indirect_vreg.gather [hbm4b:s18+s2], $0x80, v9, vm0, $0xb8;
	[tilespmem:$0x1D280] =	vst v63  }
0x1bd: {  	s25 =	simm.s32 $0x17200  }
0x1be: {  	[tilespmem:s25], [sflag:$0x3] =	stream.indirect_vreg.gather [hbm4b:s19+s2], $0x80, v9, vm0, $0xb8;
	[tilespmem:$0x1D280] =	vst v63  }
0x1bf: {  	s29 =	simm.s32 $0x17A00  }
0x1c0: {  	[tilespmem:s29], [sflag:$0x3] =	stream.indirect_vreg.gather [hbm4b:s20+s2], $0x80, v9, vm0, $0xb8;
	[tilespmem:$0x1D280] =	vst v63  }
0x1c1: {  	s24 =	simm.s32 $0x18200  }
0x1c2: {  	[tilespmem:s24], [sflag:$0x3] =	stream.indirect_vreg.gather [hbm4b:s26+s2], $0x80, v9, vm0, $0xb8;
	[tilespmem:$0x1D280] =	vst v63  }
0x1c3: {  	s25 =	simm.s32 $0x18A00  }
0x1c4: {  	[tilespmem:s25], [sflag:$0x3] =	stream.indirect_vreg.gather [hbm4b:s28+s2], $0x80, v9, vm0, $0xb8;
	[tilespmem:$0x1D280] =	vst v63  }
0x1c5: {  	s29 =	sshll.u32 s23, $0xC;
	_ =	swait.ge [sflag:s0], $0x8000  }
0x1c6: {  	s3 =	sshll.u32 s23, $0x6;
	s2 =	sadd.s32 s17, s29;
	[sflag:s0] =	ssyncset.done $0x0  }
0x1c7: {  	s25 =	sand.u32 $0x40, s3;
	s29 =	simm.s32 $0x200;
	s24 =	rddreg [dreg:$0x2]  }
0x1c8: {  	s2 =	sand.u32 $0x7FE000, s2;
	[sflag:s0] =	ssyncadd.s32 $0xFFFF8000;
	s25 =	sadd.s32 s24, s25  }
0x1c9: {  	s24 =	simm.s32 $0x400;
	s2 =	sadd.s32 s2, s25;
	s25 =	simm.s32 $0x9200  }
0x1ca: {  	[hbm4b:s2+s29] =	stream.strided.scatter [tilespmem:s25], [sflag:$0x5], $0x8000, s24, s29, $0x38;
	[tilespmem:$0x1D280] =	vst v63  }
0x1cb: {  	s2 =	simm.s32 $0x0  }
0x1cc: {  	v9 =	vld [tilespmem:s2+$0x9270]  }
0x1cd: {  	s24 =	sand.u32 $0xF, s30;
	v10 =	vld [tilespmem:s2+$0x9200]  }
0x1ce: {  	v11 =	vld [tilespmem:s2+$0x9210];
	v12 =	vmov s24  }
0x1cf: {  	s29 =	sand.u32 $0xF, s31;
	vm1 =	veq.s32 v12, v0;
	v12 =	vld [tilespmem:s2+$0x9230]  }
0x1d0: {  	s5 =	sand.u32 $0xF, s5;
	v13 =	vld [tilespmem:s2+$0x9220];
	v14 =	vmov s29  }
0x1d1: {  	v15 =	vmov s5;
	v16 =	vld [tilespmem:s2+$0x9240];
	v5 =	vnsel vm1, $0x0, v5;
	vm1 =	veq.s32 v14, v0  }
0x1d2: {  	v14 =	vld [tilespmem:s2+$0x9260];
	v4 =	vadd.f32 v5, v4;
	v6 =	vnsel vm1, $0x0, v6;
	v9 =	vmul.f32 $1.442695020e+00, v9  }
0x1d3: {  	s30 =	simm.s32 $0x200;
	v5 =	vld [tilespmem:s2+$0x9250];
	vm1 =	veq.s32 v15, v0;
	v10 =	vmul.f32 $1.442695020e+00, v10;
	v11 =	vmul.f32 $1.442695020e+00, v11  }
0x1d4: {  	v4 =	vadd.f32 v4, v6;
	v6 =	vld [tilespmem:s30+$0x9270];
	v12 =	vmul.f32 $1.442695020e+00, v12;
	(erf) = vpow2.f32 v9  }
0x1d5: {  	v7 =	vnsel vm1, $0x0, v7;
	v9 =	vmul.f32 $1.442695020e+00, v13;
	(erf) = vpow2.f32 v10;
	v10 =	vld [tilespmem:s30+$0x9200]  }
0x1d6: {  	v13 =	vmul.f32 $1.442695020e+00, v16;
	v4 =	vadd.f32 v4, v7;
	v7 =	vld [tilespmem:s30+$0x9220];
	(erf) = vpow2.f32 v11  }
0x1d7: {  	s4 =	sand.u32 $0xF, s4;
	v14 =	vmul.f32 $1.442695020e+00, v14;
	v11 =	vld [tilespmem:s30+$0x9210];
	(erf) = vpow2.f32 v9  }
0x1d8: {  	v5 =	vmul.f32 $1.442695020e+00, v5;
	v9 =	vmov s4;
	(erf) = vpow2.f32 v12;
	v12 =	vld [tilespmem:s30+$0x9230]  }
0x1d9: {  	v6 =	vmul.f32 $1.442695020e+00, v6;
	vm1 =	veq.s32 v9, v0;
	v9 =	vld [tilespmem:s30+$0x9240];
	(erf) = vpow2.f32 v13  }
0x1da: {  	(erf) = vpow2.f32 v5;
	v5 =	vnsel vm1, $0x0, v8;
	v8 =	vld [tilespmem:s30+$0x9250];
	v10 =	vmul.f32 $1.442695020e+00, v10  }
0x1db: {  	v7 =	vmul.f32 $1.442695020e+00, v7;
	(erf) = vpow2.f32 v14  }
0x1dc: {  	s31 =	simm.s32 $0x400;
	v15 =	vld [tilespmem:s30+$0x9260];
	v4 =	vadd.f32 v4, v5;
	v5 =	vmul.f32 $1.442695020e+00, v11;
	(erf) = vpow2.f32 v6  }
0x1dd: {  	v11 =	vld [tilespmem:s31+$0x9270];
	(erf) = vpow2.f32 v10;
	v12 =	vmul.f32 $1.442695020e+00, v12  }
0x1de: {  	v17 =	vld [tilespmem:s31+$0x9200];
	v6 =	vimm.f32 $0.0e+00;
	v9 =	vmul.f32 $1.442695020e+00, v9;
	v10 =	vpop (erf);
	(erf) = vpow2.f32 v5  }
0x1df: {  	v5 =	vadd.f32 v10, v6;
	v10 =	vpop (erf);
	(erf) = vpow2.f32 v7;
	v8 =	vmul.f32 $1.442695020e+00, v8  }
0x1e0: {  	v18 =	vld [tilespmem:s31+$0x9210];
	v7 =	vadd.f32 v10, v6;
	v10 =	vpop (erf);
	(erf) = vpow2.f32 v12  }
0x1e1: {  	v20 =	vmul.f32 $1.442695020e+00, v15;
	v13 =	vld [tilespmem:s31+$0x9220];
	v12 =	vpop (erf);
	(erf) = vpow2.f32 v9  }
0x1e2: {  	v14 =	vld [tilespmem:s31+$0x9230];
	v11 =	vmul.f32 $1.442695020e+00, v11;
	v9 =	vpop (erf);
	(erf) = vpow2.f32 v8  }
0x1e3: {  	v19 =	vmul.f32 $1.442695020e+00, v17;
	v15 =	vld [tilespmem:s31+$0x9240];
	v10 =	vadd.f32 v10, v6;
	v8 =	vpop (erf);
	(erf) = vpow2.f32 v20  }
0x1e4: {  	v16 =	vld [tilespmem:s31+$0x9250];
	v12 =	vadd.f32 v12, v6;
	v9 =	vadd.f32 v9, v6;
	v21 =	vpop (erf);
	(erf) = vpow2.f32 v11  }
0x1e5: {  	s5 =	simm.s32 $0x2000;
	v17 =	vld [tilespmem:s31+$0x9260];
	s4 =	simm.s32 $0x600;
	v20 =	vmul.f32 $1.442695020e+00, v18;
	v8 =	vadd.f32 v8, v6;
	v11 =	vadd.f32 v21, v6;
	v18 =	vpop (erf)  }
.LBB2_11:
0x1e6: {  	p0 =	sne.s32 s5, $0x1F800;
	v21 =	vld [tilespmem:s4+$0x9270];
	v13 =	vmul.f32 $1.442695020e+00, v13;
	(erf) = vpow2.f32 v19;
	v19 =	vpop (erf);
	v6 =	vadd.f32 v18, v6  }
0x1e7: {  	v18 =	vld [tilespmem:s4+$0x9200];
	v14 =	vmul.f32 $1.442695020e+00, v14;
	(erf) = vpow2.f32 v20;
	v5 =	vadd.f32 v19, v5;
	v19 =	vpop (erf)  }
0x1e8: {  	v20 =	vld [tilespmem:s4+$0x9210];
	v15 =	vmul.f32 $1.442695020e+00, v15;
	(erf) = vpow2.f32 v13;
	v7 =	vadd.f32 v19, v7;
	v19 =	vpop (erf)  }
.Ltmp4:
0x1e9: {  	v13 =	vld [tilespmem:s4+$0x9220];
	v16 =	vmul.f32 $1.442695020e+00, v16;
	(erf) = vpow2.f32 v14;
	v10 =	vadd.f32 v19, v10;
	v19 =	vpop (erf);
	(pc) =	sbr.rel @p0 .LBB2_11-.Ltmp4, $4  }
0x1ea: {  	v14 =	vld [tilespmem:s4+$0x9230];
	v17 =	vmul.f32 $1.442695020e+00, v17;
	(erf) = vpow2.f32 v15;
	v12 =	vadd.f32 v19, v12;
	v19 =	vpop (erf)  }
0x1eb: {  	v15 =	vld [tilespmem:s4+$0x9240];
	v21 =	vmul.f32 $1.442695020e+00, v21;
	(erf) = vpow2.f32 v16;
	v9 =	vadd.f32 v19, v9;
	v22 =	vpop (erf)  }
0x1ec: {  	v16 =	vld [tilespmem:s4+$0x9250];
	v19 =	vmul.f32 $1.442695020e+00, v18;
	(erf) = vpow2.f32 v17;
	v8 =	vadd.f32 v22, v8;
	v18 =	vpop (erf)  }
0x1ed: {  	v17 =	vld [tilespmem:s4+$0x9260];
	s4 =	sshra.s32 s5, $0x2;
	s5 =	sadd.s32 $0x800, s5;
	v20 =	vmul.f32 $1.442695020e+00, v20;
	(erf) = vpow2.f32 v21;
	v11 =	vadd.f32 v18, v11;
	v18 =	vpop (erf)  }
0x1ee: {  	v21 =	vld [tilespmem:s4+$0x9270];
	v13 =	vmul.f32 $1.442695020e+00, v13  }
0x1ef: {  	v22 =	vld [tilespmem:s4+$0x9200];
	v14 =	vmul.f32 $1.442695020e+00, v14  }
0x1f0: {  	(erf) = vpow2.f32 v19;
	v19 =	vpop (erf);
	v23 =	vld [tilespmem:s4+$0x9210];
	v15 =	vmul.f32 $1.442695020e+00, v15  }
0x1f1: {  	(erf) = vpow2.f32 v20;
	v20 =	vpop (erf);
	v16 =	vmul.f32 $1.442695020e+00, v16  }
0x1f2: {  	(erf) = vpow2.f32 v13;
	v13 =	vpop (erf);
	v17 =	vmul.f32 $1.442695020e+00, v17  }
0x1f3: {  	v24 =	vld [tilespmem:s4+$0x9220];
	(erf) = vpow2.f32 v14;
	v14 =	vpop (erf);
	v21 =	vmul.f32 $1.442695020e+00, v21  }
0x1f4: {  	(erf) = vpow2.f32 v15;
	v22 =	vmul.f32 $1.442695020e+00, v22;
	v15 =	vpop (erf)  }
0x1f5: {  	v25 =	vld [tilespmem:s4+$0x9230];
	v23 =	vmul.f32 $1.442695020e+00, v23;
	(erf) = vpow2.f32 v16;
	v16 =	vpop (erf)  }
0x1f6: {  	(erf) = vpow2.f32 v17;
	v17 =	vpop (erf)  }
0x1f7: {  	v26 =	vld [tilespmem:s4+$0x9240];
	(erf) = vpow2.f32 v21;
	v21 =	vpop (erf)  }
0x1f8: {  	v27 =	vld [tilespmem:s4+$0x9250];
	v24 =	vmul.f32 $1.442695020e+00, v24;
	(erf) = vpow2.f32 v22;
	v22 =	vpop (erf)  }
0x1f9: {  	(erf) = vpow2.f32 v23;
	v23 =	vpop (erf)  }
0x1fa: {  	v25 =	vmul.f32 $1.442695020e+00, v25;
	v28 =	vpop (erf);
	(erf) = vpow2.f32 v24  }
0x1fb: {  	v62 =	vpop (erf)  }
0x1fc: {  	v29 =	vld [tilespmem:s4+$0x9260];
	v26 =	vmul.f32 $1.442695020e+00, v26;
	v30 =	vpop (erf);
	(erf) = vpow2.f32 v25  }
0x1fd: {  	v10 =	vadd.f32 v13, v10;
	v13 =	vmul.f32 $1.442695020e+00, v27;
	v63 =	vpop (erf)  }
0x1fe: {  	v6 =	vadd.f32 v18, v6;
	v7 =	vadd.f32 v20, v7;
	v18 =	vpop (erf);
	(erf) = vpow2.f32 v26  }
0x1ff: {  	v12 =	vadd.f32 v14, v12;
	v20 =	vpop (erf)  }
0x200: {  	v9 =	vadd.f32 v15, v9;
	v7 =	vadd.f32 v23, v7;
	v14 =	vpop (erf)  }
0x201: {  	v23 =	vmul.f32 $1.442695020e+00, v29;
	v10 =	vadd.f32 v28, v10;
	(erf) = vpow2.f32 v13;
	v13 =	vpop (erf)  }
0x202: {  	v8 =	vadd.f32 v16, v8;
	v12 =	vadd.f32 v62, v12;
	v15 =	vpop (erf)  }
0x203: {  	(erf) = vpow2.f32 v23;
	v7 =	vadd.f32 v13, v7;
	v10 =	vadd.f32 v15, v10;
	v13 =	vpop (erf)  }
0x204: {  	v9 =	vadd.f32 v30, v9;
	v12 =	vadd.f32 v13, v12  }
0x205: {  	v7 =	vadd.f32 v10, v7;
	v10 =	vadd.f32 v17, v11;
	v11 =	vpop (erf)  }
0x206: {  	v8 =	vadd.f32 v63, v8;
	v9 =	vadd.f32 v11, v9  }
0x207: {  	v7 =	vadd.f32 v12, v7;
	v11 =	vpop (erf)  }
0x208: {  	v6 =	vadd.f32 v21, v6;
	v8 =	vadd.f32 v11, v8  }
0x209: {  	v10 =	vadd.f32 v18, v10;
	v7 =	vadd.f32 v9, v7  }
0x20a: {  	v5 =	vadd.f32 v19, v5;
	v6 =	vadd.f32 v20, v6;
	v9 =	vpop (erf)  }
0x20b: {  	v9 =	vadd.f32 v9, v10;
	v7 =	vadd.f32 v8, v7  }
0x20c: {  	v5 =	vadd.f32 v22, v5;
	v8 =	vpop (erf)  }
0x20d: {  	v6 =	vadd.f32 v8, v6;
	v7 =	vadd.f32 v9, v7;
	_ =	sdelay $0x1  }
0x20e: {  	v5 =	vadd.f32 v14, v5;
	v6 =	vadd.f32 v6, v7;
	_ =	sdelay $0x1  }
0x20f: {  	s2 =	sshll.u32 s23, $0x9;
	v5 =	vadd.f32 v5, v6  }
0x210: {  	s4 =	sand.u32 $0x3FFFFE00, s2  }
0x211: {  	s30 =	simm.s32 $0x0;
	[tilespmem:s4+$0x19200] =	vst v5  }
0x212: {  	v5 =	vld [tilespmem:s30+$0x92F0]  }
0x213: {  	v6 =	vld [tilespmem:s30+$0x9280]  }
0x214: {  	v7 =	vld [tilespmem:s30+$0x9290]  }
0x215: {  	v8 =	vld [tilespmem:s30+$0x92A0]  }
0x216: {  	v9 =	vld [tilespmem:s30+$0x92B0]  }
0x217: {  	v10 =	vld [tilespmem:s30+$0x92C0]  }
0x218: {  	v11 =	vld [tilespmem:s30+$0x92D0];
	v5 =	vmul.f32 $1.442695020e+00, v5  }
0x219: {  	s5 =	simm.s32 $0x200;
	v12 =	vld [tilespmem:s30+$0x92E0];
	v6 =	vmul.f32 $1.442695020e+00, v6;
	v7 =	vmul.f32 $1.442695020e+00, v7  }
0x21a: {  	v8 =	vmul.f32 $1.442695020e+00, v8;
	(erf) = vpow2.f32 v5;
	v5 =	vld [tilespmem:s5+$0x92F0]  }
0x21b: {  	v9 =	vmul.f32 $1.442695020e+00, v9;
	(erf) = vpow2.f32 v6;
	v6 =	vld [tilespmem:s5+$0x9280]  }
0x21c: {  	v10 =	vmul.f32 $1.442695020e+00, v10;
	(erf) = vpow2.f32 v7;
	v7 =	vld [tilespmem:s5+$0x9290]  }
0x21d: {  	v11 =	vmul.f32 $1.442695020e+00, v11;
	(erf) = vpow2.f32 v8;
	v8 =	vld [tilespmem:s5+$0x92A0]  }
0x21e: {  	v12 =	vmul.f32 $1.442695020e+00, v12;
	(erf) = vpow2.f32 v9  }
0x21f: {  	v9 =	vld [tilespmem:s5+$0x92B0];
	(erf) = vpow2.f32 v10;
	v5 =	vmul.f32 $1.442695020e+00, v5  }
0x220: {  	v10 =	vld [tilespmem:s5+$0x92C0];
	(erf) = vpow2.f32 v11;
	v13 =	vmul.f32 $1.442695020e+00, v6  }
0x221: {  	v11 =	vld [tilespmem:s5+$0x92D0];
	(erf) = vpow2.f32 v12;
	v7 =	vmul.f32 $1.442695020e+00, v7  }
0x222: {  	s31 =	simm.s32 $0x400;
	v12 =	vld [tilespmem:s5+$0x92E0];
	(erf) = vpow2.f32 v5;
	v8 =	vmul.f32 $1.442695020e+00, v8  }
0x223: {  	v16 =	vld [tilespmem:s31+$0x92F0];
	(erf) = vpow2.f32 v13  }
0x224: {  	v17 =	vld [tilespmem:s31+$0x9280];
	v5 =	vpop (erf);
	v9 =	vmul.f32 $1.442695020e+00, v9;
	(erf) = vpow2.f32 v7  }
0x225: {  	v15 =	vmul.f32 $1.442695020e+00, v10;
	v7 =	vpop (erf);
	(erf) = vpow2.f32 v8  }
0x226: {  	v18 =	vld [tilespmem:s31+$0x9290];
	v6 =	vimm.f32 $0.0e+00;
	v11 =	vmul.f32 $1.442695020e+00, v11;
	v8 =	vpop (erf);
	(erf) = vpow2.f32 v9  }
0x227: {  	v13 =	vld [tilespmem:s31+$0x92A0];
	v20 =	vmul.f32 $1.442695020e+00, v12;
	v10 =	vadd.f32 v8, v6;
	v8 =	vpop (erf);
	(erf) = vpow2.f32 v15  }
0x228: {  	v14 =	vld [tilespmem:s31+$0x92B0];
	v21 =	vmul.f32 $1.442695020e+00, v16;
	v12 =	vadd.f32 v8, v6;
	v8 =	vpop (erf);
	(erf) = vpow2.f32 v11  }
0x229: {  	v19 =	vmul.f32 $1.442695020e+00, v17;
	v15 =	vld [tilespmem:s31+$0x92C0];
	v9 =	vadd.f32 v8, v6;
	v8 =	vpop (erf);
	(erf) = vpow2.f32 v20  }
0x22a: {  	v16 =	vld [tilespmem:s31+$0x92D0];
	v5 =	vadd.f32 v5, v6;
	v7 =	vadd.f32 v7, v6;
	v11 =	vpop (erf);
	(erf) = vpow2.f32 v21  }
0x22b: {  	s23 =	simm.s32 $0x600;
	v17 =	vld [tilespmem:s31+$0x92E0];
	s5 =	simm.s32 $0x2000;
	v20 =	vmul.f32 $1.442695020e+00, v18;
	v8 =	vadd.f32 v8, v6;
	v11 =	vadd.f32 v11, v6;
	v18 =	vpop (erf)  }
.LBB2_13:
0x22c: {  	p0 =	sne.s32 s5, $0x1F800;
	v21 =	vld [tilespmem:s23+$0x92F0];
	v13 =	vmul.f32 $1.442695020e+00, v13;
	(erf) = vpow2.f32 v19;
	v19 =	vpop (erf);
	v6 =	vadd.f32 v18, v6  }
0x22d: {  	v18 =	vld [tilespmem:s23+$0x9280];
	v14 =	vmul.f32 $1.442695020e+00, v14;
	(erf) = vpow2.f32 v20;
	v5 =	vadd.f32 v19, v5;
	v19 =	vpop (erf)  }
0x22e: {  	v20 =	vld [tilespmem:s23+$0x9290];
	v15 =	vmul.f32 $1.442695020e+00, v15;
	(erf) = vpow2.f32 v13;
	v7 =	vadd.f32 v19, v7;
	v19 =	vpop (erf)  }
.Ltmp5:
0x22f: {  	v13 =	vld [tilespmem:s23+$0x92A0];
	v16 =	vmul.f32 $1.442695020e+00, v16;
	(erf) = vpow2.f32 v14;
	v10 =	vadd.f32 v19, v10;
	v19 =	vpop (erf);
	(pc) =	sbr.rel @p0 .LBB2_13-.Ltmp5, $4  }
0x230: {  	v14 =	vld [tilespmem:s23+$0x92B0];
	v17 =	vmul.f32 $1.442695020e+00, v17;
	(erf) = vpow2.f32 v15;
	v12 =	vadd.f32 v19, v12;
	v19 =	vpop (erf)  }
0x231: {  	v15 =	vld [tilespmem:s23+$0x92C0];
	v21 =	vmul.f32 $1.442695020e+00, v21;
	(erf) = vpow2.f32 v16;
	v9 =	vadd.f32 v19, v9;
	v22 =	vpop (erf)  }
0x232: {  	v16 =	vld [tilespmem:s23+$0x92D0];
	v19 =	vmul.f32 $1.442695020e+00, v18;
	(erf) = vpow2.f32 v17;
	v8 =	vadd.f32 v22, v8;
	v18 =	vpop (erf)  }
0x233: {  	v17 =	vld [tilespmem:s23+$0x92E0];
	s23 =	sshra.s32 s5, $0x2;
	s5 =	sadd.s32 $0x800, s5;
	v20 =	vmul.f32 $1.442695020e+00, v20;
	(erf) = vpow2.f32 v21;
	v11 =	vadd.f32 v18, v11;
	v18 =	vpop (erf)  }
0x234: {  	v21 =	vld [tilespmem:s23+$0x92F0];
	v13 =	vmul.f32 $1.442695020e+00, v13  }
0x235: {  	v22 =	vld [tilespmem:s23+$0x9280];
	v14 =	vmul.f32 $1.442695020e+00, v14  }
0x236: {  	(erf) = vpow2.f32 v19;
	v19 =	vpop (erf);
	v23 =	vld [tilespmem:s23+$0x9290];
	v15 =	vmul.f32 $1.442695020e+00, v15  }
0x237: {  	(erf) = vpow2.f32 v20;
	v20 =	vpop (erf);
	v16 =	vmul.f32 $1.442695020e+00, v16  }
0x238: {  	(erf) = vpow2.f32 v13;
	v13 =	vpop (erf);
	v17 =	vmul.f32 $1.442695020e+00, v17  }
0x239: {  	v24 =	vld [tilespmem:s23+$0x92A0];
	(erf) = vpow2.f32 v14;
	v14 =	vpop (erf);
	v21 =	vmul.f32 $1.442695020e+00, v21  }
0x23a: {  	(erf) = vpow2.f32 v15;
	v22 =	vmul.f32 $1.442695020e+00, v22;
	v15 =	vpop (erf)  }
0x23b: {  	v25 =	vld [tilespmem:s23+$0x92B0];
	v23 =	vmul.f32 $1.442695020e+00, v23;
	(erf) = vpow2.f32 v16;
	v16 =	vpop (erf)  }
0x23c: {  	(erf) = vpow2.f32 v17;
	v17 =	vpop (erf)  }
0x23d: {  	v26 =	vld [tilespmem:s23+$0x92C0];
	(erf) = vpow2.f32 v21;
	v21 =	vpop (erf)  }
0x23e: {  	v27 =	vld [tilespmem:s23+$0x92D0];
	v24 =	vmul.f32 $1.442695020e+00, v24;
	(erf) = vpow2.f32 v22;
	v22 =	vpop (erf)  }
0x23f: {  	(erf) = vpow2.f32 v23;
	v23 =	vpop (erf)  }
0x240: {  	v25 =	vmul.f32 $1.442695020e+00, v25;
	v28 =	vpop (erf);
	(erf) = vpow2.f32 v24  }
0x241: {  	v62 =	vpop (erf)  }
0x242: {  	v29 =	vld [tilespmem:s23+$0x92E0];
	v26 =	vmul.f32 $1.442695020e+00, v26;
	v30 =	vpop (erf);
	(erf) = vpow2.f32 v25  }
0x243: {  	v10 =	vadd.f32 v13, v10;
	v13 =	vmul.f32 $1.442695020e+00, v27;
	v63 =	vpop (erf)  }
0x244: {  	v6 =	vadd.f32 v18, v6;
	v7 =	vadd.f32 v20, v7;
	v18 =	vpop (erf);
	(erf) = vpow2.f32 v26  }
0x245: {  	v12 =	vadd.f32 v14, v12;
	v20 =	vpop (erf)  }
0x246: {  	v9 =	vadd.f32 v15, v9;
	v7 =	vadd.f32 v23, v7;
	v14 =	vpop (erf)  }
0x247: {  	v23 =	vmul.f32 $1.442695020e+00, v29;
	v10 =	vadd.f32 v28, v10;
	(erf) = vpow2.f32 v13;
	v13 =	vpop (erf)  }
0x248: {  	v8 =	vadd.f32 v16, v8;
	v12 =	vadd.f32 v62, v12;
	v15 =	vpop (erf)  }
0x249: {  	(erf) = vpow2.f32 v23;
	v7 =	vadd.f32 v13, v7;
	v10 =	vadd.f32 v15, v10;
	v13 =	vpop (erf)  }
0x24a: {  	v9 =	vadd.f32 v30, v9;
	v12 =	vadd.f32 v13, v12  }
0x24b: {  	v7 =	vadd.f32 v10, v7;
	v10 =	vadd.f32 v17, v11;
	v11 =	vpop (erf)  }
0x24c: {  	v8 =	vadd.f32 v63, v8;
	v9 =	vadd.f32 v11, v9  }
0x24d: {  	v7 =	vadd.f32 v12, v7;
	v11 =	vpop (erf)  }
0x24e: {  	v6 =	vadd.f32 v21, v6;
	v8 =	vadd.f32 v11, v8  }
0x24f: {  	v10 =	vadd.f32 v18, v10;
	v7 =	vadd.f32 v9, v7  }
0x250: {  	v5 =	vadd.f32 v19, v5;
	v6 =	vadd.f32 v20, v6;
	v9 =	vpop (erf)  }
0x251: {  	v9 =	vadd.f32 v9, v10;
	v7 =	vadd.f32 v8, v7  }
0x252: {  	v5 =	vadd.f32 v22, v5;
	v8 =	vpop (erf)  }
0x253: {  	v6 =	vadd.f32 v8, v6;
	v7 =	vadd.f32 v9, v7;
	_ =	sdelay $0x1  }
0x254: {  	v5 =	vadd.f32 v14, v5;
	v6 =	vadd.f32 v6, v7;
	_ =	sdelay $0x1  }
0x255: {  	v5 =	vadd.f32 v5, v6;
	_ =	sdelay $0x1  }
0x256: {  	s2 =	simm.s32 $0x0;
	[tilespmem:s4+$0x19280] =	vst v5  }
0x257: {  	v5 =	vld [tilespmem:s2+$0x9370]  }
0x258: {  	v6 =	vld [tilespmem:s2+$0x9300]  }
0x259: {  	v7 =	vld [tilespmem:s2+$0x9310]  }
0x25a: {  	v8 =	vld [tilespmem:s2+$0x9320]  }
0x25b: {  	v9 =	vld [tilespmem:s2+$0x9330]  }
0x25c: {  	v10 =	vld [tilespmem:s2+$0x9340]  }
0x25d: {  	v11 =	vld [tilespmem:s2+$0x9350];
	v5 =	vmul.f32 $1.442695020e+00, v5  }
0x25e: {  	s5 =	simm.s32 $0x200;
	v12 =	vld [tilespmem:s2+$0x9360];
	v6 =	vmul.f32 $1.442695020e+00, v6;
	v7 =	vmul.f32 $1.442695020e+00, v7  }
0x25f: {  	v8 =	vmul.f32 $1.442695020e+00, v8;
	(erf) = vpow2.f32 v5;
	v5 =	vld [tilespmem:s5+$0x9370]  }
0x260: {  	v9 =	vmul.f32 $1.442695020e+00, v9;
	(erf) = vpow2.f32 v6;
	v6 =	vld [tilespmem:s5+$0x9300]  }
0x261: {  	v10 =	vmul.f32 $1.442695020e+00, v10;
	(erf) = vpow2.f32 v7;
	v7 =	vld [tilespmem:s5+$0x9310]  }
0x262: {  	v11 =	vmul.f32 $1.442695020e+00, v11;
	(erf) = vpow2.f32 v8;
	v8 =	vld [tilespmem:s5+$0x9320]  }
0x263: {  	v12 =	vmul.f32 $1.442695020e+00, v12;
	(erf) = vpow2.f32 v9  }
0x264: {  	v9 =	vld [tilespmem:s5+$0x9330];
	(erf) = vpow2.f32 v10;
	v5 =	vmul.f32 $1.442695020e+00, v5  }
0x265: {  	v10 =	vld [tilespmem:s5+$0x9340];
	(erf) = vpow2.f32 v11;
	v13 =	vmul.f32 $1.442695020e+00, v6  }
0x266: {  	v11 =	vld [tilespmem:s5+$0x9350];
	(erf) = vpow2.f32 v12;
	v7 =	vmul.f32 $1.442695020e+00, v7  }
0x267: {  	s31 =	simm.s32 $0x400;
	v12 =	vld [tilespmem:s5+$0x9360];
	(erf) = vpow2.f32 v5;
	v8 =	vmul.f32 $1.442695020e+00, v8  }
0x268: {  	v16 =	vld [tilespmem:s31+$0x9370];
	(erf) = vpow2.f32 v13  }
0x269: {  	v17 =	vld [tilespmem:s31+$0x9300];
	v5 =	vpop (erf);
	v9 =	vmul.f32 $1.442695020e+00, v9;
	(erf) = vpow2.f32 v7  }
0x26a: {  	v15 =	vmul.f32 $1.442695020e+00, v10;
	v7 =	vpop (erf);
	(erf) = vpow2.f32 v8  }
0x26b: {  	v18 =	vld [tilespmem:s31+$0x9310];
	v6 =	vimm.f32 $0.0e+00;
	v11 =	vmul.f32 $1.442695020e+00, v11;
	v8 =	vpop (erf);
	(erf) = vpow2.f32 v9  }
0x26c: {  	v13 =	vld [tilespmem:s31+$0x9320];
	v20 =	vmul.f32 $1.442695020e+00, v12;
	v10 =	vadd.f32 v8, v6;
	v8 =	vpop (erf);
	(erf) = vpow2.f32 v15  }
0x26d: {  	v14 =	vld [tilespmem:s31+$0x9330];
	v21 =	vmul.f32 $1.442695020e+00, v16;
	v12 =	vadd.f32 v8, v6;
	v8 =	vpop (erf);
	(erf) = vpow2.f32 v11  }
0x26e: {  	v19 =	vmul.f32 $1.442695020e+00, v17;
	v15 =	vld [tilespmem:s31+$0x9340];
	v9 =	vadd.f32 v8, v6;
	v8 =	vpop (erf);
	(erf) = vpow2.f32 v20  }
0x26f: {  	v16 =	vld [tilespmem:s31+$0x9350];
	v5 =	vadd.f32 v5, v6;
	v7 =	vadd.f32 v7, v6;
	v11 =	vpop (erf);
	(erf) = vpow2.f32 v21  }
0x270: {  	s23 =	simm.s32 $0x600;
	s24 =	simm.s32 $0x11200;
	v17 =	vld [tilespmem:s31+$0x9360];
	s5 =	simm.s32 $0x2000;
	v20 =	vmul.f32 $1.442695020e+00, v18;
	v8 =	vadd.f32 v8, v6;
	v11 =	vadd.f32 v11, v6;
	v18 =	vpop (erf)  }
.LBB2_15:
0x271: {  	p0 =	sne.s32 s5, $0x1F800;
	v21 =	vld [tilespmem:s23+$0x9370];
	v13 =	vmul.f32 $1.442695020e+00, v13;
	(erf) = vpow2.f32 v19;
	v19 =	vpop (erf);
	v6 =	vadd.f32 v18, v6  }
0x272: {  	v18 =	vld [tilespmem:s23+$0x9300];
	v14 =	vmul.f32 $1.442695020e+00, v14;
	(erf) = vpow2.f32 v20;
	v5 =	vadd.f32 v19, v5;
	v19 =	vpop (erf)  }
0x273: {  	v20 =	vld [tilespmem:s23+$0x9310];
	v15 =	vmul.f32 $1.442695020e+00, v15;
	(erf) = vpow2.f32 v13;
	v7 =	vadd.f32 v19, v7;
	v19 =	vpop (erf)  }
.Ltmp6:
0x274: {  	v13 =	vld [tilespmem:s23+$0x9320];
	v16 =	vmul.f32 $1.442695020e+00, v16;
	(erf) = vpow2.f32 v14;
	v10 =	vadd.f32 v19, v10;
	v19 =	vpop (erf);
	(pc) =	sbr.rel @p0 .LBB2_15-.Ltmp6, $4  }
0x275: {  	v14 =	vld [tilespmem:s23+$0x9330];
	v17 =	vmul.f32 $1.442695020e+00, v17;
	(erf) = vpow2.f32 v15;
	v12 =	vadd.f32 v19, v12;
	v19 =	vpop (erf)  }
0x276: {  	v15 =	vld [tilespmem:s23+$0x9340];
	v21 =	vmul.f32 $1.442695020e+00, v21;
	(erf) = vpow2.f32 v16;
	v9 =	vadd.f32 v19, v9;
	v22 =	vpop (erf)  }
0x277: {  	v16 =	vld [tilespmem:s23+$0x9350];
	v19 =	vmul.f32 $1.442695020e+00, v18;
	(erf) = vpow2.f32 v17;
	v8 =	vadd.f32 v22, v8;
	v18 =	vpop (erf)  }
0x278: {  	v17 =	vld [tilespmem:s23+$0x9360];
	s23 =	sshra.s32 s5, $0x2;
	s5 =	sadd.s32 $0x800, s5;
	v20 =	vmul.f32 $1.442695020e+00, v20;
	(erf) = vpow2.f32 v21;
	v11 =	vadd.f32 v18, v11;
	v18 =	vpop (erf)  }
0x279: {  	v21 =	vld [tilespmem:s23+$0x9370];
	v13 =	vmul.f32 $1.442695020e+00, v13  }
0x27a: {  	v22 =	vld [tilespmem:s23+$0x9300];
	v14 =	vmul.f32 $1.442695020e+00, v14  }
0x27b: {  	(erf) = vpow2.f32 v19;
	v19 =	vpop (erf);
	v23 =	vld [tilespmem:s23+$0x9310];
	v15 =	vmul.f32 $1.442695020e+00, v15  }
0x27c: {  	(erf) = vpow2.f32 v20;
	v20 =	vpop (erf);
	v16 =	vmul.f32 $1.442695020e+00, v16  }
0x27d: {  	(erf) = vpow2.f32 v13;
	v13 =	vpop (erf);
	v17 =	vmul.f32 $1.442695020e+00, v17  }
0x27e: {  	v24 =	vld [tilespmem:s23+$0x9320];
	(erf) = vpow2.f32 v14;
	v14 =	vpop (erf);
	v21 =	vmul.f32 $1.442695020e+00, v21  }
0x27f: {  	(erf) = vpow2.f32 v15;
	v22 =	vmul.f32 $1.442695020e+00, v22;
	v15 =	vpop (erf)  }
0x280: {  	v25 =	vld [tilespmem:s23+$0x9330];
	v23 =	vmul.f32 $1.442695020e+00, v23;
	(erf) = vpow2.f32 v16;
	v16 =	vpop (erf)  }
0x281: {  	(erf) = vpow2.f32 v17;
	v17 =	vpop (erf)  }
0x282: {  	v26 =	vld [tilespmem:s23+$0x9340];
	(erf) = vpow2.f32 v21;
	v21 =	vpop (erf)  }
0x283: {  	v27 =	vld [tilespmem:s23+$0x9350];
	v24 =	vmul.f32 $1.442695020e+00, v24;
	(erf) = vpow2.f32 v22;
	v22 =	vpop (erf)  }
0x284: {  	(erf) = vpow2.f32 v23;
	v23 =	vpop (erf)  }
0x285: {  	v25 =	vmul.f32 $1.442695020e+00, v25;
	v28 =	vpop (erf);
	(erf) = vpow2.f32 v24  }
0x286: {  	v62 =	vpop (erf)  }
0x287: {  	v29 =	vld [tilespmem:s23+$0x9360];
	v26 =	vmul.f32 $1.442695020e+00, v26;
	v30 =	vpop (erf);
	(erf) = vpow2.f32 v25  }
0x288: {  	v10 =	vadd.f32 v13, v10;
	v13 =	vmul.f32 $1.442695020e+00, v27;
	v63 =	vpop (erf)  }
0x289: {  	v6 =	vadd.f32 v18, v6;
	v7 =	vadd.f32 v20, v7;
	v18 =	vpop (erf);
	(erf) = vpow2.f32 v26  }
0x28a: {  	v12 =	vadd.f32 v14, v12;
	v20 =	vpop (erf)  }
0x28b: {  	v9 =	vadd.f32 v15, v9;
	v7 =	vadd.f32 v23, v7;
	v14 =	vpop (erf)  }
0x28c: {  	v23 =	vmul.f32 $1.442695020e+00, v29;
	v10 =	vadd.f32 v28, v10;
	(erf) = vpow2.f32 v13;
	v13 =	vpop (erf)  }
0x28d: {  	v8 =	vadd.f32 v16, v8;
	v12 =	vadd.f32 v62, v12;
	v15 =	vpop (erf)  }
0x28e: {  	(erf) = vpow2.f32 v23;
	v7 =	vadd.f32 v13, v7;
	v10 =	vadd.f32 v15, v10;
	v13 =	vpop (erf)  }
0x28f: {  	v9 =	vadd.f32 v30, v9;
	v12 =	vadd.f32 v13, v12  }
0x290: {  	v7 =	vadd.f32 v10, v7;
	v10 =	vadd.f32 v17, v11;
	v11 =	vpop (erf)  }
0x291: {  	v8 =	vadd.f32 v63, v8;
	v9 =	vadd.f32 v11, v9  }
0x292: {  	v7 =	vadd.f32 v12, v7;
	v11 =	vpop (erf)  }
0x293: {  	v6 =	vadd.f32 v21, v6;
	v8 =	vadd.f32 v11, v8  }
0x294: {  	v10 =	vadd.f32 v18, v10;
	v7 =	vadd.f32 v9, v7  }
0x295: {  	v5 =	vadd.f32 v19, v5;
	v6 =	vadd.f32 v20, v6;
	v9 =	vpop (erf)  }
0x296: {  	v9 =	vadd.f32 v9, v10;
	v7 =	vadd.f32 v8, v7  }
0x297: {  	v5 =	vadd.f32 v22, v5;
	v8 =	vpop (erf)  }
0x298: {  	v6 =	vadd.f32 v8, v6;
	v7 =	vadd.f32 v9, v7;
	_ =	sdelay $0x1  }
0x299: {  	v5 =	vadd.f32 v14, v5;
	v6 =	vadd.f32 v6, v7;
	_ =	sdelay $0x1  }
0x29a: {  	v5 =	vadd.f32 v5, v6;
	_ =	sdelay $0x1  }
0x29b: {  	s2 =	simm.s32 $0x0;
	[tilespmem:s4+$0x19300] =	vst v5  }
0x29c: {  	v5 =	vld [tilespmem:s2+$0x93F0]  }
0x29d: {  	v6 =	vld [tilespmem:s2+$0x9380]  }
0x29e: {  	v7 =	vld [tilespmem:s2+$0x9390]  }
0x29f: {  	v8 =	vld [tilespmem:s2+$0x93A0]  }
0x2a0: {  	v9 =	vld [tilespmem:s2+$0x93B0]  }
0x2a1: {  	v10 =	vld [tilespmem:s2+$0x93C0]  }
0x2a2: {  	v11 =	vld [tilespmem:s2+$0x93D0];
	v5 =	vmul.f32 $1.442695020e+00, v5  }
0x2a3: {  	s5 =	simm.s32 $0x200;
	v12 =	vld [tilespmem:s2+$0x93E0];
	v6 =	vmul.f32 $1.442695020e+00, v6;
	v7 =	vmul.f32 $1.442695020e+00, v7  }
0x2a4: {  	v8 =	vmul.f32 $1.442695020e+00, v8;
	(erf) = vpow2.f32 v5;
	v5 =	vld [tilespmem:s5+$0x93F0]  }
0x2a5: {  	v9 =	vmul.f32 $1.442695020e+00, v9;
	(erf) = vpow2.f32 v6;
	v6 =	vld [tilespmem:s5+$0x9380]  }
0x2a6: {  	v10 =	vmul.f32 $1.442695020e+00, v10;
	(erf) = vpow2.f32 v7;
	v7 =	vld [tilespmem:s5+$0x9390]  }
0x2a7: {  	v11 =	vmul.f32 $1.442695020e+00, v11;
	(erf) = vpow2.f32 v8;
	v8 =	vld [tilespmem:s5+$0x93A0]  }
0x2a8: {  	v12 =	vmul.f32 $1.442695020e+00, v12;
	(erf) = vpow2.f32 v9  }
0x2a9: {  	v9 =	vld [tilespmem:s5+$0x93B0];
	(erf) = vpow2.f32 v10;
	v5 =	vmul.f32 $1.442695020e+00, v5  }
0x2aa: {  	v10 =	vld [tilespmem:s5+$0x93C0];
	(erf) = vpow2.f32 v11;
	v13 =	vmul.f32 $1.442695020e+00, v6  }
0x2ab: {  	v11 =	vld [tilespmem:s5+$0x93D0];
	(erf) = vpow2.f32 v12;
	v7 =	vmul.f32 $1.442695020e+00, v7  }
0x2ac: {  	s31 =	simm.s32 $0x400;
	v12 =	vld [tilespmem:s5+$0x93E0];
	(erf) = vpow2.f32 v5;
	v8 =	vmul.f32 $1.442695020e+00, v8  }
0x2ad: {  	v16 =	vld [tilespmem:s31+$0x93F0];
	(erf) = vpow2.f32 v13  }
0x2ae: {  	v17 =	vld [tilespmem:s31+$0x9380];
	v5 =	vpop (erf);
	v9 =	vmul.f32 $1.442695020e+00, v9;
	(erf) = vpow2.f32 v7  }
0x2af: {  	v15 =	vmul.f32 $1.442695020e+00, v10;
	v7 =	vpop (erf);
	(erf) = vpow2.f32 v8  }
0x2b0: {  	v18 =	vld [tilespmem:s31+$0x9390];
	v6 =	vimm.f32 $0.0e+00;
	v11 =	vmul.f32 $1.442695020e+00, v11;
	v8 =	vpop (erf);
	(erf) = vpow2.f32 v9  }
0x2b1: {  	v13 =	vld [tilespmem:s31+$0x93A0];
	v20 =	vmul.f32 $1.442695020e+00, v12;
	v10 =	vadd.f32 v8, v6;
	v8 =	vpop (erf);
	(erf) = vpow2.f32 v15  }
0x2b2: {  	v14 =	vld [tilespmem:s31+$0x93B0];
	v21 =	vmul.f32 $1.442695020e+00, v16;
	v12 =	vadd.f32 v8, v6;
	v8 =	vpop (erf);
	(erf) = vpow2.f32 v11  }
0x2b3: {  	v19 =	vmul.f32 $1.442695020e+00, v17;
	v15 =	vld [tilespmem:s31+$0x93C0];
	v9 =	vadd.f32 v8, v6;
	v8 =	vpop (erf);
	(erf) = vpow2.f32 v20  }
0x2b4: {  	v16 =	vld [tilespmem:s31+$0x93D0];
	v5 =	vadd.f32 v5, v6;
	v7 =	vadd.f32 v7, v6;
	v11 =	vpop (erf);
	(erf) = vpow2.f32 v21  }
0x2b5: {  	s23 =	simm.s32 $0x600;
	v17 =	vld [tilespmem:s31+$0x93E0];
	s5 =	simm.s32 $0x2000;
	v20 =	vmul.f32 $1.442695020e+00, v18;
	v8 =	vadd.f32 v8, v6;
	v11 =	vadd.f32 v11, v6;
	v18 =	vpop (erf)  }
.LBB2_17:
0x2b6: {  	p0 =	sne.s32 s5, $0x1F800;
	v21 =	vld [tilespmem:s23+$0x93F0];
	v13 =	vmul.f32 $1.442695020e+00, v13;
	(erf) = vpow2.f32 v19;
	v19 =	vpop (erf);
	v6 =	vadd.f32 v18, v6  }
0x2b7: {  	v18 =	vld [tilespmem:s23+$0x9380];
	v14 =	vmul.f32 $1.442695020e+00, v14;
	(erf) = vpow2.f32 v20;
	v5 =	vadd.f32 v19, v5;
	v19 =	vpop (erf)  }
0x2b8: {  	v20 =	vld [tilespmem:s23+$0x9390];
	v15 =	vmul.f32 $1.442695020e+00, v15;
	(erf) = vpow2.f32 v13;
	v7 =	vadd.f32 v19, v7;
	v19 =	vpop (erf)  }
.Ltmp7:
0x2b9: {  	v13 =	vld [tilespmem:s23+$0x93A0];
	v16 =	vmul.f32 $1.442695020e+00, v16;
	(erf) = vpow2.f32 v14;
	v10 =	vadd.f32 v19, v10;
	v19 =	vpop (erf);
	(pc) =	sbr.rel @p0 .LBB2_17-.Ltmp7, $4  }
0x2ba: {  	v14 =	vld [tilespmem:s23+$0x93B0];
	v17 =	vmul.f32 $1.442695020e+00, v17;
	(erf) = vpow2.f32 v15;
	v12 =	vadd.f32 v19, v12;
	v19 =	vpop (erf)  }
0x2bb: {  	v15 =	vld [tilespmem:s23+$0x93C0];
	v21 =	vmul.f32 $1.442695020e+00, v21;
	(erf) = vpow2.f32 v16;
	v9 =	vadd.f32 v19, v9;
	v22 =	vpop (erf)  }
0x2bc: {  	v16 =	vld [tilespmem:s23+$0x93D0];
	v19 =	vmul.f32 $1.442695020e+00, v18;
	(erf) = vpow2.f32 v17;
	v8 =	vadd.f32 v22, v8;
	v18 =	vpop (erf)  }
0x2bd: {  	v17 =	vld [tilespmem:s23+$0x93E0];
	s23 =	sshra.s32 s5, $0x2;
	s5 =	sadd.s32 $0x800, s5;
	v20 =	vmul.f32 $1.442695020e+00, v20;
	(erf) = vpow2.f32 v21;
	v11 =	vadd.f32 v18, v11;
	v18 =	vpop (erf)  }
0x2be: {  	v21 =	vld [tilespmem:s23+$0x93F0];
	v13 =	vmul.f32 $1.442695020e+00, v13  }
0x2bf: {  	v22 =	vld [tilespmem:s23+$0x9380];
	v14 =	vmul.f32 $1.442695020e+00, v14  }
0x2c0: {  	(erf) = vpow2.f32 v19;
	v19 =	vpop (erf);
	v23 =	vld [tilespmem:s23+$0x9390];
	v15 =	vmul.f32 $1.442695020e+00, v15  }
0x2c1: {  	(erf) = vpow2.f32 v20;
	v20 =	vpop (erf);
	v16 =	vmul.f32 $1.442695020e+00, v16  }
0x2c2: {  	v24 =	vld [tilespmem:s23+$0x93A0];
	(erf) = vpow2.f32 v13;
	v13 =	vpop (erf);
	v17 =	vmul.f32 $1.442695020e+00, v17  }
0x2c3: {  	(erf) = vpow2.f32 v14;
	v14 =	vpop (erf);
	v21 =	vmul.f32 $1.442695020e+00, v21  }
0x2c4: {  	v25 =	vld [tilespmem:s23+$0x93B0];
	(erf) = vpow2.f32 v15;
	v22 =	vmul.f32 $1.442695020e+00, v22;
	v15 =	vpop (erf)  }
0x2c5: {  	v23 =	vmul.f32 $1.442695020e+00, v23;
	(erf) = vpow2.f32 v16;
	v16 =	vpop (erf)  }
0x2c6: {  	(erf) = vpow2.f32 v17;
	v17 =	vpop (erf)  }
0x2c7: {  	v26 =	vld [tilespmem:s23+$0x93C0];
	v24 =	vmul.f32 $1.442695020e+00, v24;
	(erf) = vpow2.f32 v21;
	v21 =	vpop (erf)  }
0x2c8: {  	v27 =	vld [tilespmem:s23+$0x93D0];
	(erf) = vpow2.f32 v22;
	v22 =	vpop (erf)  }
0x2c9: {  	v25 =	vmul.f32 $1.442695020e+00, v25;
	(erf) = vpow2.f32 v23;
	v23 =	vpop (erf)  }
0x2ca: {  	v28 =	vpop (erf);
	(erf) = vpow2.f32 v24  }
0x2cb: {  	v24 =	vpop (erf)  }
0x2cc: {  	v29 =	vld [tilespmem:s23+$0x93E0];
	v26 =	vmul.f32 $1.442695020e+00, v26;
	v30 =	vpop (erf);
	(erf) = vpow2.f32 v25  }
0x2cd: {  	v10 =	vadd.f32 v13, v10;
	v13 =	vmul.f32 $1.442695020e+00, v27;
	v25 =	vpop (erf)  }
0x2ce: {  	v6 =	vadd.f32 v18, v6;
	v7 =	vadd.f32 v20, v7;
	v18 =	vpop (erf);
	(erf) = vpow2.f32 v26  }
0x2cf: {  	v12 =	vadd.f32 v14, v12;
	v20 =	vpop (erf)  }
0x2d0: {  	v9 =	vadd.f32 v15, v9;
	v7 =	vadd.f32 v23, v7;
	v14 =	vpop (erf)  }
0x2d1: {  	v23 =	vmul.f32 $1.442695020e+00, v29;
	v10 =	vadd.f32 v28, v10;
	(erf) = vpow2.f32 v13;
	v13 =	vpop (erf)  }
0x2d2: {  	v8 =	vadd.f32 v16, v8;
	v12 =	vadd.f32 v24, v12;
	v15 =	vpop (erf)  }
0x2d3: {  	(erf) = vpow2.f32 v23;
	v7 =	vadd.f32 v13, v7;
	v10 =	vadd.f32 v15, v10;
	v13 =	vpop (erf)  }
0x2d4: {  	v9 =	vadd.f32 v30, v9;
	v12 =	vadd.f32 v13, v12  }
0x2d5: {  	v7 =	vadd.f32 v10, v7;
	v10 =	vadd.f32 v17, v11;
	v11 =	vpop (erf)  }
0x2d6: {  	v8 =	vadd.f32 v25, v8;
	v9 =	vadd.f32 v11, v9  }
0x2d7: {  	v7 =	vadd.f32 v12, v7;
	v11 =	vpop (erf)  }
0x2d8: {  	v6 =	vadd.f32 v21, v6;
	v8 =	vadd.f32 v11, v8  }
0x2d9: {  	v10 =	vadd.f32 v18, v10;
	v7 =	vadd.f32 v9, v7  }
0x2da: {  	v5 =	vadd.f32 v19, v5;
	v6 =	vadd.f32 v20, v6;
	v9 =	vpop (erf)  }
0x2db: {  	v9 =	vadd.f32 v9, v10;
	v7 =	vadd.f32 v8, v7  }
0x2dc: {  	v5 =	vadd.f32 v22, v5;
	v8 =	vpop (erf)  }
0x2dd: {  	v6 =	vadd.f32 v8, v6;
	v7 =	vadd.f32 v9, v7;
	_ =	sdelay $0x1  }
0x2de: {  	v5 =	vadd.f32 v14, v5;
	v6 =	vadd.f32 v6, v7;
	_ =	sdelay $0x1  }
0x2df: {  	v5 =	vadd.f32 v5, v6;
	_ =	sdelay $0x1  }
0x2e0: {  	s2 =	sshrl.u32 s3, $0x2;
	[tilespmem:s4+$0x19380] =	vst v5  }
0x2e1: {  	v5 =	vld [tilespmem:s2+$0x1000];
	_ =	sdelay $0x4  }
0x2e2: {  	(v2sf) =	vpush v5, $0x0  }
0x2e3: {  	(v2sf) =	vpush v5, $0x1  }
0x2e4: {  	(v2sf) =	vpush v5, $0x2;
	_ =	sdelay $0x1  }
0x2e5: {  	(v2sf) =	vpush v5, $0x3;
	_ =	sdelay $0xa  }
0x2e6: {  	s31 =	spop (v2sf)  }
0x2e7: {  	s4 =	spop (v2sf);
	s5 =	sshll.u32 s31, $0x2;
	s25 =	sand.u32 $0x70, s31  }
0x2e8: {  	s23 =	spop (v2sf);
	s2 =	sand.u32 $0xFFFFFE00, s5;
	s5 =	sshll.u32 s4, $0x2  }
0x2e9: {  	s29 =	sand.u32 $0x70, s4;
	s2 =	sor.u32 s25, s2;
	s5 =	sand.u32 $0xFFFFFE00, s5  }
0x2ea: {  	s25 =	sshll.u32 s23, $0x2;
	s3 =	spop (v2sf);
	s30 =	sand.u32 $0x70, s23  }
0x2eb: {  	s5 =	sor.u32 s29, s5;
	v8 =	vld [tilespmem:s2+$0x9200];
	s25 =	sand.u32 $0xFFFFFE00, s25;
	s29 =	sshll.u32 s3, $0x2  }
0x2ec: {  	v7 =	vld [tilespmem:s5+$0x9280];
	s2 =	sor.u32 s30, s25;
	s25 =	sand.u32 $0x70, s3;
	s30 =	sand.u32 $0xFFFFFE00, s29  }
0x2ed: {  	v6 =	vld [tilespmem:s2+$0x9300];
	s5 =	sor.u32 s25, s30  }
0x2ee: {  	s25 =	smul.u32 $0x600, s6;
	v5 =	vld [tilespmem:s5+$0x9380];
	_ =	swait.ge [sflag:s1], $0x8000  }
0x2ef: {  	[sflag:s1] =	ssyncset.done $0x0  }
0x2f0: {  	s2 =	sshra.s32 s25, $0x2;
	[sflag:s1] =	ssyncadd.s32 $0xFFFF8000  }
0x2f1: {  	v9 =	vld.msk [tilespmem:s2+$0x180], $0xf;
	_ =	sdelay $0x4  }
0x2f2: {  	v10 =	vshll.u32 v9, $0x6  }
0x2f3: {  	v9 =	vand.u32 $0x7, v9;
	v10 =	vand.u32 $0xFFFFFE00, v10  }
0x2f4: {  	v9 =	vor.u32 v9, v10  }
0x2f5: {  	v9 =	vperm.xlane v9, v1;
	_ =	sdelay $0x1  }
0x2f6: {  	v9 =	vadd.s32 v2, v9;
	_ =	sdelay $0x3  }
0x2f7: {  	s25 =	simm.s32 $0x1200;
	s2 =	simm.s32 $0x0;
	s29 =	rddreg [dreg:$0x1]  }
0x2f8: {  	[tilespmem:s25], [sflag:$0x1] =	stream.indirect_vreg.gather [hbm4b:s29+s2], $0x80, v9, vm0, $0xb8;
	[tilespmem:$0x1D280] =	vst v63  }
0x2f9: {  	s30 =	simm.s32 $0x1A00  }
0x2fa: {  	[tilespmem:s30], [sflag:$0x1] =	stream.indirect_vreg.gather [hbm4b:s7+s2], $0x80, v9, vm0, $0xb8;
	[tilespmem:$0x1D280] =	vst v63  }
0x2fb: {  	s29 =	simm.s32 $0x2200  }
0x2fc: {  	[tilespmem:s29], [sflag:$0x1] =	stream.indirect_vreg.gather [hbm4b:s8+s2], $0x80, v9, vm0, $0xb8;
	[tilespmem:$0x1D280] =	vst v63  }
0x2fd: {  	s30 =	simm.s32 $0x2A00  }
0x2fe: {  	[tilespmem:s30], [sflag:$0x1] =	stream.indirect_vreg.gather [hbm4b:s9+s2], $0x80, v9, vm0, $0xb8;
	[tilespmem:$0x1D280] =	vst v63  }
0x2ff: {  	s29 =	simm.s32 $0x3200  }
0x300: {  	[tilespmem:s29], [sflag:$0x1] =	stream.indirect_vreg.gather [hbm4b:s10+s2], $0x80, v9, vm0, $0xb8;
	[tilespmem:$0x1D280] =	vst v63  }
0x301: {  	s30 =	simm.s32 $0x3A00  }
0x302: {  	[tilespmem:s30], [sflag:$0x1] =	stream.indirect_vreg.gather [hbm4b:s11+s2], $0x80, v9, vm0, $0xb8;
	[tilespmem:$0x1D280] =	vst v63  }
0x303: {  	s29 =	simm.s32 $0x4200  }
0x304: {  	[tilespmem:s29], [sflag:$0x1] =	stream.indirect_vreg.gather [hbm4b:s12+s2], $0x80, v9, vm0, $0xb8;
	[tilespmem:$0x1D280] =	vst v63  }
0x305: {  	s30 =	simm.s32 $0x4A00  }
0x306: {  	[tilespmem:s30], [sflag:$0x1] =	stream.indirect_vreg.gather [hbm4b:s13+s2], $0x80, v9, vm0, $0xb8;
	[tilespmem:$0x1D280] =	vst v63  }
0x307: {  	s29 =	simm.s32 $0x5200  }
0x308: {  	[tilespmem:s29], [sflag:$0x1] =	stream.indirect_vreg.gather [hbm4b:s14+s2], $0x80, v9, vm0, $0xb8;
	[tilespmem:$0x1D280] =	vst v63  }
0x309: {  	s30 =	simm.s32 $0x5A00  }
0x30a: {  	[tilespmem:s30], [sflag:$0x1] =	stream.indirect_vreg.gather [hbm4b:s15+s2], $0x80, v9, vm0, $0xb8;
	[tilespmem:$0x1D280] =	vst v63  }
0x30b: {  	s29 =	simm.s32 $0x6200  }
0x30c: {  	[tilespmem:s29], [sflag:$0x1] =	stream.indirect_vreg.gather [hbm4b:s16+s2], $0x80, v9, vm0, $0xb8;
	[tilespmem:$0x1D280] =	vst v63  }
0x30d: {  	s30 =	simm.s32 $0x6A00  }
0x30e: {  	[tilespmem:s30], [sflag:$0x1] =	stream.indirect_vreg.gather [hbm4b:s18+s2], $0x80, v9, vm0, $0xb8;
	[tilespmem:$0x1D280] =	vst v63  }
0x30f: {  	s29 =	simm.s32 $0x7200  }
0x310: {  	[tilespmem:s29], [sflag:$0x1] =	stream.indirect_vreg.gather [hbm4b:s19+s2], $0x80, v9, vm0, $0xb8;
	[tilespmem:$0x1D280] =	vst v63  }
0x311: {  	s30 =	simm.s32 $0x7A00  }
0x312: {  	[tilespmem:s30], [sflag:$0x1] =	stream.indirect_vreg.gather [hbm4b:s20+s2], $0x80, v9, vm0, $0xb8;
	[tilespmem:$0x1D280] =	vst v63  }
0x313: {  	s29 =	simm.s32 $0x8200  }
0x314: {  	[tilespmem:s29], [sflag:$0x1] =	stream.indirect_vreg.gather [hbm4b:s26+s2], $0x80, v9, vm0, $0xb8;
	[tilespmem:$0x1D280] =	vst v63  }
0x315: {  	s30 =	simm.s32 $0x8A00;
	s29 =	sshll.u32 s22, $0xC  }
0x316: {  	[tilespmem:s30], [sflag:$0x1] =	stream.indirect_vreg.gather [hbm4b:s28+s2], $0x80, v9, vm0, $0xb8;
	[tilespmem:$0x1D280] =	vst v63  }
0x317: {  	s30 =	simm.s32 $0x3;
	s2 =	sadd.s32 s17, s29  }
0x318: {  	_ =	swait.ge [sflag:s30], $0x8000;
	s2 =	sand.u32 $0x7FE000, s2  }
0x319: {  	s29 =	simm.s32 $0x200;
	[sflag:s30] =	ssyncset.done $0x0;
	s2 =	sadd.s32 s2, s21  }
0x31a: {  	s21 =	simm.s32 $0x0;
	[sflag:s30] =	ssyncadd.s32 $0xFFFF8000;
	s30 =	simm.s32 $0x400  }
0x31b: {  	[hbm4b:s2+s29] =	stream.strided.scatter [tilespmem:s24], [sflag:$0x6], $0x8000, s30, s29, $0x38;
	[tilespmem:$0x1D280] =	vst v63  }
0x31c: {  	v9 =	vld [tilespmem:s21+$0x11270]  }
0x31d: {  	v10 =	vld [tilespmem:s21+$0x11200]  }
0x31e: {  	v11 =	vld [tilespmem:s21+$0x11210]  }
0x31f: {  	v12 =	vld [tilespmem:s21+$0x11220]  }
0x320: {  	v13 =	vld [tilespmem:s21+$0x11230]  }
0x321: {  	v14 =	vld [tilespmem:s21+$0x11240]  }
0x322: {  	v15 =	vld [tilespmem:s21+$0x11250];
	v9 =	vmul.f32 $1.442695020e+00, v9  }
0x323: {  	s29 =	simm.s32 $0x200;
	v16 =	vld [tilespmem:s21+$0x11260];
	v10 =	vmul.f32 $1.442695020e+00, v10;
	v11 =	vmul.f32 $1.442695020e+00, v11  }
0x324: {  	v12 =	vmul.f32 $1.442695020e+00, v12;
	(erf) = vpow2.f32 v9;
	v9 =	vld [tilespmem:s29+$0x11270]  }
0x325: {  	v13 =	vmul.f32 $1.442695020e+00, v13;
	(erf) = vpow2.f32 v10;
	v10 =	vld [tilespmem:s29+$0x11200]  }
0x326: {  	v14 =	vmul.f32 $1.442695020e+00, v14;
	(erf) = vpow2.f32 v11;
	v11 =	vld [tilespmem:s29+$0x11210]  }
0x327: {  	v15 =	vmul.f32 $1.442695020e+00, v15;
	(erf) = vpow2.f32 v12;
	v12 =	vld [tilespmem:s29+$0x11220]  }
0x328: {  	v16 =	vmul.f32 $1.442695020e+00, v16;
	(erf) = vpow2.f32 v13  }
0x329: {  	v13 =	vld [tilespmem:s29+$0x11230];
	(erf) = vpow2.f32 v14;
	v9 =	vmul.f32 $1.442695020e+00, v9  }
0x32a: {  	v14 =	vld [tilespmem:s29+$0x11240];
	(erf) = vpow2.f32 v15;
	v17 =	vmul.f32 $1.442695020e+00, v10  }
0x32b: {  	v15 =	vld [tilespmem:s29+$0x11250];
	(erf) = vpow2.f32 v16;
	v11 =	vmul.f32 $1.442695020e+00, v11  }
0x32c: {  	s30 =	simm.s32 $0x400;
	v16 =	vld [tilespmem:s29+$0x11260];
	(erf) = vpow2.f32 v9;
	v12 =	vmul.f32 $1.442695020e+00, v12  }
0x32d: {  	v20 =	vld [tilespmem:s30+$0x11270];
	(erf) = vpow2.f32 v17  }
0x32e: {  	v21 =	vld [tilespmem:s30+$0x11200];
	v9 =	vpop (erf);
	v13 =	vmul.f32 $1.442695020e+00, v13;
	(erf) = vpow2.f32 v11  }
0x32f: {  	v19 =	vmul.f32 $1.442695020e+00, v14;
	v11 =	vpop (erf);
	(erf) = vpow2.f32 v12  }
0x330: {  	v22 =	vld [tilespmem:s30+$0x11210];
	v10 =	vimm.f32 $0.0e+00;
	v15 =	vmul.f32 $1.442695020e+00, v15;
	v12 =	vpop (erf);
	(erf) = vpow2.f32 v13  }
0x331: {  	v17 =	vld [tilespmem:s30+$0x11220];
	v24 =	vmul.f32 $1.442695020e+00, v16;
	v14 =	vadd.f32 v12, v10;
	v12 =	vpop (erf);
	(erf) = vpow2.f32 v19  }
0x332: {  	v18 =	vld [tilespmem:s30+$0x11230];
	v25 =	vmul.f32 $1.442695020e+00, v20;
	v16 =	vadd.f32 v12, v10;
	v12 =	vpop (erf);
	(erf) = vpow2.f32 v15  }
0x333: {  	v23 =	vmul.f32 $1.442695020e+00, v21;
	v19 =	vld [tilespmem:s30+$0x11240];
	v13 =	vadd.f32 v12, v10;
	v12 =	vpop (erf);
	(erf) = vpow2.f32 v24  }
0x334: {  	v20 =	vld [tilespmem:s30+$0x11250];
	v9 =	vadd.f32 v9, v10;
	v11 =	vadd.f32 v11, v10;
	v15 =	vpop (erf);
	(erf) = vpow2.f32 v25  }
0x335: {  	s5 =	simm.s32 $0x2000;
	s21 =	simm.s32 $0x600;
	v21 =	vld [tilespmem:s30+$0x11260];
	v24 =	vmul.f32 $1.442695020e+00, v22;
	v12 =	vadd.f32 v12, v10;
	v15 =	vadd.f32 v15, v10;
	v22 =	vpop (erf)  }
.LBB2_19:
0x336: {  	p0 =	sne.s32 s5, $0x1F800;
	v25 =	vld [tilespmem:s21+$0x11270];
	v17 =	vmul.f32 $1.442695020e+00, v17;
	(erf) = vpow2.f32 v23;
	v23 =	vpop (erf);
	v10 =	vadd.f32 v22, v10  }
0x337: {  	v22 =	vld [tilespmem:s21+$0x11200];
	v18 =	vmul.f32 $1.442695020e+00, v18;
	(erf) = vpow2.f32 v24;
	v9 =	vadd.f32 v23, v9;
	v23 =	vpop (erf)  }
0x338: {  	v24 =	vld [tilespmem:s21+$0x11210];
	v19 =	vmul.f32 $1.442695020e+00, v19;
	(erf) = vpow2.f32 v17;
	v11 =	vadd.f32 v23, v11;
	v23 =	vpop (erf)  }
.Ltmp8:
0x339: {  	v17 =	vld [tilespmem:s21+$0x11220];
	v20 =	vmul.f32 $1.442695020e+00, v20;
	(erf) = vpow2.f32 v18;
	v14 =	vadd.f32 v23, v14;
	v23 =	vpop (erf);
	(pc) =	sbr.rel @p0 .LBB2_19-.Ltmp8, $4  }
0x33a: {  	v18 =	vld [tilespmem:s21+$0x11230];
	v21 =	vmul.f32 $1.442695020e+00, v21;
	(erf) = vpow2.f32 v19;
	v16 =	vadd.f32 v23, v16;
	v23 =	vpop (erf)  }
0x33b: {  	v19 =	vld [tilespmem:s21+$0x11240];
	v25 =	vmul.f32 $1.442695020e+00, v25;
	(erf) = vpow2.f32 v20;
	v13 =	vadd.f32 v23, v13;
	v26 =	vpop (erf)  }
0x33c: {  	v20 =	vld [tilespmem:s21+$0x11250];
	v23 =	vmul.f32 $1.442695020e+00, v22;
	(erf) = vpow2.f32 v21;
	v12 =	vadd.f32 v26, v12;
	v22 =	vpop (erf)  }
0x33d: {  	v21 =	vld [tilespmem:s21+$0x11260];
	s21 =	sshra.s32 s5, $0x2;
	s5 =	sadd.s32 $0x800, s5;
	v24 =	vmul.f32 $1.442695020e+00, v24;
	(erf) = vpow2.f32 v25;
	v15 =	vadd.f32 v22, v15;
	v22 =	vpop (erf)  }
0x33e: {  	v25 =	vld [tilespmem:s21+$0x11270];
	v17 =	vmul.f32 $1.442695020e+00, v17  }
0x33f: {  	v26 =	vld [tilespmem:s21+$0x11200];
	v18 =	vmul.f32 $1.442695020e+00, v18  }
0x340: {  	(erf) = vpow2.f32 v23;
	v23 =	vpop (erf);
	v27 =	vld [tilespmem:s21+$0x11210];
	v19 =	vmul.f32 $1.442695020e+00, v19  }
0x341: {  	(erf) = vpow2.f32 v24;
	v24 =	vpop (erf);
	v20 =	vmul.f32 $1.442695020e+00, v20  }
0x342: {  	(erf) = vpow2.f32 v17;
	v17 =	vpop (erf);
	v21 =	vmul.f32 $1.442695020e+00, v21  }
0x343: {  	v28 =	vld [tilespmem:s21+$0x11220];
	(erf) = vpow2.f32 v18;
	v18 =	vpop (erf);
	v25 =	vmul.f32 $1.442695020e+00, v25  }
0x344: {  	(erf) = vpow2.f32 v19;
	v26 =	vmul.f32 $1.442695020e+00, v26;
	v19 =	vpop (erf)  }
0x345: {  	v29 =	vld [tilespmem:s21+$0x11230];
	v27 =	vmul.f32 $1.442695020e+00, v27;
	(erf) = vpow2.f32 v20;
	v20 =	vpop (erf)  }
0x346: {  	(erf) = vpow2.f32 v21;
	v21 =	vpop (erf)  }
0x347: {  	v30 =	vld [tilespmem:s21+$0x11240];
	(erf) = vpow2.f32 v25;
	v25 =	vpop (erf)  }
0x348: {  	v31 =	vld [tilespmem:s21+$0x11250];
	v28 =	vmul.f32 $1.442695020e+00, v28;
	(erf) = vpow2.f32 v26;
	v26 =	vpop (erf)  }
0x349: {  	(erf) = vpow2.f32 v27;
	v27 =	vpop (erf)  }
0x34a: {  	v29 =	vmul.f32 $1.442695020e+00, v29;
	v32 =	vpop (erf);
	(erf) = vpow2.f32 v28  }
0x34b: {  	v62 =	vpop (erf)  }
0x34c: {  	v33 =	vld [tilespmem:s21+$0x11260];
	v30 =	vmul.f32 $1.442695020e+00, v30;
	v34 =	vpop (erf);
	(erf) = vpow2.f32 v29  }
0x34d: {  	v14 =	vadd.f32 v17, v14;
	v17 =	vmul.f32 $1.442695020e+00, v31;
	v63 =	vpop (erf)  }
0x34e: {  	v10 =	vadd.f32 v22, v10;
	v11 =	vadd.f32 v24, v11;
	v22 =	vpop (erf);
	(erf) = vpow2.f32 v30  }
0x34f: {  	v16 =	vadd.f32 v18, v16;
	v24 =	vpop (erf)  }
0x350: {  	v13 =	vadd.f32 v19, v13;
	v11 =	vadd.f32 v27, v11;
	v18 =	vpop (erf)  }
0x351: {  	v27 =	vmul.f32 $1.442695020e+00, v33;
	v14 =	vadd.f32 v32, v14;
	(erf) = vpow2.f32 v17;
	v17 =	vpop (erf)  }
0x352: {  	v12 =	vadd.f32 v20, v12;
	v16 =	vadd.f32 v62, v16;
	v19 =	vpop (erf)  }
0x353: {  	(erf) = vpow2.f32 v27;
	v11 =	vadd.f32 v17, v11;
	v14 =	vadd.f32 v19, v14;
	v17 =	vpop (erf)  }
0x354: {  	v13 =	vadd.f32 v34, v13;
	v16 =	vadd.f32 v17, v16  }
0x355: {  	v11 =	vadd.f32 v14, v11;
	v14 =	vadd.f32 v21, v15;
	v15 =	vpop (erf)  }
0x356: {  	v12 =	vadd.f32 v63, v12;
	v13 =	vadd.f32 v15, v13  }
0x357: {  	v11 =	vadd.f32 v16, v11;
	v15 =	vpop (erf)  }
0x358: {  	v10 =	vadd.f32 v25, v10;
	v12 =	vadd.f32 v15, v12  }
0x359: {  	v14 =	vadd.f32 v22, v14;
	v11 =	vadd.f32 v13, v11  }
0x35a: {  	v9 =	vadd.f32 v23, v9;
	v10 =	vadd.f32 v24, v10;
	v13 =	vpop (erf)  }
0x35b: {  	v13 =	vadd.f32 v13, v14;
	v11 =	vadd.f32 v12, v11  }
0x35c: {  	v9 =	vadd.f32 v26, v9;
	v12 =	vpop (erf)  }
0x35d: {  	v10 =	vadd.f32 v12, v10;
	v11 =	vadd.f32 v13, v11;
	_ =	sdelay $0x1  }
0x35e: {  	v9 =	vadd.f32 v18, v9;
	v10 =	vadd.f32 v10, v11;
	_ =	sdelay $0x1  }
0x35f: {  	s2 =	sshll.u32 s22, $0x9;
	v9 =	vadd.f32 v9, v10  }
0x360: {  	s21 =	sand.u32 $0x3FFFFE00, s2  }
0x361: {  	s29 =	simm.s32 $0x0;
	[tilespmem:s21+$0x19200] =	vst v9  }
0x362: {  	v9 =	vld [tilespmem:s29+$0x112F0]  }
0x363: {  	v10 =	vld [tilespmem:s29+$0x11280]  }
0x364: {  	v11 =	vld [tilespmem:s29+$0x11290]  }
0x365: {  	v12 =	vld [tilespmem:s29+$0x112A0]  }
0x366: {  	v13 =	vld [tilespmem:s29+$0x112B0]  }
0x367: {  	v14 =	vld [tilespmem:s29+$0x112C0]  }
0x368: {  	v15 =	vld [tilespmem:s29+$0x112D0];
	v9 =	vmul.f32 $1.442695020e+00, v9  }
0x369: {  	s5 =	simm.s32 $0x200;
	v16 =	vld [tilespmem:s29+$0x112E0];
	v10 =	vmul.f32 $1.442695020e+00, v10;
	v11 =	vmul.f32 $1.442695020e+00, v11  }
0x36a: {  	v12 =	vmul.f32 $1.442695020e+00, v12;
	(erf) = vpow2.f32 v9;
	v9 =	vld [tilespmem:s5+$0x112F0]  }
0x36b: {  	v13 =	vmul.f32 $1.442695020e+00, v13;
	(erf) = vpow2.f32 v10;
	v10 =	vld [tilespmem:s5+$0x11280]  }
0x36c: {  	v14 =	vmul.f32 $1.442695020e+00, v14;
	(erf) = vpow2.f32 v11;
	v11 =	vld [tilespmem:s5+$0x11290]  }
0x36d: {  	v15 =	vmul.f32 $1.442695020e+00, v15;
	(erf) = vpow2.f32 v12;
	v12 =	vld [tilespmem:s5+$0x112A0]  }
0x36e: {  	v16 =	vmul.f32 $1.442695020e+00, v16;
	(erf) = vpow2.f32 v13  }
0x36f: {  	v13 =	vld [tilespmem:s5+$0x112B0];
	(erf) = vpow2.f32 v14;
	v9 =	vmul.f32 $1.442695020e+00, v9  }
0x370: {  	v14 =	vld [tilespmem:s5+$0x112C0];
	(erf) = vpow2.f32 v15;
	v17 =	vmul.f32 $1.442695020e+00, v10  }
0x371: {  	v15 =	vld [tilespmem:s5+$0x112D0];
	(erf) = vpow2.f32 v16;
	v11 =	vmul.f32 $1.442695020e+00, v11  }
0x372: {  	s29 =	simm.s32 $0x400;
	v16 =	vld [tilespmem:s5+$0x112E0];
	(erf) = vpow2.f32 v9;
	v12 =	vmul.f32 $1.442695020e+00, v12  }
0x373: {  	v20 =	vld [tilespmem:s29+$0x112F0];
	(erf) = vpow2.f32 v17  }
0x374: {  	v21 =	vld [tilespmem:s29+$0x11280];
	v9 =	vpop (erf);
	v13 =	vmul.f32 $1.442695020e+00, v13;
	(erf) = vpow2.f32 v11  }
0x375: {  	v19 =	vmul.f32 $1.442695020e+00, v14;
	v11 =	vpop (erf);
	(erf) = vpow2.f32 v12  }
0x376: {  	v22 =	vld [tilespmem:s29+$0x11290];
	v10 =	vimm.f32 $0.0e+00;
	v15 =	vmul.f32 $1.442695020e+00, v15;
	v12 =	vpop (erf);
	(erf) = vpow2.f32 v13  }
0x377: {  	v17 =	vld [tilespmem:s29+$0x112A0];
	v24 =	vmul.f32 $1.442695020e+00, v16;
	v14 =	vadd.f32 v12, v10;
	v12 =	vpop (erf);
	(erf) = vpow2.f32 v19  }
0x378: {  	v18 =	vld [tilespmem:s29+$0x112B0];
	v25 =	vmul.f32 $1.442695020e+00, v20;
	v16 =	vadd.f32 v12, v10;
	v12 =	vpop (erf);
	(erf) = vpow2.f32 v15  }
0x379: {  	v23 =	vmul.f32 $1.442695020e+00, v21;
	v19 =	vld [tilespmem:s29+$0x112C0];
	v13 =	vadd.f32 v12, v10;
	v12 =	vpop (erf);
	(erf) = vpow2.f32 v24  }
0x37a: {  	v20 =	vld [tilespmem:s29+$0x112D0];
	v9 =	vadd.f32 v9, v10;
	v11 =	vadd.f32 v11, v10;
	v15 =	vpop (erf);
	(erf) = vpow2.f32 v25  }
0x37b: {  	s30 =	simm.s32 $0x2000;
	v21 =	vld [tilespmem:s29+$0x112E0];
	s5 =	simm.s32 $0x600;
	v24 =	vmul.f32 $1.442695020e+00, v22;
	v12 =	vadd.f32 v12, v10;
	v15 =	vadd.f32 v15, v10;
	v22 =	vpop (erf)  }
.LBB2_21:
0x37c: {  	p0 =	sne.s32 s30, $0x1F800;
	v25 =	vld [tilespmem:s5+$0x112F0];
	v17 =	vmul.f32 $1.442695020e+00, v17;
	(erf) = vpow2.f32 v23;
	v23 =	vpop (erf);
	v10 =	vadd.f32 v22, v10  }
0x37d: {  	v22 =	vld [tilespmem:s5+$0x11280];
	v18 =	vmul.f32 $1.442695020e+00, v18;
	(erf) = vpow2.f32 v24;
	v9 =	vadd.f32 v23, v9;
	v23 =	vpop (erf)  }
0x37e: {  	v24 =	vld [tilespmem:s5+$0x11290];
	v19 =	vmul.f32 $1.442695020e+00, v19;
	(erf) = vpow2.f32 v17;
	v11 =	vadd.f32 v23, v11;
	v23 =	vpop (erf)  }
.Ltmp9:
0x37f: {  	v17 =	vld [tilespmem:s5+$0x112A0];
	v20 =	vmul.f32 $1.442695020e+00, v20;
	(erf) = vpow2.f32 v18;
	v14 =	vadd.f32 v23, v14;
	v23 =	vpop (erf);
	(pc) =	sbr.rel @p0 .LBB2_21-.Ltmp9, $4  }
0x380: {  	v18 =	vld [tilespmem:s5+$0x112B0];
	v21 =	vmul.f32 $1.442695020e+00, v21;
	(erf) = vpow2.f32 v19;
	v16 =	vadd.f32 v23, v16;
	v23 =	vpop (erf)  }
0x381: {  	v19 =	vld [tilespmem:s5+$0x112C0];
	v25 =	vmul.f32 $1.442695020e+00, v25;
	(erf) = vpow2.f32 v20;
	v13 =	vadd.f32 v23, v13;
	v26 =	vpop (erf)  }
0x382: {  	v20 =	vld [tilespmem:s5+$0x112D0];
	v23 =	vmul.f32 $1.442695020e+00, v22;
	(erf) = vpow2.f32 v21;
	v12 =	vadd.f32 v26, v12;
	v22 =	vpop (erf)  }
0x383: {  	v21 =	vld [tilespmem:s5+$0x112E0];
	s5 =	sshra.s32 s30, $0x2;
	s30 =	sadd.s32 $0x800, s30;
	v24 =	vmul.f32 $1.442695020e+00, v24;
	(erf) = vpow2.f32 v25;
	v15 =	vadd.f32 v22, v15;
	v22 =	vpop (erf)  }
0x384: {  	v25 =	vld [tilespmem:s5+$0x112F0];
	v17 =	vmul.f32 $1.442695020e+00, v17  }
0x385: {  	v26 =	vld [tilespmem:s5+$0x11280];
	v18 =	vmul.f32 $1.442695020e+00, v18  }
0x386: {  	(erf) = vpow2.f32 v23;
	v23 =	vpop (erf);
	v27 =	vld [tilespmem:s5+$0x11290];
	v19 =	vmul.f32 $1.442695020e+00, v19  }
0x387: {  	(erf) = vpow2.f32 v24;
	v24 =	vpop (erf);
	v20 =	vmul.f32 $1.442695020e+00, v20  }
0x388: {  	(erf) = vpow2.f32 v17;
	v17 =	vpop (erf);
	v21 =	vmul.f32 $1.442695020e+00, v21  }
0x389: {  	v28 =	vld [tilespmem:s5+$0x112A0];
	(erf) = vpow2.f32 v18;
	v18 =	vpop (erf);
	v25 =	vmul.f32 $1.442695020e+00, v25  }
0x38a: {  	(erf) = vpow2.f32 v19;
	v26 =	vmul.f32 $1.442695020e+00, v26;
	v19 =	vpop (erf)  }
0x38b: {  	v29 =	vld [tilespmem:s5+$0x112B0];
	v27 =	vmul.f32 $1.442695020e+00, v27;
	(erf) = vpow2.f32 v20;
	v20 =	vpop (erf)  }
0x38c: {  	(erf) = vpow2.f32 v21;
	v21 =	vpop (erf)  }
0x38d: {  	v30 =	vld [tilespmem:s5+$0x112C0];
	(erf) = vpow2.f32 v25;
	v25 =	vpop (erf)  }
0x38e: {  	v31 =	vld [tilespmem:s5+$0x112D0];
	v28 =	vmul.f32 $1.442695020e+00, v28;
	(erf) = vpow2.f32 v26;
	v26 =	vpop (erf)  }
0x38f: {  	(erf) = vpow2.f32 v27;
	v27 =	vpop (erf)  }
0x390: {  	v29 =	vmul.f32 $1.442695020e+00, v29;
	v32 =	vpop (erf);
	(erf) = vpow2.f32 v28  }
0x391: {  	v62 =	vpop (erf)  }
0x392: {  	v33 =	vld [tilespmem:s5+$0x112E0];
	v30 =	vmul.f32 $1.442695020e+00, v30;
	v34 =	vpop (erf);
	(erf) = vpow2.f32 v29  }
0x393: {  	v14 =	vadd.f32 v17, v14;
	v17 =	vmul.f32 $1.442695020e+00, v31;
	v63 =	vpop (erf)  }
0x394: {  	v10 =	vadd.f32 v22, v10;
	v11 =	vadd.f32 v24, v11;
	v22 =	vpop (erf);
	(erf) = vpow2.f32 v30  }
0x395: {  	v16 =	vadd.f32 v18, v16;
	v24 =	vpop (erf)  }
0x396: {  	v13 =	vadd.f32 v19, v13;
	v11 =	vadd.f32 v27, v11;
	v18 =	vpop (erf)  }
0x397: {  	v27 =	vmul.f32 $1.442695020e+00, v33;
	v14 =	vadd.f32 v32, v14;
	(erf) = vpow2.f32 v17;
	v17 =	vpop (erf)  }
0x398: {  	v12 =	vadd.f32 v20, v12;
	v16 =	vadd.f32 v62, v16;
	v19 =	vpop (erf)  }
0x399: {  	(erf) = vpow2.f32 v27;
	v11 =	vadd.f32 v17, v11;
	v14 =	vadd.f32 v19, v14;
	v17 =	vpop (erf)  }
0x39a: {  	v13 =	vadd.f32 v34, v13;
	v16 =	vadd.f32 v17, v16  }
0x39b: {  	v11 =	vadd.f32 v14, v11;
	v14 =	vadd.f32 v21, v15;
	v15 =	vpop (erf)  }
0x39c: {  	v12 =	vadd.f32 v63, v12;
	v13 =	vadd.f32 v15, v13  }
0x39d: {  	v11 =	vadd.f32 v16, v11;
	v15 =	vpop (erf)  }
0x39e: {  	v10 =	vadd.f32 v25, v10;
	v12 =	vadd.f32 v15, v12  }
0x39f: {  	v14 =	vadd.f32 v22, v14;
	v11 =	vadd.f32 v13, v11  }
0x3a0: {  	v9 =	vadd.f32 v23, v9;
	v10 =	vadd.f32 v24, v10;
	v13 =	vpop (erf)  }
0x3a1: {  	v13 =	vadd.f32 v13, v14;
	v11 =	vadd.f32 v12, v11  }
0x3a2: {  	v9 =	vadd.f32 v26, v9;
	v12 =	vpop (erf)  }
0x3a3: {  	v10 =	vadd.f32 v12, v10;
	v11 =	vadd.f32 v13, v11;
	_ =	sdelay $0x1  }
0x3a4: {  	v9 =	vadd.f32 v18, v9;
	v10 =	vadd.f32 v10, v11;
	_ =	sdelay $0x1  }
0x3a5: {  	v9 =	vadd.f32 v9, v10;
	_ =	sdelay $0x1  }
0x3a6: {  	s2 =	simm.s32 $0x0;
	[tilespmem:s21+$0x19280] =	vst v9  }
0x3a7: {  	v9 =	vld [tilespmem:s2+$0x11370]  }
0x3a8: {  	v10 =	vld [tilespmem:s2+$0x11300]  }
0x3a9: {  	v11 =	vld [tilespmem:s2+$0x11310]  }
0x3aa: {  	v12 =	vld [tilespmem:s2+$0x11320]  }
0x3ab: {  	v13 =	vld [tilespmem:s2+$0x11330]  }
0x3ac: {  	v14 =	vld [tilespmem:s2+$0x11340]  }
0x3ad: {  	v15 =	vld [tilespmem:s2+$0x11350];
	v9 =	vmul.f32 $1.442695020e+00, v9  }
0x3ae: {  	s5 =	simm.s32 $0x200;
	v16 =	vld [tilespmem:s2+$0x11360];
	v10 =	vmul.f32 $1.442695020e+00, v10;
	v11 =	vmul.f32 $1.442695020e+00, v11  }
0x3af: {  	v12 =	vmul.f32 $1.442695020e+00, v12;
	(erf) = vpow2.f32 v9;
	v9 =	vld [tilespmem:s5+$0x11370]  }
0x3b0: {  	v13 =	vmul.f32 $1.442695020e+00, v13;
	(erf) = vpow2.f32 v10;
	v10 =	vld [tilespmem:s5+$0x11300]  }
0x3b1: {  	v14 =	vmul.f32 $1.442695020e+00, v14;
	(erf) = vpow2.f32 v11;
	v11 =	vld [tilespmem:s5+$0x11310]  }
0x3b2: {  	v15 =	vmul.f32 $1.442695020e+00, v15;
	(erf) = vpow2.f32 v12;
	v12 =	vld [tilespmem:s5+$0x11320]  }
0x3b3: {  	v16 =	vmul.f32 $1.442695020e+00, v16;
	(erf) = vpow2.f32 v13  }
0x3b4: {  	v13 =	vld [tilespmem:s5+$0x11330];
	(erf) = vpow2.f32 v14;
	v9 =	vmul.f32 $1.442695020e+00, v9  }
0x3b5: {  	v14 =	vld [tilespmem:s5+$0x11340];
	(erf) = vpow2.f32 v15;
	v17 =	vmul.f32 $1.442695020e+00, v10  }
0x3b6: {  	v15 =	vld [tilespmem:s5+$0x11350];
	(erf) = vpow2.f32 v16;
	v11 =	vmul.f32 $1.442695020e+00, v11  }
0x3b7: {  	s29 =	simm.s32 $0x400;
	v16 =	vld [tilespmem:s5+$0x11360];
	(erf) = vpow2.f32 v9;
	v12 =	vmul.f32 $1.442695020e+00, v12  }
0x3b8: {  	v20 =	vld [tilespmem:s29+$0x11370];
	(erf) = vpow2.f32 v17  }
0x3b9: {  	v21 =	vld [tilespmem:s29+$0x11300];
	v9 =	vpop (erf);
	v13 =	vmul.f32 $1.442695020e+00, v13;
	(erf) = vpow2.f32 v11  }
0x3ba: {  	v19 =	vmul.f32 $1.442695020e+00, v14;
	v11 =	vpop (erf);
	(erf) = vpow2.f32 v12  }
0x3bb: {  	v22 =	vld [tilespmem:s29+$0x11310];
	v10 =	vimm.f32 $0.0e+00;
	v15 =	vmul.f32 $1.442695020e+00, v15;
	v12 =	vpop (erf);
	(erf) = vpow2.f32 v13  }
0x3bc: {  	v17 =	vld [tilespmem:s29+$0x11320];
	v24 =	vmul.f32 $1.442695020e+00, v16;
	v14 =	vadd.f32 v12, v10;
	v12 =	vpop (erf);
	(erf) = vpow2.f32 v19  }
0x3bd: {  	v18 =	vld [tilespmem:s29+$0x11330];
	v25 =	vmul.f32 $1.442695020e+00, v20;
	v16 =	vadd.f32 v12, v10;
	v12 =	vpop (erf);
	(erf) = vpow2.f32 v15  }
0x3be: {  	v23 =	vmul.f32 $1.442695020e+00, v21;
	v19 =	vld [tilespmem:s29+$0x11340];
	v13 =	vadd.f32 v12, v10;
	v12 =	vpop (erf);
	(erf) = vpow2.f32 v24  }
0x3bf: {  	v20 =	vld [tilespmem:s29+$0x11350];
	v9 =	vadd.f32 v9, v10;
	v11 =	vadd.f32 v11, v10;
	v15 =	vpop (erf);
	(erf) = vpow2.f32 v25  }
0x3c0: {  	s30 =	simm.s32 $0x2000;
	v21 =	vld [tilespmem:s29+$0x11360];
	s5 =	simm.s32 $0x600;
	v24 =	vmul.f32 $1.442695020e+00, v22;
	v12 =	vadd.f32 v12, v10;
	v15 =	vadd.f32 v15, v10;
	v22 =	vpop (erf)  }
.LBB2_23:
0x3c1: {  	p0 =	sne.s32 s30, $0x1F800;
	v25 =	vld [tilespmem:s5+$0x11370];
	v17 =	vmul.f32 $1.442695020e+00, v17;
	(erf) = vpow2.f32 v23;
	v23 =	vpop (erf);
	v10 =	vadd.f32 v22, v10  }
0x3c2: {  	v22 =	vld [tilespmem:s5+$0x11300];
	v18 =	vmul.f32 $1.442695020e+00, v18;
	(erf) = vpow2.f32 v24;
	v9 =	vadd.f32 v23, v9;
	v23 =	vpop (erf)  }
0x3c3: {  	v24 =	vld [tilespmem:s5+$0x11310];
	v19 =	vmul.f32 $1.442695020e+00, v19;
	(erf) = vpow2.f32 v17;
	v11 =	vadd.f32 v23, v11;
	v23 =	vpop (erf)  }
.Ltmp10:
0x3c4: {  	v17 =	vld [tilespmem:s5+$0x11320];
	v20 =	vmul.f32 $1.442695020e+00, v20;
	(erf) = vpow2.f32 v18;
	v14 =	vadd.f32 v23, v14;
	v23 =	vpop (erf);
	(pc) =	sbr.rel @p0 .LBB2_23-.Ltmp10, $4  }
0x3c5: {  	v18 =	vld [tilespmem:s5+$0x11330];
	v21 =	vmul.f32 $1.442695020e+00, v21;
	(erf) = vpow2.f32 v19;
	v16 =	vadd.f32 v23, v16;
	v23 =	vpop (erf)  }
0x3c6: {  	v19 =	vld [tilespmem:s5+$0x11340];
	v25 =	vmul.f32 $1.442695020e+00, v25;
	(erf) = vpow2.f32 v20;
	v13 =	vadd.f32 v23, v13;
	v26 =	vpop (erf)  }
0x3c7: {  	v20 =	vld [tilespmem:s5+$0x11350];
	v23 =	vmul.f32 $1.442695020e+00, v22;
	(erf) = vpow2.f32 v21;
	v12 =	vadd.f32 v26, v12;
	v22 =	vpop (erf)  }
0x3c8: {  	v21 =	vld [tilespmem:s5+$0x11360];
	s5 =	sshra.s32 s30, $0x2;
	s30 =	sadd.s32 $0x800, s30;
	v24 =	vmul.f32 $1.442695020e+00, v24;
	(erf) = vpow2.f32 v25;
	v15 =	vadd.f32 v22, v15;
	v22 =	vpop (erf)  }
0x3c9: {  	v25 =	vld [tilespmem:s5+$0x11370];
	v17 =	vmul.f32 $1.442695020e+00, v17  }
0x3ca: {  	v26 =	vld [tilespmem:s5+$0x11300];
	v18 =	vmul.f32 $1.442695020e+00, v18  }
0x3cb: {  	(erf) = vpow2.f32 v23;
	v23 =	vpop (erf);
	v27 =	vld [tilespmem:s5+$0x11310];
	v19 =	vmul.f32 $1.442695020e+00, v19  }
0x3cc: {  	(erf) = vpow2.f32 v24;
	v24 =	vpop (erf);
	v20 =	vmul.f32 $1.442695020e+00, v20  }
0x3cd: {  	(erf) = vpow2.f32 v17;
	v17 =	vpop (erf);
	v21 =	vmul.f32 $1.442695020e+00, v21  }
0x3ce: {  	v28 =	vld [tilespmem:s5+$0x11320];
	(erf) = vpow2.f32 v18;
	v18 =	vpop (erf);
	v25 =	vmul.f32 $1.442695020e+00, v25  }
0x3cf: {  	(erf) = vpow2.f32 v19;
	v26 =	vmul.f32 $1.442695020e+00, v26;
	v19 =	vpop (erf)  }
0x3d0: {  	v29 =	vld [tilespmem:s5+$0x11330];
	v27 =	vmul.f32 $1.442695020e+00, v27;
	(erf) = vpow2.f32 v20;
	v20 =	vpop (erf)  }
0x3d1: {  	(erf) = vpow2.f32 v21;
	v21 =	vpop (erf)  }
0x3d2: {  	v30 =	vld [tilespmem:s5+$0x11340];
	(erf) = vpow2.f32 v25;
	v25 =	vpop (erf)  }
0x3d3: {  	v31 =	vld [tilespmem:s5+$0x11350];
	v28 =	vmul.f32 $1.442695020e+00, v28;
	(erf) = vpow2.f32 v26;
	v26 =	vpop (erf)  }
0x3d4: {  	(erf) = vpow2.f32 v27;
	v27 =	vpop (erf)  }
0x3d5: {  	v29 =	vmul.f32 $1.442695020e+00, v29;
	v32 =	vpop (erf);
	(erf) = vpow2.f32 v28  }
0x3d6: {  	v62 =	vpop (erf)  }
0x3d7: {  	v33 =	vld [tilespmem:s5+$0x11360];
	v30 =	vmul.f32 $1.442695020e+00, v30;
	v34 =	vpop (erf);
	(erf) = vpow2.f32 v29  }
0x3d8: {  	v14 =	vadd.f32 v17, v14;
	v17 =	vmul.f32 $1.442695020e+00, v31;
	v63 =	vpop (erf)  }
0x3d9: {  	v10 =	vadd.f32 v22, v10;
	v11 =	vadd.f32 v24, v11;
	v22 =	vpop (erf);
	(erf) = vpow2.f32 v30  }
0x3da: {  	v16 =	vadd.f32 v18, v16;
	v24 =	vpop (erf)  }
0x3db: {  	v13 =	vadd.f32 v19, v13;
	v11 =	vadd.f32 v27, v11;
	v18 =	vpop (erf)  }
0x3dc: {  	v27 =	vmul.f32 $1.442695020e+00, v33;
	v14 =	vadd.f32 v32, v14;
	(erf) = vpow2.f32 v17;
	v17 =	vpop (erf)  }
0x3dd: {  	v12 =	vadd.f32 v20, v12;
	v16 =	vadd.f32 v62, v16;
	v19 =	vpop (erf)  }
0x3de: {  	(erf) = vpow2.f32 v27;
	v11 =	vadd.f32 v17, v11;
	v14 =	vadd.f32 v19, v14;
	v17 =	vpop (erf)  }
0x3df: {  	v13 =	vadd.f32 v34, v13;
	v16 =	vadd.f32 v17, v16  }
0x3e0: {  	v11 =	vadd.f32 v14, v11;
	v14 =	vadd.f32 v21, v15;
	v15 =	vpop (erf)  }
0x3e1: {  	v12 =	vadd.f32 v63, v12;
	v13 =	vadd.f32 v15, v13  }
0x3e2: {  	v11 =	vadd.f32 v16, v11;
	v15 =	vpop (erf)  }
0x3e3: {  	v10 =	vadd.f32 v25, v10;
	v12 =	vadd.f32 v15, v12  }
0x3e4: {  	v14 =	vadd.f32 v22, v14;
	v11 =	vadd.f32 v13, v11  }
0x3e5: {  	v9 =	vadd.f32 v23, v9;
	v10 =	vadd.f32 v24, v10;
	v13 =	vpop (erf)  }
0x3e6: {  	v13 =	vadd.f32 v13, v14;
	v11 =	vadd.f32 v12, v11  }
0x3e7: {  	v9 =	vadd.f32 v26, v9;
	v12 =	vpop (erf)  }
0x3e8: {  	v10 =	vadd.f32 v12, v10;
	v11 =	vadd.f32 v13, v11;
	_ =	sdelay $0x1  }
0x3e9: {  	v9 =	vadd.f32 v18, v9;
	v10 =	vadd.f32 v10, v11;
	_ =	sdelay $0x1  }
0x3ea: {  	v9 =	vadd.f32 v9, v10;
	_ =	sdelay $0x1  }
0x3eb: {  	s2 =	simm.s32 $0x0;
	[tilespmem:s21+$0x19300] =	vst v9  }
0x3ec: {  	v9 =	vld [tilespmem:s2+$0x113F0]  }
0x3ed: {  	v10 =	vld [tilespmem:s2+$0x11380]  }
0x3ee: {  	v11 =	vld [tilespmem:s2+$0x11390]  }
0x3ef: {  	v12 =	vld [tilespmem:s2+$0x113A0]  }
0x3f0: {  	v13 =	vld [tilespmem:s2+$0x113B0]  }
0x3f1: {  	v14 =	vld [tilespmem:s2+$0x113C0]  }
0x3f2: {  	v15 =	vld [tilespmem:s2+$0x113D0];
	v9 =	vmul.f32 $1.442695020e+00, v9  }
0x3f3: {  	s5 =	simm.s32 $0x200;
	v16 =	vld [tilespmem:s2+$0x113E0];
	v10 =	vmul.f32 $1.442695020e+00, v10;
	v11 =	vmul.f32 $1.442695020e+00, v11  }
0x3f4: {  	v12 =	vmul.f32 $1.442695020e+00, v12;
	(erf) = vpow2.f32 v9;
	v9 =	vld [tilespmem:s5+$0x113F0]  }
0x3f5: {  	v13 =	vmul.f32 $1.442695020e+00, v13;
	(erf) = vpow2.f32 v10;
	v10 =	vld [tilespmem:s5+$0x11380]  }
0x3f6: {  	v14 =	vmul.f32 $1.442695020e+00, v14;
	(erf) = vpow2.f32 v11;
	v11 =	vld [tilespmem:s5+$0x11390]  }
0x3f7: {  	v15 =	vmul.f32 $1.442695020e+00, v15;
	(erf) = vpow2.f32 v12;
	v12 =	vld [tilespmem:s5+$0x113A0]  }
0x3f8: {  	v16 =	vmul.f32 $1.442695020e+00, v16;
	(erf) = vpow2.f32 v13  }
0x3f9: {  	v13 =	vld [tilespmem:s5+$0x113B0];
	(erf) = vpow2.f32 v14;
	v9 =	vmul.f32 $1.442695020e+00, v9  }
0x3fa: {  	v14 =	vld [tilespmem:s5+$0x113C0];
	(erf) = vpow2.f32 v15;
	v17 =	vmul.f32 $1.442695020e+00, v10  }
0x3fb: {  	v15 =	vld [tilespmem:s5+$0x113D0];
	(erf) = vpow2.f32 v16;
	v11 =	vmul.f32 $1.442695020e+00, v11  }
0x3fc: {  	s29 =	simm.s32 $0x400;
	v16 =	vld [tilespmem:s5+$0x113E0];
	(erf) = vpow2.f32 v9;
	v12 =	vmul.f32 $1.442695020e+00, v12  }
0x3fd: {  	v20 =	vld [tilespmem:s29+$0x113F0];
	(erf) = vpow2.f32 v17  }
0x3fe: {  	v21 =	vld [tilespmem:s29+$0x11380];
	v9 =	vpop (erf);
	v13 =	vmul.f32 $1.442695020e+00, v13;
	(erf) = vpow2.f32 v11  }
0x3ff: {  	v19 =	vmul.f32 $1.442695020e+00, v14;
	v11 =	vpop (erf);
	(erf) = vpow2.f32 v12  }
0x400: {  	v22 =	vld [tilespmem:s29+$0x11390];
	v10 =	vimm.f32 $0.0e+00;
	v15 =	vmul.f32 $1.442695020e+00, v15;
	v12 =	vpop (erf);
	(erf) = vpow2.f32 v13  }
0x401: {  	v17 =	vld [tilespmem:s29+$0x113A0];
	v24 =	vmul.f32 $1.442695020e+00, v16;
	v14 =	vadd.f32 v12, v10;
	v12 =	vpop (erf);
	(erf) = vpow2.f32 v19  }
0x402: {  	v18 =	vld [tilespmem:s29+$0x113B0];
	v25 =	vmul.f32 $1.442695020e+00, v20;
	v16 =	vadd.f32 v12, v10;
	v12 =	vpop (erf);
	(erf) = vpow2.f32 v15  }
0x403: {  	v23 =	vmul.f32 $1.442695020e+00, v21;
	v19 =	vld [tilespmem:s29+$0x113C0];
	v13 =	vadd.f32 v12, v10;
	v12 =	vpop (erf);
	(erf) = vpow2.f32 v24  }
0x404: {  	v20 =	vld [tilespmem:s29+$0x113D0];
	v9 =	vadd.f32 v9, v10;
	v11 =	vadd.f32 v11, v10;
	v15 =	vpop (erf);
	(erf) = vpow2.f32 v25  }
0x405: {  	s30 =	simm.s32 $0x2000;
	v21 =	vld [tilespmem:s29+$0x113E0];
	s5 =	simm.s32 $0x600;
	v24 =	vmul.f32 $1.442695020e+00, v22;
	v12 =	vadd.f32 v12, v10;
	v15 =	vadd.f32 v15, v10;
	v22 =	vpop (erf)  }
.LBB2_25:
0x406: {  	p0 =	sne.s32 s30, $0x1F800;
	v25 =	vld [tilespmem:s5+$0x113F0];
	v17 =	vmul.f32 $1.442695020e+00, v17;
	(erf) = vpow2.f32 v23;
	v23 =	vpop (erf);
	v10 =	vadd.f32 v22, v10  }
0x407: {  	v22 =	vld [tilespmem:s5+$0x11380];
	v18 =	vmul.f32 $1.442695020e+00, v18;
	(erf) = vpow2.f32 v24;
	v9 =	vadd.f32 v23, v9;
	v23 =	vpop (erf)  }
0x408: {  	v24 =	vld [tilespmem:s5+$0x11390];
	v19 =	vmul.f32 $1.442695020e+00, v19;
	(erf) = vpow2.f32 v17;
	v11 =	vadd.f32 v23, v11;
	v23 =	vpop (erf)  }
.Ltmp11:
0x409: {  	v17 =	vld [tilespmem:s5+$0x113A0];
	v20 =	vmul.f32 $1.442695020e+00, v20;
	(erf) = vpow2.f32 v18;
	v14 =	vadd.f32 v23, v14;
	v23 =	vpop (erf);
	(pc) =	sbr.rel @p0 .LBB2_25-.Ltmp11, $4  }
0x40a: {  	v18 =	vld [tilespmem:s5+$0x113B0];
	v21 =	vmul.f32 $1.442695020e+00, v21;
	(erf) = vpow2.f32 v19;
	v16 =	vadd.f32 v23, v16;
	v23 =	vpop (erf)  }
0x40b: {  	v19 =	vld [tilespmem:s5+$0x113C0];
	v25 =	vmul.f32 $1.442695020e+00, v25;
	(erf) = vpow2.f32 v20;
	v13 =	vadd.f32 v23, v13;
	v26 =	vpop (erf)  }
0x40c: {  	v20 =	vld [tilespmem:s5+$0x113D0];
	v23 =	vmul.f32 $1.442695020e+00, v22;
	(erf) = vpow2.f32 v21;
	v12 =	vadd.f32 v26, v12;
	v22 =	vpop (erf)  }
0x40d: {  	v21 =	vld [tilespmem:s5+$0x113E0];
	s5 =	sshra.s32 s30, $0x2;
	s30 =	sadd.s32 $0x800, s30;
	v24 =	vmul.f32 $1.442695020e+00, v24;
	(erf) = vpow2.f32 v25;
	v15 =	vadd.f32 v22, v15;
	v22 =	vpop (erf)  }
0x40e: {  	v25 =	vld [tilespmem:s5+$0x113F0];
	v17 =	vmul.f32 $1.442695020e+00, v17;
	(erf) = vpow2.f32 v23;
	v60 =	vpop (erf)  }
0x40f: {  	v26 =	vld [tilespmem:s5+$0x11380];
	v18 =	vmul.f32 $1.442695020e+00, v18;
	(erf) = vpow2.f32 v24;
	v61 =	vpop (erf)  }
0x410: {  	v27 =	vld [tilespmem:s5+$0x11390];
	v19 =	vmul.f32 $1.442695020e+00, v19;
	(erf) = vpow2.f32 v17;
	v62 =	vpop (erf)  }
0x411: {  	v20 =	vmul.f32 $1.442695020e+00, v20;
	(erf) = vpow2.f32 v18;
	v63 =	vpop (erf)  }
0x412: {  	v28 =	vld [tilespmem:s5+$0x113A0];
	v21 =	vmul.f32 $1.442695020e+00, v21;
	(erf) = vpow2.f32 v19;
	v36 =	vpop (erf)  }
0x413: {  	v25 =	vmul.f32 $1.442695020e+00, v25;
	(erf) = vpow2.f32 v20;
	v37 =	vpop (erf)  }
0x414: {  	v29 =	vld [tilespmem:s5+$0x113B0];
	v26 =	vmul.f32 $1.442695020e+00, v26;
	(erf) = vpow2.f32 v21;
	v38 =	vpop (erf)  }
0x415: {  	v27 =	vmul.f32 $1.442695020e+00, v27;
	(erf) = vpow2.f32 v25;
	v39 =	vpop (erf)  }
0x416: {  	v30 =	vld [tilespmem:s5+$0x113C0];
	(erf) = vpow2.f32 v26;
	v40 =	vpop (erf)  }
0x417: {  	v28 =	vmul.f32 $1.442695020e+00, v28;
	(erf) = vpow2.f32 v27;
	v41 =	vpop (erf)  }
0x418: {  	v31 =	vld [tilespmem:s5+$0x113D0];
	v32 =	vpop (erf)  }
0x419: {  	v33 =	vld [tilespmem:s5+$0x113E0];
	v29 =	vmul.f32 $1.442695020e+00, v29;
	(erf) = vpow2.f32 v28;
	v42 =	vpop (erf)  }
0x41a: {  	v34 =	vpop (erf)  }
0x41b: {  	v30 =	vmul.f32 $1.442695020e+00, v30;
	(erf) = vpow2.f32 v29;
	v43 =	vpop (erf)  }
0x41c: {  	v11 =	vadd.f32 v61, v11;
	v44 =	vpop (erf)  }
0x41d: {  	v14 =	vadd.f32 v62, v14;
	v45 =	vmul.f32 $1.442695020e+00, v31;
	(erf) = vpow2.f32 v30;
	v46 =	vpop (erf)  }
0x41e: {  	v10 =	vadd.f32 v22, v10;
	v16 =	vadd.f32 v63, v16;
	v48 =	vmul.f32 $1.442695020e+00, v33;
	v47 =	vpop (erf)  }
0x41f: {  	v11 =	vadd.f32 v41, v11;
	v14 =	vadd.f32 v32, v14;
	(erf) = vpow2.f32 v45;
	v49 =	vpop (erf)  }
0x420: {  	v13 =	vadd.f32 v36, v13;
	v16 =	vadd.f32 v42, v16;
	v50 =	vpop (erf)  }
0x421: {  	(erf) = vpow2.f32 v48;
	v11 =	vadd.f32 v49, v11;
	v14 =	vadd.f32 v50, v14  }
0x422: {  	v12 =	vadd.f32 v37, v12;
	v13 =	vadd.f32 v34, v13;
	v51 =	vpop (erf)  }
0x423: {  	v16 =	vadd.f32 v51, v16;
	v11 =	vadd.f32 v14, v11  }
0x424: {  	v52 =	vadd.f32 v38, v15;
	v12 =	vadd.f32 v43, v12;
	v53 =	vpop (erf)  }
0x425: {  	v13 =	vadd.f32 v53, v13;
	v11 =	vadd.f32 v16, v11  }
0x426: {  	v10 =	vadd.f32 v39, v10;
	v14 =	vadd.f32 v44, v52;
	v54 =	vpop (erf)  }
0x427: {  	v12 =	vadd.f32 v54, v12;
	v11 =	vadd.f32 v13, v11  }
0x428: {  	v9 =	vadd.f32 v60, v9;
	v10 =	vadd.f32 v46, v10;
	v55 =	vpop (erf)  }
0x429: {  	v13 =	vadd.f32 v55, v14;
	v11 =	vadd.f32 v12, v11  }
0x42a: {  	v9 =	vadd.f32 v40, v9;
	v56 =	vpop (erf)  }
0x42b: {  	v10 =	vadd.f32 v56, v10;
	v11 =	vadd.f32 v13, v11;
	_ =	sdelay $0x1  }
0x42c: {  	v9 =	vadd.f32 v47, v9;
	v10 =	vadd.f32 v10, v11;
	_ =	sdelay $0x1  }
0x42d: {  	v9 =	vadd.f32 v9, v10  }
0x42e: {  	s2 =	sshll.u32 s22, $0x4  }
0x42f: {  	s2 =	sand.u32 $0x3FFFFFF0, s2;
	[tilespmem:s21+$0x19380] =	vst v9  }
0x430: {  	v9 =	vld [tilespmem:s2+$0x1000];
	_ =	sdelay $0x4  }
0x431: {  	(v2sf) =	vpush v9, $0x0;
	_ =	sdelay $0x1  }
0x432: {  	(v2sf) =	vpush v9, $0x1;
	_ =	sdelay $0x1  }
0x433: {  	(v2sf) =	vpush v9, $0x2;
	_ =	sdelay $0x1  }
0x434: {  	(v2sf) =	vpush v9, $0x3;
	_ =	sdelay $0x6  }
0x435: {  	s5 =	sand.u32 $0xF, s31  }
0x436: {  	v57 =	vmov s5  }
0x437: {  	s4 =	sand.u32 $0xF, s4;
	vm1 =	veq.s32 v57, v0;
	s2 =	spop (v2sf)  }
0x438: {  	s22 =	sand.u32 $0xF, s23;
	v58 =	vmov s4;
	v8 =	vnsel vm1, $0x0, v8;
	s21 =	sshll.u32 s2, $0x2  }
0x439: {  	vm1 =	veq.s32 v58, v0;
	v4 =	vadd.f32 v8, v4;
	s5 =	spop (v2sf);
	s29 =	sand.u32 $0x70, s2;
	s4 =	sand.u32 $0xFFFFFE00, s21  }
0x43a: {  	s3 =	sand.u32 $0xF, s3;
	v59 =	vmov s22;
	v7 =	vnsel vm1, $0x0, v7;
	s30 =	sshll.u32 s5, $0x2;
	s4 =	sor.u32 s29, s4  }
0x43b: {  	vm1 =	veq.s32 v59, v0;
	v4 =	vadd.f32 v4, v7;
	s23 =	spop (v2sf);
	s31 =	sand.u32 $0x70, s5;
	s21 =	sand.u32 $0xFFFFFE00, s30;
	v7 =	vld [tilespmem:s4+$0x11200]  }
0x43c: {  	v60 =	vmov s3;
	v6 =	vnsel vm1, $0x0, v6;
	s2 =	sand.u32 $0xF, s2;
	s29 =	sshll.u32 s23, $0x2;
	s22 =	sor.u32 s31, s21  }
0x43d: {  	vm1 =	veq.s32 v60, v0;
	v4 =	vadd.f32 v4, v6;
	s30 =	sand.u32 $0x70, s23;
	s4 =	sand.u32 $0xFFFFFE00, s29;
	s31 =	spop (v2sf);
	v6 =	vld [tilespmem:s22+$0x11280]  }
0x43e: {  	v5 =	vnsel vm1, $0x0, v5;
	v61 =	vmov s2;
	s3 =	sor.u32 s30, s4;
	s4 =	sshll.u32 s31, $0x2  }
0x43f: {  	v4 =	vadd.f32 v4, v5;
	vm1 =	veq.s32 v61, v0;
	s22 =	sand.u32 $0xF, s5;
	s29 =	sand.u32 $0x70, s31;
	v5 =	vld [tilespmem:s3+$0x11300];
	s3 =	sand.u32 $0xFFFFFE00, s4  }
0x440: {  	v62 =	vmov s22;
	s2 =	sor.u32 s29, s3;
	v7 =	vnsel vm1, $0x0, v7  }
0x441: {  	s6 =	sadd.s32 $0x1, s6;
	s30 =	sand.u32 $0xF, s23;
	vm1 =	veq.s32 v62, v0;
	v4 =	vadd.f32 v7, v4;
	v7 =	vld [tilespmem:s2+$0x11380]  }
0x442: {  	p0 =	sne.s32 s6, $0xA;
	v63 =	vmov s30;
	v6 =	vnsel vm1, $0x0, v6  }
.Ltmp12:
0x443: {  	s31 =	sand.u32 $0xF, s31;
	vm1 =	veq.s32 v63, v0;
	v4 =	vadd.f32 v4, v6;
	(pc) =	sbr.rel @p0 .LBB2_2-.Ltmp12, $4  }
0x444: {  	v5 =	vnsel vm1, $0x0, v5;
	v6 =	vmov s31  }
0x445: {  	vm1 =	veq.s32 v6, v0;
	v4 =	vadd.f32 v4, v5  }
0x446: {  	v5 =	vnsel vm1, $0x0, v7  }
0x447: {  	v4 =	vadd.f32 v4, v5  }
0x448: {  	s29 =	simm.s32 $0x5  }
0x449: {  	_ =	swait.ge [sflag:s29], $0x8000  }
0x44a: {  	[sflag:s29] =	ssyncset.done $0x0  }
0x44b: {  	[sflag:s29] =	ssyncadd.s32 $0xFFFF8000  }
0x44c: {  	v3 =	vld.msk [tilespmem:$0xF80], $0xf;
	_ =	sdelay $0x4  }
0x44d: {  	v5 =	vshll.u32 v3, $0x6  }
0x44e: {  	v3 =	vand.u32 $0x7, v3;
	v5 =	vand.u32 $0xFFFFFE00, v5  }
0x44f: {  	v3 =	vor.u32 v3, v5  }
0x450: {  	v3 =	vperm.xlane v3, v1;
	_ =	sdelay $0x1  }
0x451: {  	v3 =	vadd.s32 v2, v3;
	_ =	sdelay $0x3  }
0x452: {  	s2 =	simm.s32 $0x0;
	s4 =	simm.s32 $0x9200;
	s3 =	rddreg [dreg:$0x1]  }
0x453: {  	[tilespmem:s4], [sflag:$0x2] =	stream.indirect_vreg.gather [hbm4b:s3+s2], $0x80, v3, vm0, $0xb8;
	[tilespmem:$0x1D280] =	vst v63  }
0x454: {  	s6 =	simm.s32 $0x9A00  }
0x455: {  	[tilespmem:s6], [sflag:$0x2] =	stream.indirect_vreg.gather [hbm4b:s7+s2], $0x80, v3, vm0, $0xb8;
	[tilespmem:$0x1D280] =	vst v63  }
0x456: {  	s21 =	simm.s32 $0xA200  }
0x457: {  	[tilespmem:s21], [sflag:$0x2] =	stream.indirect_vreg.gather [hbm4b:s8+s2], $0x80, v3, vm0, $0xb8;
	[tilespmem:$0x1D280] =	vst v63  }
0x458: {  	s22 =	simm.s32 $0xAA00  }
0x459: {  	[tilespmem:s22], [sflag:$0x2] =	stream.indirect_vreg.gather [hbm4b:s9+s2], $0x80, v3, vm0, $0xb8;
	[tilespmem:$0x1D280] =	vst v63  }
0x45a: {  	s23 =	simm.s32 $0xB200  }
0x45b: {  	[tilespmem:s23], [sflag:$0x2] =	stream.indirect_vreg.gather [hbm4b:s10+s2], $0x80, v3, vm0, $0xb8;
	[tilespmem:$0x1D280] =	vst v63  }
0x45c: {  	s30 =	simm.s32 $0xBA00  }
0x45d: {  	[tilespmem:s30], [sflag:$0x2] =	stream.indirect_vreg.gather [hbm4b:s11+s2], $0x80, v3, vm0, $0xb8;
	[tilespmem:$0x1D280] =	vst v63  }
0x45e: {  	s31 =	simm.s32 $0xC200  }
0x45f: {  	[tilespmem:s31], [sflag:$0x2] =	stream.indirect_vreg.gather [hbm4b:s12+s2], $0x80, v3, vm0, $0xb8;
	[tilespmem:$0x1D280] =	vst v63  }
0x460: {  	s4 =	simm.s32 $0xCA00  }
0x461: {  	[tilespmem:s4], [sflag:$0x2] =	stream.indirect_vreg.gather [hbm4b:s13+s2], $0x80, v3, vm0, $0xb8;
	[tilespmem:$0x1D280] =	vst v63  }
0x462: {  	s5 =	simm.s32 $0xD200  }
0x463: {  	[tilespmem:s5], [sflag:$0x2] =	stream.indirect_vreg.gather [hbm4b:s14+s2], $0x80, v3, vm0, $0xb8;
	[tilespmem:$0x1D280] =	vst v63  }
0x464: {  	s6 =	simm.s32 $0xDA00  }
0x465: {  	[tilespmem:s6], [sflag:$0x2] =	stream.indirect_vreg.gather [hbm4b:s15+s2], $0x80, v3, vm0, $0xb8;
	[tilespmem:$0x1D280] =	vst v63  }
0x466: {  	s21 =	simm.s32 $0xE200  }
0x467: {  	[tilespmem:s21], [sflag:$0x2] =	stream.indirect_vreg.gather [hbm4b:s16+s2], $0x80, v3, vm0, $0xb8;
	[tilespmem:$0x1D280] =	vst v63  }
0x468: {  	s22 =	simm.s32 $0xEA00  }
0x469: {  	[tilespmem:s22], [sflag:$0x2] =	stream.indirect_vreg.gather [hbm4b:s18+s2], $0x80, v3, vm0, $0xb8;
	[tilespmem:$0x1D280] =	vst v63  }
0x46a: {  	s23 =	simm.s32 $0xF200  }
0x46b: {  	[tilespmem:s23], [sflag:$0x2] =	stream.indirect_vreg.gather [hbm4b:s19+s2], $0x80, v3, vm0, $0xb8;
	[tilespmem:$0x1D280] =	vst v63  }
0x46c: {  	s30 =	simm.s32 $0xFA00  }
0x46d: {  	[tilespmem:s30], [sflag:$0x2] =	stream.indirect_vreg.gather [hbm4b:s20+s2], $0x80, v3, vm0, $0xb8;
	[tilespmem:$0x1D280] =	vst v63  }
0x46e: {  	s31 =	simm.s32 $0x10200  }
0x46f: {  	[tilespmem:s31], [sflag:$0x2] =	stream.indirect_vreg.gather [hbm4b:s26+s2], $0x80, v3, vm0, $0xb8;
	[tilespmem:$0x1D280] =	vst v63  }
0x470: {  	s4 =	simm.s32 $0x10A00;
	s5 =	simm.s32 $0x1  }
0x471: {  	[tilespmem:s4], [sflag:$0x2] =	stream.indirect_vreg.gather [hbm4b:s28+s2], $0x80, v3, vm0, $0xb8;
	[tilespmem:$0x1D280] =	vst v63  }
0x472: {  	_ =	swait.ge [sflag:s5], $0x8000  }
0x473: {  	s21 =	simm.s32 $0x200;
	s22 =	simm.s32 $0x400;
	[sflag:s5] =	ssyncset.done $0x0  }
0x474: {  	s23 =	simm.s32 $0x0;
	s6 =	rddreg [dreg:$0x6];
	[sflag:s5] =	ssyncadd.s32 $0xFFFF8000  }
0x475: {  	[hbm4b:s6+s21] =	stream.strided.scatter [tilespmem:s25], [sflag:$0x4], $0x8000, s22, s21, $0x38;
	[tilespmem:$0x1D280] =	vst v63  }
0x476: {  	v3 =	vld [tilespmem:s23+$0x1270]  }
0x477: {  	v5 =	vld [tilespmem:s23+$0x1200]  }
0x478: {  	v6 =	vld [tilespmem:s23+$0x1210]  }
0x479: {  	v7 =	vld [tilespmem:s23+$0x1220]  }
0x47a: {  	v8 =	vld [tilespmem:s23+$0x1230]  }
0x47b: {  	v9 =	vld [tilespmem:s23+$0x1240]  }
0x47c: {  	v10 =	vld [tilespmem:s23+$0x1250];
	v3 =	vmul.f32 $1.442695020e+00, v3  }
0x47d: {  	s30 =	simm.s32 $0x200;
	v11 =	vld [tilespmem:s23+$0x1260];
	v5 =	vmul.f32 $1.442695020e+00, v5;
	v6 =	vmul.f32 $1.442695020e+00, v6  }
0x47e: {  	v7 =	vmul.f32 $1.442695020e+00, v7;
	(erf) = vpow2.f32 v3;
	v3 =	vld [tilespmem:s30+$0x1270]  }
0x47f: {  	v8 =	vmul.f32 $1.442695020e+00, v8;
	(erf) = vpow2.f32 v5;
	v5 =	vld [tilespmem:s30+$0x1200]  }
0x480: {  	v9 =	vmul.f32 $1.442695020e+00, v9;
	(erf) = vpow2.f32 v6;
	v6 =	vld [tilespmem:s30+$0x1210]  }
0x481: {  	v10 =	vmul.f32 $1.442695020e+00, v10;
	(erf) = vpow2.f32 v7;
	v7 =	vld [tilespmem:s30+$0x1220]  }
0x482: {  	v11 =	vmul.f32 $1.442695020e+00, v11;
	(erf) = vpow2.f32 v8  }
0x483: {  	v8 =	vld [tilespmem:s30+$0x1230];
	(erf) = vpow2.f32 v9;
	v3 =	vmul.f32 $1.442695020e+00, v3  }
0x484: {  	v9 =	vld [tilespmem:s30+$0x1240];
	(erf) = vpow2.f32 v10;
	v12 =	vmul.f32 $1.442695020e+00, v5  }
0x485: {  	v10 =	vld [tilespmem:s30+$0x1250];
	(erf) = vpow2.f32 v11;
	v6 =	vmul.f32 $1.442695020e+00, v6  }
0x486: {  	s31 =	simm.s32 $0x400;
	v11 =	vld [tilespmem:s30+$0x1260];
	(erf) = vpow2.f32 v3;
	v7 =	vmul.f32 $1.442695020e+00, v7  }
0x487: {  	v15 =	vld [tilespmem:s31+$0x1270];
	(erf) = vpow2.f32 v12  }
0x488: {  	v16 =	vld [tilespmem:s31+$0x1200];
	v3 =	vpop (erf);
	v8 =	vmul.f32 $1.442695020e+00, v8;
	(erf) = vpow2.f32 v6  }
0x489: {  	v14 =	vmul.f32 $1.442695020e+00, v9;
	v6 =	vpop (erf);
	(erf) = vpow2.f32 v7  }
0x48a: {  	v17 =	vld [tilespmem:s31+$0x1210];
	v5 =	vimm.f32 $0.0e+00;
	v10 =	vmul.f32 $1.442695020e+00, v10;
	v7 =	vpop (erf);
	(erf) = vpow2.f32 v8  }
0x48b: {  	v12 =	vld [tilespmem:s31+$0x1220];
	v19 =	vmul.f32 $1.442695020e+00, v11;
	v9 =	vadd.f32 v7, v5;
	v7 =	vpop (erf);
	(erf) = vpow2.f32 v14  }
0x48c: {  	v13 =	vld [tilespmem:s31+$0x1230];
	v20 =	vmul.f32 $1.442695020e+00, v15;
	v11 =	vadd.f32 v7, v5;
	v7 =	vpop (erf);
	(erf) = vpow2.f32 v10  }
0x48d: {  	v18 =	vmul.f32 $1.442695020e+00, v16;
	v14 =	vld [tilespmem:s31+$0x1240];
	v8 =	vadd.f32 v7, v5;
	v7 =	vpop (erf);
	(erf) = vpow2.f32 v19  }
0x48e: {  	v15 =	vld [tilespmem:s31+$0x1250];
	v3 =	vadd.f32 v3, v5;
	v6 =	vadd.f32 v6, v5;
	v10 =	vpop (erf);
	(erf) = vpow2.f32 v20  }
0x48f: {  	s3 =	simm.s32 $0x600;
	s4 =	simm.s32 $0x2000;
	v16 =	vld [tilespmem:s31+$0x1260];
	v19 =	vmul.f32 $1.442695020e+00, v17;
	v7 =	vadd.f32 v7, v5;
	v10 =	vadd.f32 v10, v5;
	v17 =	vpop (erf)  }
.LBB2_28:
0x490: {  	p0 =	sne.s32 s4, $0x1F800;
	v20 =	vld [tilespmem:s3+$0x1270];
	v12 =	vmul.f32 $1.442695020e+00, v12;
	(erf) = vpow2.f32 v18;
	v18 =	vpop (erf);
	v5 =	vadd.f32 v17, v5  }
0x491: {  	v17 =	vld [tilespmem:s3+$0x1200];
	v13 =	vmul.f32 $1.442695020e+00, v13;
	(erf) = vpow2.f32 v19;
	v3 =	vadd.f32 v18, v3;
	v18 =	vpop (erf)  }
0x492: {  	v19 =	vld [tilespmem:s3+$0x1210];
	v14 =	vmul.f32 $1.442695020e+00, v14;
	(erf) = vpow2.f32 v12;
	v6 =	vadd.f32 v18, v6;
	v18 =	vpop (erf)  }
.Ltmp13:
0x493: {  	v12 =	vld [tilespmem:s3+$0x1220];
	v15 =	vmul.f32 $1.442695020e+00, v15;
	(erf) = vpow2.f32 v13;
	v9 =	vadd.f32 v18, v9;
	v18 =	vpop (erf);
	(pc) =	sbr.rel @p0 .LBB2_28-.Ltmp13, $4  }
0x494: {  	v13 =	vld [tilespmem:s3+$0x1230];
	v16 =	vmul.f32 $1.442695020e+00, v16;
	(erf) = vpow2.f32 v14;
	v11 =	vadd.f32 v18, v11;
	v18 =	vpop (erf)  }
0x495: {  	v14 =	vld [tilespmem:s3+$0x1240];
	v20 =	vmul.f32 $1.442695020e+00, v20;
	(erf) = vpow2.f32 v15;
	v8 =	vadd.f32 v18, v8;
	v21 =	vpop (erf)  }
0x496: {  	v15 =	vld [tilespmem:s3+$0x1250];
	v18 =	vmul.f32 $1.442695020e+00, v17;
	(erf) = vpow2.f32 v16;
	v7 =	vadd.f32 v21, v7;
	v17 =	vpop (erf)  }
0x497: {  	v16 =	vld [tilespmem:s3+$0x1260];
	s3 =	sshra.s32 s4, $0x2;
	s4 =	sadd.s32 $0x800, s4;
	v19 =	vmul.f32 $1.442695020e+00, v19;
	(erf) = vpow2.f32 v20;
	v10 =	vadd.f32 v17, v10;
	v17 =	vpop (erf)  }
0x498: {  	v20 =	vld [tilespmem:s3+$0x1270];
	v12 =	vmul.f32 $1.442695020e+00, v12  }
0x499: {  	v13 =	vmul.f32 $1.442695020e+00, v13  }
0x49a: {  	(erf) = vpow2.f32 v18;
	v18 =	vpop (erf);
	v14 =	vmul.f32 $1.442695020e+00, v14  }
0x49b: {  	v21 =	vld [tilespmem:s3+$0x1200];
	(erf) = vpow2.f32 v19;
	v19 =	vpop (erf);
	v15 =	vmul.f32 $1.442695020e+00, v15  }
0x49c: {  	v22 =	vld [tilespmem:s3+$0x1210];
	(erf) = vpow2.f32 v12;
	v12 =	vpop (erf);
	v16 =	vmul.f32 $1.442695020e+00, v16  }
0x49d: {  	v23 =	vld [tilespmem:s3+$0x1220];
	(erf) = vpow2.f32 v13;
	v13 =	vpop (erf);
	v20 =	vmul.f32 $1.442695020e+00, v20  }
0x49e: {  	(erf) = vpow2.f32 v14;
	v14 =	vpop (erf)  }
0x49f: {  	v24 =	vld [tilespmem:s3+$0x1230];
	(erf) = vpow2.f32 v15;
	v15 =	vpop (erf)  }
0x4a0: {  	v21 =	vmul.f32 $1.442695020e+00, v21;
	(erf) = vpow2.f32 v16;
	v16 =	vpop (erf)  }
0x4a1: {  	v25 =	vld [tilespmem:s3+$0x1240];
	v22 =	vmul.f32 $1.442695020e+00, v22;
	(erf) = vpow2.f32 v20;
	v20 =	vpop (erf)  }
0x4a2: {  	v26 =	vld [tilespmem:s3+$0x1250];
	v23 =	vmul.f32 $1.442695020e+00, v23;
	(erf) = vpow2.f32 v21;
	v59 =	vpop (erf)  }
0x4a3: {  	(erf) = vpow2.f32 v22;
	v60 =	vpop (erf)  }
0x4a4: {  	v24 =	vmul.f32 $1.442695020e+00, v24;
	v27 =	vpop (erf);
	(erf) = vpow2.f32 v23  }
0x4a5: {  	v28 =	vld [tilespmem:s3+$0x1260];
	v61 =	vpop (erf)  }
0x4a6: {  	v25 =	vmul.f32 $1.442695020e+00, v25;
	v29 =	vpop (erf);
	(erf) = vpow2.f32 v24  }
0x4a7: {  	v9 =	vadd.f32 v12, v9;
	v12 =	vmul.f32 $1.442695020e+00, v26;
	v62 =	vpop (erf)  }
0x4a8: {  	v5 =	vadd.f32 v17, v5;
	v17 =	vpop (erf);
	(erf) = vpow2.f32 v25  }
0x4a9: {  	v6 =	vadd.f32 v19, v6;
	v19 =	vpop (erf)  }
0x4aa: {  	v63 =	vmul.f32 $1.442695020e+00, v28;
	v11 =	vadd.f32 v13, v11;
	v8 =	vadd.f32 v14, v8;
	v13 =	vpop (erf)  }
0x4ab: {  	v6 =	vadd.f32 v60, v6;
	v9 =	vadd.f32 v27, v9;
	(erf) = vpow2.f32 v12;
	v12 =	vpop (erf)  }
0x4ac: {  	v7 =	vadd.f32 v15, v7;
	v11 =	vadd.f32 v61, v11;
	v14 =	vpop (erf)  }
0x4ad: {  	(erf) = vpow2.f32 v63;
	v6 =	vadd.f32 v12, v6;
	v9 =	vadd.f32 v14, v9;
	v12 =	vpop (erf)  }
0x4ae: {  	v8 =	vadd.f32 v29, v8;
	v11 =	vadd.f32 v12, v11  }
0x4af: {  	v6 =	vadd.f32 v9, v6;
	v9 =	vadd.f32 v16, v10;
	v10 =	vpop (erf)  }
0x4b0: {  	v7 =	vadd.f32 v62, v7;
	v8 =	vadd.f32 v10, v8  }
0x4b1: {  	v6 =	vadd.f32 v11, v6;
	v10 =	vpop (erf)  }
0x4b2: {  	v5 =	vadd.f32 v20, v5;
	v7 =	vadd.f32 v10, v7  }
0x4b3: {  	v9 =	vadd.f32 v17, v9;
	v6 =	vadd.f32 v8, v6  }
0x4b4: {  	v3 =	vadd.f32 v18, v3;
	v5 =	vadd.f32 v19, v5;
	v8 =	vpop (erf)  }
0x4b5: {  	v8 =	vadd.f32 v8, v9;
	v6 =	vadd.f32 v7, v6  }
0x4b6: {  	v3 =	vadd.f32 v59, v3;
	v7 =	vpop (erf)  }
0x4b7: {  	v5 =	vadd.f32 v7, v5;
	v6 =	vadd.f32 v8, v6;
	_ =	sdelay $0x1  }
0x4b8: {  	v3 =	vadd.f32 v13, v3;
	v5 =	vadd.f32 v5, v6;
	_ =	sdelay $0x1  }
0x4b9: {  	v3 =	vadd.f32 v3, v5;
	_ =	sdelay $0x1  }
0x4ba: {  	s2 =	simm.s32 $0x0;
	[tilespmem:$0x1CE00] =	vst v3  }
0x4bb: {  	v3 =	vld [tilespmem:s2+$0x12F0]  }
0x4bc: {  	v5 =	vld [tilespmem:s2+$0x1280]  }
0x4bd: {  	v6 =	vld [tilespmem:s2+$0x1290]  }
0x4be: {  	v7 =	vld [tilespmem:s2+$0x12A0]  }
0x4bf: {  	v8 =	vld [tilespmem:s2+$0x12B0]  }
0x4c0: {  	v9 =	vld [tilespmem:s2+$0x12C0]  }
0x4c1: {  	v10 =	vld [tilespmem:s2+$0x12D0];
	v3 =	vmul.f32 $1.442695020e+00, v3  }
0x4c2: {  	s30 =	simm.s32 $0x200;
	v11 =	vld [tilespmem:s2+$0x12E0];
	v5 =	vmul.f32 $1.442695020e+00, v5;
	v6 =	vmul.f32 $1.442695020e+00, v6  }
0x4c3: {  	v7 =	vmul.f32 $1.442695020e+00, v7;
	(erf) = vpow2.f32 v3;
	v3 =	vld [tilespmem:s30+$0x12F0]  }
0x4c4: {  	v8 =	vmul.f32 $1.442695020e+00, v8;
	(erf) = vpow2.f32 v5;
	v5 =	vld [tilespmem:s30+$0x1280]  }
0x4c5: {  	v9 =	vmul.f32 $1.442695020e+00, v9;
	(erf) = vpow2.f32 v6;
	v6 =	vld [tilespmem:s30+$0x1290]  }
0x4c6: {  	v10 =	vmul.f32 $1.442695020e+00, v10;
	(erf) = vpow2.f32 v7;
	v7 =	vld [tilespmem:s30+$0x12A0]  }
0x4c7: {  	v11 =	vmul.f32 $1.442695020e+00, v11;
	(erf) = vpow2.f32 v8  }
0x4c8: {  	v8 =	vld [tilespmem:s30+$0x12B0];
	(erf) = vpow2.f32 v9;
	v3 =	vmul.f32 $1.442695020e+00, v3  }
0x4c9: {  	v9 =	vld [tilespmem:s30+$0x12C0];
	(erf) = vpow2.f32 v10;
	v12 =	vmul.f32 $1.442695020e+00, v5  }
0x4ca: {  	v10 =	vld [tilespmem:s30+$0x12D0];
	(erf) = vpow2.f32 v11;
	v6 =	vmul.f32 $1.442695020e+00, v6  }
0x4cb: {  	s31 =	simm.s32 $0x400;
	v11 =	vld [tilespmem:s30+$0x12E0];
	(erf) = vpow2.f32 v3;
	v7 =	vmul.f32 $1.442695020e+00, v7  }
0x4cc: {  	v15 =	vld [tilespmem:s31+$0x12F0];
	(erf) = vpow2.f32 v12  }
0x4cd: {  	v16 =	vld [tilespmem:s31+$0x1280];
	v3 =	vpop (erf);
	v8 =	vmul.f32 $1.442695020e+00, v8;
	(erf) = vpow2.f32 v6  }
0x4ce: {  	v14 =	vmul.f32 $1.442695020e+00, v9;
	v6 =	vpop (erf);
	(erf) = vpow2.f32 v7  }
0x4cf: {  	v17 =	vld [tilespmem:s31+$0x1290];
	v5 =	vimm.f32 $0.0e+00;
	v10 =	vmul.f32 $1.442695020e+00, v10;
	v7 =	vpop (erf);
	(erf) = vpow2.f32 v8  }
0x4d0: {  	v12 =	vld [tilespmem:s31+$0x12A0];
	v19 =	vmul.f32 $1.442695020e+00, v11;
	v9 =	vadd.f32 v7, v5;
	v7 =	vpop (erf);
	(erf) = vpow2.f32 v14  }
0x4d1: {  	v13 =	vld [tilespmem:s31+$0x12B0];
	v20 =	vmul.f32 $1.442695020e+00, v15;
	v11 =	vadd.f32 v7, v5;
	v7 =	vpop (erf);
	(erf) = vpow2.f32 v10  }
0x4d2: {  	v18 =	vmul.f32 $1.442695020e+00, v16;
	v14 =	vld [tilespmem:s31+$0x12C0];
	v8 =	vadd.f32 v7, v5;
	v7 =	vpop (erf);
	(erf) = vpow2.f32 v19  }
0x4d3: {  	v15 =	vld [tilespmem:s31+$0x12D0];
	v3 =	vadd.f32 v3, v5;
	v6 =	vadd.f32 v6, v5;
	v10 =	vpop (erf);
	(erf) = vpow2.f32 v20  }
0x4d4: {  	s3 =	simm.s32 $0x600;
	s4 =	simm.s32 $0x2000;
	v16 =	vld [tilespmem:s31+$0x12E0];
	v19 =	vmul.f32 $1.442695020e+00, v17;
	v7 =	vadd.f32 v7, v5;
	v10 =	vadd.f32 v10, v5;
	v17 =	vpop (erf)  }
.LBB2_30:
0x4d5: {  	p0 =	sne.s32 s4, $0x1F800;
	v20 =	vld [tilespmem:s3+$0x12F0];
	v12 =	vmul.f32 $1.442695020e+00, v12;
	(erf) = vpow2.f32 v18;
	v18 =	vpop (erf);
	v5 =	vadd.f32 v17, v5  }
0x4d6: {  	v17 =	vld [tilespmem:s3+$0x1280];
	v13 =	vmul.f32 $1.442695020e+00, v13;
	(erf) = vpow2.f32 v19;
	v3 =	vadd.f32 v18, v3;
	v18 =	vpop (erf)  }
0x4d7: {  	v19 =	vld [tilespmem:s3+$0x1290];
	v14 =	vmul.f32 $1.442695020e+00, v14;
	(erf) = vpow2.f32 v12;
	v6 =	vadd.f32 v18, v6;
	v18 =	vpop (erf)  }
.Ltmp14:
0x4d8: {  	v12 =	vld [tilespmem:s3+$0x12A0];
	v15 =	vmul.f32 $1.442695020e+00, v15;
	(erf) = vpow2.f32 v13;
	v9 =	vadd.f32 v18, v9;
	v18 =	vpop (erf);
	(pc) =	sbr.rel @p0 .LBB2_30-.Ltmp14, $4  }
0x4d9: {  	v13 =	vld [tilespmem:s3+$0x12B0];
	v16 =	vmul.f32 $1.442695020e+00, v16;
	(erf) = vpow2.f32 v14;
	v11 =	vadd.f32 v18, v11;
	v18 =	vpop (erf)  }
0x4da: {  	v14 =	vld [tilespmem:s3+$0x12C0];
	v20 =	vmul.f32 $1.442695020e+00, v20;
	(erf) = vpow2.f32 v15;
	v8 =	vadd.f32 v18, v8;
	v21 =	vpop (erf)  }
0x4db: {  	v15 =	vld [tilespmem:s3+$0x12D0];
	v18 =	vmul.f32 $1.442695020e+00, v17;
	(erf) = vpow2.f32 v16;
	v7 =	vadd.f32 v21, v7;
	v17 =	vpop (erf)  }
0x4dc: {  	v16 =	vld [tilespmem:s3+$0x12E0];
	s3 =	sshra.s32 s4, $0x2;
	s4 =	sadd.s32 $0x800, s4;
	v19 =	vmul.f32 $1.442695020e+00, v19;
	(erf) = vpow2.f32 v20;
	v10 =	vadd.f32 v17, v10;
	v17 =	vpop (erf)  }
0x4dd: {  	v20 =	vld [tilespmem:s3+$0x12F0];
	v12 =	vmul.f32 $1.442695020e+00, v12  }
0x4de: {  	v13 =	vmul.f32 $1.442695020e+00, v13  }
0x4df: {  	(erf) = vpow2.f32 v18;
	v18 =	vpop (erf);
	v14 =	vmul.f32 $1.442695020e+00, v14  }
0x4e0: {  	v21 =	vld [tilespmem:s3+$0x1280];
	(erf) = vpow2.f32 v19;
	v19 =	vpop (erf);
	v15 =	vmul.f32 $1.442695020e+00, v15  }
0x4e1: {  	v22 =	vld [tilespmem:s3+$0x1290];
	(erf) = vpow2.f32 v12;
	v12 =	vpop (erf);
	v16 =	vmul.f32 $1.442695020e+00, v16  }
0x4e2: {  	v23 =	vld [tilespmem:s3+$0x12A0];
	(erf) = vpow2.f32 v13;
	v13 =	vpop (erf);
	v20 =	vmul.f32 $1.442695020e+00, v20  }
0x4e3: {  	(erf) = vpow2.f32 v14;
	v14 =	vpop (erf)  }
0x4e4: {  	v24 =	vld [tilespmem:s3+$0x12B0];
	(erf) = vpow2.f32 v15;
	v15 =	vpop (erf)  }
0x4e5: {  	v21 =	vmul.f32 $1.442695020e+00, v21;
	(erf) = vpow2.f32 v16;
	v16 =	vpop (erf)  }
0x4e6: {  	v25 =	vld [tilespmem:s3+$0x12C0];
	v22 =	vmul.f32 $1.442695020e+00, v22;
	(erf) = vpow2.f32 v20;
	v20 =	vpop (erf)  }
0x4e7: {  	v26 =	vld [tilespmem:s3+$0x12D0];
	v23 =	vmul.f32 $1.442695020e+00, v23;
	(erf) = vpow2.f32 v21;
	v59 =	vpop (erf)  }
0x4e8: {  	(erf) = vpow2.f32 v22;
	v60 =	vpop (erf)  }
0x4e9: {  	v24 =	vmul.f32 $1.442695020e+00, v24;
	v27 =	vpop (erf);
	(erf) = vpow2.f32 v23  }
0x4ea: {  	v28 =	vld [tilespmem:s3+$0x12E0];
	v61 =	vpop (erf)  }
0x4eb: {  	v25 =	vmul.f32 $1.442695020e+00, v25;
	v29 =	vpop (erf);
	(erf) = vpow2.f32 v24  }
0x4ec: {  	v9 =	vadd.f32 v12, v9;
	v12 =	vmul.f32 $1.442695020e+00, v26;
	v62 =	vpop (erf)  }
0x4ed: {  	v5 =	vadd.f32 v17, v5;
	v17 =	vpop (erf);
	(erf) = vpow2.f32 v25  }
0x4ee: {  	v6 =	vadd.f32 v19, v6;
	v19 =	vpop (erf)  }
0x4ef: {  	v63 =	vmul.f32 $1.442695020e+00, v28;
	v11 =	vadd.f32 v13, v11;
	v8 =	vadd.f32 v14, v8;
	v13 =	vpop (erf)  }
0x4f0: {  	v6 =	vadd.f32 v60, v6;
	v9 =	vadd.f32 v27, v9;
	(erf) = vpow2.f32 v12;
	v12 =	vpop (erf)  }
0x4f1: {  	v7 =	vadd.f32 v15, v7;
	v11 =	vadd.f32 v61, v11;
	v14 =	vpop (erf)  }
0x4f2: {  	(erf) = vpow2.f32 v63;
	v6 =	vadd.f32 v12, v6;
	v9 =	vadd.f32 v14, v9;
	v12 =	vpop (erf)  }
0x4f3: {  	v8 =	vadd.f32 v29, v8;
	v11 =	vadd.f32 v12, v11  }
0x4f4: {  	v6 =	vadd.f32 v9, v6;
	v9 =	vadd.f32 v16, v10;
	v10 =	vpop (erf)  }
0x4f5: {  	v7 =	vadd.f32 v62, v7;
	v8 =	vadd.f32 v10, v8  }
0x4f6: {  	v6 =	vadd.f32 v11, v6;
	v10 =	vpop (erf)  }
0x4f7: {  	v5 =	vadd.f32 v20, v5;
	v7 =	vadd.f32 v10, v7  }
0x4f8: {  	v9 =	vadd.f32 v17, v9;
	v6 =	vadd.f32 v8, v6  }
0x4f9: {  	v3 =	vadd.f32 v18, v3;
	v5 =	vadd.f32 v19, v5;
	v8 =	vpop (erf)  }
0x4fa: {  	v8 =	vadd.f32 v8, v9;
	v6 =	vadd.f32 v7, v6  }
0x4fb: {  	v3 =	vadd.f32 v59, v3;
	v7 =	vpop (erf)  }
0x4fc: {  	v5 =	vadd.f32 v7, v5;
	v6 =	vadd.f32 v8, v6;
	_ =	sdelay $0x1  }
0x4fd: {  	v3 =	vadd.f32 v13, v3;
	v5 =	vadd.f32 v5, v6;
	_ =	sdelay $0x1  }
0x4fe: {  	v3 =	vadd.f32 v3, v5;
	_ =	sdelay $0x1  }
0x4ff: {  	s2 =	simm.s32 $0x0;
	[tilespmem:$0x1CE80] =	vst v3  }
0x500: {  	v3 =	vld [tilespmem:s2+$0x1370]  }
0x501: {  	v5 =	vld [tilespmem:s2+$0x1300]  }
0x502: {  	v6 =	vld [tilespmem:s2+$0x1310]  }
0x503: {  	v7 =	vld [tilespmem:s2+$0x1320]  }
0x504: {  	v8 =	vld [tilespmem:s2+$0x1330]  }
0x505: {  	v9 =	vld [tilespmem:s2+$0x1340]  }
0x506: {  	v10 =	vld [tilespmem:s2+$0x1350];
	v3 =	vmul.f32 $1.442695020e+00, v3  }
0x507: {  	s30 =	simm.s32 $0x200;
	v11 =	vld [tilespmem:s2+$0x1360];
	v5 =	vmul.f32 $1.442695020e+00, v5;
	v6 =	vmul.f32 $1.442695020e+00, v6  }
0x508: {  	v7 =	vmul.f32 $1.442695020e+00, v7;
	(erf) = vpow2.f32 v3;
	v3 =	vld [tilespmem:s30+$0x1370]  }
0x509: {  	v8 =	vmul.f32 $1.442695020e+00, v8;
	(erf) = vpow2.f32 v5;
	v5 =	vld [tilespmem:s30+$0x1300]  }
0x50a: {  	v9 =	vmul.f32 $1.442695020e+00, v9;
	(erf) = vpow2.f32 v6;
	v6 =	vld [tilespmem:s30+$0x1310]  }
0x50b: {  	v10 =	vmul.f32 $1.442695020e+00, v10;
	(erf) = vpow2.f32 v7;
	v7 =	vld [tilespmem:s30+$0x1320]  }
0x50c: {  	v11 =	vmul.f32 $1.442695020e+00, v11;
	(erf) = vpow2.f32 v8  }
0x50d: {  	v8 =	vld [tilespmem:s30+$0x1330];
	(erf) = vpow2.f32 v9;
	v3 =	vmul.f32 $1.442695020e+00, v3  }
0x50e: {  	v9 =	vld [tilespmem:s30+$0x1340];
	(erf) = vpow2.f32 v10;
	v12 =	vmul.f32 $1.442695020e+00, v5  }
0x50f: {  	v10 =	vld [tilespmem:s30+$0x1350];
	(erf) = vpow2.f32 v11;
	v6 =	vmul.f32 $1.442695020e+00, v6  }
0x510: {  	s31 =	simm.s32 $0x400;
	v11 =	vld [tilespmem:s30+$0x1360];
	(erf) = vpow2.f32 v3;
	v7 =	vmul.f32 $1.442695020e+00, v7  }
0x511: {  	v15 =	vld [tilespmem:s31+$0x1370];
	(erf) = vpow2.f32 v12  }
0x512: {  	v16 =	vld [tilespmem:s31+$0x1300];
	v3 =	vpop (erf);
	v8 =	vmul.f32 $1.442695020e+00, v8;
	(erf) = vpow2.f32 v6  }
0x513: {  	v14 =	vmul.f32 $1.442695020e+00, v9;
	v6 =	vpop (erf);
	(erf) = vpow2.f32 v7  }
0x514: {  	v17 =	vld [tilespmem:s31+$0x1310];
	v5 =	vimm.f32 $0.0e+00;
	v10 =	vmul.f32 $1.442695020e+00, v10;
	v7 =	vpop (erf);
	(erf) = vpow2.f32 v8  }
0x515: {  	v12 =	vld [tilespmem:s31+$0x1320];
	v19 =	vmul.f32 $1.442695020e+00, v11;
	v9 =	vadd.f32 v7, v5;
	v7 =	vpop (erf);
	(erf) = vpow2.f32 v14  }
0x516: {  	v13 =	vld [tilespmem:s31+$0x1330];
	v20 =	vmul.f32 $1.442695020e+00, v15;
	v11 =	vadd.f32 v7, v5;
	v7 =	vpop (erf);
	(erf) = vpow2.f32 v10  }
0x517: {  	v18 =	vmul.f32 $1.442695020e+00, v16;
	v14 =	vld [tilespmem:s31+$0x1340];
	v8 =	vadd.f32 v7, v5;
	v7 =	vpop (erf);
	(erf) = vpow2.f32 v19  }
0x518: {  	v15 =	vld [tilespmem:s31+$0x1350];
	v3 =	vadd.f32 v3, v5;
	v6 =	vadd.f32 v6, v5;
	v10 =	vpop (erf);
	(erf) = vpow2.f32 v20  }
0x519: {  	s3 =	simm.s32 $0x600;
	s4 =	simm.s32 $0x2000;
	v16 =	vld [tilespmem:s31+$0x1360];
	v19 =	vmul.f32 $1.442695020e+00, v17;
	v7 =	vadd.f32 v7, v5;
	v10 =	vadd.f32 v10, v5;
	v17 =	vpop (erf)  }
.LBB2_32:
0x51a: {  	p0 =	sne.s32 s4, $0x1F800;
	v20 =	vld [tilespmem:s3+$0x1370];
	v12 =	vmul.f32 $1.442695020e+00, v12;
	(erf) = vpow2.f32 v18;
	v18 =	vpop (erf);
	v5 =	vadd.f32 v17, v5  }
0x51b: {  	v17 =	vld [tilespmem:s3+$0x1300];
	v13 =	vmul.f32 $1.442695020e+00, v13;
	(erf) = vpow2.f32 v19;
	v3 =	vadd.f32 v18, v3;
	v18 =	vpop (erf)  }
0x51c: {  	v19 =	vld [tilespmem:s3+$0x1310];
	v14 =	vmul.f32 $1.442695020e+00, v14;
	(erf) = vpow2.f32 v12;
	v6 =	vadd.f32 v18, v6;
	v18 =	vpop (erf)  }
.Ltmp15:
0x51d: {  	v12 =	vld [tilespmem:s3+$0x1320];
	v15 =	vmul.f32 $1.442695020e+00, v15;
	(erf) = vpow2.f32 v13;
	v9 =	vadd.f32 v18, v9;
	v18 =	vpop (erf);
	(pc) =	sbr.rel @p0 .LBB2_32-.Ltmp15, $4  }
0x51e: {  	v13 =	vld [tilespmem:s3+$0x1330];
	v16 =	vmul.f32 $1.442695020e+00, v16;
	(erf) = vpow2.f32 v14;
	v11 =	vadd.f32 v18, v11;
	v18 =	vpop (erf)  }
0x51f: {  	v14 =	vld [tilespmem:s3+$0x1340];
	v20 =	vmul.f32 $1.442695020e+00, v20;
	(erf) = vpow2.f32 v15;
	v8 =	vadd.f32 v18, v8;
	v21 =	vpop (erf)  }
0x520: {  	v15 =	vld [tilespmem:s3+$0x1350];
	v18 =	vmul.f32 $1.442695020e+00, v17;
	(erf) = vpow2.f32 v16;
	v7 =	vadd.f32 v21, v7;
	v17 =	vpop (erf)  }
0x521: {  	v16 =	vld [tilespmem:s3+$0x1360];
	s3 =	sshra.s32 s4, $0x2;
	s4 =	sadd.s32 $0x800, s4;
	v19 =	vmul.f32 $1.442695020e+00, v19;
	(erf) = vpow2.f32 v20;
	v10 =	vadd.f32 v17, v10;
	v17 =	vpop (erf)  }
0x522: {  	v20 =	vld [tilespmem:s3+$0x1370];
	v12 =	vmul.f32 $1.442695020e+00, v12  }
0x523: {  	v13 =	vmul.f32 $1.442695020e+00, v13  }
0x524: {  	(erf) = vpow2.f32 v18;
	v18 =	vpop (erf);
	v14 =	vmul.f32 $1.442695020e+00, v14  }
0x525: {  	v21 =	vld [tilespmem:s3+$0x1300];
	(erf) = vpow2.f32 v19;
	v19 =	vpop (erf);
	v15 =	vmul.f32 $1.442695020e+00, v15  }
0x526: {  	v22 =	vld [tilespmem:s3+$0x1310];
	(erf) = vpow2.f32 v12;
	v12 =	vpop (erf);
	v16 =	vmul.f32 $1.442695020e+00, v16  }
0x527: {  	v23 =	vld [tilespmem:s3+$0x1320];
	(erf) = vpow2.f32 v13;
	v13 =	vpop (erf);
	v20 =	vmul.f32 $1.442695020e+00, v20  }
0x528: {  	(erf) = vpow2.f32 v14;
	v14 =	vpop (erf)  }
0x529: {  	v24 =	vld [tilespmem:s3+$0x1330];
	(erf) = vpow2.f32 v15;
	v15 =	vpop (erf)  }
0x52a: {  	v21 =	vmul.f32 $1.442695020e+00, v21;
	(erf) = vpow2.f32 v16;
	v16 =	vpop (erf)  }
0x52b: {  	v25 =	vld [tilespmem:s3+$0x1340];
	v22 =	vmul.f32 $1.442695020e+00, v22;
	(erf) = vpow2.f32 v20;
	v20 =	vpop (erf)  }
0x52c: {  	v26 =	vld [tilespmem:s3+$0x1350];
	v23 =	vmul.f32 $1.442695020e+00, v23;
	(erf) = vpow2.f32 v21;
	v59 =	vpop (erf)  }
0x52d: {  	(erf) = vpow2.f32 v22;
	v60 =	vpop (erf)  }
0x52e: {  	v24 =	vmul.f32 $1.442695020e+00, v24;
	v27 =	vpop (erf);
	(erf) = vpow2.f32 v23  }
0x52f: {  	v28 =	vld [tilespmem:s3+$0x1360];
	v61 =	vpop (erf)  }
0x530: {  	v25 =	vmul.f32 $1.442695020e+00, v25;
	v29 =	vpop (erf);
	(erf) = vpow2.f32 v24  }
0x531: {  	v9 =	vadd.f32 v12, v9;
	v12 =	vmul.f32 $1.442695020e+00, v26;
	v62 =	vpop (erf)  }
0x532: {  	v5 =	vadd.f32 v17, v5;
	v17 =	vpop (erf);
	(erf) = vpow2.f32 v25  }
0x533: {  	v6 =	vadd.f32 v19, v6;
	v19 =	vpop (erf)  }
0x534: {  	v63 =	vmul.f32 $1.442695020e+00, v28;
	v11 =	vadd.f32 v13, v11;
	v8 =	vadd.f32 v14, v8;
	v13 =	vpop (erf)  }
0x535: {  	v6 =	vadd.f32 v60, v6;
	v9 =	vadd.f32 v27, v9;
	(erf) = vpow2.f32 v12;
	v12 =	vpop (erf)  }
0x536: {  	v7 =	vadd.f32 v15, v7;
	v11 =	vadd.f32 v61, v11;
	v14 =	vpop (erf)  }
0x537: {  	(erf) = vpow2.f32 v63;
	v6 =	vadd.f32 v12, v6;
	v9 =	vadd.f32 v14, v9;
	v12 =	vpop (erf)  }
0x538: {  	v8 =	vadd.f32 v29, v8;
	v11 =	vadd.f32 v12, v11  }
0x539: {  	v6 =	vadd.f32 v9, v6;
	v9 =	vadd.f32 v16, v10;
	v10 =	vpop (erf)  }
0x53a: {  	v7 =	vadd.f32 v62, v7;
	v8 =	vadd.f32 v10, v8  }
0x53b: {  	v6 =	vadd.f32 v11, v6;
	v10 =	vpop (erf)  }
0x53c: {  	v5 =	vadd.f32 v20, v5;
	v7 =	vadd.f32 v10, v7  }
0x53d: {  	v9 =	vadd.f32 v17, v9;
	v6 =	vadd.f32 v8, v6  }
0x53e: {  	v3 =	vadd.f32 v18, v3;
	v5 =	vadd.f32 v19, v5;
	v8 =	vpop (erf)  }
0x53f: {  	v8 =	vadd.f32 v8, v9;
	v6 =	vadd.f32 v7, v6  }
0x540: {  	v3 =	vadd.f32 v59, v3;
	v7 =	vpop (erf)  }
0x541: {  	v5 =	vadd.f32 v7, v5;
	v6 =	vadd.f32 v8, v6;
	_ =	sdelay $0x1  }
0x542: {  	v3 =	vadd.f32 v13, v3;
	v5 =	vadd.f32 v5, v6;
	_ =	sdelay $0x1  }
0x543: {  	v3 =	vadd.f32 v3, v5;
	_ =	sdelay $0x1  }
0x544: {  	s2 =	simm.s32 $0x0;
	[tilespmem:$0x1CF00] =	vst v3  }
0x545: {  	v3 =	vld [tilespmem:s2+$0x13F0]  }
0x546: {  	v5 =	vld [tilespmem:s2+$0x1380]  }
0x547: {  	v6 =	vld [tilespmem:s2+$0x1390]  }
0x548: {  	v7 =	vld [tilespmem:s2+$0x13A0]  }
0x549: {  	v8 =	vld [tilespmem:s2+$0x13B0]  }
0x54a: {  	v9 =	vld [tilespmem:s2+$0x13C0]  }
0x54b: {  	v10 =	vld [tilespmem:s2+$0x13D0];
	v3 =	vmul.f32 $1.442695020e+00, v3  }
0x54c: {  	s30 =	simm.s32 $0x200;
	v11 =	vld [tilespmem:s2+$0x13E0];
	v5 =	vmul.f32 $1.442695020e+00, v5;
	v6 =	vmul.f32 $1.442695020e+00, v6  }
0x54d: {  	v7 =	vmul.f32 $1.442695020e+00, v7;
	(erf) = vpow2.f32 v3;
	v3 =	vld [tilespmem:s30+$0x13F0]  }
0x54e: {  	v8 =	vmul.f32 $1.442695020e+00, v8;
	(erf) = vpow2.f32 v5;
	v5 =	vld [tilespmem:s30+$0x1380]  }
0x54f: {  	v9 =	vmul.f32 $1.442695020e+00, v9;
	(erf) = vpow2.f32 v6;
	v6 =	vld [tilespmem:s30+$0x1390]  }
0x550: {  	v10 =	vmul.f32 $1.442695020e+00, v10;
	(erf) = vpow2.f32 v7  }
0x551: {  	v11 =	vmul.f32 $1.442695020e+00, v11;
	v7 =	vld [tilespmem:s30+$0x13A0];
	(erf) = vpow2.f32 v8  }
0x552: {  	v8 =	vld [tilespmem:s30+$0x13B0];
	(erf) = vpow2.f32 v9;
	v3 =	vmul.f32 $1.442695020e+00, v3  }
0x553: {  	v9 =	vld [tilespmem:s30+$0x13C0];
	(erf) = vpow2.f32 v10;
	v12 =	vmul.f32 $1.442695020e+00, v5  }
0x554: {  	v10 =	vld [tilespmem:s30+$0x13D0];
	(erf) = vpow2.f32 v11;
	v6 =	vmul.f32 $1.442695020e+00, v6  }
0x555: {  	s31 =	simm.s32 $0x400;
	v11 =	vld [tilespmem:s30+$0x13E0];
	(erf) = vpow2.f32 v3  }
0x556: {  	v15 =	vld [tilespmem:s31+$0x13F0];
	v7 =	vmul.f32 $1.442695020e+00, v7;
	(erf) = vpow2.f32 v12  }
0x557: {  	v3 =	vpop (erf);
	v13 =	vmul.f32 $1.442695020e+00, v8;
	(erf) = vpow2.f32 v6  }
0x558: {  	v16 =	vld [tilespmem:s31+$0x1380];
	v5 =	vimm.f32 $0.0e+00;
	v14 =	vmul.f32 $1.442695020e+00, v9;
	v6 =	vpop (erf);
	(erf) = vpow2.f32 v7  }
0x559: {  	v17 =	vld [tilespmem:s31+$0x1390];
	v7 =	vmul.f32 $1.442695020e+00, v10;
	v8 =	vadd.f32 v6, v5;
	v6 =	vpop (erf);
	(erf) = vpow2.f32 v13  }
0x55a: {  	v12 =	vld [tilespmem:s31+$0x13A0];
	v19 =	vmul.f32 $1.442695020e+00, v11;
	v9 =	vadd.f32 v6, v5;
	v6 =	vpop (erf);
	(erf) = vpow2.f32 v14  }
0x55b: {  	v20 =	vmul.f32 $1.442695020e+00, v15;
	v13 =	vld [tilespmem:s31+$0x13B0];
	v10 =	vadd.f32 v6, v5;
	v6 =	vpop (erf);
	(erf) = vpow2.f32 v7  }
0x55c: {  	v14 =	vld [tilespmem:s31+$0x13C0];
	v11 =	vadd.f32 v6, v5;
	v6 =	vpop (erf);
	(erf) = vpow2.f32 v19  }
0x55d: {  	v15 =	vld [tilespmem:s31+$0x13D0];
	v18 =	vmul.f32 $1.442695020e+00, v16;
	v7 =	vadd.f32 v6, v5;
	v6 =	vpop (erf);
	(erf) = vpow2.f32 v20  }
0x55e: {  	s3 =	simm.s32 $0x600;
	s4 =	simm.s32 $0x2000;
	v16 =	vld [tilespmem:s31+$0x13E0];
	v3 =	vadd.f32 v3, v5;
	v19 =	vmul.f32 $1.442695020e+00, v17;
	v6 =	vadd.f32 v6, v5;
	v17 =	vpop (erf)  }
.LBB2_34:
0x55f: {  	p0 =	sne.s32 s4, $0x1F800;
	v20 =	vld [tilespmem:s3+$0x13F0];
	v12 =	vmul.f32 $1.442695020e+00, v12;
	(erf) = vpow2.f32 v18;
	v18 =	vpop (erf);
	v5 =	vadd.f32 v17, v5  }
0x560: {  	v17 =	vld [tilespmem:s3+$0x1380];
	v13 =	vmul.f32 $1.442695020e+00, v13;
	(erf) = vpow2.f32 v19;
	v3 =	vadd.f32 v18, v3;
	v18 =	vpop (erf)  }
0x561: {  	v19 =	vld [tilespmem:s3+$0x1390];
	v14 =	vmul.f32 $1.442695020e+00, v14;
	(erf) = vpow2.f32 v12;
	v8 =	vadd.f32 v18, v8;
	v18 =	vpop (erf)  }
.Ltmp16:
0x562: {  	v12 =	vld [tilespmem:s3+$0x13A0];
	v15 =	vmul.f32 $1.442695020e+00, v15;
	(erf) = vpow2.f32 v13;
	v9 =	vadd.f32 v18, v9;
	v18 =	vpop (erf);
	(pc) =	sbr.rel @p0 .LBB2_34-.Ltmp16, $4  }
0x563: {  	v13 =	vld [tilespmem:s3+$0x13B0];
	v16 =	vmul.f32 $1.442695020e+00, v16;
	(erf) = vpow2.f32 v14;
	v10 =	vadd.f32 v18, v10;
	v18 =	vpop (erf)  }
0x564: {  	v14 =	vld [tilespmem:s3+$0x13C0];
	v20 =	vmul.f32 $1.442695020e+00, v20;
	(erf) = vpow2.f32 v15;
	v11 =	vadd.f32 v18, v11;
	v21 =	vpop (erf)  }
0x565: {  	v15 =	vld [tilespmem:s3+$0x13D0];
	v18 =	vmul.f32 $1.442695020e+00, v17;
	(erf) = vpow2.f32 v16;
	v7 =	vadd.f32 v21, v7;
	v17 =	vpop (erf)  }
0x566: {  	v16 =	vld [tilespmem:s3+$0x13E0];
	s3 =	sshra.s32 s4, $0x2;
	s4 =	sadd.s32 $0x800, s4;
	v19 =	vmul.f32 $1.442695020e+00, v19;
	(erf) = vpow2.f32 v20;
	v6 =	vadd.f32 v17, v6;
	v17 =	vpop (erf)  }
0x567: {  	v20 =	vld [tilespmem:s3+$0x13F0];
	v12 =	vmul.f32 $1.442695020e+00, v12  }
0x568: {  	v21 =	vld [tilespmem:s3+$0x1380];
	v13 =	vmul.f32 $1.442695020e+00, v13  }
0x569: {  	(erf) = vpow2.f32 v18;
	v18 =	vpop (erf);
	v22 =	vld [tilespmem:s3+$0x1390];
	v14 =	vmul.f32 $1.442695020e+00, v14  }
0x56a: {  	(erf) = vpow2.f32 v19;
	v19 =	vpop (erf);
	v15 =	vmul.f32 $1.442695020e+00, v15  }
0x56b: {  	v23 =	vld [tilespmem:s3+$0x13A0];
	(erf) = vpow2.f32 v12;
	v12 =	vpop (erf);
	v16 =	vmul.f32 $1.442695020e+00, v16  }
0x56c: {  	(erf) = vpow2.f32 v13;
	v13 =	vpop (erf);
	v20 =	vmul.f32 $1.442695020e+00, v20  }
0x56d: {  	v24 =	vld [tilespmem:s3+$0x13B0];
	(erf) = vpow2.f32 v14;
	v21 =	vmul.f32 $1.442695020e+00, v21;
	v14 =	vpop (erf)  }
0x56e: {  	v22 =	vmul.f32 $1.442695020e+00, v22;
	(erf) = vpow2.f32 v15;
	v15 =	vpop (erf)  }
0x56f: {  	v25 =	vld [tilespmem:s3+$0x13C0];
	(erf) = vpow2.f32 v16;
	v16 =	vpop (erf)  }
0x570: {  	v23 =	vmul.f32 $1.442695020e+00, v23;
	(erf) = vpow2.f32 v20;
	v20 =	vpop (erf)  }
0x571: {  	v26 =	vld [tilespmem:s3+$0x13D0];
	(erf) = vpow2.f32 v21;
	v21 =	vpop (erf)  }
0x572: {  	v5 =	vadd.f32 v17, v5;
	v17 =	vmul.f32 $1.442695020e+00, v24;
	(erf) = vpow2.f32 v22;
	v22 =	vpop (erf)  }
0x573: {  	v8 =	vadd.f32 v19, v8;
	v27 =	vpop (erf)  }
0x574: {  	v28 =	vld [tilespmem:$0x11E0];
	v10 =	vadd.f32 v13, v10;
	v13 =	vmul.f32 $1.442695020e+00, v25;
	(erf) = vpow2.f32 v23;
	v23 =	vpop (erf)  }
0x575: {  	v9 =	vadd.f32 v12, v9;
	v12 =	vld [tilespmem:s3+$0x13E0];
	v19 =	vpop (erf)  }
0x576: {  	v8 =	vadd.f32 v22, v8;
	v22 =	vmul.f32 $1.442695020e+00, v26;
	(erf) = vpow2.f32 v17;
	v17 =	vpop (erf)  }
0x577: {  	v11 =	vadd.f32 v14, v11;
	v14 =	vpop (erf)  }
0x578: {  	(erf) = vpow2.f32 v13;
	v13 =	vpop (erf)  }
0x579: {  	(v2sf) =	vpush v28, $0x0;
	v62 =	vpop (erf)  }
0x57a: {  	v12 =	vmul.f32 $1.442695020e+00, v12;
	v9 =	vadd.f32 v27, v9;
	(erf) = vpow2.f32 v22;
	v22 =	vpop (erf)  }
0x57b: {  	(v2sf) =	vpush v28, $0x1;
	v7 =	vadd.f32 v15, v7;
	v15 =	vpop (erf)  }
0x57c: {  	(v2sf) =	vpush v28, $0x2;
	v9 =	vadd.f32 v15, v9  }
0x57d: {  	v10 =	vadd.f32 v23, v10;
	v8 =	vadd.f32 v22, v8  }
0x57e: {  	(v2sf) =	vpush v28, $0x3;
	v11 =	vadd.f32 v19, v11;
	(erf) = vpow2.f32 v12;
	v12 =	vpop (erf)  }
0x57f: {  	v10 =	vadd.f32 v12, v10;
	v8 =	vadd.f32 v9, v8  }
0x580: {  	v9 =	vpop (erf)  }
0x581: {  	v8 =	vadd.f32 v10, v8;
	v9 =	vadd.f32 v9, v11  }
0x582: {  	v6 =	vadd.f32 v16, v6;
	v7 =	vadd.f32 v17, v7  }
0x583: {  	v5 =	vadd.f32 v20, v5;
	v10 =	vpop (erf);
	v8 =	vadd.f32 v9, v8  }
0x584: {  	v6 =	vadd.f32 v14, v6;
	v7 =	vadd.f32 v10, v7  }
0x585: {  	v3 =	vadd.f32 v18, v3;
	v5 =	vadd.f32 v13, v5;
	v9 =	vpop (erf)  }
0x586: {  	v7 =	vadd.f32 v7, v8;
	v6 =	vadd.f32 v9, v6  }
0x587: {  	v3 =	vadd.f32 v21, v3;
	v8 =	vpop (erf)  }
0x588: {  	v5 =	vadd.f32 v8, v5;
	v6 =	vadd.f32 v6, v7;
	_ =	sdelay $0x1  }
0x589: {  	v3 =	vadd.f32 v62, v3;
	s21 =	spop (v2sf);
	v5 =	vadd.f32 v5, v6  }
0x58a: {  	s6 =	spop (v2sf);
	s2 =	sshll.u32 s21, $0x2;
	s4 =	sand.u32 $0x70, s21  }
0x58b: {  	s3 =	spop (v2sf);
	s2 =	sand.u32 $0xFFFFFE00, s2;
	s5 =	sshll.u32 s6, $0x2;
	v3 =	vadd.f32 v3, v5  }
0x58c: {  	s30 =	sand.u32 $0x70, s6;
	s2 =	sor.u32 s4, s2;
	s5 =	sand.u32 $0xFFFFFE00, s5  }
0x58d: {  	s22 =	sshll.u32 s3, $0x2;
	s4 =	spop (v2sf);
	s31 =	sand.u32 $0x70, s3;
	[tilespmem:$0x1CF80] =	vst v3  }
0x58e: {  	s5 =	sor.u32 s30, s5;
	s22 =	sand.u32 $0xFFFFFE00, s22;
	s23 =	sshll.u32 s4, $0x2;
	v7 =	vld [tilespmem:s2+$0x1200]  }
0x58f: {  	s30 =	sand.u32 $0xFFFFFE00, s23;
	v6 =	vld [tilespmem:s5+$0x1280];
	s2 =	sor.u32 s31, s22;
	s22 =	sand.u32 $0x70, s4  }
0x590: {  	s5 =	simm.s32 $0x6;
	v5 =	vld [tilespmem:s2+$0x1300];
	s31 =	sor.u32 s22, s30  }
0x591: {  	v3 =	vld [tilespmem:s31+$0x1380];
	_ =	swait.ge [sflag:s5], $0x8000  }
0x592: {  	[sflag:s5] =	ssyncset.done $0x0  }
0x593: {  	[sflag:s5] =	ssyncadd.s32 $0xFFFF8000  }
0x594: {  	_ =	swait.ge [sflag:s0], $0x8000  }
0x595: {  	s23 =	simm.s32 $0x9200;
	s30 =	simm.s32 $0x200;
	[sflag:s0] =	ssyncset.done $0x0  }
0x596: {  	s31 =	simm.s32 $0x400;
	s22 =	rddreg [dreg:$0x7];
	[sflag:s0] =	ssyncadd.s32 $0xFFFF8000  }
0x597: {  	[hbm4b:s22+s30] =	stream.strided.scatter [tilespmem:s23], [sflag:$0x5], $0x8000, s31, s30, $0x38;
	[tilespmem:$0x1D280] =	vst v63  }
0x598: {  	s23 =	simm.s32 $0x0  }
0x599: {  	v8 =	vld [tilespmem:s23+$0x9270]  }
0x59a: {  	v9 =	vld [tilespmem:s23+$0x9200]  }
0x59b: {  	v10 =	vld [tilespmem:s23+$0x9210]  }
0x59c: {  	v11 =	vld [tilespmem:s23+$0x9220]  }
0x59d: {  	v12 =	vld [tilespmem:s23+$0x9230]  }
0x59e: {  	v13 =	vld [tilespmem:s23+$0x9240]  }
0x59f: {  	v14 =	vld [tilespmem:s23+$0x9250];
	v8 =	vmul.f32 $1.442695020e+00, v8  }
0x5a0: {  	s30 =	simm.s32 $0x200;
	v15 =	vld [tilespmem:s23+$0x9260];
	v9 =	vmul.f32 $1.442695020e+00, v9;
	v10 =	vmul.f32 $1.442695020e+00, v10  }
0x5a1: {  	v11 =	vmul.f32 $1.442695020e+00, v11;
	(erf) = vpow2.f32 v8;
	v8 =	vld [tilespmem:s30+$0x9270]  }
0x5a2: {  	v12 =	vmul.f32 $1.442695020e+00, v12;
	(erf) = vpow2.f32 v9;
	v9 =	vld [tilespmem:s30+$0x9200]  }
0x5a3: {  	v13 =	vmul.f32 $1.442695020e+00, v13;
	(erf) = vpow2.f32 v10;
	v10 =	vld [tilespmem:s30+$0x9210]  }
0x5a4: {  	v14 =	vmul.f32 $1.442695020e+00, v14;
	(erf) = vpow2.f32 v11;
	v11 =	vld [tilespmem:s30+$0x9220]  }
0x5a5: {  	v15 =	vmul.f32 $1.442695020e+00, v15;
	(erf) = vpow2.f32 v12  }
0x5a6: {  	v12 =	vld [tilespmem:s30+$0x9230];
	(erf) = vpow2.f32 v13;
	v8 =	vmul.f32 $1.442695020e+00, v8  }
0x5a7: {  	v13 =	vld [tilespmem:s30+$0x9240];
	(erf) = vpow2.f32 v14;
	v16 =	vmul.f32 $1.442695020e+00, v9  }
0x5a8: {  	v14 =	vld [tilespmem:s30+$0x9250];
	(erf) = vpow2.f32 v15;
	v10 =	vmul.f32 $1.442695020e+00, v10  }
0x5a9: {  	s31 =	simm.s32 $0x400;
	v15 =	vld [tilespmem:s30+$0x9260];
	(erf) = vpow2.f32 v8;
	v11 =	vmul.f32 $1.442695020e+00, v11  }
0x5aa: {  	v19 =	vld [tilespmem:s31+$0x9270];
	(erf) = vpow2.f32 v16  }
0x5ab: {  	v20 =	vld [tilespmem:s31+$0x9200];
	v8 =	vpop (erf);
	v12 =	vmul.f32 $1.442695020e+00, v12;
	(erf) = vpow2.f32 v10  }
0x5ac: {  	v18 =	vmul.f32 $1.442695020e+00, v13;
	v10 =	vpop (erf);
	(erf) = vpow2.f32 v11  }
0x5ad: {  	v21 =	vld [tilespmem:s31+$0x9210];
	v9 =	vimm.f32 $0.0e+00;
	v14 =	vmul.f32 $1.442695020e+00, v14;
	v11 =	vpop (erf);
	(erf) = vpow2.f32 v12  }
0x5ae: {  	v16 =	vld [tilespmem:s31+$0x9220];
	v23 =	vmul.f32 $1.442695020e+00, v15;
	v13 =	vadd.f32 v11, v9;
	v11 =	vpop (erf);
	(erf) = vpow2.f32 v18  }
0x5af: {  	v17 =	vld [tilespmem:s31+$0x9230];
	v63 =	vmul.f32 $1.442695020e+00, v19;
	v15 =	vadd.f32 v11, v9;
	v11 =	vpop (erf);
	(erf) = vpow2.f32 v14  }
0x5b0: {  	v22 =	vmul.f32 $1.442695020e+00, v20;
	v18 =	vld [tilespmem:s31+$0x9240];
	v12 =	vadd.f32 v11, v9;
	v11 =	vpop (erf);
	(erf) = vpow2.f32 v23  }
0x5b1: {  	v19 =	vld [tilespmem:s31+$0x9250];
	v8 =	vadd.f32 v8, v9;
	v10 =	vadd.f32 v10, v9;
	v14 =	vpop (erf);
	(erf) = vpow2.f32 v63  }
0x5b2: {  	s5 =	simm.s32 $0x600;
	s22 =	simm.s32 $0x2000;
	v20 =	vld [tilespmem:s31+$0x9260];
	v23 =	vmul.f32 $1.442695020e+00, v21;
	v11 =	vadd.f32 v11, v9;
	v14 =	vadd.f32 v14, v9;
	v21 =	vpop (erf)  }
.LBB2_36:
0x5b3: {  	p0 =	sne.s32 s22, $0x1F800;
	v24 =	vld [tilespmem:s5+$0x9270];
	v16 =	vmul.f32 $1.442695020e+00, v16;
	(erf) = vpow2.f32 v22;
	v22 =	vpop (erf);
	v9 =	vadd.f32 v21, v9  }
0x5b4: {  	v21 =	vld [tilespmem:s5+$0x9200];
	v17 =	vmul.f32 $1.442695020e+00, v17;
	(erf) = vpow2.f32 v23;
	v8 =	vadd.f32 v22, v8;
	v22 =	vpop (erf)  }
0x5b5: {  	v23 =	vld [tilespmem:s5+$0x9210];
	v18 =	vmul.f32 $1.442695020e+00, v18;
	(erf) = vpow2.f32 v16;
	v10 =	vadd.f32 v22, v10;
	v22 =	vpop (erf)  }
.Ltmp17:
0x5b6: {  	v16 =	vld [tilespmem:s5+$0x9220];
	v19 =	vmul.f32 $1.442695020e+00, v19;
	(erf) = vpow2.f32 v17;
	v13 =	vadd.f32 v22, v13;
	v22 =	vpop (erf);
	(pc) =	sbr.rel @p0 .LBB2_36-.Ltmp17, $4  }
0x5b7: {  	v17 =	vld [tilespmem:s5+$0x9230];
	v20 =	vmul.f32 $1.442695020e+00, v20;
	(erf) = vpow2.f32 v18;
	v15 =	vadd.f32 v22, v15;
	v22 =	vpop (erf)  }
0x5b8: {  	v18 =	vld [tilespmem:s5+$0x9240];
	v24 =	vmul.f32 $1.442695020e+00, v24;
	(erf) = vpow2.f32 v19;
	v12 =	vadd.f32 v22, v12;
	v25 =	vpop (erf)  }
0x5b9: {  	v19 =	vld [tilespmem:s5+$0x9250];
	v22 =	vmul.f32 $1.442695020e+00, v21;
	(erf) = vpow2.f32 v20;
	v11 =	vadd.f32 v25, v11;
	v21 =	vpop (erf)  }
0x5ba: {  	v20 =	vld [tilespmem:s5+$0x9260];
	s5 =	sshra.s32 s22, $0x2;
	s22 =	sadd.s32 $0x800, s22;
	v23 =	vmul.f32 $1.442695020e+00, v23;
	(erf) = vpow2.f32 v24;
	v14 =	vadd.f32 v21, v14;
	v21 =	vpop (erf)  }
0x5bb: {  	v16 =	vmul.f32 $1.442695020e+00, v16  }
0x5bc: {  	v17 =	vmul.f32 $1.442695020e+00, v17  }
0x5bd: {  	v24 =	vld [tilespmem:s5+$0x9270];
	(erf) = vpow2.f32 v22;
	v22 =	vpop (erf);
	v18 =	vmul.f32 $1.442695020e+00, v18  }
0x5be: {  	v25 =	vld [tilespmem:s5+$0x9200];
	(erf) = vpow2.f32 v23;
	v23 =	vpop (erf);
	v19 =	vmul.f32 $1.442695020e+00, v19  }
0x5bf: {  	v26 =	vld [tilespmem:s5+$0x9210];
	(erf) = vpow2.f32 v16;
	v16 =	vpop (erf);
	v20 =	vmul.f32 $1.442695020e+00, v20  }
0x5c0: {  	v27 =	vld [tilespmem:s5+$0x9220];
	(erf) = vpow2.f32 v17;
	v17 =	vpop (erf)  }
0x5c1: {  	(erf) = vpow2.f32 v18;
	v18 =	vpop (erf)  }
0x5c2: {  	v28 =	vld [tilespmem:s5+$0x9230];
	v24 =	vmul.f32 $1.442695020e+00, v24;
	(erf) = vpow2.f32 v19;
	v19 =	vpop (erf)  }
0x5c3: {  	v25 =	vmul.f32 $1.442695020e+00, v25;
	(erf) = vpow2.f32 v20;
	v20 =	vpop (erf)  }
0x5c4: {  	v29 =	vld [tilespmem:s5+$0x9240];
	v26 =	vmul.f32 $1.442695020e+00, v26;
	(erf) = vpow2.f32 v24;
	v57 =	vpop (erf)  }
0x5c5: {  	v30 =	vld [tilespmem:s5+$0x9250];
	v27 =	vmul.f32 $1.442695020e+00, v27;
	(erf) = vpow2.f32 v25;
	v58 =	vpop (erf)  }
0x5c6: {  	(erf) = vpow2.f32 v26;
	v59 =	vpop (erf)  }
0x5c7: {  	v28 =	vmul.f32 $1.442695020e+00, v28;
	v31 =	vpop (erf);
	(erf) = vpow2.f32 v27  }
0x5c8: {  	v32 =	vld [tilespmem:s5+$0x9260];
	v60 =	vpop (erf)  }
0x5c9: {  	v29 =	vmul.f32 $1.442695020e+00, v29;
	v33 =	vpop (erf);
	(erf) = vpow2.f32 v28  }
0x5ca: {  	v13 =	vadd.f32 v16, v13;
	v16 =	vmul.f32 $1.442695020e+00, v30;
	v61 =	vpop (erf)  }
0x5cb: {  	v9 =	vadd.f32 v21, v9;
	v21 =	vpop (erf);
	(erf) = vpow2.f32 v29  }
0x5cc: {  	v10 =	vadd.f32 v23, v10;
	v23 =	vpop (erf)  }
0x5cd: {  	v62 =	vmul.f32 $1.442695020e+00, v32;
	v15 =	vadd.f32 v17, v15;
	v12 =	vadd.f32 v18, v12;
	v17 =	vpop (erf)  }
0x5ce: {  	v10 =	vadd.f32 v59, v10;
	v13 =	vadd.f32 v31, v13;
	(erf) = vpow2.f32 v16;
	v16 =	vpop (erf)  }
0x5cf: {  	v11 =	vadd.f32 v19, v11;
	v15 =	vadd.f32 v60, v15;
	v18 =	vpop (erf)  }
0x5d0: {  	(erf) = vpow2.f32 v62;
	v10 =	vadd.f32 v16, v10;
	v13 =	vadd.f32 v18, v13;
	v16 =	vpop (erf)  }
0x5d1: {  	v12 =	vadd.f32 v33, v12;
	v15 =	vadd.f32 v16, v15  }
0x5d2: {  	v10 =	vadd.f32 v13, v10;
	v13 =	vadd.f32 v20, v14;
	v14 =	vpop (erf)  }
0x5d3: {  	v11 =	vadd.f32 v61, v11;
	v12 =	vadd.f32 v14, v12  }
0x5d4: {  	v10 =	vadd.f32 v15, v10;
	v14 =	vpop (erf)  }
0x5d5: {  	v9 =	vadd.f32 v57, v9;
	v11 =	vadd.f32 v14, v11  }
0x5d6: {  	v13 =	vadd.f32 v21, v13;
	v10 =	vadd.f32 v12, v10  }
0x5d7: {  	v8 =	vadd.f32 v22, v8;
	v9 =	vadd.f32 v23, v9;
	v12 =	vpop (erf)  }
0x5d8: {  	v12 =	vadd.f32 v12, v13;
	v10 =	vadd.f32 v11, v10  }
0x5d9: {  	v8 =	vadd.f32 v58, v8;
	v11 =	vpop (erf)  }
0x5da: {  	v9 =	vadd.f32 v11, v9;
	v10 =	vadd.f32 v12, v10;
	_ =	sdelay $0x1  }
0x5db: {  	v8 =	vadd.f32 v17, v8;
	v9 =	vadd.f32 v9, v10;
	_ =	sdelay $0x1  }
0x5dc: {  	v8 =	vadd.f32 v8, v9;
	_ =	sdelay $0x1  }
0x5dd: {  	s2 =	simm.s32 $0x0;
	[tilespmem:$0x1D000] =	vst v8  }
0x5de: {  	v8 =	vld [tilespmem:s2+$0x92F0]  }
0x5df: {  	v9 =	vld [tilespmem:s2+$0x9280]  }
0x5e0: {  	v10 =	vld [tilespmem:s2+$0x9290]  }
0x5e1: {  	v11 =	vld [tilespmem:s2+$0x92A0]  }
0x5e2: {  	v12 =	vld [tilespmem:s2+$0x92B0]  }
0x5e3: {  	v13 =	vld [tilespmem:s2+$0x92C0]  }
0x5e4: {  	v14 =	vld [tilespmem:s2+$0x92D0];
	v8 =	vmul.f32 $1.442695020e+00, v8  }
0x5e5: {  	s30 =	simm.s32 $0x200;
	v15 =	vld [tilespmem:s2+$0x92E0];
	v9 =	vmul.f32 $1.442695020e+00, v9;
	v10 =	vmul.f32 $1.442695020e+00, v10  }
0x5e6: {  	v11 =	vmul.f32 $1.442695020e+00, v11;
	(erf) = vpow2.f32 v8;
	v8 =	vld [tilespmem:s30+$0x92F0]  }
0x5e7: {  	v12 =	vmul.f32 $1.442695020e+00, v12;
	(erf) = vpow2.f32 v9;
	v9 =	vld [tilespmem:s30+$0x9280]  }
0x5e8: {  	v13 =	vmul.f32 $1.442695020e+00, v13;
	(erf) = vpow2.f32 v10;
	v10 =	vld [tilespmem:s30+$0x9290]  }
0x5e9: {  	v14 =	vmul.f32 $1.442695020e+00, v14;
	(erf) = vpow2.f32 v11;
	v11 =	vld [tilespmem:s30+$0x92A0]  }
0x5ea: {  	v15 =	vmul.f32 $1.442695020e+00, v15;
	(erf) = vpow2.f32 v12  }
0x5eb: {  	v12 =	vld [tilespmem:s30+$0x92B0];
	(erf) = vpow2.f32 v13;
	v8 =	vmul.f32 $1.442695020e+00, v8  }
0x5ec: {  	v13 =	vld [tilespmem:s30+$0x92C0];
	(erf) = vpow2.f32 v14;
	v16 =	vmul.f32 $1.442695020e+00, v9  }
0x5ed: {  	v14 =	vld [tilespmem:s30+$0x92D0];
	(erf) = vpow2.f32 v15;
	v10 =	vmul.f32 $1.442695020e+00, v10  }
0x5ee: {  	s31 =	simm.s32 $0x400;
	v15 =	vld [tilespmem:s30+$0x92E0];
	(erf) = vpow2.f32 v8;
	v11 =	vmul.f32 $1.442695020e+00, v11  }
0x5ef: {  	v19 =	vld [tilespmem:s31+$0x92F0];
	(erf) = vpow2.f32 v16  }
0x5f0: {  	v20 =	vld [tilespmem:s31+$0x9280];
	v8 =	vpop (erf);
	v12 =	vmul.f32 $1.442695020e+00, v12;
	(erf) = vpow2.f32 v10  }
0x5f1: {  	v18 =	vmul.f32 $1.442695020e+00, v13;
	v10 =	vpop (erf);
	(erf) = vpow2.f32 v11  }
0x5f2: {  	v21 =	vld [tilespmem:s31+$0x9290];
	v9 =	vimm.f32 $0.0e+00;
	v14 =	vmul.f32 $1.442695020e+00, v14;
	v11 =	vpop (erf);
	(erf) = vpow2.f32 v12  }
0x5f3: {  	v16 =	vld [tilespmem:s31+$0x92A0];
	v23 =	vmul.f32 $1.442695020e+00, v15;
	v13 =	vadd.f32 v11, v9;
	v11 =	vpop (erf);
	(erf) = vpow2.f32 v18  }
0x5f4: {  	v17 =	vld [tilespmem:s31+$0x92B0];
	v63 =	vmul.f32 $1.442695020e+00, v19;
	v15 =	vadd.f32 v11, v9;
	v11 =	vpop (erf);
	(erf) = vpow2.f32 v14  }
0x5f5: {  	v22 =	vmul.f32 $1.442695020e+00, v20;
	v18 =	vld [tilespmem:s31+$0x92C0];
	v12 =	vadd.f32 v11, v9;
	v11 =	vpop (erf);
	(erf) = vpow2.f32 v23  }
0x5f6: {  	v19 =	vld [tilespmem:s31+$0x92D0];
	v8 =	vadd.f32 v8, v9;
	v10 =	vadd.f32 v10, v9;
	v14 =	vpop (erf);
	(erf) = vpow2.f32 v63  }
0x5f7: {  	s5 =	simm.s32 $0x600;
	s22 =	simm.s32 $0x2000;
	v20 =	vld [tilespmem:s31+$0x92E0];
	v23 =	vmul.f32 $1.442695020e+00, v21;
	v11 =	vadd.f32 v11, v9;
	v14 =	vadd.f32 v14, v9;
	v21 =	vpop (erf)  }
.LBB2_38:
0x5f8: {  	p0 =	sne.s32 s22, $0x1F800;
	v24 =	vld [tilespmem:s5+$0x92F0];
	v16 =	vmul.f32 $1.442695020e+00, v16;
	(erf) = vpow2.f32 v22;
	v22 =	vpop (erf);
	v9 =	vadd.f32 v21, v9  }
0x5f9: {  	v21 =	vld [tilespmem:s5+$0x9280];
	v17 =	vmul.f32 $1.442695020e+00, v17;
	(erf) = vpow2.f32 v23;
	v8 =	vadd.f32 v22, v8;
	v22 =	vpop (erf)  }
0x5fa: {  	v23 =	vld [tilespmem:s5+$0x9290];
	v18 =	vmul.f32 $1.442695020e+00, v18;
	(erf) = vpow2.f32 v16;
	v10 =	vadd.f32 v22, v10;
	v22 =	vpop (erf)  }
.Ltmp18:
0x5fb: {  	v16 =	vld [tilespmem:s5+$0x92A0];
	v19 =	vmul.f32 $1.442695020e+00, v19;
	(erf) = vpow2.f32 v17;
	v13 =	vadd.f32 v22, v13;
	v22 =	vpop (erf);
	(pc) =	sbr.rel @p0 .LBB2_38-.Ltmp18, $4  }
0x5fc: {  	v17 =	vld [tilespmem:s5+$0x92B0];
	v20 =	vmul.f32 $1.442695020e+00, v20;
	(erf) = vpow2.f32 v18;
	v15 =	vadd.f32 v22, v15;
	v22 =	vpop (erf)  }
0x5fd: {  	v18 =	vld [tilespmem:s5+$0x92C0];
	v24 =	vmul.f32 $1.442695020e+00, v24;
	(erf) = vpow2.f32 v19;
	v12 =	vadd.f32 v22, v12;
	v25 =	vpop (erf)  }
0x5fe: {  	v19 =	vld [tilespmem:s5+$0x92D0];
	v22 =	vmul.f32 $1.442695020e+00, v21;
	(erf) = vpow2.f32 v20;
	v11 =	vadd.f32 v25, v11;
	v21 =	vpop (erf)  }
0x5ff: {  	v20 =	vld [tilespmem:s5+$0x92E0];
	s5 =	sshra.s32 s22, $0x2;
	s22 =	sadd.s32 $0x800, s22;
	v23 =	vmul.f32 $1.442695020e+00, v23;
	(erf) = vpow2.f32 v24;
	v14 =	vadd.f32 v21, v14;
	v21 =	vpop (erf)  }
0x600: {  	v16 =	vmul.f32 $1.442695020e+00, v16  }
0x601: {  	v17 =	vmul.f32 $1.442695020e+00, v17  }
0x602: {  	v24 =	vld [tilespmem:s5+$0x92F0];
	(erf) = vpow2.f32 v22;
	v22 =	vpop (erf);
	v18 =	vmul.f32 $1.442695020e+00, v18  }
0x603: {  	v25 =	vld [tilespmem:s5+$0x9280];
	(erf) = vpow2.f32 v23;
	v23 =	vpop (erf);
	v19 =	vmul.f32 $1.442695020e+00, v19  }
0x604: {  	v26 =	vld [tilespmem:s5+$0x9290];
	(erf) = vpow2.f32 v16;
	v16 =	vpop (erf);
	v20 =	vmul.f32 $1.442695020e+00, v20  }
0x605: {  	v27 =	vld [tilespmem:s5+$0x92A0];
	(erf) = vpow2.f32 v17;
	v17 =	vpop (erf)  }
0x606: {  	(erf) = vpow2.f32 v18;
	v18 =	vpop (erf)  }
0x607: {  	v28 =	vld [tilespmem:s5+$0x92B0];
	v24 =	vmul.f32 $1.442695020e+00, v24;
	(erf) = vpow2.f32 v19;
	v19 =	vpop (erf)  }
0x608: {  	v25 =	vmul.f32 $1.442695020e+00, v25;
	(erf) = vpow2.f32 v20;
	v20 =	vpop (erf)  }
0x609: {  	v29 =	vld [tilespmem:s5+$0x92C0];
	v26 =	vmul.f32 $1.442695020e+00, v26;
	(erf) = vpow2.f32 v24;
	v57 =	vpop (erf)  }
0x60a: {  	v30 =	vld [tilespmem:s5+$0x92D0];
	v27 =	vmul.f32 $1.442695020e+00, v27;
	(erf) = vpow2.f32 v25;
	v58 =	vpop (erf)  }
0x60b: {  	(erf) = vpow2.f32 v26;
	v59 =	vpop (erf)  }
0x60c: {  	v28 =	vmul.f32 $1.442695020e+00, v28;
	v31 =	vpop (erf);
	(erf) = vpow2.f32 v27  }
0x60d: {  	v32 =	vld [tilespmem:s5+$0x92E0];
	v60 =	vpop (erf)  }
0x60e: {  	v29 =	vmul.f32 $1.442695020e+00, v29;
	v33 =	vpop (erf);
	(erf) = vpow2.f32 v28  }
0x60f: {  	v13 =	vadd.f32 v16, v13;
	v16 =	vmul.f32 $1.442695020e+00, v30;
	v61 =	vpop (erf)  }
0x610: {  	v9 =	vadd.f32 v21, v9;
	v21 =	vpop (erf);
	(erf) = vpow2.f32 v29  }
0x611: {  	v10 =	vadd.f32 v23, v10;
	v23 =	vpop (erf)  }
0x612: {  	v62 =	vmul.f32 $1.442695020e+00, v32;
	v15 =	vadd.f32 v17, v15;
	v12 =	vadd.f32 v18, v12;
	v17 =	vpop (erf)  }
0x613: {  	v10 =	vadd.f32 v59, v10;
	v13 =	vadd.f32 v31, v13;
	(erf) = vpow2.f32 v16;
	v16 =	vpop (erf)  }
0x614: {  	v11 =	vadd.f32 v19, v11;
	v15 =	vadd.f32 v60, v15;
	v18 =	vpop (erf)  }
0x615: {  	(erf) = vpow2.f32 v62;
	v10 =	vadd.f32 v16, v10;
	v13 =	vadd.f32 v18, v13;
	v16 =	vpop (erf)  }
0x616: {  	v12 =	vadd.f32 v33, v12;
	v15 =	vadd.f32 v16, v15  }
0x617: {  	v10 =	vadd.f32 v13, v10;
	v13 =	vadd.f32 v20, v14;
	v14 =	vpop (erf)  }
0x618: {  	v11 =	vadd.f32 v61, v11;
	v12 =	vadd.f32 v14, v12  }
0x619: {  	v10 =	vadd.f32 v15, v10;
	v14 =	vpop (erf)  }
0x61a: {  	v9 =	vadd.f32 v57, v9;
	v11 =	vadd.f32 v14, v11  }
0x61b: {  	v13 =	vadd.f32 v21, v13;
	v10 =	vadd.f32 v12, v10  }
0x61c: {  	v8 =	vadd.f32 v22, v8;
	v9 =	vadd.f32 v23, v9;
	v12 =	vpop (erf)  }
0x61d: {  	v12 =	vadd.f32 v12, v13;
	v10 =	vadd.f32 v11, v10  }
0x61e: {  	v8 =	vadd.f32 v58, v8;
	v11 =	vpop (erf)  }
0x61f: {  	v9 =	vadd.f32 v11, v9;
	v10 =	vadd.f32 v12, v10;
	_ =	sdelay $0x1  }
0x620: {  	v8 =	vadd.f32 v17, v8;
	v9 =	vadd.f32 v9, v10;
	_ =	sdelay $0x1  }
0x621: {  	v8 =	vadd.f32 v8, v9;
	_ =	sdelay $0x1  }
0x622: {  	s2 =	simm.s32 $0x0;
	[tilespmem:$0x1D080] =	vst v8  }
0x623: {  	v8 =	vld [tilespmem:s2+$0x9370]  }
0x624: {  	v9 =	vld [tilespmem:s2+$0x9300]  }
0x625: {  	v10 =	vld [tilespmem:s2+$0x9310]  }
0x626: {  	v11 =	vld [tilespmem:s2+$0x9320]  }
0x627: {  	v12 =	vld [tilespmem:s2+$0x9330]  }
0x628: {  	v13 =	vld [tilespmem:s2+$0x9340]  }
0x629: {  	v14 =	vld [tilespmem:s2+$0x9350];
	v8 =	vmul.f32 $1.442695020e+00, v8  }
0x62a: {  	s30 =	simm.s32 $0x200;
	v15 =	vld [tilespmem:s2+$0x9360];
	v9 =	vmul.f32 $1.442695020e+00, v9;
	v10 =	vmul.f32 $1.442695020e+00, v10  }
0x62b: {  	v11 =	vmul.f32 $1.442695020e+00, v11;
	(erf) = vpow2.f32 v8;
	v8 =	vld [tilespmem:s30+$0x9370]  }
0x62c: {  	v12 =	vmul.f32 $1.442695020e+00, v12;
	(erf) = vpow2.f32 v9;
	v9 =	vld [tilespmem:s30+$0x9300]  }
0x62d: {  	v13 =	vmul.f32 $1.442695020e+00, v13;
	(erf) = vpow2.f32 v10;
	v10 =	vld [tilespmem:s30+$0x9310]  }
0x62e: {  	v14 =	vmul.f32 $1.442695020e+00, v14;
	(erf) = vpow2.f32 v11;
	v11 =	vld [tilespmem:s30+$0x9320]  }
0x62f: {  	v15 =	vmul.f32 $1.442695020e+00, v15;
	(erf) = vpow2.f32 v12  }
0x630: {  	v12 =	vld [tilespmem:s30+$0x9330];
	(erf) = vpow2.f32 v13;
	v8 =	vmul.f32 $1.442695020e+00, v8  }
0x631: {  	v13 =	vld [tilespmem:s30+$0x9340];
	(erf) = vpow2.f32 v14;
	v16 =	vmul.f32 $1.442695020e+00, v9  }
0x632: {  	v14 =	vld [tilespmem:s30+$0x9350];
	(erf) = vpow2.f32 v15;
	v10 =	vmul.f32 $1.442695020e+00, v10  }
0x633: {  	s31 =	simm.s32 $0x400;
	v15 =	vld [tilespmem:s30+$0x9360];
	(erf) = vpow2.f32 v8;
	v11 =	vmul.f32 $1.442695020e+00, v11  }
0x634: {  	v19 =	vld [tilespmem:s31+$0x9370];
	(erf) = vpow2.f32 v16  }
0x635: {  	v20 =	vld [tilespmem:s31+$0x9300];
	v8 =	vpop (erf);
	v12 =	vmul.f32 $1.442695020e+00, v12;
	(erf) = vpow2.f32 v10  }
0x636: {  	v18 =	vmul.f32 $1.442695020e+00, v13;
	v10 =	vpop (erf);
	(erf) = vpow2.f32 v11  }
0x637: {  	v21 =	vld [tilespmem:s31+$0x9310];
	v9 =	vimm.f32 $0.0e+00;
	v14 =	vmul.f32 $1.442695020e+00, v14;
	v11 =	vpop (erf);
	(erf) = vpow2.f32 v12  }
0x638: {  	v16 =	vld [tilespmem:s31+$0x9320];
	v23 =	vmul.f32 $1.442695020e+00, v15;
	v13 =	vadd.f32 v11, v9;
	v11 =	vpop (erf);
	(erf) = vpow2.f32 v18  }
0x639: {  	v17 =	vld [tilespmem:s31+$0x9330];
	v63 =	vmul.f32 $1.442695020e+00, v19;
	v15 =	vadd.f32 v11, v9;
	v11 =	vpop (erf);
	(erf) = vpow2.f32 v14  }
0x63a: {  	v22 =	vmul.f32 $1.442695020e+00, v20;
	v18 =	vld [tilespmem:s31+$0x9340];
	v12 =	vadd.f32 v11, v9;
	v11 =	vpop (erf);
	(erf) = vpow2.f32 v23  }
0x63b: {  	v19 =	vld [tilespmem:s31+$0x9350];
	v8 =	vadd.f32 v8, v9;
	v10 =	vadd.f32 v10, v9;
	v14 =	vpop (erf);
	(erf) = vpow2.f32 v63  }
0x63c: {  	s5 =	simm.s32 $0x600;
	s22 =	simm.s32 $0x2000;
	v20 =	vld [tilespmem:s31+$0x9360];
	v23 =	vmul.f32 $1.442695020e+00, v21;
	v11 =	vadd.f32 v11, v9;
	v14 =	vadd.f32 v14, v9;
	v21 =	vpop (erf)  }
.LBB2_40:
0x63d: {  	p0 =	sne.s32 s22, $0x1F800;
	v24 =	vld [tilespmem:s5+$0x9370];
	v16 =	vmul.f32 $1.442695020e+00, v16;
	(erf) = vpow2.f32 v22;
	v22 =	vpop (erf);
	v9 =	vadd.f32 v21, v9  }
0x63e: {  	v21 =	vld [tilespmem:s5+$0x9300];
	v17 =	vmul.f32 $1.442695020e+00, v17;
	(erf) = vpow2.f32 v23;
	v8 =	vadd.f32 v22, v8;
	v22 =	vpop (erf)  }
0x63f: {  	v23 =	vld [tilespmem:s5+$0x9310];
	v18 =	vmul.f32 $1.442695020e+00, v18;
	(erf) = vpow2.f32 v16;
	v10 =	vadd.f32 v22, v10;
	v22 =	vpop (erf)  }
.Ltmp19:
0x640: {  	v16 =	vld [tilespmem:s5+$0x9320];
	v19 =	vmul.f32 $1.442695020e+00, v19;
	(erf) = vpow2.f32 v17;
	v13 =	vadd.f32 v22, v13;
	v22 =	vpop (erf);
	(pc) =	sbr.rel @p0 .LBB2_40-.Ltmp19, $4  }
0x641: {  	v17 =	vld [tilespmem:s5+$0x9330];
	v20 =	vmul.f32 $1.442695020e+00, v20;
	(erf) = vpow2.f32 v18;
	v15 =	vadd.f32 v22, v15;
	v22 =	vpop (erf)  }
0x642: {  	v18 =	vld [tilespmem:s5+$0x9340];
	v24 =	vmul.f32 $1.442695020e+00, v24;
	(erf) = vpow2.f32 v19;
	v12 =	vadd.f32 v22, v12;
	v25 =	vpop (erf)  }
0x643: {  	v19 =	vld [tilespmem:s5+$0x9350];
	v22 =	vmul.f32 $1.442695020e+00, v21;
	(erf) = vpow2.f32 v20;
	v11 =	vadd.f32 v25, v11;
	v21 =	vpop (erf)  }
0x644: {  	v20 =	vld [tilespmem:s5+$0x9360];
	s5 =	sshra.s32 s22, $0x2;
	s22 =	sadd.s32 $0x800, s22;
	v23 =	vmul.f32 $1.442695020e+00, v23;
	(erf) = vpow2.f32 v24;
	v14 =	vadd.f32 v21, v14;
	v21 =	vpop (erf)  }
0x645: {  	v16 =	vmul.f32 $1.442695020e+00, v16  }
0x646: {  	v17 =	vmul.f32 $1.442695020e+00, v17  }
0x647: {  	v24 =	vld [tilespmem:s5+$0x9370];
	(erf) = vpow2.f32 v22;
	v22 =	vpop (erf);
	v18 =	vmul.f32 $1.442695020e+00, v18  }
0x648: {  	v25 =	vld [tilespmem:s5+$0x9300];
	(erf) = vpow2.f32 v23;
	v23 =	vpop (erf);
	v19 =	vmul.f32 $1.442695020e+00, v19  }
0x649: {  	v26 =	vld [tilespmem:s5+$0x9310];
	(erf) = vpow2.f32 v16;
	v16 =	vpop (erf);
	v20 =	vmul.f32 $1.442695020e+00, v20  }
0x64a: {  	v27 =	vld [tilespmem:s5+$0x9320];
	(erf) = vpow2.f32 v17;
	v17 =	vpop (erf)  }
0x64b: {  	(erf) = vpow2.f32 v18;
	v18 =	vpop (erf)  }
0x64c: {  	v28 =	vld [tilespmem:s5+$0x9330];
	v24 =	vmul.f32 $1.442695020e+00, v24;
	(erf) = vpow2.f32 v19;
	v19 =	vpop (erf)  }
0x64d: {  	v25 =	vmul.f32 $1.442695020e+00, v25;
	(erf) = vpow2.f32 v20;
	v20 =	vpop (erf)  }
0x64e: {  	v29 =	vld [tilespmem:s5+$0x9340];
	v26 =	vmul.f32 $1.442695020e+00, v26;
	(erf) = vpow2.f32 v24;
	v57 =	vpop (erf)  }
0x64f: {  	v30 =	vld [tilespmem:s5+$0x9350];
	v27 =	vmul.f32 $1.442695020e+00, v27;
	(erf) = vpow2.f32 v25;
	v58 =	vpop (erf)  }
0x650: {  	(erf) = vpow2.f32 v26;
	v59 =	vpop (erf)  }
0x651: {  	v28 =	vmul.f32 $1.442695020e+00, v28;
	v31 =	vpop (erf);
	(erf) = vpow2.f32 v27  }
0x652: {  	v32 =	vld [tilespmem:s5+$0x9360];
	v60 =	vpop (erf)  }
0x653: {  	v29 =	vmul.f32 $1.442695020e+00, v29;
	v33 =	vpop (erf);
	(erf) = vpow2.f32 v28  }
0x654: {  	v13 =	vadd.f32 v16, v13;
	v16 =	vmul.f32 $1.442695020e+00, v30;
	v61 =	vpop (erf)  }
0x655: {  	v9 =	vadd.f32 v21, v9;
	v21 =	vpop (erf);
	(erf) = vpow2.f32 v29  }
0x656: {  	v10 =	vadd.f32 v23, v10;
	v23 =	vpop (erf)  }
0x657: {  	v62 =	vmul.f32 $1.442695020e+00, v32;
	v15 =	vadd.f32 v17, v15;
	v12 =	vadd.f32 v18, v12;
	v17 =	vpop (erf)  }
0x658: {  	v10 =	vadd.f32 v59, v10;
	v13 =	vadd.f32 v31, v13;
	(erf) = vpow2.f32 v16;
	v16 =	vpop (erf)  }
0x659: {  	v11 =	vadd.f32 v19, v11;
	v15 =	vadd.f32 v60, v15;
	v18 =	vpop (erf)  }
0x65a: {  	(erf) = vpow2.f32 v62;
	v10 =	vadd.f32 v16, v10;
	v13 =	vadd.f32 v18, v13;
	v16 =	vpop (erf)  }
0x65b: {  	v12 =	vadd.f32 v33, v12;
	v15 =	vadd.f32 v16, v15  }
0x65c: {  	v10 =	vadd.f32 v13, v10;
	v13 =	vadd.f32 v20, v14;
	v14 =	vpop (erf)  }
0x65d: {  	v11 =	vadd.f32 v61, v11;
	v12 =	vadd.f32 v14, v12  }
0x65e: {  	v10 =	vadd.f32 v15, v10;
	v14 =	vpop (erf)  }
0x65f: {  	v9 =	vadd.f32 v57, v9;
	v11 =	vadd.f32 v14, v11  }
0x660: {  	v13 =	vadd.f32 v21, v13;
	v10 =	vadd.f32 v12, v10  }
0x661: {  	v8 =	vadd.f32 v22, v8;
	v9 =	vadd.f32 v23, v9;
	v12 =	vpop (erf)  }
0x662: {  	v12 =	vadd.f32 v12, v13;
	v10 =	vadd.f32 v11, v10  }
0x663: {  	v8 =	vadd.f32 v58, v8;
	v11 =	vpop (erf)  }
0x664: {  	v9 =	vadd.f32 v11, v9;
	v10 =	vadd.f32 v12, v10;
	_ =	sdelay $0x1  }
0x665: {  	v8 =	vadd.f32 v17, v8;
	v9 =	vadd.f32 v9, v10;
	_ =	sdelay $0x1  }
0x666: {  	v8 =	vadd.f32 v8, v9;
	_ =	sdelay $0x1  }
0x667: {  	s2 =	simm.s32 $0x0;
	[tilespmem:$0x1D100] =	vst v8  }
0x668: {  	v8 =	vld [tilespmem:s2+$0x93F0]  }
0x669: {  	v9 =	vld [tilespmem:s2+$0x9380]  }
0x66a: {  	v10 =	vld [tilespmem:s2+$0x9390]  }
0x66b: {  	v11 =	vld [tilespmem:s2+$0x93A0]  }
0x66c: {  	v12 =	vld [tilespmem:s2+$0x93B0]  }
0x66d: {  	v13 =	vld [tilespmem:s2+$0x93C0]  }
0x66e: {  	v14 =	vld [tilespmem:s2+$0x93D0];
	v8 =	vmul.f32 $1.442695020e+00, v8  }
0x66f: {  	s30 =	simm.s32 $0x200;
	v15 =	vld [tilespmem:s2+$0x93E0];
	v9 =	vmul.f32 $1.442695020e+00, v9;
	v10 =	vmul.f32 $1.442695020e+00, v10  }
0x670: {  	v11 =	vmul.f32 $1.442695020e+00, v11;
	(erf) = vpow2.f32 v8;
	v8 =	vld [tilespmem:s30+$0x93F0]  }
0x671: {  	v12 =	vmul.f32 $1.442695020e+00, v12;
	(erf) = vpow2.f32 v9;
	v9 =	vld [tilespmem:s30+$0x9380]  }
0x672: {  	v13 =	vmul.f32 $1.442695020e+00, v13;
	(erf) = vpow2.f32 v10;
	v10 =	vld [tilespmem:s30+$0x9390]  }
0x673: {  	v14 =	vmul.f32 $1.442695020e+00, v14;
	(erf) = vpow2.f32 v11;
	v11 =	vld [tilespmem:s30+$0x93A0]  }
0x674: {  	v15 =	vmul.f32 $1.442695020e+00, v15;
	(erf) = vpow2.f32 v12;
	v12 =	vld [tilespmem:s30+$0x93B0]  }
0x675: {  	(erf) = vpow2.f32 v13;
	v13 =	vld [tilespmem:s30+$0x93C0];
	v8 =	vmul.f32 $1.442695020e+00, v8  }
0x676: {  	(erf) = vpow2.f32 v14;
	v14 =	vld [tilespmem:s30+$0x93D0];
	v16 =	vmul.f32 $1.442695020e+00, v9  }
0x677: {  	s31 =	simm.s32 $0x400;
	(erf) = vpow2.f32 v15;
	v15 =	vld [tilespmem:s30+$0x93E0];
	v10 =	vmul.f32 $1.442695020e+00, v10  }
0x678: {  	v19 =	vld [tilespmem:s31+$0x93F0];
	(erf) = vpow2.f32 v8;
	v11 =	vmul.f32 $1.442695020e+00, v11  }
0x679: {  	v20 =	vld [tilespmem:s31+$0x9380];
	(erf) = vpow2.f32 v16;
	v12 =	vmul.f32 $1.442695020e+00, v12  }
0x67a: {  	v8 =	vpop (erf);
	(erf) = vpow2.f32 v10;
	v13 =	vmul.f32 $1.442695020e+00, v13  }
0x67b: {  	v10 =	vpop (erf);
	(erf) = vpow2.f32 v11;
	v14 =	vmul.f32 $1.442695020e+00, v14  }
0x67c: {  	v21 =	vld [tilespmem:s31+$0x9390];
	v11 =	vpop (erf);
	(erf) = vpow2.f32 v12;
	v15 =	vmul.f32 $1.442695020e+00, v15  }
0x67d: {  	v63 =	vmul.f32 $1.442695020e+00, v19;
	v9 =	vimm.f32 $0.0e+00;
	v16 =	vld [tilespmem:s31+$0x93A0];
	v12 =	vpop (erf);
	(erf) = vpow2.f32 v13  }
0x67e: {  	v17 =	vld [tilespmem:s31+$0x93B0];
	v22 =	vmul.f32 $1.442695020e+00, v20;
	v8 =	vadd.f32 v8, v9;
	v13 =	vpop (erf);
	(erf) = vpow2.f32 v14  }
0x67f: {  	v18 =	vld [tilespmem:s31+$0x93C0];
	v10 =	vadd.f32 v10, v9;
	v11 =	vadd.f32 v11, v9;
	v14 =	vpop (erf);
	(erf) = vpow2.f32 v15  }
0x680: {  	v19 =	vld [tilespmem:s31+$0x93D0];
	v12 =	vadd.f32 v12, v9;
	v13 =	vadd.f32 v13, v9;
	v15 =	vpop (erf);
	(erf) = vpow2.f32 v63  }
0x681: {  	s5 =	simm.s32 $0x600;
	s22 =	simm.s32 $0x2000;
	v20 =	vld [tilespmem:s31+$0x93E0];
	v23 =	vmul.f32 $1.442695020e+00, v21;
	v14 =	vadd.f32 v14, v9;
	v15 =	vadd.f32 v15, v9;
	v21 =	vpop (erf)  }
.LBB2_42:
0x682: {  	p0 =	sne.s32 s22, $0x1F800;
	v24 =	vld [tilespmem:s5+$0x93F0];
	v16 =	vmul.f32 $1.442695020e+00, v16;
	(erf) = vpow2.f32 v22;
	v22 =	vpop (erf);
	v9 =	vadd.f32 v21, v9  }
0x683: {  	v21 =	vld [tilespmem:s5+$0x9380];
	v17 =	vmul.f32 $1.442695020e+00, v17;
	(erf) = vpow2.f32 v23;
	v8 =	vadd.f32 v22, v8;
	v22 =	vpop (erf)  }
0x684: {  	v23 =	vld [tilespmem:s5+$0x9390];
	v18 =	vmul.f32 $1.442695020e+00, v18;
	(erf) = vpow2.f32 v16;
	v10 =	vadd.f32 v22, v10;
	v22 =	vpop (erf)  }
.Ltmp20:
0x685: {  	v16 =	vld [tilespmem:s5+$0x93A0];
	v19 =	vmul.f32 $1.442695020e+00, v19;
	(erf) = vpow2.f32 v17;
	v11 =	vadd.f32 v22, v11;
	v22 =	vpop (erf);
	(pc) =	sbr.rel @p0 .LBB2_42-.Ltmp20, $4  }
0x686: {  	v17 =	vld [tilespmem:s5+$0x93B0];
	v20 =	vmul.f32 $1.442695020e+00, v20;
	(erf) = vpow2.f32 v18;
	v12 =	vadd.f32 v22, v12;
	v22 =	vpop (erf)  }
0x687: {  	v18 =	vld [tilespmem:s5+$0x93C0];
	v24 =	vmul.f32 $1.442695020e+00, v24;
	(erf) = vpow2.f32 v19;
	v13 =	vadd.f32 v22, v13;
	v25 =	vpop (erf)  }
0x688: {  	v19 =	vld [tilespmem:s5+$0x93D0];
	v22 =	vmul.f32 $1.442695020e+00, v21;
	(erf) = vpow2.f32 v20;
	v14 =	vadd.f32 v25, v14;
	v21 =	vpop (erf)  }
0x689: {  	v20 =	vld [tilespmem:s5+$0x93E0];
	s5 =	sshra.s32 s22, $0x2;
	s22 =	sadd.s32 $0x800, s22;
	v23 =	vmul.f32 $1.442695020e+00, v23;
	(erf) = vpow2.f32 v24;
	v15 =	vadd.f32 v21, v15;
	v21 =	vpop (erf)  }
0x68a: {  	v24 =	vld [tilespmem:s5+$0x93F0];
	v16 =	vmul.f32 $1.442695020e+00, v16;
	(erf) = vpow2.f32 v22;
	v53 =	vpop (erf)  }
0x68b: {  	v25 =	vld [tilespmem:s5+$0x9380];
	v17 =	vmul.f32 $1.442695020e+00, v17;
	(erf) = vpow2.f32 v23;
	v54 =	vpop (erf)  }
0x68c: {  	v26 =	vld [tilespmem:s5+$0x9390];
	v18 =	vmul.f32 $1.442695020e+00, v18;
	(erf) = vpow2.f32 v16;
	v55 =	vpop (erf)  }
0x68d: {  	v19 =	vmul.f32 $1.442695020e+00, v19;
	(erf) = vpow2.f32 v17;
	v56 =	vpop (erf)  }
0x68e: {  	v27 =	vld [tilespmem:s5+$0x93A0];
	v20 =	vmul.f32 $1.442695020e+00, v20;
	(erf) = vpow2.f32 v18;
	v57 =	vpop (erf)  }
0x68f: {  	v24 =	vmul.f32 $1.442695020e+00, v24;
	(erf) = vpow2.f32 v19;
	v58 =	vpop (erf)  }
0x690: {  	v28 =	vld [tilespmem:s5+$0x93B0];
	v25 =	vmul.f32 $1.442695020e+00, v25;
	(erf) = vpow2.f32 v20;
	v59 =	vpop (erf)  }
0x691: {  	v26 =	vmul.f32 $1.442695020e+00, v26;
	(erf) = vpow2.f32 v24;
	v60 =	vpop (erf)  }
0x692: {  	v29 =	vld [tilespmem:s5+$0x93C0];
	(erf) = vpow2.f32 v25;
	v61 =	vpop (erf)  }
0x693: {  	v30 =	vld [tilespmem:s5+$0x93D0];
	v27 =	vmul.f32 $1.442695020e+00, v27;
	(erf) = vpow2.f32 v26;
	v62 =	vpop (erf)  }
0x694: {  	v34 =	vld [tilespmem:$0x11F0];
	v31 =	vpop (erf)  }
0x695: {  	v32 =	vld [tilespmem:s5+$0x93E0];
	v28 =	vmul.f32 $1.442695020e+00, v28;
	(erf) = vpow2.f32 v27;
	v63 =	vpop (erf)  }
0x696: {  	v9 =	vadd.f32 v21, v9;
	v10 =	vadd.f32 v54, v10;
	v33 =	vpop (erf)  }
0x697: {  	v11 =	vadd.f32 v55, v11;
	v35 =	vmul.f32 $1.442695020e+00, v29;
	(erf) = vpow2.f32 v28;
	v36 =	vpop (erf)  }
0x698: {  	v12 =	vadd.f32 v56, v12;
	v13 =	vadd.f32 v57, v13;
	v37 =	vpop (erf)  }
0x699: {  	v38 =	vmul.f32 $1.442695020e+00, v30;
	(v2sf) =	vpush v34, $0x0;
	(erf) = vpow2.f32 v35;
	v39 =	vpop (erf)  }
0x69a: {  	v41 =	vmul.f32 $1.442695020e+00, v32;
	v14 =	vadd.f32 v58, v14;
	(v2sf) =	vpush v34, $0x1;
	v40 =	vpop (erf)  }
0x69b: {  	v10 =	vadd.f32 v62, v10;
	v11 =	vadd.f32 v31, v11;
	(erf) = vpow2.f32 v38;
	v42 =	vpop (erf)  }
0x69c: {  	v15 =	vadd.f32 v59, v15;
	v12 =	vadd.f32 v63, v12;
	v43 =	vpop (erf)  }
0x69d: {  	(erf) = vpow2.f32 v41;
	v10 =	vadd.f32 v42, v10;
	v11 =	vadd.f32 v43, v11  }
0x69e: {  	(v2sf) =	vpush v34, $0x2;
	v13 =	vadd.f32 v33, v13;
	v44 =	vpop (erf)  }
0x69f: {  	v12 =	vadd.f32 v44, v12;
	v10 =	vadd.f32 v11, v10  }
0x6a0: {  	(v2sf) =	vpush v34, $0x3;
	v46 =	vadd.f32 v36, v14;
	v45 =	vpop (erf)  }
0x6a1: {  	v13 =	vadd.f32 v45, v13;
	v10 =	vadd.f32 v12, v10  }
0x6a2: {  	v9 =	vadd.f32 v60, v9;
	v47 =	vadd.f32 v37, v15;
	v48 =	vpop (erf)  }
0x6a3: {  	v11 =	vadd.f32 v48, v46;
	v10 =	vadd.f32 v13, v10  }
0x6a4: {  	v8 =	vadd.f32 v53, v8;
	v9 =	vadd.f32 v39, v9;
	v49 =	vpop (erf)  }
0x6a5: {  	v12 =	vadd.f32 v49, v47;
	v10 =	vadd.f32 v11, v10  }
0x6a6: {  	v8 =	vadd.f32 v61, v8;
	v50 =	vpop (erf)  }
0x6a7: {  	v9 =	vadd.f32 v50, v9;
	v10 =	vadd.f32 v12, v10  }
0x6a8: {  	s2 =	sand.u32 $0xF, s21  }
0x6a9: {  	v51 =	vmov s2;
	v8 =	vadd.f32 v40, v8;
	v9 =	vadd.f32 v9, v10  }
0x6aa: {  	s22 =	sand.u32 $0xF, s6;
	vm1 =	veq.s32 v51, v0;
	s2 =	spop (v2sf)  }
0x6ab: {  	s3 =	sand.u32 $0xF, s3;
	v52 =	vmov s22;
	v7 =	vnsel vm1, $0x0, v7;
	s23 =	sshll.u32 s2, $0x2;
	v8 =	vadd.f32 v8, v9  }
0x6ac: {  	vm1 =	veq.s32 v52, v0;
	v4 =	vadd.f32 v7, v4;
	s6 =	spop (v2sf);
	s30 =	sand.u32 $0x70, s2;
	s5 =	sand.u32 $0xFFFFFE00, s23  }
0x6ad: {  	s4 =	sand.u32 $0xF, s4;
	v53 =	vmov s3;
	v6 =	vnsel vm1, $0x0, v6;
	s31 =	sshll.u32 s6, $0x2;
	s5 =	sor.u32 s30, s5;
	[tilespmem:$0x1D180] =	vst v8  }
0x6ae: {  	vm1 =	veq.s32 v53, v0;
	v4 =	vadd.f32 v4, v6;
	s3 =	spop (v2sf);
	s22 =	sand.u32 $0x70, s6;
	s21 =	sand.u32 $0xFFFFFE00, s31;
	v54 =	vld [tilespmem:s5+$0x9200]  }
0x6af: {  	v55 =	vmov s4;
	v5 =	vnsel vm1, $0x0, v5;
	s2 =	sand.u32 $0xF, s2;
	s30 =	sshll.u32 s3, $0x2;
	s23 =	sor.u32 s22, s21  }
0x6b0: {  	vm1 =	veq.s32 v55, v0;
	v4 =	vadd.f32 v4, v5;
	s31 =	sand.u32 $0x70, s3;
	s21 =	spop (v2sf);
	v56 =	vld [tilespmem:s23+$0x9280];
	s5 =	sand.u32 $0xFFFFFE00, s30  }
0x6b1: {  	v3 =	vnsel vm1, $0x0, v3;
	v57 =	vmov s2;
	s23 =	sshll.u32 s21, $0x2;
	s22 =	sor.u32 s31, s5  }
0x6b2: {  	v3 =	vadd.f32 v4, v3;
	vm1 =	veq.s32 v57, v0;
	s30 =	sand.u32 $0xF, s6;
	s31 =	sand.u32 $0x70, s21;
	s4 =	sand.u32 $0xFFFFFE00, s23;
	v58 =	vld [tilespmem:s22+$0x9300]  }
0x6b3: {  	v59 =	vmov s30;
	s2 =	sor.u32 s31, s4;
	v6 =	vnsel vm1, $0x0, v54  }
0x6b4: {  	s3 =	sand.u32 $0xF, s3;
	v60 =	vld [tilespmem:s2+$0x9380];
	vm1 =	veq.s32 v59, v0;
	v3 =	vadd.f32 v6, v3  }
0x6b5: {  	v61 =	vmov s3;
	v5 =	vnsel vm1, $0x0, v56  }
0x6b6: {  	s5 =	sand.u32 $0xF, s21;
	_ =	swait.ge [sflag:s1], $0x8000;
	vm1 =	veq.s32 v61, v0;
	v3 =	vadd.f32 v3, v5  }
0x6b7: {  	v62 =	vmov s5;
	[sflag:s1] =	ssyncset.done $0x0;
	v4 =	vnsel vm1, $0x0, v58  }
0x6b8: {  	[sflag:s1] =	ssyncadd.s32 $0xFFFF8000;
	vm1 =	veq.s32 v62, v0;
	v3 =	vadd.f32 v3, v4  }
0x6b9: {  	_ =	swait.ge [sflag:s29], $0x8000;
	v63 =	vnsel vm1, $0x0, v60  }
0x6ba: {  	[sflag:s29] =	ssyncset.done $0x0;
	v3 =	vadd.f32 v3, v63  }
0x6bb: {  	s3 =	simm.s32 $0x7;
	[sflag:s29] =	ssyncadd.s32 $0xFFFF8000  }
0x6bc: {  	s21 =	simm.s32 $0x19200;
	s22 =	simm.s32 $0x0;
	s6 =	rddreg [dreg:$0x8];
	[tilespmem:$0x1D200] =	vst v3  }
0x6bd: {  	[hbm4b:s6+s22] =	stream.linear.scatter [tilespmem:s21], [sflag:$0x7], $0x4000, $0x38;
	[tilespmem:$0x1D280] =	vst v63  }
0x6be: {  	_ =	swait.ge [sflag:s3], $0x4000  }
0x6bf: {  	[sflag:s3] =	ssyncset.done $0x0  }
0x6c0: {  	s29 =	simm.s32 $0x1D200;
	s23 =	rddreg [dreg:$0x9];
	[sflag:s3] =	ssyncadd.s32 $0xFFFFC000  }
0x6c1: {  	[hbm4b:s23+s22] =	stream.linear.scatter [tilespmem:s29], [sflag:$0x7], $0x80, $0x38;
	[tilespmem:$0x1D280] =	vst v63  }
0x6c2: {  	_ =	swait.ge [sflag:s3], $0x80  }
0x6c3: {  	s30 =	rddreg [dreg:$0xb]  }
0x6c4: {  	s31 =	rddreg [dreg:$0xa];
	s4 =	sadd.s32 $0x1, s30  }
0x6c5: {  	p0 =	sne.s32 s4, s31  }
.Ltmp21:
0x6c6: {  	_ = 	snop;
	(pc) =	sbr.rel @p0 .LBB2_1-.Ltmp21, $3  }
0x6c7: {  	_ =	sdelay $0x1  }
0x6c8: {  	[sflag:s3] =	ssyncset.done $0x0  }
0x6c9: {  	[sflag:s3] =	ssyncadd.s32 $0xFFFFFF80  }
0x6ca: {  	_ =	sfence.sel $0x180000  }
0x6cb: {  	[bflag:$0x0] =	sbarrier.arrive $0xFFFF  }
0x6cc: {  	_ =	strace $0x90000047  }
0x6cd: {  	s0 =	stileid.u32;
	[bflag:$0x2] =	sbarrier.arrive $0xFFFF  }
0x6ce: {  	p0 =	sne.s32 s0, $0x0;
	s0 =	rddreg [dreg:$0x3]  }
0x6cf: {  	s0 =	sadd.s32 @!p0 $0x100000, s0  }
0x6d0: {  	[sflag:s0] =	ssyncadd.tile.s32 @!p0 $0x1;
	_ =	shalt  }
.Lfunc_end2:
_tile_overlayer_lowered:
.L_overlay_start_2:
0x6d1: {  	(tag) =	ssettag $0x2  }
0x6d2: {  	s0 =	rddreg [dreg:$0x0];
	s2 =	stileid.u32  }
0x6d3: {  	s1 =	rddreg [dreg:$0x1];
	p0 =	sne.s32 s2, $0x0  }
0x6d4: {  	s3 =	rddreg [dreg:$0x2];
	[bflag:$0x3] =	sbarrier.arrive $0xFFFF;
	s2 =	simm.s32 @!p0 $0x1C07  }
0x6d5: {  	[timem:s3], [sflag:s2] =	dma.local @!p0 [hbm:s0], s1  }
0x6d6: {  	s0 =	simm.s32 @!p0 $0x7  }
0x6d7: {  	_ =	swait.ge @!p0 [sflag:s0], s1  }
0x6d8: {  	s1 =	ssub.s32 @!p0 $0x0, s1;
	[sflag:s0] =	ssyncset.done @!p0 $0x0  }
0x6d9: {  	[sflag:s0] =	ssyncadd.s32 @!p0 s1  }
0x6da: {  	[bflag:$0x3] =	sbarrier.arrive $0xFFFF  }
0x6db: {  	_ =	shalt  }

</sc_bundles>
